<compile_context>
chip_gen: v7x
topology: tpu7x:2x2x1
jax: 0.10.2.dev20260603
libtpu: 0.0.44.dev20260713+nightly
codegen_flags: <defaults>
</compile_context>

<pallas_src>
import functools

import jax
import jax.numpy as jnp
from jax import lax
from jax.experimental import pallas as pl
from jax.experimental.pallas import tpu as pltpu
from jax.experimental.pallas import tpu_sc as plsc

_NUM_CLASSES = 100000
_FEAT = 64
_BATCH = 16384
_NC = 2
_NS = 16
_L = 16
_SPB = _BATCH // _NS
_NIDX = _SPB // 128
_Q = 256
_NQ = _SPB // _Q
_CPQ = _Q // 128
_CHUNK = 16
_RB = 4096


def _prep_body(x_ref, ff_ref):
    x = x_ref[...]
    s = jnp.sum(x * x, axis=0).reshape(1, 1, _FEAT)

    @pl.when(pl.program_id(0) == 0)
    def _init():
        ff_ref[...] = s

    @pl.when(pl.program_id(0) > 0)
    def _accum():
        ff_ref[...] += s


def _tc_prep(feats):
    return pl.pallas_call(
        _prep_body,
        grid=(_BATCH // _RB,),
        in_specs=[pl.BlockSpec((_RB, _FEAT), lambda g: (g, 0))],
        out_specs=pl.BlockSpec((1, 1, _FEAT), lambda g: (0, 0, 0)),
        out_shape=jax.ShapeDtypeStruct((1, 1, _FEAT), jnp.float32),
    )(feats)


def _body(feats_hbm, labels_hbm, out_hbm,
          labels_v, q0, q1, q2, q3, zrows_v, z128_v, ones_v,
          cg_v, acc_v,
          sem_q0, sem_q1, sem_q2, sem_q3, sem_s, sem_c,
          sums_sh, counts_sh):
    c = lax.axis_index("c")
    s = lax.axis_index("s")
    base = s * _SPB
    qb = (q0, q1, q2, q3)
    sem_q = (sem_q0, sem_q1, sem_q2, sem_q3)

    pltpu.sync_copy(labels_hbm.at[s], labels_v)

    zero16 = jnp.zeros((_L,), jnp.float32)
    one16 = jnp.ones((_L,), jnp.float32)

    def _fill0(i, _):
        zrows_v[i, :] = zero16
        return 0
    lax.fori_loop(0, 128, _fill0, 0)
    for j in range(128 // _L):
        z128_v[pl.ds(j * _L, _L)] = zero16
        ones_v[pl.ds(j * _L, _L)] = one16

    acc = jnp.zeros((_L,), jnp.float32)

    def _slab(col0, q):
        return feats_hbm.at[pl.ds(base + q * _Q, _Q), pl.ds(col0, _CHUNK)]

    def _col0(r):
        return (c * 2 + r) * _CHUNK

    lds = [pltpu.async_copy(_slab(_col0(0), q), qb[q], sem_q[q])
           for q in range(_NQ)]
    zds = []
    for j in range(_NIDX):
        idx = labels_v.at[j]
        zds.append(pltpu.async_copy(zrows_v, sums_sh.at[idx], sem_s))
        zds.append(pltpu.async_copy(z128_v, counts_sh.at[idx], sem_c))
    for d in zds:
        d.wait()
    plsc.subcore_barrier()

    for r in range(2):
        col0 = _col0(r)

        sds = []
        for q in range(_NQ):
            lds[q].wait()
            for j in range(_CPQ):
                idx = labels_v.at[q * _CPQ + j]
                sds.append(pltpu.async_copy(
                    qb[q].at[pl.ds(j * 128, 128)], sums_sh.at[idx],
                    sem_s, add=True))
        if r == 0:
            for j in range(_NIDX):
                sds.append(pltpu.async_copy(ones_v,
                                            counts_sh.at[labels_v.at[j]],
                                            sem_c, add=True))
        for d in sds:
            d.wait()
        plsc.subcore_barrier()

        if r == 0:
            cds = []
            for j in range(_NIDX):
                cds.append(pltpu.async_copy(counts_sh.at[labels_v.at[j]],
                                            cg_v.at[pl.ds(j * 128, 128)],
                                            sem_c))
        gds = [[] for _ in range(_NQ)]
        for q in range(_NQ):
            for j in range(_CPQ):
                idx = labels_v.at[q * _CPQ + j]
                gds[q].append(pltpu.async_copy(
                    sums_sh.at[idx], qb[q].at[pl.ds(j * 128, 128)],
                    sem_q[q]))
        if r == 0:
            for d in cds:
                d.wait()

            def _inv(bk, _):
                cv = cg_v[pl.ds(bk * _L, _L)]
                iv = 1.0 / cv
                cg_v[pl.ds(bk * _L, _L)] = iv * iv
                return 0
            lax.fori_loop(0, _SPB // _L, _inv, 0)

        for q in range(_NQ):
            for d in gds[q]:
                d.wait()

        if r == 0:
            plsc.subcore_barrier()
            zds = []
            for j in range(_NIDX):
                zds.append(pltpu.async_copy(zrows_v,
                                            sums_sh.at[labels_v.at[j]],
                                            sem_s))

        for q in range(_NQ):
            qoff = q * _Q

            def _sg(i, a):
                i4 = i * 4
                for u in range(4):
                    sv = qb[q][i4 + u, :]
                    isq = cg_v[pl.ds(qoff + i4 + u, _L)][0]
                    a = a - sv * sv * isq
                return a
            acc = lax.fori_loop(0, _Q // 4, _sg, acc)
            if r == 0:
                lds[q] = pltpu.async_copy(_slab(_col0(1), q), qb[q],
                                          sem_q[q])
        if r == 0:
            for d in zds:
                d.wait()
            plsc.subcore_barrier()

    acc_v[...] = acc
    pltpu.sync_copy(acc_v, out_hbm.at[s, pl.ds(c * _L, _L)])

    @pl.when(c == 0)
    def _():
        pltpu.sync_copy(z128_v.at[pl.ds(0, 96)],
                        out_hbm.at[s, pl.ds(2 * _L, 96)])


@jax.jit
def kernel(feats, labels, centers):
    del centers
    labels_r = labels.astype(jnp.int32).reshape(_NS, _NIDX, 128)
    ffp = _tc_prep(feats)
    featsl = feats
    mesh = plsc.VectorSubcoreMesh(core_axis_name="c", subcore_axis_name="s")
    partials = pl.kernel(
        _body,
        out_type=jax.ShapeDtypeStruct((_NS, 8 * _L), jnp.float32),
        mesh=mesh,
        compiler_params=pltpu.CompilerParams(use_tc_tiling_on_sc=False),
        scratch_types=[
            pltpu.VMEM((_NIDX, 128), jnp.int32),
            pltpu.VMEM((_Q, _CHUNK), jnp.float32),
            pltpu.VMEM((_Q, _CHUNK), jnp.float32),
            pltpu.VMEM((_Q, _CHUNK), jnp.float32),
            pltpu.VMEM((_Q, _CHUNK), jnp.float32),
            pltpu.VMEM((128, _CHUNK), jnp.float32),
            pltpu.VMEM((128,), jnp.float32),
            pltpu.VMEM((128,), jnp.float32),
            pltpu.VMEM((_SPB + _L,), jnp.float32),
            pltpu.VMEM((_L,), jnp.float32),
            pltpu.SemaphoreType.DMA,
            pltpu.SemaphoreType.DMA,
            pltpu.SemaphoreType.DMA,
            pltpu.SemaphoreType.DMA,
            pltpu.SemaphoreType.DMA,
            pltpu.SemaphoreType.DMA,
            pltpu.VMEM_SHARED((_NUM_CLASSES, _CHUNK), jnp.float32),
            pltpu.VMEM_SHARED((_NUM_CLASSES,), jnp.float32),
        ],
    )(featsl, labels_r)
    return (jnp.sum(partials) + jnp.sum(ffp)) * (0.5 / _BATCH)

# --- scband reference (transcript-rebuilt; emitter-appended) ---
"""Pipeline reference for scband-center-loss-66623532695554 (READ-ONLY COPY).

The authoritative reference and input builder live on the scoring server;
editing this copy changes nothing except your own understanding.
"""

import jax, jax.numpy as jnp
import numpy as np

NUM_CLASSES = 100000
FEAT_DIM = 64
BATCH = 16384
CENTER_LR = 0.5


def setup_inputs(seed: int = 0) -> dict:
    key = jax.random.key(seed)
    k1, k2 = jax.random.split(key)
    feats = jax.random.normal(k1, (BATCH, FEAT_DIM), dtype=jnp.float32)
    labels = jax.random.randint(k2, (BATCH,), 0, NUM_CLASSES)
    # Learned/buffer state: class centers (registered buffer, zero-initialized,
    # centers_initialized == False at this point, matching a fresh module)
    centers = jnp.zeros((NUM_CLASSES, FEAT_DIM), dtype=jnp.float32)
    return {"feats": feats, "labels": labels, "centers": centers}


def reference(feats, labels, centers):
    # _update_centers: per-class mean of current batch features via scatter-add.
    # centers_initialized is False, so present classes are OVERWRITTEN with the
    # batch mean; absent classes keep their previous value (zeros here).
    counts = jnp.zeros((NUM_CLASSES,), dtype=jnp.float32).at[labels].add(1.0)
    sums = jnp.zeros((NUM_CLASSES, FEAT_DIM), dtype=jnp.float32).at[labels].add(feats)
    means = sums / jnp.maximum(counts, 1.0)[:, None]
    present = counts > 0
    centers_new = jnp.where(present[:, None], means, centers)
    # torch update happens under no_grad -> stop_gradient through the centers
    centers_new = jax.lax.stop_gradient(centers_new)
    # Gather selected centers and compute center loss
    selected = centers_new[labels]
    loss = 0.5 * jnp.mean(jnp.sum((feats - selected) ** 2, axis=1))
    return loss

if __name__ == "__main__":
    import jax
    _d = setup_inputs()
    print(jax.jit(kernel)(*tuple(_d.values())))

</pallas_src>

<mosaic_0001>
#map = affine_map<(d0, d1) -> (0, 0)>
#map1 = affine_map<(d0, d1) -> (0, 0, 0)>
module attributes {stable_mosaic.version = 14 : i64} {
  func.func @_body(%arg0: i32, %arg1: i32, %arg2: memref<16384x64xf32, #tpu.memory_space<hbm>>, %arg3: memref<16x8x128xi32, #tpu.memory_space<hbm>>, %arg4: memref<16x128xf32, #tpu.memory_space<hbm>>, %arg5: memref<8x128xi32, #tpu.memory_space<vmem>>, %arg6: memref<256x16xf32, #tpu.memory_space<vmem>>, %arg7: memref<256x16xf32, #tpu.memory_space<vmem>>, %arg8: memref<256x16xf32, #tpu.memory_space<vmem>>, %arg9: memref<256x16xf32, #tpu.memory_space<vmem>>, %arg10: memref<128x16xf32, #tpu.memory_space<vmem>>, %arg11: memref<128xf32, #tpu.memory_space<vmem>>, %arg12: memref<128xf32, #tpu.memory_space<vmem>>, %arg13: memref<1040xf32, #tpu.memory_space<vmem>>, %arg14: memref<16xf32, #tpu.memory_space<vmem>>, %arg15: memref<!tpu.dma_semaphore, #tpu.memory_space<semaphore_mem>>, %arg16: memref<!tpu.dma_semaphore, #tpu.memory_space<semaphore_mem>>, %arg17: memref<!tpu.dma_semaphore, #tpu.memory_space<semaphore_mem>>, %arg18: memref<!tpu.dma_semaphore, #tpu.memory_space<semaphore_mem>>, %arg19: memref<!tpu.dma_semaphore, #tpu.memory_space<semaphore_mem>>, %arg20: memref<!tpu.dma_semaphore, #tpu.memory_space<semaphore_mem>>, %arg21: memref<100000x16xf32, #tpu.memory_space<vmem_shared>>, %arg22: memref<100000xf32, #tpu.memory_space<vmem_shared>>) attributes {dimension_semantics = [#tpu.dimension_semantics<core_parallel>, #tpu.dimension_semantics<subcore_parallel>], iteration_bounds = array<i64: 2, 16>, scalar_prefetch = 0 : i64, scratch_operands = 18 : i64, tpu.core_type = #tpu.core_type<sc_vector_subcore>, window_params = [{transform_indices = #map}, {transform_indices = #map1}, {transform_indices = #map}]} {
    %mul3A = arith.constant 1024 : i32
    %mul3A_0 = arith.muli %arg1, %mul3A : i32
    "tpu.region"() ({
      %run_scoped3A = tpu.sem_alloc : memref<!tpu.dma_semaphore, #tpu.memory_space<semaphore_mem>>
      %dma_start3A_1431 = arith.constant 0 : i32
      %dma_start3A_1432 = arith.constant 0 : i32
      %dma_start3A_1433 = tpu.memref_slice %arg3[%arg1, %dma_start3A_1431, %dma_start3A_1432] : memref<16x8x128xi32, #tpu.memory_space<hbm>> -> memref<1x8x128xi32, #tpu.memory_space<hbm>>
      %dma_start3A_1434 = tpu.memref_squeeze %dma_start3A_1433 : memref<1x8x128xi32, #tpu.memory_space<hbm>> -> memref<8x128xi32, #tpu.memory_space<hbm>>
      %dma_start3A_1435 = arith.constant 0 : i32
      %dma_start3A_1436 = arith.constant 0 : i32
      %dma_start3A_1437 = tpu.memref_slice %arg3[%arg1, %dma_start3A_1435, %dma_start3A_1436] : memref<16x8x128xi32, #tpu.memory_space<hbm>> -> memref<1x8x128xi32, #tpu.memory_space<hbm>>
      %dma_start3A_1438 = tpu.memref_squeeze %dma_start3A_1437 : memref<1x8x128xi32, #tpu.memory_space<hbm>> -> memref<8x128xi32, #tpu.memory_space<hbm>>
      tpu.enqueue_dma source(%dma_start3A_1438 : memref<8x128xi32, #tpu.memory_space<hbm>>) target(%arg5 : memref<8x128xi32, #tpu.memory_space<vmem>>) target_semaphore(%run_scoped3A : memref<!tpu.dma_semaphore, #tpu.memory_space<semaphore_mem>>)
      %dma_wait3A_1439 = arith.constant 0 : i32
      %dma_wait3A_1440 = arith.constant 0 : i32
      %dma_wait3A_1441 = tpu.memref_slice %arg3[%arg1, %dma_wait3A_1439, %dma_wait3A_1440] : memref<16x8x128xi32, #tpu.memory_space<hbm>> -> memref<1x8x128xi32, #tpu.memory_space<hbm>>
      %dma_wait3A_1442 = tpu.memref_squeeze %dma_wait3A_1441 : memref<1x8x128xi32, #tpu.memory_space<hbm>> -> memref<8x128xi32, #tpu.memory_space<hbm>>
      %dma_wait3A_1443 = arith.constant 0 : i32
      %dma_wait3A_1444 = arith.constant 0 : i32
      %dma_wait3A_1445 = tpu.memref_slice %arg3[%arg1, %dma_wait3A_1443, %dma_wait3A_1444] : memref<16x8x128xi32, #tpu.memory_space<hbm>> -> memref<1x8x128xi32, #tpu.memory_space<hbm>>
      %dma_wait3A_1446 = tpu.memref_squeeze %dma_wait3A_1445 : memref<1x8x128xi32, #tpu.memory_space<hbm>> -> memref<8x128xi32, #tpu.memory_space<hbm>>
      tpu.wait_dma2 semaphore(%run_scoped3A : memref<!tpu.dma_semaphore, #tpu.memory_space<semaphore_mem>>) src(%dma_wait3A_1446 : memref<8x128xi32, #tpu.memory_space<hbm>>) dst(%arg5 : memref<8x128xi32, #tpu.memory_space<vmem>>)
      tpu.yield
    }) : () -> ()
    %broadcast_in_dim3A = arith.constant 0.000000e+00 : f32
    %broadcast_in_dim3A_1 = vector.broadcast %broadcast_in_dim3A : f32 to vector<16xf32>
    %broadcast_in_dim3A_2 = arith.constant 1.000000e+00 : f32
    %broadcast_in_dim3A_3 = vector.broadcast %broadcast_in_dim3A_2 : f32 to vector<16xf32>
    %scan3A = arith.constant 0 : i32
    %scan3A_4 = arith.constant 0 : i32
    %scan3A_5 = arith.constant 128 : i32
    %scan3A_6 = arith.addi %scan3A_4, %scan3A_5 : i32
    %scan3A_7 = arith.constant 1 : i32
    %scan3A_8 = scf.for %scan3A_1431 = %scan3A_4 to %scan3A_6 step %scan3A_7 iter_args(%scan3A_1432 = %scan3A) -> (i32)  : i32 {
      %swap3A_1433 = arith.index_cast %scan3A_1431 : i32 to index
      %swap3A_1434 = arith.constant 0 : index
      %swap3A_1435 = tpu.vector_load %arg10[%swap3A_1433, %swap3A_1434] {strides = array<i32>} : memref<128x16xf32, #tpu.memory_space<vmem>>, vector<1x16xf32>,
      %swap3A_1436 = vector.shape_cast %swap3A_1435 : vector<1x16xf32> to vector<16xf32>
      %swap3A_1437 = vector.shape_cast %broadcast_in_dim3A_1 : vector<16xf32> to vector<1x16xf32>
      tpu.vector_store %arg10[%swap3A_1433, %swap3A_1434], %swap3A_1437 {strides = array<i32>} : memref<128x16xf32, #tpu.memory_space<vmem>>, vector<1x16xf32>,
      %scan3A_1438 = arith.constant 0 : i32
      scf.yield %scan3A_1438 : i32
    }
    %scan3A_9 = arith.constant 128 : i32
    %swap3A = arith.constant 0 : index
    %swap3A_10 = tpu.vector_load %arg11[%swap3A] {strides = array<i32>} : memref<128xf32, #tpu.memory_space<vmem>>, vector<16xf32>,
    %swap3A_11 = vector.shape_cast %swap3A_10 : vector<16xf32> to vector<16xf32>
    %swap3A_12 = vector.shape_cast %broadcast_in_dim3A_1 : vector<16xf32> to vector<16xf32>
    tpu.vector_store %arg11[%swap3A], %swap3A_12 {strides = array<i32>} : memref<128xf32, #tpu.memory_space<vmem>>, vector<16xf32>,
    %swap3A_13 = arith.constant 0 : index
    %swap3A_14 = tpu.vector_load %arg12[%swap3A_13] {strides = array<i32>} : memref<128xf32, #tpu.memory_space<vmem>>, vector<16xf32>,
    %swap3A_15 = vector.shape_cast %swap3A_14 : vector<16xf32> to vector<16xf32>
    %swap3A_16 = vector.shape_cast %broadcast_in_dim3A_3 : vector<16xf32> to vector<16xf32>
    tpu.vector_store %arg12[%swap3A_13], %swap3A_16 {strides = array<i32>} : memref<128xf32, #tpu.memory_space<vmem>>, vector<16xf32>,
    %swap3A_17 = arith.constant 16 : index
    %swap3A_18 = tpu.vector_load %arg11[%swap3A_17] {strides = array<i32>} : memref<128xf32, #tpu.memory_space<vmem>>, vector<16xf32>,
    %swap3A_19 = vector.shape_cast %swap3A_18 : vector<16xf32> to vector<16xf32>
    %swap3A_20 = vector.shape_cast %broadcast_in_dim3A_1 : vector<16xf32> to vector<16xf32>
    tpu.vector_store %arg11[%swap3A_17], %swap3A_20 {strides = array<i32>} : memref<128xf32, #tpu.memory_space<vmem>>, vector<16xf32>,
    %swap3A_21 = arith.constant 16 : index
    %swap3A_22 = tpu.vector_load %arg12[%swap3A_21] {strides = array<i32>} : memref<128xf32, #tpu.memory_space<vmem>>, vector<16xf32>,
    %swap3A_23 = vector.shape_cast %swap3A_22 : vector<16xf32> to vector<16xf32>
    %swap3A_24 = vector.shape_cast %broadcast_in_dim3A_3 : vector<16xf32> to vector<16xf32>
    tpu.vector_store %arg12[%swap3A_21], %swap3A_24 {strides = array<i32>} : memref<128xf32, #tpu.memory_space<vmem>>, vector<16xf32>,
    %swap3A_25 = arith.constant 32 : index
    %swap3A_26 = tpu.vector_load %arg11[%swap3A_25] {strides = array<i32>} : memref<128xf32, #tpu.memory_space<vmem>>, vector<16xf32>,
    %swap3A_27 = vector.shape_cast %swap3A_26 : vector<16xf32> to vector<16xf32>
    %swap3A_28 = vector.shape_cast %broadcast_in_dim3A_1 : vector<16xf32> to vector<16xf32>
    tpu.vector_store %arg11[%swap3A_25], %swap3A_28 {strides = array<i32>} : memref<128xf32, #tpu.memory_space<vmem>>, vector<16xf32>,
    %swap3A_29 = arith.constant 32 : index
    %swap3A_30 = tpu.vector_load %arg12[%swap3A_29] {strides = array<i32>} : memref<128xf32, #tpu.memory_space<vmem>>, vector<16xf32>,
    %swap3A_31 = vector.shape_cast %swap3A_30 : vector<16xf32> to vector<16xf32>
    %swap3A_32 = vector.shape_cast %broadcast_in_dim3A_3 : vector<16xf32> to vector<16xf32>
    tpu.vector_store %arg12[%swap3A_29], %swap3A_32 {strides = array<i32>} : memref<128xf32, #tpu.memory_space<vmem>>, vector<16xf32>,
    %swap3A_33 = arith.constant 48 : index
    %swap3A_34 = tpu.vector_load %arg11[%swap3A_33] {strides = array<i32>} : memref<128xf32, #tpu.memory_space<vmem>>, vector<16xf32>,
    %swap3A_35 = vector.shape_cast %swap3A_34 : vector<16xf32> to vector<16xf32>
    %swap3A_36 = vector.shape_cast %broadcast_in_dim3A_1 : vector<16xf32> to vector<16xf32>
    tpu.vector_store %arg11[%swap3A_33], %swap3A_36 {strides = array<i32>} : memref<128xf32, #tpu.memory_space<vmem>>, vector<16xf32>,
    %swap3A_37 = arith.constant 48 : index
    %swap3A_38 = tpu.vector_load %arg12[%swap3A_37] {strides = array<i32>} : memref<128xf32, #tpu.memory_space<vmem>>, vector<16xf32>,
    %swap3A_39 = vector.shape_cast %swap3A_38 : vector<16xf32> to vector<16xf32>
    %swap3A_40 = vector.shape_cast %broadcast_in_dim3A_3 : vector<16xf32> to vector<16xf32>
    tpu.vector_store %arg12[%swap3A_37], %swap3A_40 {strides = array<i32>} : memref<128xf32, #tpu.memory_space<vmem>>, vector<16xf32>,
    %swap3A_41 = arith.constant 64 : index
    %swap3A_42 = tpu.vector_load %arg11[%swap3A_41] {strides = array<i32>} : memref<128xf32, #tpu.memory_space<vmem>>, vector<16xf32>,
    %swap3A_43 = vector.shape_cast %swap3A_42 : vector<16xf32> to vector<16xf32>
    %swap3A_44 = vector.shape_cast %broadcast_in_dim3A_1 : vector<16xf32> to vector<16xf32>
    tpu.vector_store %arg11[%swap3A_41], %swap3A_44 {strides = array<i32>} : memref<128xf32, #tpu.memory_space<vmem>>, vector<16xf32>,
    %swap3A_45 = arith.constant 64 : index
    %swap3A_46 = tpu.vector_load %arg12[%swap3A_45] {strides = array<i32>} : memref<128xf32, #tpu.memory_space<vmem>>, vector<16xf32>,
    %swap3A_47 = vector.shape_cast %swap3A_46 : vector<16xf32> to vector<16xf32>
    %swap3A_48 = vector.shape_cast %broadcast_in_dim3A_3 : vector<16xf32> to vector<16xf32>
    tpu.vector_store %arg12[%swap3A_45], %swap3A_48 {strides = array<i32>} : memref<128xf32, #tpu.memory_space<vmem>>, vector<16xf32>,
    %swap3A_49 = arith.constant 80 : index
    %swap3A_50 = tpu.vector_load %arg11[%swap3A_49] {strides = array<i32>} : memref<128xf32, #tpu.memory_space<vmem>>, vector<16xf32>,
    %swap3A_51 = vector.shape_cast %swap3A_50 : vector<16xf32> to vector<16xf32>
    %swap3A_52 = vector.shape_cast %broadcast_in_dim3A_1 : vector<16xf32> to vector<16xf32>
    tpu.vector_store %arg11[%swap3A_49], %swap3A_52 {strides = array<i32>} : memref<128xf32, #tpu.memory_space<vmem>>, vector<16xf32>,
    %swap3A_53 = arith.constant 80 : index
    %swap3A_54 = tpu.vector_load %arg12[%swap3A_53] {strides = array<i32>} : memref<128xf32, #tpu.memory_space<vmem>>, vector<16xf32>,
    %swap3A_55 = vector.shape_cast %swap3A_54 : vector<16xf32> to vector<16xf32>
    %swap3A_56 = vector.shape_cast %broadcast_in_dim3A_3 : vector<16xf32> to vector<16xf32>
    tpu.vector_store %arg12[%swap3A_53], %swap3A_56 {strides = array<i32>} : memref<128xf32, #tpu.memory_space<vmem>>, vector<16xf32>,
    %swap3A_57 = arith.constant 96 : index
    %swap3A_58 = tpu.vector_load %arg11[%swap3A_57] {strides = array<i32>} : memref<128xf32, #tpu.memory_space<vmem>>, vector<16xf32>,
    %swap3A_59 = vector.shape_cast %swap3A_58 : vector<16xf32> to vector<16xf32>
    %swap3A_60 = vector.shape_cast %broadcast_in_dim3A_1 : vector<16xf32> to vector<16xf32>
    tpu.vector_store %arg11[%swap3A_57], %swap3A_60 {strides = array<i32>} : memref<128xf32, #tpu.memory_space<vmem>>, vector<16xf32>,
    %swap3A_61 = arith.constant 96 : index
    %swap3A_62 = tpu.vector_load %arg12[%swap3A_61] {strides = array<i32>} : memref<128xf32, #tpu.memory_space<vmem>>, vector<16xf32>,
    %swap3A_63 = vector.shape_cast %swap3A_62 : vector<16xf32> to vector<16xf32>
    %swap3A_64 = vector.shape_cast %broadcast_in_dim3A_3 : vector<16xf32> to vector<16xf32>
    tpu.vector_store %arg12[%swap3A_61], %swap3A_64 {strides = array<i32>} : memref<128xf32, #tpu.memory_space<vmem>>, vector<16xf32>,
    %swap3A_65 = arith.constant 112 : index
    %swap3A_66 = tpu.vector_load %arg11[%swap3A_65] {strides = array<i32>} : memref<128xf32, #tpu.memory_space<vmem>>, vector<16xf32>,
    %swap3A_67 = vector.shape_cast %swap3A_66 : vector<16xf32> to vector<16xf32>
    %swap3A_68 = vector.shape_cast %broadcast_in_dim3A_1 : vector<16xf32> to vector<16xf32>
    tpu.vector_store %arg11[%swap3A_65], %swap3A_68 {strides = array<i32>} : memref<128xf32, #tpu.memory_space<vmem>>, vector<16xf32>,
    %swap3A_69 = arith.constant 112 : index
    %swap3A_70 = tpu.vector_load %arg12[%swap3A_69] {strides = array<i32>} : memref<128xf32, #tpu.memory_space<vmem>>, vector<16xf32>,
    %swap3A_71 = vector.shape_cast %swap3A_70 : vector<16xf32> to vector<16xf32>
    %swap3A_72 = vector.shape_cast %broadcast_in_dim3A_3 : vector<16xf32> to vector<16xf32>
    tpu.vector_store %arg12[%swap3A_69], %swap3A_72 {strides = array<i32>} : memref<128xf32, #tpu.memory_space<vmem>>, vector<16xf32>,
    %broadcast_in_dim3A_73 = arith.constant 0.000000e+00 : f32
    %broadcast_in_dim3A_74 = vector.broadcast %broadcast_in_dim3A_73 : f32 to vector<16xf32>
    %mul3A_75 = arith.constant 2 : i32
    %mul3A_76 = arith.muli %arg0, %mul3A_75 : i32
    %add3A = arith.constant 0 : i32
    %add3A_77 = arith.addi %mul3A_76, %add3A : i32
    %mul3A_78 = arith.constant 16 : i32
    %mul3A_79 = arith.muli %add3A_77, %mul3A_78 : i32
    %add3A_80 = arith.constant 0 : i32
    %add3A_81 = arith.addi %mul3A_0, %add3A_80 : i32
    %dma_start3A = tpu.memref_slice %arg2[%add3A_81, %mul3A_79] : memref<16384x64xf32, #tpu.memory_space<hbm>> -> memref<256x16xf32, #tpu.memory_space<hbm>>
    %dma_start3A_82 = tpu.memref_slice %arg2[%add3A_81, %mul3A_79] : memref<16384x64xf32, #tpu.memory_space<hbm>> -> memref<256x16xf32, #tpu.memory_space<hbm>>
    tpu.enqueue_dma source(%dma_start3A_82 : memref<256x16xf32, #tpu.memory_space<hbm>>) target(%arg6 : memref<256x16xf32, #tpu.memory_space<vmem>>) target_semaphore(%arg15 : memref<!tpu.dma_semaphore, #tpu.memory_space<semaphore_mem>>)
    %mul3A_83 = arith.constant 2 : i32
    %mul3A_84 = arith.muli %arg0, %mul3A_83 : i32
    %add3A_85 = arith.constant 0 : i32
    %add3A_86 = arith.addi %mul3A_84, %add3A_85 : i32
    %mul3A_87 = arith.constant 16 : i32
    %mul3A_88 = arith.muli %add3A_86, %mul3A_87 : i32
    %add3A_89 = arith.constant 256 : i32
    %add3A_90 = arith.addi %mul3A_0, %add3A_89 : i32
    %dma_start3A_91 = tpu.memref_slice %arg2[%add3A_90, %mul3A_88] : memref<16384x64xf32, #tpu.memory_space<hbm>> -> memref<256x16xf32, #tpu.memory_space<hbm>>
    %dma_start3A_92 = tpu.memref_slice %arg2[%add3A_90, %mul3A_88] : memref<16384x64xf32, #tpu.memory_space<hbm>> -> memref<256x16xf32, #tpu.memory_space<hbm>>
    tpu.enqueue_dma source(%dma_start3A_92 : memref<256x16xf32, #tpu.memory_space<hbm>>) target(%arg7 : memref<256x16xf32, #tpu.memory_space<vmem>>) target_semaphore(%arg16 : memref<!tpu.dma_semaphore, #tpu.memory_space<semaphore_mem>>)
    %mul3A_93 = arith.constant 2 : i32
    %mul3A_94 = arith.muli %arg0, %mul3A_93 : i32
    %add3A_95 = arith.constant 0 : i32
    %add3A_96 = arith.addi %mul3A_94, %add3A_95 : i32
    %mul3A_97 = arith.constant 16 : i32
    %mul3A_98 = arith.muli %add3A_96, %mul3A_97 : i32
    %add3A_99 = arith.constant 512 : i32
    %add3A_100 = arith.addi %mul3A_0, %add3A_99 : i32
    %dma_start3A_101 = tpu.memref_slice %arg2[%add3A_100, %mul3A_98] : memref<16384x64xf32, #tpu.memory_space<hbm>> -> memref<256x16xf32, #tpu.memory_space<hbm>>
    %dma_start3A_102 = tpu.memref_slice %arg2[%add3A_100, %mul3A_98] : memref<16384x64xf32, #tpu.memory_space<hbm>> -> memref<256x16xf32, #tpu.memory_space<hbm>>
    tpu.enqueue_dma source(%dma_start3A_102 : memref<256x16xf32, #tpu.memory_space<hbm>>) target(%arg8 : memref<256x16xf32, #tpu.memory_space<vmem>>) target_semaphore(%arg17 : memref<!tpu.dma_semaphore, #tpu.memory_space<semaphore_mem>>)
    %mul3A_103 = arith.constant 2 : i32
    %mul3A_104 = arith.muli %arg0, %mul3A_103 : i32
    %add3A_105 = arith.constant 0 : i32
    %add3A_106 = arith.addi %mul3A_104, %add3A_105 : i32
    %mul3A_107 = arith.constant 16 : i32
    %mul3A_108 = arith.muli %add3A_106, %mul3A_107 : i32
    %add3A_109 = arith.constant 768 : i32
    %add3A_110 = arith.addi %mul3A_0, %add3A_109 : i32
    %dma_start3A_111 = tpu.memref_slice %arg2[%add3A_110, %mul3A_108] : memref<16384x64xf32, #tpu.memory_space<hbm>> -> memref<256x16xf32, #tpu.memory_space<hbm>>
    %dma_start3A_112 = tpu.memref_slice %arg2[%add3A_110, %mul3A_108] : memref<16384x64xf32, #tpu.memory_space<hbm>> -> memref<256x16xf32, #tpu.memory_space<hbm>>
    tpu.enqueue_dma source(%dma_start3A_112 : memref<256x16xf32, #tpu.memory_space<hbm>>) target(%arg9 : memref<256x16xf32, #tpu.memory_space<vmem>>) target_semaphore(%arg18 : memref<!tpu.dma_semaphore, #tpu.memory_space<semaphore_mem>>)
    %dma_start3A_113 = arith.constant 0 : i32
    %dma_start3A_114 = arith.constant 0 : i32
    %dma_start3A_115 = tpu.memref_slice %arg5[%dma_start3A_113, %dma_start3A_114] : memref<8x128xi32, #tpu.memory_space<vmem>> -> memref<1x128xi32, #tpu.memory_space<vmem>>
    %dma_start3A_116 = tpu.memref_squeeze %dma_start3A_115 : memref<1x128xi32, #tpu.memory_space<vmem>> -> memref<128xi32, #tpu.memory_space<vmem>>
    %dma_start3A_117 = arith.constant 0 : i32
    %dma_start3A_118 = arith.constant 0 : i32
    %dma_start3A_119 = tpu.memref_slice %arg21[%dma_start3A_117, %dma_start3A_118] : memref<100000x16xf32, #tpu.memory_space<vmem_shared>> -> memref<100000x16xf32, #tpu.memory_space<vmem_shared>>
    tpu.enqueue_indirect_dma source(%arg10 : memref<128x16xf32, #tpu.memory_space<vmem>>) target(%dma_start3A_119 : memref<100000x16xf32, #tpu.memory_space<vmem_shared>>) offsets(%dma_start3A_116 : memref<128xi32, #tpu.memory_space<vmem>>) semaphore(%arg19 : memref<!tpu.dma_semaphore, #tpu.memory_space<semaphore_mem>>)
    %dma_start3A_120 = arith.constant 0 : i32
    %dma_start3A_121 = arith.constant 0 : i32
    %dma_start3A_122 = tpu.memref_slice %arg5[%dma_start3A_120, %dma_start3A_121] : memref<8x128xi32, #tpu.memory_space<vmem>> -> memref<1x128xi32, #tpu.memory_space<vmem>>
    %dma_start3A_123 = tpu.memref_squeeze %dma_start3A_122 : memref<1x128xi32, #tpu.memory_space<vmem>> -> memref<128xi32, #tpu.memory_space<vmem>>
    %dma_start3A_124 = arith.constant 0 : i32
    %dma_start3A_125 = tpu.memref_slice %arg22[%dma_start3A_124] : memref<100000xf32, #tpu.memory_space<vmem_shared>> -> memref<100000xf32, #tpu.memory_space<vmem_shared>>
    tpu.enqueue_indirect_dma source(%arg11 : memref<128xf32, #tpu.memory_space<vmem>>) target(%dma_start3A_125 : memref<100000xf32, #tpu.memory_space<vmem_shared>>) offsets(%dma_start3A_123 : memref<128xi32, #tpu.memory_space<vmem>>) semaphore(%arg20 : memref<!tpu.dma_semaphore, #tpu.memory_space<semaphore_mem>>)
    %dma_start3A_126 = arith.constant 1 : i32
    %dma_start3A_127 = arith.constant 0 : i32
    %dma_start3A_128 = tpu.memref_slice %arg5[%dma_start3A_126, %dma_start3A_127] : memref<8x128xi32, #tpu.memory_space<vmem>> -> memref<1x128xi32, #tpu.memory_space<vmem>>
    %dma_start3A_129 = tpu.memref_squeeze %dma_start3A_128 : memref<1x128xi32, #tpu.memory_space<vmem>> -> memref<128xi32, #tpu.memory_space<vmem>>
    %dma_start3A_130 = arith.constant 0 : i32
    %dma_start3A_131 = arith.constant 0 : i32
    %dma_start3A_132 = tpu.memref_slice %arg21[%dma_start3A_130, %dma_start3A_131] : memref<100000x16xf32, #tpu.memory_space<vmem_shared>> -> memref<100000x16xf32, #tpu.memory_space<vmem_shared>>
    tpu.enqueue_indirect_dma source(%arg10 : memref<128x16xf32, #tpu.memory_space<vmem>>) target(%dma_start3A_132 : memref<100000x16xf32, #tpu.memory_space<vmem_shared>>) offsets(%dma_start3A_129 : memref<128xi32, #tpu.memory_space<vmem>>) semaphore(%arg19 : memref<!tpu.dma_semaphore, #tpu.memory_space<semaphore_mem>>)
    %dma_start3A_133 = arith.constant 1 : i32
    %dma_start3A_134 = arith.constant 0 : i32
    %dma_start3A_135 = tpu.memref_slice %arg5[%dma_start3A_133, %dma_start3A_134] : memref<8x128xi32, #tpu.memory_space<vmem>> -> memref<1x128xi32, #tpu.memory_space<vmem>>
    %dma_start3A_136 = tpu.memref_squeeze %dma_start3A_135 : memref<1x128xi32, #tpu.memory_space<vmem>> -> memref<128xi32, #tpu.memory_space<vmem>>
    %dma_start3A_137 = arith.constant 0 : i32
    %dma_start3A_138 = tpu.memref_slice %arg22[%dma_start3A_137] : memref<100000xf32, #tpu.memory_space<vmem_shared>> -> memref<100000xf32, #tpu.memory_space<vmem_shared>>
    tpu.enqueue_indirect_dma source(%arg11 : memref<128xf32, #tpu.memory_space<vmem>>) target(%dma_start3A_138 : memref<100000xf32, #tpu.memory_space<vmem_shared>>) offsets(%dma_start3A_136 : memref<128xi32, #tpu.memory_space<vmem>>) semaphore(%arg20 : memref<!tpu.dma_semaphore, #tpu.memory_space<semaphore_mem>>)
    %dma_start3A_139 = arith.constant 2 : i32
    %dma_start3A_140 = arith.constant 0 : i32
    %dma_start3A_141 = tpu.memref_slice %arg5[%dma_start3A_139, %dma_start3A_140] : memref<8x128xi32, #tpu.memory_space<vmem>> -> memref<1x128xi32, #tpu.memory_space<vmem>>
    %dma_start3A_142 = tpu.memref_squeeze %dma_start3A_141 : memref<1x128xi32, #tpu.memory_space<vmem>> -> memref<128xi32, #tpu.memory_space<vmem>>
    %dma_start3A_143 = arith.constant 0 : i32
    %dma_start3A_144 = arith.constant 0 : i32
    %dma_start3A_145 = tpu.memref_slice %arg21[%dma_start3A_143, %dma_start3A_144] : memref<100000x16xf32, #tpu.memory_space<vmem_shared>> -> memref<100000x16xf32, #tpu.memory_space<vmem_shared>>
    tpu.enqueue_indirect_dma source(%arg10 : memref<128x16xf32, #tpu.memory_space<vmem>>) target(%dma_start3A_145 : memref<100000x16xf32, #tpu.memory_space<vmem_shared>>) offsets(%dma_start3A_142 : memref<128xi32, #tpu.memory_space<vmem>>) semaphore(%arg19 : memref<!tpu.dma_semaphore, #tpu.memory_space<semaphore_mem>>)
    %dma_start3A_146 = arith.constant 2 : i32
    %dma_start3A_147 = arith.constant 0 : i32
    %dma_start3A_148 = tpu.memref_slice %arg5[%dma_start3A_146, %dma_start3A_147] : memref<8x128xi32, #tpu.memory_space<vmem>> -> memref<1x128xi32, #tpu.memory_space<vmem>>
    %dma_start3A_149 = tpu.memref_squeeze %dma_start3A_148 : memref<1x128xi32, #tpu.memory_space<vmem>> -> memref<128xi32, #tpu.memory_space<vmem>>
    %dma_start3A_150 = arith.constant 0 : i32
    %dma_start3A_151 = tpu.memref_slice %arg22[%dma_start3A_150] : memref<100000xf32, #tpu.memory_space<vmem_shared>> -> memref<100000xf32, #tpu.memory_space<vmem_shared>>
    tpu.enqueue_indirect_dma source(%arg11 : memref<128xf32, #tpu.memory_space<vmem>>) target(%dma_start3A_151 : memref<100000xf32, #tpu.memory_space<vmem_shared>>) offsets(%dma_start3A_149 : memref<128xi32, #tpu.memory_space<vmem>>) semaphore(%arg20 : memref<!tpu.dma_semaphore, #tpu.memory_space<semaphore_mem>>)
    %dma_start3A_152 = arith.constant 3 : i32
    %dma_start3A_153 = arith.constant 0 : i32
    %dma_start3A_154 = tpu.memref_slice %arg5[%dma_start3A_152, %dma_start3A_153] : memref<8x128xi32, #tpu.memory_space<vmem>> -> memref<1x128xi32, #tpu.memory_space<vmem>>
    %dma_start3A_155 = tpu.memref_squeeze %dma_start3A_154 : memref<1x128xi32, #tpu.memory_space<vmem>> -> memref<128xi32, #tpu.memory_space<vmem>>
    %dma_start3A_156 = arith.constant 0 : i32
    %dma_start3A_157 = arith.constant 0 : i32
    %dma_start3A_158 = tpu.memref_slice %arg21[%dma_start3A_156, %dma_start3A_157] : memref<100000x16xf32, #tpu.memory_space<vmem_shared>> -> memref<100000x16xf32, #tpu.memory_space<vmem_shared>>
    tpu.enqueue_indirect_dma source(%arg10 : memref<128x16xf32, #tpu.memory_space<vmem>>) target(%dma_start3A_158 : memref<100000x16xf32, #tpu.memory_space<vmem_shared>>) offsets(%dma_start3A_155 : memref<128xi32, #tpu.memory_space<vmem>>) semaphore(%arg19 : memref<!tpu.dma_semaphore, #tpu.memory_space<semaphore_mem>>)
    %dma_start3A_159 = arith.constant 3 : i32
    %dma_start3A_160 = arith.constant 0 : i32
    %dma_start3A_161 = tpu.memref_slice %arg5[%dma_start3A_159, %dma_start3A_160] : memref<8x128xi32, #tpu.memory_space<vmem>> -> memref<1x128xi32, #tpu.memory_space<vmem>>
    %dma_start3A_162 = tpu.memref_squeeze %dma_start3A_161 : memref<1x128xi32, #tpu.memory_space<vmem>> -> memref<128xi32, #tpu.memory_space<vmem>>
    %dma_start3A_163 = arith.constant 0 : i32
    %dma_start3A_164 = tpu.memref_slice %arg22[%dma_start3A_163] : memref<100000xf32, #tpu.memory_space<vmem_shared>> -> memref<100000xf32, #tpu.memory_space<vmem_shared>>
    tpu.enqueue_indirect_dma source(%arg11 : memref<128xf32, #tpu.memory_space<vmem>>) target(%dma_start3A_164 : memref<100000xf32, #tpu.memory_space<vmem_shared>>) offsets(%dma_start3A_162 : memref<128xi32, #tpu.memory_space<vmem>>) semaphore(%arg20 : memref<!tpu.dma_semaphore, #tpu.memory_space<semaphore_mem>>)
    %dma_start3A_165 = arith.constant 4 : i32
    %dma_start3A_166 = arith.constant 0 : i32
    %dma_start3A_167 = tpu.memref_slice %arg5[%dma_start3A_165, %dma_start3A_166] : memref<8x128xi32, #tpu.memory_space<vmem>> -> memref<1x128xi32, #tpu.memory_space<vmem>>
    %dma_start3A_168 = tpu.memref_squeeze %dma_start3A_167 : memref<1x128xi32, #tpu.memory_space<vmem>> -> memref<128xi32, #tpu.memory_space<vmem>>
    %dma_start3A_169 = arith.constant 0 : i32
    %dma_start3A_170 = arith.constant 0 : i32
    %dma_start3A_171 = tpu.memref_slice %arg21[%dma_start3A_169, %dma_start3A_170] : memref<100000x16xf32, #tpu.memory_space<vmem_shared>> -> memref<100000x16xf32, #tpu.memory_space<vmem_shared>>
    tpu.enqueue_indirect_dma source(%arg10 : memref<128x16xf32, #tpu.memory_space<vmem>>) target(%dma_start3A_171 : memref<100000x16xf32, #tpu.memory_space<vmem_shared>>) offsets(%dma_start3A_168 : memref<128xi32, #tpu.memory_space<vmem>>) semaphore(%arg19 : memref<!tpu.dma_semaphore, #tpu.memory_space<semaphore_mem>>)
    %dma_start3A_172 = arith.constant 4 : i32
    %dma_start3A_173 = arith.constant 0 : i32
    %dma_start3A_174 = tpu.memref_slice %arg5[%dma_start3A_172, %dma_start3A_173] : memref<8x128xi32, #tpu.memory_space<vmem>> -> memref<1x128xi32, #tpu.memory_space<vmem>>
    %dma_start3A_175 = tpu.memref_squeeze %dma_start3A_174 : memref<1x128xi32, #tpu.memory_space<vmem>> -> memref<128xi32, #tpu.memory_space<vmem>>
    %dma_start3A_176 = arith.constant 0 : i32
    %dma_start3A_177 = tpu.memref_slice %arg22[%dma_start3A_176] : memref<100000xf32, #tpu.memory_space<vmem_shared>> -> memref<100000xf32, #tpu.memory_space<vmem_shared>>
    tpu.enqueue_indirect_dma source(%arg11 : memref<128xf32, #tpu.memory_space<vmem>>) target(%dma_start3A_177 : memref<100000xf32, #tpu.memory_space<vmem_shared>>) offsets(%dma_start3A_175 : memref<128xi32, #tpu.memory_space<vmem>>) semaphore(%arg20 : memref<!tpu.dma_semaphore, #tpu.memory_space<semaphore_mem>>)
    %dma_start3A_178 = arith.constant 5 : i32
    %dma_start3A_179 = arith.constant 0 : i32
    %dma_start3A_180 = tpu.memref_slice %arg5[%dma_start3A_178, %dma_start3A_179] : memref<8x128xi32, #tpu.memory_space<vmem>> -> memref<1x128xi32, #tpu.memory_space<vmem>>
    %dma_start3A_181 = tpu.memref_squeeze %dma_start3A_180 : memref<1x128xi32, #tpu.memory_space<vmem>> -> memref<128xi32, #tpu.memory_space<vmem>>
    %dma_start3A_182 = arith.constant 0 : i32
    %dma_start3A_183 = arith.constant 0 : i32
    %dma_start3A_184 = tpu.memref_slice %arg21[%dma_start3A_182, %dma_start3A_183] : memref<100000x16xf32, #tpu.memory_space<vmem_shared>> -> memref<100000x16xf32, #tpu.memory_space<vmem_shared>>
    tpu.enqueue_indirect_dma source(%arg10 : memref<128x16xf32, #tpu.memory_space<vmem>>) target(%dma_start3A_184 : memref<100000x16xf32, #tpu.memory_space<vmem_shared>>) offsets(%dma_start3A_181 : memref<128xi32, #tpu.memory_space<vmem>>) semaphore(%arg19 : memref<!tpu.dma_semaphore, #tpu.memory_space<semaphore_mem>>)
    %dma_start3A_185 = arith.constant 5 : i32
    %dma_start3A_186 = arith.constant 0 : i32
    %dma_start3A_187 = tpu.memref_slice %arg5[%dma_start3A_185, %dma_start3A_186] : memref<8x128xi32, #tpu.memory_space<vmem>> -> memref<1x128xi32, #tpu.memory_space<vmem>>
    %dma_start3A_188 = tpu.memref_squeeze %dma_start3A_187 : memref<1x128xi32, #tpu.memory_space<vmem>> -> memref<128xi32, #tpu.memory_space<vmem>>
    %dma_start3A_189 = arith.constant 0 : i32
    %dma_start3A_190 = tpu.memref_slice %arg22[%dma_start3A_189] : memref<100000xf32, #tpu.memory_space<vmem_shared>> -> memref<100000xf32, #tpu.memory_space<vmem_shared>>
    tpu.enqueue_indirect_dma source(%arg11 : memref<128xf32, #tpu.memory_space<vmem>>) target(%dma_start3A_190 : memref<100000xf32, #tpu.memory_space<vmem_shared>>) offsets(%dma_start3A_188 : memref<128xi32, #tpu.memory_space<vmem>>) semaphore(%arg20 : memref<!tpu.dma_semaphore, #tpu.memory_space<semaphore_mem>>)
    %dma_start3A_191 = arith.constant 6 : i32
    %dma_start3A_192 = arith.constant 0 : i32
    %dma_start3A_193 = tpu.memref_slice %arg5[%dma_start3A_191, %dma_start3A_192] : memref<8x128xi32, #tpu.memory_space<vmem>> -> memref<1x128xi32, #tpu.memory_space<vmem>>
    %dma_start3A_194 = tpu.memref_squeeze %dma_start3A_193 : memref<1x128xi32, #tpu.memory_space<vmem>> -> memref<128xi32, #tpu.memory_space<vmem>>
    %dma_start3A_195 = arith.constant 0 : i32
    %dma_start3A_196 = arith.constant 0 : i32
    %dma_start3A_197 = tpu.memref_slice %arg21[%dma_start3A_195, %dma_start3A_196] : memref<100000x16xf32, #tpu.memory_space<vmem_shared>> -> memref<100000x16xf32, #tpu.memory_space<vmem_shared>>
    tpu.enqueue_indirect_dma source(%arg10 : memref<128x16xf32, #tpu.memory_space<vmem>>) target(%dma_start3A_197 : memref<100000x16xf32, #tpu.memory_space<vmem_shared>>) offsets(%dma_start3A_194 : memref<128xi32, #tpu.memory_space<vmem>>) semaphore(%arg19 : memref<!tpu.dma_semaphore, #tpu.memory_space<semaphore_mem>>)
    %dma_start3A_198 = arith.constant 6 : i32
    %dma_start3A_199 = arith.constant 0 : i32
    %dma_start3A_200 = tpu.memref_slice %arg5[%dma_start3A_198, %dma_start3A_199] : memref<8x128xi32, #tpu.memory_space<vmem>> -> memref<1x128xi32, #tpu.memory_space<vmem>>
    %dma_start3A_201 = tpu.memref_squeeze %dma_start3A_200 : memref<1x128xi32, #tpu.memory_space<vmem>> -> memref<128xi32, #tpu.memory_space<vmem>>
    %dma_start3A_202 = arith.constant 0 : i32
    %dma_start3A_203 = tpu.memref_slice %arg22[%dma_start3A_202] : memref<100000xf32, #tpu.memory_space<vmem_shared>> -> memref<100000xf32, #tpu.memory_space<vmem_shared>>
    tpu.enqueue_indirect_dma source(%arg11 : memref<128xf32, #tpu.memory_space<vmem>>) target(%dma_start3A_203 : memref<100000xf32, #tpu.memory_space<vmem_shared>>) offsets(%dma_start3A_201 : memref<128xi32, #tpu.memory_space<vmem>>) semaphore(%arg20 : memref<!tpu.dma_semaphore, #tpu.memory_space<semaphore_mem>>)
    %dma_start3A_204 = arith.constant 7 : i32
    %dma_start3A_205 = arith.constant 0 : i32
    %dma_start3A_206 = tpu.memref_slice %arg5[%dma_start3A_204, %dma_start3A_205] : memref<8x128xi32, #tpu.memory_space<vmem>> -> memref<1x128xi32, #tpu.memory_space<vmem>>
    %dma_start3A_207 = tpu.memref_squeeze %dma_start3A_206 : memref<1x128xi32, #tpu.memory_space<vmem>> -> memref<128xi32, #tpu.memory_space<vmem>>
    %dma_start3A_208 = arith.constant 0 : i32
    %dma_start3A_209 = arith.constant 0 : i32
    %dma_start3A_210 = tpu.memref_slice %arg21[%dma_start3A_208, %dma_start3A_209] : memref<100000x16xf32, #tpu.memory_space<vmem_shared>> -> memref<100000x16xf32, #tpu.memory_space<vmem_shared>>
    tpu.enqueue_indirect_dma source(%arg10 : memref<128x16xf32, #tpu.memory_space<vmem>>) target(%dma_start3A_210 : memref<100000x16xf32, #tpu.memory_space<vmem_shared>>) offsets(%dma_start3A_207 : memref<128xi32, #tpu.memory_space<vmem>>) semaphore(%arg19 : memref<!tpu.dma_semaphore, #tpu.memory_space<semaphore_mem>>)
    %dma_start3A_211 = arith.constant 7 : i32
    %dma_start3A_212 = arith.constant 0 : i32
    %dma_start3A_213 = tpu.memref_slice %arg5[%dma_start3A_211, %dma_start3A_212] : memref<8x128xi32, #tpu.memory_space<vmem>> -> memref<1x128xi32, #tpu.memory_space<vmem>>
    %dma_start3A_214 = tpu.memref_squeeze %dma_start3A_213 : memref<1x128xi32, #tpu.memory_space<vmem>> -> memref<128xi32, #tpu.memory_space<vmem>>
    %dma_start3A_215 = arith.constant 0 : i32
    %dma_start3A_216 = tpu.memref_slice %arg22[%dma_start3A_215] : memref<100000xf32, #tpu.memory_space<vmem_shared>> -> memref<100000xf32, #tpu.memory_space<vmem_shared>>
    tpu.enqueue_indirect_dma source(%arg11 : memref<128xf32, #tpu.memory_space<vmem>>) target(%dma_start3A_216 : memref<100000xf32, #tpu.memory_space<vmem_shared>>) offsets(%dma_start3A_214 : memref<128xi32, #tpu.memory_space<vmem>>) semaphore(%arg20 : memref<!tpu.dma_semaphore, #tpu.memory_space<semaphore_mem>>)
    %dma_wait3A = arith.constant 0 : i32
    %dma_wait3A_217 = arith.constant 0 : i32
    %dma_wait3A_218 = tpu.memref_slice %arg5[%dma_wait3A, %dma_wait3A_217] : memref<8x128xi32, #tpu.memory_space<vmem>> -> memref<1x128xi32, #tpu.memory_space<vmem>>
    %dma_wait3A_219 = tpu.memref_squeeze %dma_wait3A_218 : memref<1x128xi32, #tpu.memory_space<vmem>> -> memref<128xi32, #tpu.memory_space<vmem>>
    %dma_wait3A_220 = arith.constant 0 : i32
    %dma_wait3A_221 = arith.constant 0 : i32
    %dma_wait3A_222 = tpu.memref_slice %arg21[%dma_wait3A_220, %dma_wait3A_221] : memref<100000x16xf32, #tpu.memory_space<vmem_shared>> -> memref<100000x16xf32, #tpu.memory_space<vmem_shared>>
    tpu.wait_indirect_dma semaphore(%arg19 : memref<!tpu.dma_semaphore, #tpu.memory_space<semaphore_mem>>) src(%arg10 : memref<128x16xf32, #tpu.memory_space<vmem>>) dst(%dma_wait3A_222 : memref<100000x16xf32, #tpu.memory_space<vmem_shared>>)
    %dma_wait3A_223 = arith.constant 0 : i32
    %dma_wait3A_224 = arith.constant 0 : i32
    %dma_wait3A_225 = tpu.memref_slice %arg5[%dma_wait3A_223, %dma_wait3A_224] : memref<8x128xi32, #tpu.memory_space<vmem>> -> memref<1x128xi32, #tpu.memory_space<vmem>>
    %dma_wait3A_226 = tpu.memref_squeeze %dma_wait3A_225 : memref<1x128xi32, #tpu.memory_space<vmem>> -> memref<128xi32, #tpu.memory_space<vmem>>
    %dma_wait3A_227 = arith.constant 0 : i32
    %dma_wait3A_228 = tpu.memref_slice %arg22[%dma_wait3A_227] : memref<100000xf32, #tpu.memory_space<vmem_shared>> -> memref<100000xf32, #tpu.memory_space<vmem_shared>>
    tpu.wait_indirect_dma semaphore(%arg20 : memref<!tpu.dma_semaphore, #tpu.memory_space<semaphore_mem>>) src(%arg11 : memref<128xf32, #tpu.memory_space<vmem>>) dst(%dma_wait3A_228 : memref<100000xf32, #tpu.memory_space<vmem_shared>>)
    %dma_wait3A_229 = arith.constant 1 : i32
    %dma_wait3A_230 = arith.constant 0 : i32
    %dma_wait3A_231 = tpu.memref_slice %arg5[%dma_wait3A_229, %dma_wait3A_230] : memref<8x128xi32, #tpu.memory_space<vmem>> -> memref<1x128xi32, #tpu.memory_space<vmem>>
    %dma_wait3A_232 = tpu.memref_squeeze %dma_wait3A_231 : memref<1x128xi32, #tpu.memory_space<vmem>> -> memref<128xi32, #tpu.memory_space<vmem>>
    %dma_wait3A_233 = arith.constant 0 : i32
    %dma_wait3A_234 = arith.constant 0 : i32
    %dma_wait3A_235 = tpu.memref_slice %arg21[%dma_wait3A_233, %dma_wait3A_234] : memref<100000x16xf32, #tpu.memory_space<vmem_shared>> -> memref<100000x16xf32, #tpu.memory_space<vmem_shared>>
    tpu.wait_indirect_dma semaphore(%arg19 : memref<!tpu.dma_semaphore, #tpu.memory_space<semaphore_mem>>) src(%arg10 : memref<128x16xf32, #tpu.memory_space<vmem>>) dst(%dma_wait3A_235 : memref<100000x16xf32, #tpu.memory_space<vmem_shared>>)
    %dma_wait3A_236 = arith.constant 1 : i32
    %dma_wait3A_237 = arith.constant 0 : i32
    %dma_wait3A_238 = tpu.memref_slice %arg5[%dma_wait3A_236, %dma_wait3A_237] : memref<8x128xi32, #tpu.memory_space<vmem>> -> memref<1x128xi32, #tpu.memory_space<vmem>>
    %dma_wait3A_239 = tpu.memref_squeeze %dma_wait3A_238 : memref<1x128xi32, #tpu.memory_space<vmem>> -> memref<128xi32, #tpu.memory_space<vmem>>
    %dma_wait3A_240 = arith.constant 0 : i32
    %dma_wait3A_241 = tpu.memref_slice %arg22[%dma_wait3A_240] : memref<100000xf32, #tpu.memory_space<vmem_shared>> -> memref<100000xf32, #tpu.memory_space<vmem_shared>>
    tpu.wait_indirect_dma semaphore(%arg20 : memref<!tpu.dma_semaphore, #tpu.memory_space<semaphore_mem>>) src(%arg11 : memref<128xf32, #tpu.memory_space<vmem>>) dst(%dma_wait3A_241 : memref<100000xf32, #tpu.memory_space<vmem_shared>>)
    %dma_wait3A_242 = arith.constant 2 : i32
    %dma_wait3A_243 = arith.constant 0 : i32
    %dma_wait3A_244 = tpu.memref_slice %arg5[%dma_wait3A_242, %dma_wait3A_243] : memref<8x128xi32, #tpu.memory_space<vmem>> -> memref<1x128xi32, #tpu.memory_space<vmem>>
    %dma_wait3A_245 = tpu.memref_squeeze %dma_wait3A_244 : memref<1x128xi32, #tpu.memory_space<vmem>> -> memref<128xi32, #tpu.memory_space<vmem>>
    %dma_wait3A_246 = arith.constant 0 : i32
    %dma_wait3A_247 = arith.constant 0 : i32
    %dma_wait3A_248 = tpu.memref_slice %arg21[%dma_wait3A_246, %dma_wait3A_247] : memref<100000x16xf32, #tpu.memory_space<vmem_shared>> -> memref<100000x16xf32, #tpu.memory_space<vmem_shared>>
    tpu.wait_indirect_dma semaphore(%arg19 : memref<!tpu.dma_semaphore, #tpu.memory_space<semaphore_mem>>) src(%arg10 : memref<128x16xf32, #tpu.memory_space<vmem>>) dst(%dma_wait3A_248 : memref<100000x16xf32, #tpu.memory_space<vmem_shared>>)
    %dma_wait3A_249 = arith.constant 2 : i32
    %dma_wait3A_250 = arith.constant 0 : i32
    %dma_wait3A_251 = tpu.memref_slice %arg5[%dma_wait3A_249, %dma_wait3A_250] : memref<8x128xi32, #tpu.memory_space<vmem>> -> memref<1x128xi32, #tpu.memory_space<vmem>>
    %dma_wait3A_252 = tpu.memref_squeeze %dma_wait3A_251 : memref<1x128xi32, #tpu.memory_space<vmem>> -> memref<128xi32, #tpu.memory_space<vmem>>
    %dma_wait3A_253 = arith.constant 0 : i32
    %dma_wait3A_254 = tpu.memref_slice %arg22[%dma_wait3A_253] : memref<100000xf32, #tpu.memory_space<vmem_shared>> -> memref<100000xf32, #tpu.memory_space<vmem_shared>>
    tpu.wait_indirect_dma semaphore(%arg20 : memref<!tpu.dma_semaphore, #tpu.memory_space<semaphore_mem>>) src(%arg11 : memref<128xf32, #tpu.memory_space<vmem>>) dst(%dma_wait3A_254 : memref<100000xf32, #tpu.memory_space<vmem_shared>>)
    %dma_wait3A_255 = arith.constant 3 : i32
    %dma_wait3A_256 = arith.constant 0 : i32
    %dma_wait3A_257 = tpu.memref_slice %arg5[%dma_wait3A_255, %dma_wait3A_256] : memref<8x128xi32, #tpu.memory_space<vmem>> -> memref<1x128xi32, #tpu.memory_space<vmem>>
    %dma_wait3A_258 = tpu.memref_squeeze %dma_wait3A_257 : memref<1x128xi32, #tpu.memory_space<vmem>> -> memref<128xi32, #tpu.memory_space<vmem>>
    %dma_wait3A_259 = arith.constant 0 : i32
    %dma_wait3A_260 = arith.constant 0 : i32
    %dma_wait3A_261 = tpu.memref_slice %arg21[%dma_wait3A_259, %dma_wait3A_260] : memref<100000x16xf32, #tpu.memory_space<vmem_shared>> -> memref<100000x16xf32, #tpu.memory_space<vmem_shared>>
    tpu.wait_indirect_dma semaphore(%arg19 : memref<!tpu.dma_semaphore, #tpu.memory_space<semaphore_mem>>) src(%arg10 : memref<128x16xf32, #tpu.memory_space<vmem>>) dst(%dma_wait3A_261 : memref<100000x16xf32, #tpu.memory_space<vmem_shared>>)
    %dma_wait3A_262 = arith.constant 3 : i32
    %dma_wait3A_263 = arith.constant 0 : i32
    %dma_wait3A_264 = tpu.memref_slice %arg5[%dma_wait3A_262, %dma_wait3A_263] : memref<8x128xi32, #tpu.memory_space<vmem>> -> memref<1x128xi32, #tpu.memory_space<vmem>>
    %dma_wait3A_265 = tpu.memref_squeeze %dma_wait3A_264 : memref<1x128xi32, #tpu.memory_space<vmem>> -> memref<128xi32, #tpu.memory_space<vmem>>
    %dma_wait3A_266 = arith.constant 0 : i32
    %dma_wait3A_267 = tpu.memref_slice %arg22[%dma_wait3A_266] : memref<100000xf32, #tpu.memory_space<vmem_shared>> -> memref<100000xf32, #tpu.memory_space<vmem_shared>>
    tpu.wait_indirect_dma semaphore(%arg20 : memref<!tpu.dma_semaphore, #tpu.memory_space<semaphore_mem>>) src(%arg11 : memref<128xf32, #tpu.memory_space<vmem>>) dst(%dma_wait3A_267 : memref<100000xf32, #tpu.memory_space<vmem_shared>>)
    %dma_wait3A_268 = arith.constant 4 : i32
    %dma_wait3A_269 = arith.constant 0 : i32
    %dma_wait3A_270 = tpu.memref_slice %arg5[%dma_wait3A_268, %dma_wait3A_269] : memref<8x128xi32, #tpu.memory_space<vmem>> -> memref<1x128xi32, #tpu.memory_space<vmem>>
    %dma_wait3A_271 = tpu.memref_squeeze %dma_wait3A_270 : memref<1x128xi32, #tpu.memory_space<vmem>> -> memref<128xi32, #tpu.memory_space<vmem>>
    %dma_wait3A_272 = arith.constant 0 : i32
    %dma_wait3A_273 = arith.constant 0 : i32
    %dma_wait3A_274 = tpu.memref_slice %arg21[%dma_wait3A_272, %dma_wait3A_273] : memref<100000x16xf32, #tpu.memory_space<vmem_shared>> -> memref<100000x16xf32, #tpu.memory_space<vmem_shared>>
    tpu.wait_indirect_dma semaphore(%arg19 : memref<!tpu.dma_semaphore, #tpu.memory_space<semaphore_mem>>) src(%arg10 : memref<128x16xf32, #tpu.memory_space<vmem>>) dst(%dma_wait3A_274 : memref<100000x16xf32, #tpu.memory_space<vmem_shared>>)
    %dma_wait3A_275 = arith.constant 4 : i32
    %dma_wait3A_276 = arith.constant 0 : i32
    %dma_wait3A_277 = tpu.memref_slice %arg5[%dma_wait3A_275, %dma_wait3A_276] : memref<8x128xi32, #tpu.memory_space<vmem>> -> memref<1x128xi32, #tpu.memory_space<vmem>>
    %dma_wait3A_278 = tpu.memref_squeeze %dma_wait3A_277 : memref<1x128xi32, #tpu.memory_space<vmem>> -> memref<128xi32, #tpu.memory_space<vmem>>
    %dma_wait3A_279 = arith.constant 0 : i32
    %dma_wait3A_280 = tpu.memref_slice %arg22[%dma_wait3A_279] : memref<100000xf32, #tpu.memory_space<vmem_shared>> -> memref<100000xf32, #tpu.memory_space<vmem_shared>>
    tpu.wait_indirect_dma semaphore(%arg20 : memref<!tpu.dma_semaphore, #tpu.memory_space<semaphore_mem>>) src(%arg11 : memref<128xf32, #tpu.memory_space<vmem>>) dst(%dma_wait3A_280 : memref<100000xf32, #tpu.memory_space<vmem_shared>>)
    %dma_wait3A_281 = arith.constant 5 : i32
    %dma_wait3A_282 = arith.constant 0 : i32
    %dma_wait3A_283 = tpu.memref_slice %arg5[%dma_wait3A_281, %dma_wait3A_282] : memref<8x128xi32, #tpu.memory_space<vmem>> -> memref<1x128xi32, #tpu.memory_space<vmem>>
    %dma_wait3A_284 = tpu.memref_squeeze %dma_wait3A_283 : memref<1x128xi32, #tpu.memory_space<vmem>> -> memref<128xi32, #tpu.memory_space<vmem>>
    %dma_wait3A_285 = arith.constant 0 : i32
    %dma_wait3A_286 = arith.constant 0 : i32
    %dma_wait3A_287 = tpu.memref_slice %arg21[%dma_wait3A_285, %dma_wait3A_286] : memref<100000x16xf32, #tpu.memory_space<vmem_shared>> -> memref<100000x16xf32, #tpu.memory_space<vmem_shared>>
    tpu.wait_indirect_dma semaphore(%arg19 : memref<!tpu.dma_semaphore, #tpu.memory_space<semaphore_mem>>) src(%arg10 : memref<128x16xf32, #tpu.memory_space<vmem>>) dst(%dma_wait3A_287 : memref<100000x16xf32, #tpu.memory_space<vmem_shared>>)
    %dma_wait3A_288 = arith.constant 5 : i32
    %dma_wait3A_289 = arith.constant 0 : i32
    %dma_wait3A_290 = tpu.memref_slice %arg5[%dma_wait3A_288, %dma_wait3A_289] : memref<8x128xi32, #tpu.memory_space<vmem>> -> memref<1x128xi32, #tpu.memory_space<vmem>>
    %dma_wait3A_291 = tpu.memref_squeeze %dma_wait3A_290 : memref<1x128xi32, #tpu.memory_space<vmem>> -> memref<128xi32, #tpu.memory_space<vmem>>
    %dma_wait3A_292 = arith.constant 0 : i32
    %dma_wait3A_293 = tpu.memref_slice %arg22[%dma_wait3A_292] : memref<100000xf32, #tpu.memory_space<vmem_shared>> -> memref<100000xf32, #tpu.memory_space<vmem_shared>>
    tpu.wait_indirect_dma semaphore(%arg20 : memref<!tpu.dma_semaphore, #tpu.memory_space<semaphore_mem>>) src(%arg11 : memref<128xf32, #tpu.memory_space<vmem>>) dst(%dma_wait3A_293 : memref<100000xf32, #tpu.memory_space<vmem_shared>>)
    %dma_wait3A_294 = arith.constant 6 : i32
    %dma_wait3A_295 = arith.constant 0 : i32
    %dma_wait3A_296 = tpu.memref_slice %arg5[%dma_wait3A_294, %dma_wait3A_295] : memref<8x128xi32, #tpu.memory_space<vmem>> -> memref<1x128xi32, #tpu.memory_space<vmem>>
    %dma_wait3A_297 = tpu.memref_squeeze %dma_wait3A_296 : memref<1x128xi32, #tpu.memory_space<vmem>> -> memref<128xi32, #tpu.memory_space<vmem>>
    %dma_wait3A_298 = arith.constant 0 : i32
    %dma_wait3A_299 = arith.constant 0 : i32
    %dma_wait3A_300 = tpu.memref_slice %arg21[%dma_wait3A_298, %dma_wait3A_299] : memref<100000x16xf32, #tpu.memory_space<vmem_shared>> -> memref<100000x16xf32, #tpu.memory_space<vmem_shared>>
    tpu.wait_indirect_dma semaphore(%arg19 : memref<!tpu.dma_semaphore, #tpu.memory_space<semaphore_mem>>) src(%arg10 : memref<128x16xf32, #tpu.memory_space<vmem>>) dst(%dma_wait3A_300 : memref<100000x16xf32, #tpu.memory_space<vmem_shared>>)
    %dma_wait3A_301 = arith.constant 6 : i32
    %dma_wait3A_302 = arith.constant 0 : i32
    %dma_wait3A_303 = tpu.memref_slice %arg5[%dma_wait3A_301, %dma_wait3A_302] : memref<8x128xi32, #tpu.memory_space<vmem>> -> memref<1x128xi32, #tpu.memory_space<vmem>>
    %dma_wait3A_304 = tpu.memref_squeeze %dma_wait3A_303 : memref<1x128xi32, #tpu.memory_space<vmem>> -> memref<128xi32, #tpu.memory_space<vmem>>
    %dma_wait3A_305 = arith.constant 0 : i32
    %dma_wait3A_306 = tpu.memref_slice %arg22[%dma_wait3A_305] : memref<100000xf32, #tpu.memory_space<vmem_shared>> -> memref<100000xf32, #tpu.memory_space<vmem_shared>>
    tpu.wait_indirect_dma semaphore(%arg20 : memref<!tpu.dma_semaphore, #tpu.memory_space<semaphore_mem>>) src(%arg11 : memref<128xf32, #tpu.memory_space<vmem>>) dst(%dma_wait3A_306 : memref<100000xf32, #tpu.memory_space<vmem_shared>>)
    %dma_wait3A_307 = arith.constant 7 : i32
    %dma_wait3A_308 = arith.constant 0 : i32
    %dma_wait3A_309 = tpu.memref_slice %arg5[%dma_wait3A_307, %dma_wait3A_308] : memref<8x128xi32, #tpu.memory_space<vmem>> -> memref<1x128xi32, #tpu.memory_space<vmem>>
    %dma_wait3A_310 = tpu.memref_squeeze %dma_wait3A_309 : memref<1x128xi32, #tpu.memory_space<vmem>> -> memref<128xi32, #tpu.memory_space<vmem>>
    %dma_wait3A_311 = arith.constant 0 : i32
    %dma_wait3A_312 = arith.constant 0 : i32
    %dma_wait3A_313 = tpu.memref_slice %arg21[%dma_wait3A_311, %dma_wait3A_312] : memref<100000x16xf32, #tpu.memory_space<vmem_shared>> -> memref<100000x16xf32, #tpu.memory_space<vmem_shared>>
    tpu.wait_indirect_dma semaphore(%arg19 : memref<!tpu.dma_semaphore, #tpu.memory_space<semaphore_mem>>) src(%arg10 : memref<128x16xf32, #tpu.memory_space<vmem>>) dst(%dma_wait3A_313 : memref<100000x16xf32, #tpu.memory_space<vmem_shared>>)
    %dma_wait3A_314 = arith.constant 7 : i32
    %dma_wait3A_315 = arith.constant 0 : i32
    %dma_wait3A_316 = tpu.memref_slice %arg5[%dma_wait3A_314, %dma_wait3A_315] : memref<8x128xi32, #tpu.memory_space<vmem>> -> memref<1x128xi32, #tpu.memory_space<vmem>>
    %dma_wait3A_317 = tpu.memref_squeeze %dma_wait3A_316 : memref<1x128xi32, #tpu.memory_space<vmem>> -> memref<128xi32, #tpu.memory_space<vmem>>
    %dma_wait3A_318 = arith.constant 0 : i32
    %dma_wait3A_319 = tpu.memref_slice %arg22[%dma_wait3A_318] : memref<100000xf32, #tpu.memory_space<vmem_shared>> -> memref<100000xf32, #tpu.memory_space<vmem_shared>>
    tpu.wait_indirect_dma semaphore(%arg20 : memref<!tpu.dma_semaphore, #tpu.memory_space<semaphore_mem>>) src(%arg11 : memref<128xf32, #tpu.memory_space<vmem>>) dst(%dma_wait3A_319 : memref<100000xf32, #tpu.memory_space<vmem_shared>>)
    %barrier3A = arith.constant 0 : index
    tpu.barrier barrier_id(%barrier3A)
    %mul3A_320 = arith.constant 2 : i32
    %mul3A_321 = arith.muli %arg0, %mul3A_320 : i32
    %add3A_322 = arith.constant 0 : i32
    %add3A_323 = arith.addi %mul3A_321, %add3A_322 : i32
    %mul3A_324 = arith.constant 16 : i32
    %mul3A_325 = arith.muli %add3A_323, %mul3A_324 : i32
    %dma_wait3A_326 = tpu.memref_slice %arg2[%add3A_81, %mul3A_79] : memref<16384x64xf32, #tpu.memory_space<hbm>> -> memref<256x16xf32, #tpu.memory_space<hbm>>
    %dma_wait3A_327 = tpu.memref_slice %arg2[%add3A_81, %mul3A_79] : memref<16384x64xf32, #tpu.memory_space<hbm>> -> memref<256x16xf32, #tpu.memory_space<hbm>>
    tpu.wait_dma2 semaphore(%arg15 : memref<!tpu.dma_semaphore, #tpu.memory_space<semaphore_mem>>) src(%dma_wait3A_327 : memref<256x16xf32, #tpu.memory_space<hbm>>) dst(%arg6 : memref<256x16xf32, #tpu.memory_space<vmem>>)
    %dma_start3A_328 = arith.constant 0 : i32
    %dma_start3A_329 = arith.constant 0 : i32
    %dma_start3A_330 = arith.constant 0 : i32
    %dma_start3A_331 = tpu.memref_slice %arg6[%dma_start3A_329, %dma_start3A_330] : memref<256x16xf32, #tpu.memory_space<vmem>> -> memref<128x16xf32, #tpu.memory_space<vmem>>
    %dma_start3A_332 = arith.constant 0 : i32
    %dma_start3A_333 = tpu.memref_slice %arg5[%dma_start3A_328, %dma_start3A_332] : memref<8x128xi32, #tpu.memory_space<vmem>> -> memref<1x128xi32, #tpu.memory_space<vmem>>
    %dma_start3A_334 = tpu.memref_squeeze %dma_start3A_333 : memref<1x128xi32, #tpu.memory_space<vmem>> -> memref<128xi32, #tpu.memory_space<vmem>>
    %dma_start3A_335 = arith.constant 0 : i32
    %dma_start3A_336 = arith.constant 0 : i32
    %dma_start3A_337 = tpu.memref_slice %arg21[%dma_start3A_335, %dma_start3A_336] : memref<100000x16xf32, #tpu.memory_space<vmem_shared>> -> memref<100000x16xf32, #tpu.memory_space<vmem_shared>>
    tpu.enqueue_indirect_dma source(%dma_start3A_331 : memref<128x16xf32, #tpu.memory_space<vmem>>) target(%dma_start3A_337 : memref<100000x16xf32, #tpu.memory_space<vmem_shared>>) offsets(%dma_start3A_334 : memref<128xi32, #tpu.memory_space<vmem>>) semaphore(%arg19 : memref<!tpu.dma_semaphore, #tpu.memory_space<semaphore_mem>>) {add = true}
    %dma_start3A_338 = arith.constant 1 : i32
    %dma_start3A_339 = arith.constant 128 : i32
    %dma_start3A_340 = arith.constant 0 : i32
    %dma_start3A_341 = tpu.memref_slice %arg6[%dma_start3A_339, %dma_start3A_340] : memref<256x16xf32, #tpu.memory_space<vmem>> -> memref<128x16xf32, #tpu.memory_space<vmem>>
    %dma_start3A_342 = arith.constant 0 : i32
    %dma_start3A_343 = tpu.memref_slice %arg5[%dma_start3A_338, %dma_start3A_342] : memref<8x128xi32, #tpu.memory_space<vmem>> -> memref<1x128xi32, #tpu.memory_space<vmem>>
    %dma_start3A_344 = tpu.memref_squeeze %dma_start3A_343 : memref<1x128xi32, #tpu.memory_space<vmem>> -> memref<128xi32, #tpu.memory_space<vmem>>
    %dma_start3A_345 = arith.constant 0 : i32
    %dma_start3A_346 = arith.constant 0 : i32
    %dma_start3A_347 = tpu.memref_slice %arg21[%dma_start3A_345, %dma_start3A_346] : memref<100000x16xf32, #tpu.memory_space<vmem_shared>> -> memref<100000x16xf32, #tpu.memory_space<vmem_shared>>
    tpu.enqueue_indirect_dma source(%dma_start3A_341 : memref<128x16xf32, #tpu.memory_space<vmem>>) target(%dma_start3A_347 : memref<100000x16xf32, #tpu.memory_space<vmem_shared>>) offsets(%dma_start3A_344 : memref<128xi32, #tpu.memory_space<vmem>>) semaphore(%arg19 : memref<!tpu.dma_semaphore, #tpu.memory_space<semaphore_mem>>) {add = true}
    %dma_wait3A_348 = tpu.memref_slice %arg2[%add3A_90, %mul3A_88] : memref<16384x64xf32, #tpu.memory_space<hbm>> -> memref<256x16xf32, #tpu.memory_space<hbm>>
    %dma_wait3A_349 = tpu.memref_slice %arg2[%add3A_90, %mul3A_88] : memref<16384x64xf32, #tpu.memory_space<hbm>> -> memref<256x16xf32, #tpu.memory_space<hbm>>
    tpu.wait_dma2 semaphore(%arg16 : memref<!tpu.dma_semaphore, #tpu.memory_space<semaphore_mem>>) src(%dma_wait3A_349 : memref<256x16xf32, #tpu.memory_space<hbm>>) dst(%arg7 : memref<256x16xf32, #tpu.memory_space<vmem>>)
    %dma_start3A_350 = arith.constant 2 : i32
    %dma_start3A_351 = arith.constant 0 : i32
    %dma_start3A_352 = arith.constant 0 : i32
    %dma_start3A_353 = tpu.memref_slice %arg7[%dma_start3A_351, %dma_start3A_352] : memref<256x16xf32, #tpu.memory_space<vmem>> -> memref<128x16xf32, #tpu.memory_space<vmem>>
    %dma_start3A_354 = arith.constant 0 : i32
    %dma_start3A_355 = tpu.memref_slice %arg5[%dma_start3A_350, %dma_start3A_354] : memref<8x128xi32, #tpu.memory_space<vmem>> -> memref<1x128xi32, #tpu.memory_space<vmem>>
    %dma_start3A_356 = tpu.memref_squeeze %dma_start3A_355 : memref<1x128xi32, #tpu.memory_space<vmem>> -> memref<128xi32, #tpu.memory_space<vmem>>
    %dma_start3A_357 = arith.constant 0 : i32
    %dma_start3A_358 = arith.constant 0 : i32
    %dma_start3A_359 = tpu.memref_slice %arg21[%dma_start3A_357, %dma_start3A_358] : memref<100000x16xf32, #tpu.memory_space<vmem_shared>> -> memref<100000x16xf32, #tpu.memory_space<vmem_shared>>
    tpu.enqueue_indirect_dma source(%dma_start3A_353 : memref<128x16xf32, #tpu.memory_space<vmem>>) target(%dma_start3A_359 : memref<100000x16xf32, #tpu.memory_space<vmem_shared>>) offsets(%dma_start3A_356 : memref<128xi32, #tpu.memory_space<vmem>>) semaphore(%arg19 : memref<!tpu.dma_semaphore, #tpu.memory_space<semaphore_mem>>) {add = true}
    %dma_start3A_360 = arith.constant 3 : i32
    %dma_start3A_361 = arith.constant 128 : i32
    %dma_start3A_362 = arith.constant 0 : i32
    %dma_start3A_363 = tpu.memref_slice %arg7[%dma_start3A_361, %dma_start3A_362] : memref<256x16xf32, #tpu.memory_space<vmem>> -> memref<128x16xf32, #tpu.memory_space<vmem>>
    %dma_start3A_364 = arith.constant 0 : i32
    %dma_start3A_365 = tpu.memref_slice %arg5[%dma_start3A_360, %dma_start3A_364] : memref<8x128xi32, #tpu.memory_space<vmem>> -> memref<1x128xi32, #tpu.memory_space<vmem>>
    %dma_start3A_366 = tpu.memref_squeeze %dma_start3A_365 : memref<1x128xi32, #tpu.memory_space<vmem>> -> memref<128xi32, #tpu.memory_space<vmem>>
    %dma_start3A_367 = arith.constant 0 : i32
    %dma_start3A_368 = arith.constant 0 : i32
    %dma_start3A_369 = tpu.memref_slice %arg21[%dma_start3A_367, %dma_start3A_368] : memref<100000x16xf32, #tpu.memory_space<vmem_shared>> -> memref<100000x16xf32, #tpu.memory_space<vmem_shared>>
    tpu.enqueue_indirect_dma source(%dma_start3A_363 : memref<128x16xf32, #tpu.memory_space<vmem>>) target(%dma_start3A_369 : memref<100000x16xf32, #tpu.memory_space<vmem_shared>>) offsets(%dma_start3A_366 : memref<128xi32, #tpu.memory_space<vmem>>) semaphore(%arg19 : memref<!tpu.dma_semaphore, #tpu.memory_space<semaphore_mem>>) {add = true}
    %dma_wait3A_370 = tpu.memref_slice %arg2[%add3A_100, %mul3A_98] : memref<16384x64xf32, #tpu.memory_space<hbm>> -> memref<256x16xf32, #tpu.memory_space<hbm>>
    %dma_wait3A_371 = tpu.memref_slice %arg2[%add3A_100, %mul3A_98] : memref<16384x64xf32, #tpu.memory_space<hbm>> -> memref<256x16xf32, #tpu.memory_space<hbm>>
    tpu.wait_dma2 semaphore(%arg17 : memref<!tpu.dma_semaphore, #tpu.memory_space<semaphore_mem>>) src(%dma_wait3A_371 : memref<256x16xf32, #tpu.memory_space<hbm>>) dst(%arg8 : memref<256x16xf32, #tpu.memory_space<vmem>>)
    %dma_start3A_372 = arith.constant 4 : i32
    %dma_start3A_373 = arith.constant 0 : i32
    %dma_start3A_374 = arith.constant 0 : i32
    %dma_start3A_375 = tpu.memref_slice %arg8[%dma_start3A_373, %dma_start3A_374] : memref<256x16xf32, #tpu.memory_space<vmem>> -> memref<128x16xf32, #tpu.memory_space<vmem>>
    %dma_start3A_376 = arith.constant 0 : i32
    %dma_start3A_377 = tpu.memref_slice %arg5[%dma_start3A_372, %dma_start3A_376] : memref<8x128xi32, #tpu.memory_space<vmem>> -> memref<1x128xi32, #tpu.memory_space<vmem>>
    %dma_start3A_378 = tpu.memref_squeeze %dma_start3A_377 : memref<1x128xi32, #tpu.memory_space<vmem>> -> memref<128xi32, #tpu.memory_space<vmem>>
    %dma_start3A_379 = arith.constant 0 : i32
    %dma_start3A_380 = arith.constant 0 : i32
    %dma_start3A_381 = tpu.memref_slice %arg21[%dma_start3A_379, %dma_start3A_380] : memref<100000x16xf32, #tpu.memory_space<vmem_shared>> -> memref<100000x16xf32, #tpu.memory_space<vmem_shared>>
    tpu.enqueue_indirect_dma source(%dma_start3A_375 : memref<128x16xf32, #tpu.memory_space<vmem>>) target(%dma_start3A_381 : memref<100000x16xf32, #tpu.memory_space<vmem_shared>>) offsets(%dma_start3A_378 : memref<128xi32, #tpu.memory_space<vmem>>) semaphore(%arg19 : memref<!tpu.dma_semaphore, #tpu.memory_space<semaphore_mem>>) {add = true}
    %dma_start3A_382 = arith.constant 5 : i32
    %dma_start3A_383 = arith.constant 128 : i32
    %dma_start3A_384 = arith.constant 0 : i32
    %dma_start3A_385 = tpu.memref_slice %arg8[%dma_start3A_383, %dma_start3A_384] : memref<256x16xf32, #tpu.memory_space<vmem>> -> memref<128x16xf32, #tpu.memory_space<vmem>>
    %dma_start3A_386 = arith.constant 0 : i32
    %dma_start3A_387 = tpu.memref_slice %arg5[%dma_start3A_382, %dma_start3A_386] : memref<8x128xi32, #tpu.memory_space<vmem>> -> memref<1x128xi32, #tpu.memory_space<vmem>>
    %dma_start3A_388 = tpu.memref_squeeze %dma_start3A_387 : memref<1x128xi32, #tpu.memory_space<vmem>> -> memref<128xi32, #tpu.memory_space<vmem>>
    %dma_start3A_389 = arith.constant 0 : i32
    %dma_start3A_390 = arith.constant 0 : i32
    %dma_start3A_391 = tpu.memref_slice %arg21[%dma_start3A_389, %dma_start3A_390] : memref<100000x16xf32, #tpu.memory_space<vmem_shared>> -> memref<100000x16xf32, #tpu.memory_space<vmem_shared>>
    tpu.enqueue_indirect_dma source(%dma_start3A_385 : memref<128x16xf32, #tpu.memory_space<vmem>>) target(%dma_start3A_391 : memref<100000x16xf32, #tpu.memory_space<vmem_shared>>) offsets(%dma_start3A_388 : memref<128xi32, #tpu.memory_space<vmem>>) semaphore(%arg19 : memref<!tpu.dma_semaphore, #tpu.memory_space<semaphore_mem>>) {add = true}
    %dma_wait3A_392 = tpu.memref_slice %arg2[%add3A_110, %mul3A_108] : memref<16384x64xf32, #tpu.memory_space<hbm>> -> memref<256x16xf32, #tpu.memory_space<hbm>>
    %dma_wait3A_393 = tpu.memref_slice %arg2[%add3A_110, %mul3A_108] : memref<16384x64xf32, #tpu.memory_space<hbm>> -> memref<256x16xf32, #tpu.memory_space<hbm>>
    tpu.wait_dma2 semaphore(%arg18 : memref<!tpu.dma_semaphore, #tpu.memory_space<semaphore_mem>>) src(%dma_wait3A_393 : memref<256x16xf32, #tpu.memory_space<hbm>>) dst(%arg9 : memref<256x16xf32, #tpu.memory_space<vmem>>)
    %dma_start3A_394 = arith.constant 6 : i32
    %dma_start3A_395 = arith.constant 0 : i32
    %dma_start3A_396 = arith.constant 0 : i32
    %dma_start3A_397 = tpu.memref_slice %arg9[%dma_start3A_395, %dma_start3A_396] : memref<256x16xf32, #tpu.memory_space<vmem>> -> memref<128x16xf32, #tpu.memory_space<vmem>>
    %dma_start3A_398 = arith.constant 0 : i32
    %dma_start3A_399 = tpu.memref_slice %arg5[%dma_start3A_394, %dma_start3A_398] : memref<8x128xi32, #tpu.memory_space<vmem>> -> memref<1x128xi32, #tpu.memory_space<vmem>>
    %dma_start3A_400 = tpu.memref_squeeze %dma_start3A_399 : memref<1x128xi32, #tpu.memory_space<vmem>> -> memref<128xi32, #tpu.memory_space<vmem>>
    %dma_start3A_401 = arith.constant 0 : i32
    %dma_start3A_402 = arith.constant 0 : i32
    %dma_start3A_403 = tpu.memref_slice %arg21[%dma_start3A_401, %dma_start3A_402] : memref<100000x16xf32, #tpu.memory_space<vmem_shared>> -> memref<100000x16xf32, #tpu.memory_space<vmem_shared>>
    tpu.enqueue_indirect_dma source(%dma_start3A_397 : memref<128x16xf32, #tpu.memory_space<vmem>>) target(%dma_start3A_403 : memref<100000x16xf32, #tpu.memory_space<vmem_shared>>) offsets(%dma_start3A_400 : memref<128xi32, #tpu.memory_space<vmem>>) semaphore(%arg19 : memref<!tpu.dma_semaphore, #tpu.memory_space<semaphore_mem>>) {add = true}
    %dma_start3A_404 = arith.constant 7 : i32
    %dma_start3A_405 = arith.constant 128 : i32
    %dma_start3A_406 = arith.constant 0 : i32
    %dma_start3A_407 = tpu.memref_slice %arg9[%dma_start3A_405, %dma_start3A_406] : memref<256x16xf32, #tpu.memory_space<vmem>> -> memref<128x16xf32, #tpu.memory_space<vmem>>
    %dma_start3A_408 = arith.constant 0 : i32
    %dma_start3A_409 = tpu.memref_slice %arg5[%dma_start3A_404, %dma_start3A_408] : memref<8x128xi32, #tpu.memory_space<vmem>> -> memref<1x128xi32, #tpu.memory_space<vmem>>
    %dma_start3A_410 = tpu.memref_squeeze %dma_start3A_409 : memref<1x128xi32, #tpu.memory_space<vmem>> -> memref<128xi32, #tpu.memory_space<vmem>>
    %dma_start3A_411 = arith.constant 0 : i32
    %dma_start3A_412 = arith.constant 0 : i32
    %dma_start3A_413 = tpu.memref_slice %arg21[%dma_start3A_411, %dma_start3A_412] : memref<100000x16xf32, #tpu.memory_space<vmem_shared>> -> memref<100000x16xf32, #tpu.memory_space<vmem_shared>>
    tpu.enqueue_indirect_dma source(%dma_start3A_407 : memref<128x16xf32, #tpu.memory_space<vmem>>) target(%dma_start3A_413 : memref<100000x16xf32, #tpu.memory_space<vmem_shared>>) offsets(%dma_start3A_410 : memref<128xi32, #tpu.memory_space<vmem>>) semaphore(%arg19 : memref<!tpu.dma_semaphore, #tpu.memory_space<semaphore_mem>>) {add = true}
    %dma_start3A_414 = arith.constant 0 : i32
    %dma_start3A_415 = arith.constant 0 : i32
    %dma_start3A_416 = tpu.memref_slice %arg5[%dma_start3A_414, %dma_start3A_415] : memref<8x128xi32, #tpu.memory_space<vmem>> -> memref<1x128xi32, #tpu.memory_space<vmem>>
    %dma_start3A_417 = tpu.memref_squeeze %dma_start3A_416 : memref<1x128xi32, #tpu.memory_space<vmem>> -> memref<128xi32, #tpu.memory_space<vmem>>
    %dma_start3A_418 = arith.constant 0 : i32
    %dma_start3A_419 = tpu.memref_slice %arg22[%dma_start3A_418] : memref<100000xf32, #tpu.memory_space<vmem_shared>> -> memref<100000xf32, #tpu.memory_space<vmem_shared>>
    tpu.enqueue_indirect_dma source(%arg12 : memref<128xf32, #tpu.memory_space<vmem>>) target(%dma_start3A_419 : memref<100000xf32, #tpu.memory_space<vmem_shared>>) offsets(%dma_start3A_417 : memref<128xi32, #tpu.memory_space<vmem>>) semaphore(%arg20 : memref<!tpu.dma_semaphore, #tpu.memory_space<semaphore_mem>>) {add = true}
    %dma_start3A_420 = arith.constant 1 : i32
    %dma_start3A_421 = arith.constant 0 : i32
    %dma_start3A_422 = tpu.memref_slice %arg5[%dma_start3A_420, %dma_start3A_421] : memref<8x128xi32, #tpu.memory_space<vmem>> -> memref<1x128xi32, #tpu.memory_space<vmem>>
    %dma_start3A_423 = tpu.memref_squeeze %dma_start3A_422 : memref<1x128xi32, #tpu.memory_space<vmem>> -> memref<128xi32, #tpu.memory_space<vmem>>
    %dma_start3A_424 = arith.constant 0 : i32
    %dma_start3A_425 = tpu.memref_slice %arg22[%dma_start3A_424] : memref<100000xf32, #tpu.memory_space<vmem_shared>> -> memref<100000xf32, #tpu.memory_space<vmem_shared>>
    tpu.enqueue_indirect_dma source(%arg12 : memref<128xf32, #tpu.memory_space<vmem>>) target(%dma_start3A_425 : memref<100000xf32, #tpu.memory_space<vmem_shared>>) offsets(%dma_start3A_423 : memref<128xi32, #tpu.memory_space<vmem>>) semaphore(%arg20 : memref<!tpu.dma_semaphore, #tpu.memory_space<semaphore_mem>>) {add = true}
    %dma_start3A_426 = arith.constant 2 : i32
    %dma_start3A_427 = arith.constant 0 : i32
    %dma_start3A_428 = tpu.memref_slice %arg5[%dma_start3A_426, %dma_start3A_427] : memref<8x128xi32, #tpu.memory_space<vmem>> -> memref<1x128xi32, #tpu.memory_space<vmem>>
    %dma_start3A_429 = tpu.memref_squeeze %dma_start3A_428 : memref<1x128xi32, #tpu.memory_space<vmem>> -> memref<128xi32, #tpu.memory_space<vmem>>
    %dma_start3A_430 = arith.constant 0 : i32
    %dma_start3A_431 = tpu.memref_slice %arg22[%dma_start3A_430] : memref<100000xf32, #tpu.memory_space<vmem_shared>> -> memref<100000xf32, #tpu.memory_space<vmem_shared>>
    tpu.enqueue_indirect_dma source(%arg12 : memref<128xf32, #tpu.memory_space<vmem>>) target(%dma_start3A_431 : memref<100000xf32, #tpu.memory_space<vmem_shared>>) offsets(%dma_start3A_429 : memref<128xi32, #tpu.memory_space<vmem>>) semaphore(%arg20 : memref<!tpu.dma_semaphore, #tpu.memory_space<semaphore_mem>>) {add = true}
    %dma_start3A_432 = arith.constant 3 : i32
    %dma_start3A_433 = arith.constant 0 : i32
    %dma_start3A_434 = tpu.memref_slice %arg5[%dma_start3A_432, %dma_start3A_433] : memref<8x128xi32, #tpu.memory_space<vmem>> -> memref<1x128xi32, #tpu.memory_space<vmem>>
    %dma_start3A_435 = tpu.memref_squeeze %dma_start3A_434 : memref<1x128xi32, #tpu.memory_space<vmem>> -> memref<128xi32, #tpu.memory_space<vmem>>
    %dma_start3A_436 = arith.constant 0 : i32
    %dma_start3A_437 = tpu.memref_slice %arg22[%dma_start3A_436] : memref<100000xf32, #tpu.memory_space<vmem_shared>> -> memref<100000xf32, #tpu.memory_space<vmem_shared>>
    tpu.enqueue_indirect_dma source(%arg12 : memref<128xf32, #tpu.memory_space<vmem>>) target(%dma_start3A_437 : memref<100000xf32, #tpu.memory_space<vmem_shared>>) offsets(%dma_start3A_435 : memref<128xi32, #tpu.memory_space<vmem>>) semaphore(%arg20 : memref<!tpu.dma_semaphore, #tpu.memory_space<semaphore_mem>>) {add = true}
    %dma_start3A_438 = arith.constant 4 : i32
    %dma_start3A_439 = arith.constant 0 : i32
    %dma_start3A_440 = tpu.memref_slice %arg5[%dma_start3A_438, %dma_start3A_439] : memref<8x128xi32, #tpu.memory_space<vmem>> -> memref<1x128xi32, #tpu.memory_space<vmem>>
    %dma_start3A_441 = tpu.memref_squeeze %dma_start3A_440 : memref<1x128xi32, #tpu.memory_space<vmem>> -> memref<128xi32, #tpu.memory_space<vmem>>
    %dma_start3A_442 = arith.constant 0 : i32
    %dma_start3A_443 = tpu.memref_slice %arg22[%dma_start3A_442] : memref<100000xf32, #tpu.memory_space<vmem_shared>> -> memref<100000xf32, #tpu.memory_space<vmem_shared>>
    tpu.enqueue_indirect_dma source(%arg12 : memref<128xf32, #tpu.memory_space<vmem>>) target(%dma_start3A_443 : memref<100000xf32, #tpu.memory_space<vmem_shared>>) offsets(%dma_start3A_441 : memref<128xi32, #tpu.memory_space<vmem>>) semaphore(%arg20 : memref<!tpu.dma_semaphore, #tpu.memory_space<semaphore_mem>>) {add = true}
    %dma_start3A_444 = arith.constant 5 : i32
    %dma_start3A_445 = arith.constant 0 : i32
    %dma_start3A_446 = tpu.memref_slice %arg5[%dma_start3A_444, %dma_start3A_445] : memref<8x128xi32, #tpu.memory_space<vmem>> -> memref<1x128xi32, #tpu.memory_space<vmem>>
    %dma_start3A_447 = tpu.memref_squeeze %dma_start3A_446 : memref<1x128xi32, #tpu.memory_space<vmem>> -> memref<128xi32, #tpu.memory_space<vmem>>
    %dma_start3A_448 = arith.constant 0 : i32
    %dma_start3A_449 = tpu.memref_slice %arg22[%dma_start3A_448] : memref<100000xf32, #tpu.memory_space<vmem_shared>> -> memref<100000xf32, #tpu.memory_space<vmem_shared>>
    tpu.enqueue_indirect_dma source(%arg12 : memref<128xf32, #tpu.memory_space<vmem>>) target(%dma_start3A_449 : memref<100000xf32, #tpu.memory_space<vmem_shared>>) offsets(%dma_start3A_447 : memref<128xi32, #tpu.memory_space<vmem>>) semaphore(%arg20 : memref<!tpu.dma_semaphore, #tpu.memory_space<semaphore_mem>>) {add = true}
    %dma_start3A_450 = arith.constant 6 : i32
    %dma_start3A_451 = arith.constant 0 : i32
    %dma_start3A_452 = tpu.memref_slice %arg5[%dma_start3A_450, %dma_start3A_451] : memref<8x128xi32, #tpu.memory_space<vmem>> -> memref<1x128xi32, #tpu.memory_space<vmem>>
    %dma_start3A_453 = tpu.memref_squeeze %dma_start3A_452 : memref<1x128xi32, #tpu.memory_space<vmem>> -> memref<128xi32, #tpu.memory_space<vmem>>
    %dma_start3A_454 = arith.constant 0 : i32
    %dma_start3A_455 = tpu.memref_slice %arg22[%dma_start3A_454] : memref<100000xf32, #tpu.memory_space<vmem_shared>> -> memref<100000xf32, #tpu.memory_space<vmem_shared>>
    tpu.enqueue_indirect_dma source(%arg12 : memref<128xf32, #tpu.memory_space<vmem>>) target(%dma_start3A_455 : memref<100000xf32, #tpu.memory_space<vmem_shared>>) offsets(%dma_start3A_453 : memref<128xi32, #tpu.memory_space<vmem>>) semaphore(%arg20 : memref<!tpu.dma_semaphore, #tpu.memory_space<semaphore_mem>>) {add = true}
    %dma_start3A_456 = arith.constant 7 : i32
    %dma_start3A_457 = arith.constant 0 : i32
    %dma_start3A_458 = tpu.memref_slice %arg5[%dma_start3A_456, %dma_start3A_457] : memref<8x128xi32, #tpu.memory_space<vmem>> -> memref<1x128xi32, #tpu.memory_space<vmem>>
    %dma_start3A_459 = tpu.memref_squeeze %dma_start3A_458 : memref<1x128xi32, #tpu.memory_space<vmem>> -> memref<128xi32, #tpu.memory_space<vmem>>
    %dma_start3A_460 = arith.constant 0 : i32
    %dma_start3A_461 = tpu.memref_slice %arg22[%dma_start3A_460] : memref<100000xf32, #tpu.memory_space<vmem_shared>> -> memref<100000xf32, #tpu.memory_space<vmem_shared>>
    tpu.enqueue_indirect_dma source(%arg12 : memref<128xf32, #tpu.memory_space<vmem>>) target(%dma_start3A_461 : memref<100000xf32, #tpu.memory_space<vmem_shared>>) offsets(%dma_start3A_459 : memref<128xi32, #tpu.memory_space<vmem>>) semaphore(%arg20 : memref<!tpu.dma_semaphore, #tpu.memory_space<semaphore_mem>>) {add = true}
    %dma_wait3A_462 = arith.constant 0 : i32
    %dma_wait3A_463 = arith.constant 0 : i32
    %dma_wait3A_464 = arith.constant 0 : i32
    %dma_wait3A_465 = tpu.memref_slice %arg6[%dma_wait3A_463, %dma_wait3A_464] : memref<256x16xf32, #tpu.memory_space<vmem>> -> memref<128x16xf32, #tpu.memory_space<vmem>>
    %dma_wait3A_466 = arith.constant 0 : i32
    %dma_wait3A_467 = tpu.memref_slice %arg5[%dma_wait3A_462, %dma_wait3A_466] : memref<8x128xi32, #tpu.memory_space<vmem>> -> memref<1x128xi32, #tpu.memory_space<vmem>>
    %dma_wait3A_468 = tpu.memref_squeeze %dma_wait3A_467 : memref<1x128xi32, #tpu.memory_space<vmem>> -> memref<128xi32, #tpu.memory_space<vmem>>
    %dma_wait3A_469 = arith.constant 0 : i32
    %dma_wait3A_470 = arith.constant 0 : i32
    %dma_wait3A_471 = tpu.memref_slice %arg21[%dma_wait3A_469, %dma_wait3A_470] : memref<100000x16xf32, #tpu.memory_space<vmem_shared>> -> memref<100000x16xf32, #tpu.memory_space<vmem_shared>>
    tpu.wait_indirect_dma semaphore(%arg19 : memref<!tpu.dma_semaphore, #tpu.memory_space<semaphore_mem>>) src(%dma_wait3A_465 : memref<128x16xf32, #tpu.memory_space<vmem>>) dst(%dma_wait3A_471 : memref<100000x16xf32, #tpu.memory_space<vmem_shared>>)
    %dma_wait3A_472 = arith.constant 1 : i32
    %dma_wait3A_473 = arith.constant 128 : i32
    %dma_wait3A_474 = arith.constant 0 : i32
    %dma_wait3A_475 = tpu.memref_slice %arg6[%dma_wait3A_473, %dma_wait3A_474] : memref<256x16xf32, #tpu.memory_space<vmem>> -> memref<128x16xf32, #tpu.memory_space<vmem>>
    %dma_wait3A_476 = arith.constant 0 : i32
    %dma_wait3A_477 = tpu.memref_slice %arg5[%dma_wait3A_472, %dma_wait3A_476] : memref<8x128xi32, #tpu.memory_space<vmem>> -> memref<1x128xi32, #tpu.memory_space<vmem>>
    %dma_wait3A_478 = tpu.memref_squeeze %dma_wait3A_477 : memref<1x128xi32, #tpu.memory_space<vmem>> -> memref<128xi32, #tpu.memory_space<vmem>>
    %dma_wait3A_479 = arith.constant 0 : i32
    %dma_wait3A_480 = arith.constant 0 : i32
    %dma_wait3A_481 = tpu.memref_slice %arg21[%dma_wait3A_479, %dma_wait3A_480] : memref<100000x16xf32, #tpu.memory_space<vmem_shared>> -> memref<100000x16xf32, #tpu.memory_space<vmem_shared>>
    tpu.wait_indirect_dma semaphore(%arg19 : memref<!tpu.dma_semaphore, #tpu.memory_space<semaphore_mem>>) src(%dma_wait3A_475 : memref<128x16xf32, #tpu.memory_space<vmem>>) dst(%dma_wait3A_481 : memref<100000x16xf32, #tpu.memory_space<vmem_shared>>)
    %dma_wait3A_482 = arith.constant 2 : i32
    %dma_wait3A_483 = arith.constant 0 : i32
    %dma_wait3A_484 = arith.constant 0 : i32
    %dma_wait3A_485 = tpu.memref_slice %arg7[%dma_wait3A_483, %dma_wait3A_484] : memref<256x16xf32, #tpu.memory_space<vmem>> -> memref<128x16xf32, #tpu.memory_space<vmem>>
    %dma_wait3A_486 = arith.constant 0 : i32
    %dma_wait3A_487 = tpu.memref_slice %arg5[%dma_wait3A_482, %dma_wait3A_486] : memref<8x128xi32, #tpu.memory_space<vmem>> -> memref<1x128xi32, #tpu.memory_space<vmem>>
    %dma_wait3A_488 = tpu.memref_squeeze %dma_wait3A_487 : memref<1x128xi32, #tpu.memory_space<vmem>> -> memref<128xi32, #tpu.memory_space<vmem>>
    %dma_wait3A_489 = arith.constant 0 : i32
    %dma_wait3A_490 = arith.constant 0 : i32
    %dma_wait3A_491 = tpu.memref_slice %arg21[%dma_wait3A_489, %dma_wait3A_490] : memref<100000x16xf32, #tpu.memory_space<vmem_shared>> -> memref<100000x16xf32, #tpu.memory_space<vmem_shared>>
    tpu.wait_indirect_dma semaphore(%arg19 : memref<!tpu.dma_semaphore, #tpu.memory_space<semaphore_mem>>) src(%dma_wait3A_485 : memref<128x16xf32, #tpu.memory_space<vmem>>) dst(%dma_wait3A_491 : memref<100000x16xf32, #tpu.memory_space<vmem_shared>>)
    %dma_wait3A_492 = arith.constant 3 : i32
    %dma_wait3A_493 = arith.constant 128 : i32
    %dma_wait3A_494 = arith.constant 0 : i32
    %dma_wait3A_495 = tpu.memref_slice %arg7[%dma_wait3A_493, %dma_wait3A_494] : memref<256x16xf32, #tpu.memory_space<vmem>> -> memref<128x16xf32, #tpu.memory_space<vmem>>
    %dma_wait3A_496 = arith.constant 0 : i32
    %dma_wait3A_497 = tpu.memref_slice %arg5[%dma_wait3A_492, %dma_wait3A_496] : memref<8x128xi32, #tpu.memory_space<vmem>> -> memref<1x128xi32, #tpu.memory_space<vmem>>
    %dma_wait3A_498 = tpu.memref_squeeze %dma_wait3A_497 : memref<1x128xi32, #tpu.memory_space<vmem>> -> memref<128xi32, #tpu.memory_space<vmem>>
    %dma_wait3A_499 = arith.constant 0 : i32
    %dma_wait3A_500 = arith.constant 0 : i32
    %dma_wait3A_501 = tpu.memref_slice %arg21[%dma_wait3A_499, %dma_wait3A_500] : memref<100000x16xf32, #tpu.memory_space<vmem_shared>> -> memref<100000x16xf32, #tpu.memory_space<vmem_shared>>
    tpu.wait_indirect_dma semaphore(%arg19 : memref<!tpu.dma_semaphore, #tpu.memory_space<semaphore_mem>>) src(%dma_wait3A_495 : memref<128x16xf32, #tpu.memory_space<vmem>>) dst(%dma_wait3A_501 : memref<100000x16xf32, #tpu.memory_space<vmem_shared>>)
    %dma_wait3A_502 = arith.constant 4 : i32
    %dma_wait3A_503 = arith.constant 0 : i32
    %dma_wait3A_504 = arith.constant 0 : i32
    %dma_wait3A_505 = tpu.memref_slice %arg8[%dma_wait3A_503, %dma_wait3A_504] : memref<256x16xf32, #tpu.memory_space<vmem>> -> memref<128x16xf32, #tpu.memory_space<vmem>>
    %dma_wait3A_506 = arith.constant 0 : i32
    %dma_wait3A_507 = tpu.memref_slice %arg5[%dma_wait3A_502, %dma_wait3A_506] : memref<8x128xi32, #tpu.memory_space<vmem>> -> memref<1x128xi32, #tpu.memory_space<vmem>>
    %dma_wait3A_508 = tpu.memref_squeeze %dma_wait3A_507 : memref<1x128xi32, #tpu.memory_space<vmem>> -> memref<128xi32, #tpu.memory_space<vmem>>
    %dma_wait3A_509 = arith.constant 0 : i32
    %dma_wait3A_510 = arith.constant 0 : i32
    %dma_wait3A_511 = tpu.memref_slice %arg21[%dma_wait3A_509, %dma_wait3A_510] : memref<100000x16xf32, #tpu.memory_space<vmem_shared>> -> memref<100000x16xf32, #tpu.memory_space<vmem_shared>>
    tpu.wait_indirect_dma semaphore(%arg19 : memref<!tpu.dma_semaphore, #tpu.memory_space<semaphore_mem>>) src(%dma_wait3A_505 : memref<128x16xf32, #tpu.memory_space<vmem>>) dst(%dma_wait3A_511 : memref<100000x16xf32, #tpu.memory_space<vmem_shared>>)
    %dma_wait3A_512 = arith.constant 5 : i32
    %dma_wait3A_513 = arith.constant 128 : i32
    %dma_wait3A_514 = arith.constant 0 : i32
    %dma_wait3A_515 = tpu.memref_slice %arg8[%dma_wait3A_513, %dma_wait3A_514] : memref<256x16xf32, #tpu.memory_space<vmem>> -> memref<128x16xf32, #tpu.memory_space<vmem>>
    %dma_wait3A_516 = arith.constant 0 : i32
    %dma_wait3A_517 = tpu.memref_slice %arg5[%dma_wait3A_512, %dma_wait3A_516] : memref<8x128xi32, #tpu.memory_space<vmem>> -> memref<1x128xi32, #tpu.memory_space<vmem>>
    %dma_wait3A_518 = tpu.memref_squeeze %dma_wait3A_517 : memref<1x128xi32, #tpu.memory_space<vmem>> -> memref<128xi32, #tpu.memory_space<vmem>>
    %dma_wait3A_519 = arith.constant 0 : i32
    %dma_wait3A_520 = arith.constant 0 : i32
    %dma_wait3A_521 = tpu.memref_slice %arg21[%dma_wait3A_519, %dma_wait3A_520] : memref<100000x16xf32, #tpu.memory_space<vmem_shared>> -> memref<100000x16xf32, #tpu.memory_space<vmem_shared>>
    tpu.wait_indirect_dma semaphore(%arg19 : memref<!tpu.dma_semaphore, #tpu.memory_space<semaphore_mem>>) src(%dma_wait3A_515 : memref<128x16xf32, #tpu.memory_space<vmem>>) dst(%dma_wait3A_521 : memref<100000x16xf32, #tpu.memory_space<vmem_shared>>)
    %dma_wait3A_522 = arith.constant 6 : i32
    %dma_wait3A_523 = arith.constant 0 : i32
    %dma_wait3A_524 = arith.constant 0 : i32
    %dma_wait3A_525 = tpu.memref_slice %arg9[%dma_wait3A_523, %dma_wait3A_524] : memref<256x16xf32, #tpu.memory_space<vmem>> -> memref<128x16xf32, #tpu.memory_space<vmem>>
    %dma_wait3A_526 = arith.constant 0 : i32
    %dma_wait3A_527 = tpu.memref_slice %arg5[%dma_wait3A_522, %dma_wait3A_526] : memref<8x128xi32, #tpu.memory_space<vmem>> -> memref<1x128xi32, #tpu.memory_space<vmem>>
    %dma_wait3A_528 = tpu.memref_squeeze %dma_wait3A_527 : memref<1x128xi32, #tpu.memory_space<vmem>> -> memref<128xi32, #tpu.memory_space<vmem>>
    %dma_wait3A_529 = arith.constant 0 : i32
    %dma_wait3A_530 = arith.constant 0 : i32
    %dma_wait3A_531 = tpu.memref_slice %arg21[%dma_wait3A_529, %dma_wait3A_530] : memref<100000x16xf32, #tpu.memory_space<vmem_shared>> -> memref<100000x16xf32, #tpu.memory_space<vmem_shared>>
    tpu.wait_indirect_dma semaphore(%arg19 : memref<!tpu.dma_semaphore, #tpu.memory_space<semaphore_mem>>) src(%dma_wait3A_525 : memref<128x16xf32, #tpu.memory_space<vmem>>) dst(%dma_wait3A_531 : memref<100000x16xf32, #tpu.memory_space<vmem_shared>>)
    %dma_wait3A_532 = arith.constant 7 : i32
    %dma_wait3A_533 = arith.constant 128 : i32
    %dma_wait3A_534 = arith.constant 0 : i32
    %dma_wait3A_535 = tpu.memref_slice %arg9[%dma_wait3A_533, %dma_wait3A_534] : memref<256x16xf32, #tpu.memory_space<vmem>> -> memref<128x16xf32, #tpu.memory_space<vmem>>
    %dma_wait3A_536 = arith.constant 0 : i32
    %dma_wait3A_537 = tpu.memref_slice %arg5[%dma_wait3A_532, %dma_wait3A_536] : memref<8x128xi32, #tpu.memory_space<vmem>> -> memref<1x128xi32, #tpu.memory_space<vmem>>
    %dma_wait3A_538 = tpu.memref_squeeze %dma_wait3A_537 : memref<1x128xi32, #tpu.memory_space<vmem>> -> memref<128xi32, #tpu.memory_space<vmem>>
    %dma_wait3A_539 = arith.constant 0 : i32
    %dma_wait3A_540 = arith.constant 0 : i32
    %dma_wait3A_541 = tpu.memref_slice %arg21[%dma_wait3A_539, %dma_wait3A_540] : memref<100000x16xf32, #tpu.memory_space<vmem_shared>> -> memref<100000x16xf32, #tpu.memory_space<vmem_shared>>
    tpu.wait_indirect_dma semaphore(%arg19 : memref<!tpu.dma_semaphore, #tpu.memory_space<semaphore_mem>>) src(%dma_wait3A_535 : memref<128x16xf32, #tpu.memory_space<vmem>>) dst(%dma_wait3A_541 : memref<100000x16xf32, #tpu.memory_space<vmem_shared>>)
    %dma_wait3A_542 = arith.constant 0 : i32
    %dma_wait3A_543 = arith.constant 0 : i32
    %dma_wait3A_544 = tpu.memref_slice %arg5[%dma_wait3A_542, %dma_wait3A_543] : memref<8x128xi32, #tpu.memory_space<vmem>> -> memref<1x128xi32, #tpu.memory_space<vmem>>
    %dma_wait3A_545 = tpu.memref_squeeze %dma_wait3A_544 : memref<1x128xi32, #tpu.memory_space<vmem>> -> memref<128xi32, #tpu.memory_space<vmem>>
    %dma_wait3A_546 = arith.constant 0 : i32
    %dma_wait3A_547 = tpu.memref_slice %arg22[%dma_wait3A_546] : memref<100000xf32, #tpu.memory_space<vmem_shared>> -> memref<100000xf32, #tpu.memory_space<vmem_shared>>
    tpu.wait_indirect_dma semaphore(%arg20 : memref<!tpu.dma_semaphore, #tpu.memory_space<semaphore_mem>>) src(%arg12 : memref<128xf32, #tpu.memory_space<vmem>>) dst(%dma_wait3A_547 : memref<100000xf32, #tpu.memory_space<vmem_shared>>)
    %dma_wait3A_548 = arith.constant 1 : i32
    %dma_wait3A_549 = arith.constant 0 : i32
    %dma_wait3A_550 = tpu.memref_slice %arg5[%dma_wait3A_548, %dma_wait3A_549] : memref<8x128xi32, #tpu.memory_space<vmem>> -> memref<1x128xi32, #tpu.memory_space<vmem>>
    %dma_wait3A_551 = tpu.memref_squeeze %dma_wait3A_550 : memref<1x128xi32, #tpu.memory_space<vmem>> -> memref<128xi32, #tpu.memory_space<vmem>>
    %dma_wait3A_552 = arith.constant 0 : i32
    %dma_wait3A_553 = tpu.memref_slice %arg22[%dma_wait3A_552] : memref<100000xf32, #tpu.memory_space<vmem_shared>> -> memref<100000xf32, #tpu.memory_space<vmem_shared>>
    tpu.wait_indirect_dma semaphore(%arg20 : memref<!tpu.dma_semaphore, #tpu.memory_space<semaphore_mem>>) src(%arg12 : memref<128xf32, #tpu.memory_space<vmem>>) dst(%dma_wait3A_553 : memref<100000xf32, #tpu.memory_space<vmem_shared>>)
    %dma_wait3A_554 = arith.constant 2 : i32
    %dma_wait3A_555 = arith.constant 0 : i32
    %dma_wait3A_556 = tpu.memref_slice %arg5[%dma_wait3A_554, %dma_wait3A_555] : memref<8x128xi32, #tpu.memory_space<vmem>> -> memref<1x128xi32, #tpu.memory_space<vmem>>
    %dma_wait3A_557 = tpu.memref_squeeze %dma_wait3A_556 : memref<1x128xi32, #tpu.memory_space<vmem>> -> memref<128xi32, #tpu.memory_space<vmem>>
    %dma_wait3A_558 = arith.constant 0 : i32
    %dma_wait3A_559 = tpu.memref_slice %arg22[%dma_wait3A_558] : memref<100000xf32, #tpu.memory_space<vmem_shared>> -> memref<100000xf32, #tpu.memory_space<vmem_shared>>
    tpu.wait_indirect_dma semaphore(%arg20 : memref<!tpu.dma_semaphore, #tpu.memory_space<semaphore_mem>>) src(%arg12 : memref<128xf32, #tpu.memory_space<vmem>>) dst(%dma_wait3A_559 : memref<100000xf32, #tpu.memory_space<vmem_shared>>)
    %dma_wait3A_560 = arith.constant 3 : i32
    %dma_wait3A_561 = arith.constant 0 : i32
    %dma_wait3A_562 = tpu.memref_slice %arg5[%dma_wait3A_560, %dma_wait3A_561] : memref<8x128xi32, #tpu.memory_space<vmem>> -> memref<1x128xi32, #tpu.memory_space<vmem>>
    %dma_wait3A_563 = tpu.memref_squeeze %dma_wait3A_562 : memref<1x128xi32, #tpu.memory_space<vmem>> -> memref<128xi32, #tpu.memory_space<vmem>>
    %dma_wait3A_564 = arith.constant 0 : i32
    %dma_wait3A_565 = tpu.memref_slice %arg22[%dma_wait3A_564] : memref<100000xf32, #tpu.memory_space<vmem_shared>> -> memref<100000xf32, #tpu.memory_space<vmem_shared>>
    tpu.wait_indirect_dma semaphore(%arg20 : memref<!tpu.dma_semaphore, #tpu.memory_space<semaphore_mem>>) src(%arg12 : memref<128xf32, #tpu.memory_space<vmem>>) dst(%dma_wait3A_565 : memref<100000xf32, #tpu.memory_space<vmem_shared>>)
    %dma_wait3A_566 = arith.constant 4 : i32
    %dma_wait3A_567 = arith.constant 0 : i32
    %dma_wait3A_568 = tpu.memref_slice %arg5[%dma_wait3A_566, %dma_wait3A_567] : memref<8x128xi32, #tpu.memory_space<vmem>> -> memref<1x128xi32, #tpu.memory_space<vmem>>
    %dma_wait3A_569 = tpu.memref_squeeze %dma_wait3A_568 : memref<1x128xi32, #tpu.memory_space<vmem>> -> memref<128xi32, #tpu.memory_space<vmem>>
    %dma_wait3A_570 = arith.constant 0 : i32
    %dma_wait3A_571 = tpu.memref_slice %arg22[%dma_wait3A_570] : memref<100000xf32, #tpu.memory_space<vmem_shared>> -> memref<100000xf32, #tpu.memory_space<vmem_shared>>
    tpu.wait_indirect_dma semaphore(%arg20 : memref<!tpu.dma_semaphore, #tpu.memory_space<semaphore_mem>>) src(%arg12 : memref<128xf32, #tpu.memory_space<vmem>>) dst(%dma_wait3A_571 : memref<100000xf32, #tpu.memory_space<vmem_shared>>)
    %dma_wait3A_572 = arith.constant 5 : i32
    %dma_wait3A_573 = arith.constant 0 : i32
    %dma_wait3A_574 = tpu.memref_slice %arg5[%dma_wait3A_572, %dma_wait3A_573] : memref<8x128xi32, #tpu.memory_space<vmem>> -> memref<1x128xi32, #tpu.memory_space<vmem>>
    %dma_wait3A_575 = tpu.memref_squeeze %dma_wait3A_574 : memref<1x128xi32, #tpu.memory_space<vmem>> -> memref<128xi32, #tpu.memory_space<vmem>>
    %dma_wait3A_576 = arith.constant 0 : i32
    %dma_wait3A_577 = tpu.memref_slice %arg22[%dma_wait3A_576] : memref<100000xf32, #tpu.memory_space<vmem_shared>> -> memref<100000xf32, #tpu.memory_space<vmem_shared>>
    tpu.wait_indirect_dma semaphore(%arg20 : memref<!tpu.dma_semaphore, #tpu.memory_space<semaphore_mem>>) src(%arg12 : memref<128xf32, #tpu.memory_space<vmem>>) dst(%dma_wait3A_577 : memref<100000xf32, #tpu.memory_space<vmem_shared>>)
    %dma_wait3A_578 = arith.constant 6 : i32
    %dma_wait3A_579 = arith.constant 0 : i32
    %dma_wait3A_580 = tpu.memref_slice %arg5[%dma_wait3A_578, %dma_wait3A_579] : memref<8x128xi32, #tpu.memory_space<vmem>> -> memref<1x128xi32, #tpu.memory_space<vmem>>
    %dma_wait3A_581 = tpu.memref_squeeze %dma_wait3A_580 : memref<1x128xi32, #tpu.memory_space<vmem>> -> memref<128xi32, #tpu.memory_space<vmem>>
    %dma_wait3A_582 = arith.constant 0 : i32
    %dma_wait3A_583 = tpu.memref_slice %arg22[%dma_wait3A_582] : memref<100000xf32, #tpu.memory_space<vmem_shared>> -> memref<100000xf32, #tpu.memory_space<vmem_shared>>
    tpu.wait_indirect_dma semaphore(%arg20 : memref<!tpu.dma_semaphore, #tpu.memory_space<semaphore_mem>>) src(%arg12 : memref<128xf32, #tpu.memory_space<vmem>>) dst(%dma_wait3A_583 : memref<100000xf32, #tpu.memory_space<vmem_shared>>)
    %dma_wait3A_584 = arith.constant 7 : i32
    %dma_wait3A_585 = arith.constant 0 : i32
    %dma_wait3A_586 = tpu.memref_slice %arg5[%dma_wait3A_584, %dma_wait3A_585] : memref<8x128xi32, #tpu.memory_space<vmem>> -> memref<1x128xi32, #tpu.memory_space<vmem>>
    %dma_wait3A_587 = tpu.memref_squeeze %dma_wait3A_586 : memref<1x128xi32, #tpu.memory_space<vmem>> -> memref<128xi32, #tpu.memory_space<vmem>>
    %dma_wait3A_588 = arith.constant 0 : i32
    %dma_wait3A_589 = tpu.memref_slice %arg22[%dma_wait3A_588] : memref<100000xf32, #tpu.memory_space<vmem_shared>> -> memref<100000xf32, #tpu.memory_space<vmem_shared>>
    tpu.wait_indirect_dma semaphore(%arg20 : memref<!tpu.dma_semaphore, #tpu.memory_space<semaphore_mem>>) src(%arg12 : memref<128xf32, #tpu.memory_space<vmem>>) dst(%dma_wait3A_589 : memref<100000xf32, #tpu.memory_space<vmem_shared>>)
    %barrier3A_590 = arith.constant 0 : index
    tpu.barrier barrier_id(%barrier3A_590)
    %dma_start3A_591 = arith.constant 0 : i32
    %dma_start3A_592 = arith.constant 0 : i32
    %dma_start3A_593 = tpu.memref_slice %arg13[%dma_start3A_592] : memref<1040xf32, #tpu.memory_space<vmem>> -> memref<128xf32, #tpu.memory_space<vmem>>
    %dma_start3A_594 = arith.constant 0 : i32
    %dma_start3A_595 = tpu.memref_slice %arg5[%dma_start3A_591, %dma_start3A_594] : memref<8x128xi32, #tpu.memory_space<vmem>> -> memref<1x128xi32, #tpu.memory_space<vmem>>
    %dma_start3A_596 = tpu.memref_squeeze %dma_start3A_595 : memref<1x128xi32, #tpu.memory_space<vmem>> -> memref<128xi32, #tpu.memory_space<vmem>>
    %dma_start3A_597 = arith.constant 0 : i32
    %dma_start3A_598 = tpu.memref_slice %arg22[%dma_start3A_597] : memref<100000xf32, #tpu.memory_space<vmem_shared>> -> memref<100000xf32, #tpu.memory_space<vmem_shared>>
    tpu.enqueue_indirect_dma source(%dma_start3A_598 : memref<100000xf32, #tpu.memory_space<vmem_shared>>) target(%dma_start3A_593 : memref<128xf32, #tpu.memory_space<vmem>>) offsets(%dma_start3A_596 : memref<128xi32, #tpu.memory_space<vmem>>) semaphore(%arg20 : memref<!tpu.dma_semaphore, #tpu.memory_space<semaphore_mem>>)
    %dma_start3A_599 = arith.constant 1 : i32
    %dma_start3A_600 = arith.constant 128 : i32
    %dma_start3A_601 = tpu.memref_slice %arg13[%dma_start3A_600] : memref<1040xf32, #tpu.memory_space<vmem>> -> memref<128xf32, #tpu.memory_space<vmem>>
    %dma_start3A_602 = arith.constant 0 : i32
    %dma_start3A_603 = tpu.memref_slice %arg5[%dma_start3A_599, %dma_start3A_602] : memref<8x128xi32, #tpu.memory_space<vmem>> -> memref<1x128xi32, #tpu.memory_space<vmem>>
    %dma_start3A_604 = tpu.memref_squeeze %dma_start3A_603 : memref<1x128xi32, #tpu.memory_space<vmem>> -> memref<128xi32, #tpu.memory_space<vmem>>
    %dma_start3A_605 = arith.constant 0 : i32
    %dma_start3A_606 = tpu.memref_slice %arg22[%dma_start3A_605] : memref<100000xf32, #tpu.memory_space<vmem_shared>> -> memref<100000xf32, #tpu.memory_space<vmem_shared>>
    tpu.enqueue_indirect_dma source(%dma_start3A_606 : memref<100000xf32, #tpu.memory_space<vmem_shared>>) target(%dma_start3A_601 : memref<128xf32, #tpu.memory_space<vmem>>) offsets(%dma_start3A_604 : memref<128xi32, #tpu.memory_space<vmem>>) semaphore(%arg20 : memref<!tpu.dma_semaphore, #tpu.memory_space<semaphore_mem>>)
    %dma_start3A_607 = arith.constant 2 : i32
    %dma_start3A_608 = arith.constant 256 : i32
    %dma_start3A_609 = tpu.memref_slice %arg13[%dma_start3A_608] : memref<1040xf32, #tpu.memory_space<vmem>> -> memref<128xf32, #tpu.memory_space<vmem>>
    %dma_start3A_610 = arith.constant 0 : i32
    %dma_start3A_611 = tpu.memref_slice %arg5[%dma_start3A_607, %dma_start3A_610] : memref<8x128xi32, #tpu.memory_space<vmem>> -> memref<1x128xi32, #tpu.memory_space<vmem>>
    %dma_start3A_612 = tpu.memref_squeeze %dma_start3A_611 : memref<1x128xi32, #tpu.memory_space<vmem>> -> memref<128xi32, #tpu.memory_space<vmem>>
    %dma_start3A_613 = arith.constant 0 : i32
    %dma_start3A_614 = tpu.memref_slice %arg22[%dma_start3A_613] : memref<100000xf32, #tpu.memory_space<vmem_shared>> -> memref<100000xf32, #tpu.memory_space<vmem_shared>>
    tpu.enqueue_indirect_dma source(%dma_start3A_614 : memref<100000xf32, #tpu.memory_space<vmem_shared>>) target(%dma_start3A_609 : memref<128xf32, #tpu.memory_space<vmem>>) offsets(%dma_start3A_612 : memref<128xi32, #tpu.memory_space<vmem>>) semaphore(%arg20 : memref<!tpu.dma_semaphore, #tpu.memory_space<semaphore_mem>>)
    %dma_start3A_615 = arith.constant 3 : i32
    %dma_start3A_616 = arith.constant 384 : i32
    %dma_start3A_617 = tpu.memref_slice %arg13[%dma_start3A_616] : memref<1040xf32, #tpu.memory_space<vmem>> -> memref<128xf32, #tpu.memory_space<vmem>>
    %dma_start3A_618 = arith.constant 0 : i32
    %dma_start3A_619 = tpu.memref_slice %arg5[%dma_start3A_615, %dma_start3A_618] : memref<8x128xi32, #tpu.memory_space<vmem>> -> memref<1x128xi32, #tpu.memory_space<vmem>>
    %dma_start3A_620 = tpu.memref_squeeze %dma_start3A_619 : memref<1x128xi32, #tpu.memory_space<vmem>> -> memref<128xi32, #tpu.memory_space<vmem>>
    %dma_start3A_621 = arith.constant 0 : i32
    %dma_start3A_622 = tpu.memref_slice %arg22[%dma_start3A_621] : memref<100000xf32, #tpu.memory_space<vmem_shared>> -> memref<100000xf32, #tpu.memory_space<vmem_shared>>
    tpu.enqueue_indirect_dma source(%dma_start3A_622 : memref<100000xf32, #tpu.memory_space<vmem_shared>>) target(%dma_start3A_617 : memref<128xf32, #tpu.memory_space<vmem>>) offsets(%dma_start3A_620 : memref<128xi32, #tpu.memory_space<vmem>>) semaphore(%arg20 : memref<!tpu.dma_semaphore, #tpu.memory_space<semaphore_mem>>)
    %dma_start3A_623 = arith.constant 4 : i32
    %dma_start3A_624 = arith.constant 512 : i32
    %dma_start3A_625 = tpu.memref_slice %arg13[%dma_start3A_624] : memref<1040xf32, #tpu.memory_space<vmem>> -> memref<128xf32, #tpu.memory_space<vmem>>
    %dma_start3A_626 = arith.constant 0 : i32
    %dma_start3A_627 = tpu.memref_slice %arg5[%dma_start3A_623, %dma_start3A_626] : memref<8x128xi32, #tpu.memory_space<vmem>> -> memref<1x128xi32, #tpu.memory_space<vmem>>
    %dma_start3A_628 = tpu.memref_squeeze %dma_start3A_627 : memref<1x128xi32, #tpu.memory_space<vmem>> -> memref<128xi32, #tpu.memory_space<vmem>>
    %dma_start3A_629 = arith.constant 0 : i32
    %dma_start3A_630 = tpu.memref_slice %arg22[%dma_start3A_629] : memref<100000xf32, #tpu.memory_space<vmem_shared>> -> memref<100000xf32, #tpu.memory_space<vmem_shared>>
    tpu.enqueue_indirect_dma source(%dma_start3A_630 : memref<100000xf32, #tpu.memory_space<vmem_shared>>) target(%dma_start3A_625 : memref<128xf32, #tpu.memory_space<vmem>>) offsets(%dma_start3A_628 : memref<128xi32, #tpu.memory_space<vmem>>) semaphore(%arg20 : memref<!tpu.dma_semaphore, #tpu.memory_space<semaphore_mem>>)
    %dma_start3A_631 = arith.constant 5 : i32
    %dma_start3A_632 = arith.constant 640 : i32
    %dma_start3A_633 = tpu.memref_slice %arg13[%dma_start3A_632] : memref<1040xf32, #tpu.memory_space<vmem>> -> memref<128xf32, #tpu.memory_space<vmem>>
    %dma_start3A_634 = arith.constant 0 : i32
    %dma_start3A_635 = tpu.memref_slice %arg5[%dma_start3A_631, %dma_start3A_634] : memref<8x128xi32, #tpu.memory_space<vmem>> -> memref<1x128xi32, #tpu.memory_space<vmem>>
    %dma_start3A_636 = tpu.memref_squeeze %dma_start3A_635 : memref<1x128xi32, #tpu.memory_space<vmem>> -> memref<128xi32, #tpu.memory_space<vmem>>
    %dma_start3A_637 = arith.constant 0 : i32
    %dma_start3A_638 = tpu.memref_slice %arg22[%dma_start3A_637] : memref<100000xf32, #tpu.memory_space<vmem_shared>> -> memref<100000xf32, #tpu.memory_space<vmem_shared>>
    tpu.enqueue_indirect_dma source(%dma_start3A_638 : memref<100000xf32, #tpu.memory_space<vmem_shared>>) target(%dma_start3A_633 : memref<128xf32, #tpu.memory_space<vmem>>) offsets(%dma_start3A_636 : memref<128xi32, #tpu.memory_space<vmem>>) semaphore(%arg20 : memref<!tpu.dma_semaphore, #tpu.memory_space<semaphore_mem>>)
    %dma_start3A_639 = arith.constant 6 : i32
    %dma_start3A_640 = arith.constant 768 : i32
    %dma_start3A_641 = tpu.memref_slice %arg13[%dma_start3A_640] : memref<1040xf32, #tpu.memory_space<vmem>> -> memref<128xf32, #tpu.memory_space<vmem>>
    %dma_start3A_642 = arith.constant 0 : i32
    %dma_start3A_643 = tpu.memref_slice %arg5[%dma_start3A_639, %dma_start3A_642] : memref<8x128xi32, #tpu.memory_space<vmem>> -> memref<1x128xi32, #tpu.memory_space<vmem>>
    %dma_start3A_644 = tpu.memref_squeeze %dma_start3A_643 : memref<1x128xi32, #tpu.memory_space<vmem>> -> memref<128xi32, #tpu.memory_space<vmem>>
    %dma_start3A_645 = arith.constant 0 : i32
    %dma_start3A_646 = tpu.memref_slice %arg22[%dma_start3A_645] : memref<100000xf32, #tpu.memory_space<vmem_shared>> -> memref<100000xf32, #tpu.memory_space<vmem_shared>>
    tpu.enqueue_indirect_dma source(%dma_start3A_646 : memref<100000xf32, #tpu.memory_space<vmem_shared>>) target(%dma_start3A_641 : memref<128xf32, #tpu.memory_space<vmem>>) offsets(%dma_start3A_644 : memref<128xi32, #tpu.memory_space<vmem>>) semaphore(%arg20 : memref<!tpu.dma_semaphore, #tpu.memory_space<semaphore_mem>>)
    %dma_start3A_647 = arith.constant 7 : i32
    %dma_start3A_648 = arith.constant 896 : i32
    %dma_start3A_649 = tpu.memref_slice %arg13[%dma_start3A_648] : memref<1040xf32, #tpu.memory_space<vmem>> -> memref<128xf32, #tpu.memory_space<vmem>>
    %dma_start3A_650 = arith.constant 0 : i32
    %dma_start3A_651 = tpu.memref_slice %arg5[%dma_start3A_647, %dma_start3A_650] : memref<8x128xi32, #tpu.memory_space<vmem>> -> memref<1x128xi32, #tpu.memory_space<vmem>>
    %dma_start3A_652 = tpu.memref_squeeze %dma_start3A_651 : memref<1x128xi32, #tpu.memory_space<vmem>> -> memref<128xi32, #tpu.memory_space<vmem>>
    %dma_start3A_653 = arith.constant 0 : i32
    %dma_start3A_654 = tpu.memref_slice %arg22[%dma_start3A_653] : memref<100000xf32, #tpu.memory_space<vmem_shared>> -> memref<100000xf32, #tpu.memory_space<vmem_shared>>
    tpu.enqueue_indirect_dma source(%dma_start3A_654 : memref<100000xf32, #tpu.memory_space<vmem_shared>>) target(%dma_start3A_649 : memref<128xf32, #tpu.memory_space<vmem>>) offsets(%dma_start3A_652 : memref<128xi32, #tpu.memory_space<vmem>>) semaphore(%arg20 : memref<!tpu.dma_semaphore, #tpu.memory_space<semaphore_mem>>)
    %dma_start3A_655 = arith.constant 0 : i32
    %dma_start3A_656 = arith.constant 0 : i32
    %dma_start3A_657 = arith.constant 0 : i32
    %dma_start3A_658 = tpu.memref_slice %arg6[%dma_start3A_656, %dma_start3A_657] : memref<256x16xf32, #tpu.memory_space<vmem>> -> memref<128x16xf32, #tpu.memory_space<vmem>>
    %dma_start3A_659 = arith.constant 0 : i32
    %dma_start3A_660 = tpu.memref_slice %arg5[%dma_start3A_655, %dma_start3A_659] : memref<8x128xi32, #tpu.memory_space<vmem>> -> memref<1x128xi32, #tpu.memory_space<vmem>>
    %dma_start3A_661 = tpu.memref_squeeze %dma_start3A_660 : memref<1x128xi32, #tpu.memory_space<vmem>> -> memref<128xi32, #tpu.memory_space<vmem>>
    %dma_start3A_662 = arith.constant 0 : i32
    %dma_start3A_663 = arith.constant 0 : i32
    %dma_start3A_664 = tpu.memref_slice %arg21[%dma_start3A_662, %dma_start3A_663] : memref<100000x16xf32, #tpu.memory_space<vmem_shared>> -> memref<100000x16xf32, #tpu.memory_space<vmem_shared>>
    tpu.enqueue_indirect_dma source(%dma_start3A_664 : memref<100000x16xf32, #tpu.memory_space<vmem_shared>>) target(%dma_start3A_658 : memref<128x16xf32, #tpu.memory_space<vmem>>) offsets(%dma_start3A_661 : memref<128xi32, #tpu.memory_space<vmem>>) semaphore(%arg15 : memref<!tpu.dma_semaphore, #tpu.memory_space<semaphore_mem>>)
    %dma_start3A_665 = arith.constant 1 : i32
    %dma_start3A_666 = arith.constant 128 : i32
    %dma_start3A_667 = arith.constant 0 : i32
    %dma_start3A_668 = tpu.memref_slice %arg6[%dma_start3A_666, %dma_start3A_667] : memref<256x16xf32, #tpu.memory_space<vmem>> -> memref<128x16xf32, #tpu.memory_space<vmem>>
    %dma_start3A_669 = arith.constant 0 : i32
    %dma_start3A_670 = tpu.memref_slice %arg5[%dma_start3A_665, %dma_start3A_669] : memref<8x128xi32, #tpu.memory_space<vmem>> -> memref<1x128xi32, #tpu.memory_space<vmem>>
    %dma_start3A_671 = tpu.memref_squeeze %dma_start3A_670 : memref<1x128xi32, #tpu.memory_space<vmem>> -> memref<128xi32, #tpu.memory_space<vmem>>
    %dma_start3A_672 = arith.constant 0 : i32
    %dma_start3A_673 = arith.constant 0 : i32
    %dma_start3A_674 = tpu.memref_slice %arg21[%dma_start3A_672, %dma_start3A_673] : memref<100000x16xf32, #tpu.memory_space<vmem_shared>> -> memref<100000x16xf32, #tpu.memory_space<vmem_shared>>
    tpu.enqueue_indirect_dma source(%dma_start3A_674 : memref<100000x16xf32, #tpu.memory_space<vmem_shared>>) target(%dma_start3A_668 : memref<128x16xf32, #tpu.memory_space<vmem>>) offsets(%dma_start3A_671 : memref<128xi32, #tpu.memory_space<vmem>>) semaphore(%arg15 : memref<!tpu.dma_semaphore, #tpu.memory_space<semaphore_mem>>)
    %dma_start3A_675 = arith.constant 2 : i32
    %dma_start3A_676 = arith.constant 0 : i32
    %dma_start3A_677 = arith.constant 0 : i32
    %dma_start3A_678 = tpu.memref_slice %arg7[%dma_start3A_676, %dma_start3A_677] : memref<256x16xf32, #tpu.memory_space<vmem>> -> memref<128x16xf32, #tpu.memory_space<vmem>>
    %dma_start3A_679 = arith.constant 0 : i32
    %dma_start3A_680 = tpu.memref_slice %arg5[%dma_start3A_675, %dma_start3A_679] : memref<8x128xi32, #tpu.memory_space<vmem>> -> memref<1x128xi32, #tpu.memory_space<vmem>>
    %dma_start3A_681 = tpu.memref_squeeze %dma_start3A_680 : memref<1x128xi32, #tpu.memory_space<vmem>> -> memref<128xi32, #tpu.memory_space<vmem>>
    %dma_start3A_682 = arith.constant 0 : i32
    %dma_start3A_683 = arith.constant 0 : i32
    %dma_start3A_684 = tpu.memref_slice %arg21[%dma_start3A_682, %dma_start3A_683] : memref<100000x16xf32, #tpu.memory_space<vmem_shared>> -> memref<100000x16xf32, #tpu.memory_space<vmem_shared>>
    tpu.enqueue_indirect_dma source(%dma_start3A_684 : memref<100000x16xf32, #tpu.memory_space<vmem_shared>>) target(%dma_start3A_678 : memref<128x16xf32, #tpu.memory_space<vmem>>) offsets(%dma_start3A_681 : memref<128xi32, #tpu.memory_space<vmem>>) semaphore(%arg16 : memref<!tpu.dma_semaphore, #tpu.memory_space<semaphore_mem>>)
    %dma_start3A_685 = arith.constant 3 : i32
    %dma_start3A_686 = arith.constant 128 : i32
    %dma_start3A_687 = arith.constant 0 : i32
    %dma_start3A_688 = tpu.memref_slice %arg7[%dma_start3A_686, %dma_start3A_687] : memref<256x16xf32, #tpu.memory_space<vmem>> -> memref<128x16xf32, #tpu.memory_space<vmem>>
    %dma_start3A_689 = arith.constant 0 : i32
    %dma_start3A_690 = tpu.memref_slice %arg5[%dma_start3A_685, %dma_start3A_689] : memref<8x128xi32, #tpu.memory_space<vmem>> -> memref<1x128xi32, #tpu.memory_space<vmem>>
    %dma_start3A_691 = tpu.memref_squeeze %dma_start3A_690 : memref<1x128xi32, #tpu.memory_space<vmem>> -> memref<128xi32, #tpu.memory_space<vmem>>
    %dma_start3A_692 = arith.constant 0 : i32
    %dma_start3A_693 = arith.constant 0 : i32
    %dma_start3A_694 = tpu.memref_slice %arg21[%dma_start3A_692, %dma_start3A_693] : memref<100000x16xf32, #tpu.memory_space<vmem_shared>> -> memref<100000x16xf32, #tpu.memory_space<vmem_shared>>
    tpu.enqueue_indirect_dma source(%dma_start3A_694 : memref<100000x16xf32, #tpu.memory_space<vmem_shared>>) target(%dma_start3A_688 : memref<128x16xf32, #tpu.memory_space<vmem>>) offsets(%dma_start3A_691 : memref<128xi32, #tpu.memory_space<vmem>>) semaphore(%arg16 : memref<!tpu.dma_semaphore, #tpu.memory_space<semaphore_mem>>)
    %dma_start3A_695 = arith.constant 4 : i32
    %dma_start3A_696 = arith.constant 0 : i32
    %dma_start3A_697 = arith.constant 0 : i32
    %dma_start3A_698 = tpu.memref_slice %arg8[%dma_start3A_696, %dma_start3A_697] : memref<256x16xf32, #tpu.memory_space<vmem>> -> memref<128x16xf32, #tpu.memory_space<vmem>>
    %dma_start3A_699 = arith.constant 0 : i32
    %dma_start3A_700 = tpu.memref_slice %arg5[%dma_start3A_695, %dma_start3A_699] : memref<8x128xi32, #tpu.memory_space<vmem>> -> memref<1x128xi32, #tpu.memory_space<vmem>>
    %dma_start3A_701 = tpu.memref_squeeze %dma_start3A_700 : memref<1x128xi32, #tpu.memory_space<vmem>> -> memref<128xi32, #tpu.memory_space<vmem>>
    %dma_start3A_702 = arith.constant 0 : i32
    %dma_start3A_703 = arith.constant 0 : i32
    %dma_start3A_704 = tpu.memref_slice %arg21[%dma_start3A_702, %dma_start3A_703] : memref<100000x16xf32, #tpu.memory_space<vmem_shared>> -> memref<100000x16xf32, #tpu.memory_space<vmem_shared>>
    tpu.enqueue_indirect_dma source(%dma_start3A_704 : memref<100000x16xf32, #tpu.memory_space<vmem_shared>>) target(%dma_start3A_698 : memref<128x16xf32, #tpu.memory_space<vmem>>) offsets(%dma_start3A_701 : memref<128xi32, #tpu.memory_space<vmem>>) semaphore(%arg17 : memref<!tpu.dma_semaphore, #tpu.memory_space<semaphore_mem>>)
    %dma_start3A_705 = arith.constant 5 : i32
    %dma_start3A_706 = arith.constant 128 : i32
    %dma_start3A_707 = arith.constant 0 : i32
    %dma_start3A_708 = tpu.memref_slice %arg8[%dma_start3A_706, %dma_start3A_707] : memref<256x16xf32, #tpu.memory_space<vmem>> -> memref<128x16xf32, #tpu.memory_space<vmem>>
    %dma_start3A_709 = arith.constant 0 : i32
    %dma_start3A_710 = tpu.memref_slice %arg5[%dma_start3A_705, %dma_start3A_709] : memref<8x128xi32, #tpu.memory_space<vmem>> -> memref<1x128xi32, #tpu.memory_space<vmem>>
    %dma_start3A_711 = tpu.memref_squeeze %dma_start3A_710 : memref<1x128xi32, #tpu.memory_space<vmem>> -> memref<128xi32, #tpu.memory_space<vmem>>
    %dma_start3A_712 = arith.constant 0 : i32
    %dma_start3A_713 = arith.constant 0 : i32
    %dma_start3A_714 = tpu.memref_slice %arg21[%dma_start3A_712, %dma_start3A_713] : memref<100000x16xf32, #tpu.memory_space<vmem_shared>> -> memref<100000x16xf32, #tpu.memory_space<vmem_shared>>
    tpu.enqueue_indirect_dma source(%dma_start3A_714 : memref<100000x16xf32, #tpu.memory_space<vmem_shared>>) target(%dma_start3A_708 : memref<128x16xf32, #tpu.memory_space<vmem>>) offsets(%dma_start3A_711 : memref<128xi32, #tpu.memory_space<vmem>>) semaphore(%arg17 : memref<!tpu.dma_semaphore, #tpu.memory_space<semaphore_mem>>)
    %dma_start3A_715 = arith.constant 6 : i32
    %dma_start3A_716 = arith.constant 0 : i32
    %dma_start3A_717 = arith.constant 0 : i32
    %dma_start3A_718 = tpu.memref_slice %arg9[%dma_start3A_716, %dma_start3A_717] : memref<256x16xf32, #tpu.memory_space<vmem>> -> memref<128x16xf32, #tpu.memory_space<vmem>>
    %dma_start3A_719 = arith.constant 0 : i32
    %dma_start3A_720 = tpu.memref_slice %arg5[%dma_start3A_715, %dma_start3A_719] : memref<8x128xi32, #tpu.memory_space<vmem>> -> memref<1x128xi32, #tpu.memory_space<vmem>>
    %dma_start3A_721 = tpu.memref_squeeze %dma_start3A_720 : memref<1x128xi32, #tpu.memory_space<vmem>> -> memref<128xi32, #tpu.memory_space<vmem>>
    %dma_start3A_722 = arith.constant 0 : i32
    %dma_start3A_723 = arith.constant 0 : i32
    %dma_start3A_724 = tpu.memref_slice %arg21[%dma_start3A_722, %dma_start3A_723] : memref<100000x16xf32, #tpu.memory_space<vmem_shared>> -> memref<100000x16xf32, #tpu.memory_space<vmem_shared>>
    tpu.enqueue_indirect_dma source(%dma_start3A_724 : memref<100000x16xf32, #tpu.memory_space<vmem_shared>>) target(%dma_start3A_718 : memref<128x16xf32, #tpu.memory_space<vmem>>) offsets(%dma_start3A_721 : memref<128xi32, #tpu.memory_space<vmem>>) semaphore(%arg18 : memref<!tpu.dma_semaphore, #tpu.memory_space<semaphore_mem>>)
    %dma_start3A_725 = arith.constant 7 : i32
    %dma_start3A_726 = arith.constant 128 : i32
    %dma_start3A_727 = arith.constant 0 : i32
    %dma_start3A_728 = tpu.memref_slice %arg9[%dma_start3A_726, %dma_start3A_727] : memref<256x16xf32, #tpu.memory_space<vmem>> -> memref<128x16xf32, #tpu.memory_space<vmem>>
    %dma_start3A_729 = arith.constant 0 : i32
    %dma_start3A_730 = tpu.memref_slice %arg5[%dma_start3A_725, %dma_start3A_729] : memref<8x128xi32, #tpu.memory_space<vmem>> -> memref<1x128xi32, #tpu.memory_space<vmem>>
    %dma_start3A_731 = tpu.memref_squeeze %dma_start3A_730 : memref<1x128xi32, #tpu.memory_space<vmem>> -> memref<128xi32, #tpu.memory_space<vmem>>
    %dma_start3A_732 = arith.constant 0 : i32
    %dma_start3A_733 = arith.constant 0 : i32
    %dma_start3A_734 = tpu.memref_slice %arg21[%dma_start3A_732, %dma_start3A_733] : memref<100000x16xf32, #tpu.memory_space<vmem_shared>> -> memref<100000x16xf32, #tpu.memory_space<vmem_shared>>
    tpu.enqueue_indirect_dma source(%dma_start3A_734 : memref<100000x16xf32, #tpu.memory_space<vmem_shared>>) target(%dma_start3A_728 : memref<128x16xf32, #tpu.memory_space<vmem>>) offsets(%dma_start3A_731 : memref<128xi32, #tpu.memory_space<vmem>>) semaphore(%arg18 : memref<!tpu.dma_semaphore, #tpu.memory_space<semaphore_mem>>)
    %dma_wait3A_735 = arith.constant 0 : i32
    %dma_wait3A_736 = arith.constant 0 : i32
    %dma_wait3A_737 = tpu.memref_slice %arg13[%dma_wait3A_736] : memref<1040xf32, #tpu.memory_space<vmem>> -> memref<128xf32, #tpu.memory_space<vmem>>
    %dma_wait3A_738 = arith.constant 0 : i32
    %dma_wait3A_739 = tpu.memref_slice %arg5[%dma_wait3A_735, %dma_wait3A_738] : memref<8x128xi32, #tpu.memory_space<vmem>> -> memref<1x128xi32, #tpu.memory_space<vmem>>
    %dma_wait3A_740 = tpu.memref_squeeze %dma_wait3A_739 : memref<1x128xi32, #tpu.memory_space<vmem>> -> memref<128xi32, #tpu.memory_space<vmem>>
    %dma_wait3A_741 = arith.constant 0 : i32
    %dma_wait3A_742 = tpu.memref_slice %arg22[%dma_wait3A_741] : memref<100000xf32, #tpu.memory_space<vmem_shared>> -> memref<100000xf32, #tpu.memory_space<vmem_shared>>
    tpu.wait_indirect_dma semaphore(%arg20 : memref<!tpu.dma_semaphore, #tpu.memory_space<semaphore_mem>>) src(%dma_wait3A_742 : memref<100000xf32, #tpu.memory_space<vmem_shared>>) dst(%dma_wait3A_737 : memref<128xf32, #tpu.memory_space<vmem>>)
    %dma_wait3A_743 = arith.constant 1 : i32
    %dma_wait3A_744 = arith.constant 128 : i32
    %dma_wait3A_745 = tpu.memref_slice %arg13[%dma_wait3A_744] : memref<1040xf32, #tpu.memory_space<vmem>> -> memref<128xf32, #tpu.memory_space<vmem>>
    %dma_wait3A_746 = arith.constant 0 : i32
    %dma_wait3A_747 = tpu.memref_slice %arg5[%dma_wait3A_743, %dma_wait3A_746] : memref<8x128xi32, #tpu.memory_space<vmem>> -> memref<1x128xi32, #tpu.memory_space<vmem>>
    %dma_wait3A_748 = tpu.memref_squeeze %dma_wait3A_747 : memref<1x128xi32, #tpu.memory_space<vmem>> -> memref<128xi32, #tpu.memory_space<vmem>>
    %dma_wait3A_749 = arith.constant 0 : i32
    %dma_wait3A_750 = tpu.memref_slice %arg22[%dma_wait3A_749] : memref<100000xf32, #tpu.memory_space<vmem_shared>> -> memref<100000xf32, #tpu.memory_space<vmem_shared>>
    tpu.wait_indirect_dma semaphore(%arg20 : memref<!tpu.dma_semaphore, #tpu.memory_space<semaphore_mem>>) src(%dma_wait3A_750 : memref<100000xf32, #tpu.memory_space<vmem_shared>>) dst(%dma_wait3A_745 : memref<128xf32, #tpu.memory_space<vmem>>)
    %dma_wait3A_751 = arith.constant 2 : i32
    %dma_wait3A_752 = arith.constant 256 : i32
    %dma_wait3A_753 = tpu.memref_slice %arg13[%dma_wait3A_752] : memref<1040xf32, #tpu.memory_space<vmem>> -> memref<128xf32, #tpu.memory_space<vmem>>
    %dma_wait3A_754 = arith.constant 0 : i32
    %dma_wait3A_755 = tpu.memref_slice %arg5[%dma_wait3A_751, %dma_wait3A_754] : memref<8x128xi32, #tpu.memory_space<vmem>> -> memref<1x128xi32, #tpu.memory_space<vmem>>
    %dma_wait3A_756 = tpu.memref_squeeze %dma_wait3A_755 : memref<1x128xi32, #tpu.memory_space<vmem>> -> memref<128xi32, #tpu.memory_space<vmem>>
    %dma_wait3A_757 = arith.constant 0 : i32
    %dma_wait3A_758 = tpu.memref_slice %arg22[%dma_wait3A_757] : memref<100000xf32, #tpu.memory_space<vmem_shared>> -> memref<100000xf32, #tpu.memory_space<vmem_shared>>
    tpu.wait_indirect_dma semaphore(%arg20 : memref<!tpu.dma_semaphore, #tpu.memory_space<semaphore_mem>>) src(%dma_wait3A_758 : memref<100000xf32, #tpu.memory_space<vmem_shared>>) dst(%dma_wait3A_753 : memref<128xf32, #tpu.memory_space<vmem>>)
    %dma_wait3A_759 = arith.constant 3 : i32
    %dma_wait3A_760 = arith.constant 384 : i32
    %dma_wait3A_761 = tpu.memref_slice %arg13[%dma_wait3A_760] : memref<1040xf32, #tpu.memory_space<vmem>> -> memref<128xf32, #tpu.memory_space<vmem>>
    %dma_wait3A_762 = arith.constant 0 : i32
    %dma_wait3A_763 = tpu.memref_slice %arg5[%dma_wait3A_759, %dma_wait3A_762] : memref<8x128xi32, #tpu.memory_space<vmem>> -> memref<1x128xi32, #tpu.memory_space<vmem>>
    %dma_wait3A_764 = tpu.memref_squeeze %dma_wait3A_763 : memref<1x128xi32, #tpu.memory_space<vmem>> -> memref<128xi32, #tpu.memory_space<vmem>>
    %dma_wait3A_765 = arith.constant 0 : i32
    %dma_wait3A_766 = tpu.memref_slice %arg22[%dma_wait3A_765] : memref<100000xf32, #tpu.memory_space<vmem_shared>> -> memref<100000xf32, #tpu.memory_space<vmem_shared>>
    tpu.wait_indirect_dma semaphore(%arg20 : memref<!tpu.dma_semaphore, #tpu.memory_space<semaphore_mem>>) src(%dma_wait3A_766 : memref<100000xf32, #tpu.memory_space<vmem_shared>>) dst(%dma_wait3A_761 : memref<128xf32, #tpu.memory_space<vmem>>)
    %dma_wait3A_767 = arith.constant 4 : i32
    %dma_wait3A_768 = arith.constant 512 : i32
    %dma_wait3A_769 = tpu.memref_slice %arg13[%dma_wait3A_768] : memref<1040xf32, #tpu.memory_space<vmem>> -> memref<128xf32, #tpu.memory_space<vmem>>
    %dma_wait3A_770 = arith.constant 0 : i32
    %dma_wait3A_771 = tpu.memref_slice %arg5[%dma_wait3A_767, %dma_wait3A_770] : memref<8x128xi32, #tpu.memory_space<vmem>> -> memref<1x128xi32, #tpu.memory_space<vmem>>
    %dma_wait3A_772 = tpu.memref_squeeze %dma_wait3A_771 : memref<1x128xi32, #tpu.memory_space<vmem>> -> memref<128xi32, #tpu.memory_space<vmem>>
    %dma_wait3A_773 = arith.constant 0 : i32
    %dma_wait3A_774 = tpu.memref_slice %arg22[%dma_wait3A_773] : memref<100000xf32, #tpu.memory_space<vmem_shared>> -> memref<100000xf32, #tpu.memory_space<vmem_shared>>
    tpu.wait_indirect_dma semaphore(%arg20 : memref<!tpu.dma_semaphore, #tpu.memory_space<semaphore_mem>>) src(%dma_wait3A_774 : memref<100000xf32, #tpu.memory_space<vmem_shared>>) dst(%dma_wait3A_769 : memref<128xf32, #tpu.memory_space<vmem>>)
    %dma_wait3A_775 = arith.constant 5 : i32
    %dma_wait3A_776 = arith.constant 640 : i32
    %dma_wait3A_777 = tpu.memref_slice %arg13[%dma_wait3A_776] : memref<1040xf32, #tpu.memory_space<vmem>> -> memref<128xf32, #tpu.memory_space<vmem>>
    %dma_wait3A_778 = arith.constant 0 : i32
    %dma_wait3A_779 = tpu.memref_slice %arg5[%dma_wait3A_775, %dma_wait3A_778] : memref<8x128xi32, #tpu.memory_space<vmem>> -> memref<1x128xi32, #tpu.memory_space<vmem>>
    %dma_wait3A_780 = tpu.memref_squeeze %dma_wait3A_779 : memref<1x128xi32, #tpu.memory_space<vmem>> -> memref<128xi32, #tpu.memory_space<vmem>>
    %dma_wait3A_781 = arith.constant 0 : i32
    %dma_wait3A_782 = tpu.memref_slice %arg22[%dma_wait3A_781] : memref<100000xf32, #tpu.memory_space<vmem_shared>> -> memref<100000xf32, #tpu.memory_space<vmem_shared>>
    tpu.wait_indirect_dma semaphore(%arg20 : memref<!tpu.dma_semaphore, #tpu.memory_space<semaphore_mem>>) src(%dma_wait3A_782 : memref<100000xf32, #tpu.memory_space<vmem_shared>>) dst(%dma_wait3A_777 : memref<128xf32, #tpu.memory_space<vmem>>)
    %dma_wait3A_783 = arith.constant 6 : i32
    %dma_wait3A_784 = arith.constant 768 : i32
    %dma_wait3A_785 = tpu.memref_slice %arg13[%dma_wait3A_784] : memref<1040xf32, #tpu.memory_space<vmem>> -> memref<128xf32, #tpu.memory_space<vmem>>
    %dma_wait3A_786 = arith.constant 0 : i32
    %dma_wait3A_787 = tpu.memref_slice %arg5[%dma_wait3A_783, %dma_wait3A_786] : memref<8x128xi32, #tpu.memory_space<vmem>> -> memref<1x128xi32, #tpu.memory_space<vmem>>
    %dma_wait3A_788 = tpu.memref_squeeze %dma_wait3A_787 : memref<1x128xi32, #tpu.memory_space<vmem>> -> memref<128xi32, #tpu.memory_space<vmem>>
    %dma_wait3A_789 = arith.constant 0 : i32
    %dma_wait3A_790 = tpu.memref_slice %arg22[%dma_wait3A_789] : memref<100000xf32, #tpu.memory_space<vmem_shared>> -> memref<100000xf32, #tpu.memory_space<vmem_shared>>
    tpu.wait_indirect_dma semaphore(%arg20 : memref<!tpu.dma_semaphore, #tpu.memory_space<semaphore_mem>>) src(%dma_wait3A_790 : memref<100000xf32, #tpu.memory_space<vmem_shared>>) dst(%dma_wait3A_785 : memref<128xf32, #tpu.memory_space<vmem>>)
    %dma_wait3A_791 = arith.constant 7 : i32
    %dma_wait3A_792 = arith.constant 896 : i32
    %dma_wait3A_793 = tpu.memref_slice %arg13[%dma_wait3A_792] : memref<1040xf32, #tpu.memory_space<vmem>> -> memref<128xf32, #tpu.memory_space<vmem>>
    %dma_wait3A_794 = arith.constant 0 : i32
    %dma_wait3A_795 = tpu.memref_slice %arg5[%dma_wait3A_791, %dma_wait3A_794] : memref<8x128xi32, #tpu.memory_space<vmem>> -> memref<1x128xi32, #tpu.memory_space<vmem>>
    %dma_wait3A_796 = tpu.memref_squeeze %dma_wait3A_795 : memref<1x128xi32, #tpu.memory_space<vmem>> -> memref<128xi32, #tpu.memory_space<vmem>>
    %dma_wait3A_797 = arith.constant 0 : i32
    %dma_wait3A_798 = tpu.memref_slice %arg22[%dma_wait3A_797] : memref<100000xf32, #tpu.memory_space<vmem_shared>> -> memref<100000xf32, #tpu.memory_space<vmem_shared>>
    tpu.wait_indirect_dma semaphore(%arg20 : memref<!tpu.dma_semaphore, #tpu.memory_space<semaphore_mem>>) src(%dma_wait3A_798 : memref<100000xf32, #tpu.memory_space<vmem_shared>>) dst(%dma_wait3A_793 : memref<128xf32, #tpu.memory_space<vmem>>)
    %scan3A_799 = arith.constant 0 : i32
    %scan3A_800 = arith.constant 0 : i32
    %scan3A_801 = arith.constant 64 : i32
    %scan3A_802 = arith.addi %scan3A_800, %scan3A_801 : i32
    %scan3A_803 = arith.constant 1 : i32
    %scan3A_804 = scf.for %scan3A_1431 = %scan3A_800 to %scan3A_802 step %scan3A_803 iter_args(%scan3A_1432 = %scan3A_799) -> (i32)  : i32 {
      %mul3A_1433 = arith.constant 16 : i32
      %mul3A_1434 = arith.muli %scan3A_1431, %mul3A_1433 : i32
      %get3A = arith.index_cast %mul3A_1434 : i32 to index
      %get3A_1435 = tpu.vector_load %arg13[%get3A] {strides = array<i32>} : memref<1040xf32, #tpu.memory_space<vmem>>, vector<16xf32>,
      %get3A_1436 = vector.shape_cast %get3A_1435 : vector<16xf32> to vector<16xf32>
      %div3A = arith.constant 1.000000e+00 : f32
      %div3A_1437 = vector.broadcast %div3A : f32 to vector<16xf32>
      %div3A_1438 = arith.divf %div3A_1437, %get3A_1436 : vector<16xf32>
      %mul3A_1439 = arith.mulf %div3A_1438, %div3A_1438 : vector<16xf32>
      %mul3A_1440 = arith.constant 16 : i32
      %mul3A_1441 = arith.muli %scan3A_1431, %mul3A_1440 : i32
      %swap3A_1442 = arith.index_cast %mul3A_1441 : i32 to index
      %swap3A_1443 = tpu.vector_load %arg13[%swap3A_1442] {strides = array<i32>} : memref<1040xf32, #tpu.memory_space<vmem>>, vector<16xf32>,
      %swap3A_1444 = vector.shape_cast %swap3A_1443 : vector<16xf32> to vector<16xf32>
      %swap3A_1445 = vector.shape_cast %mul3A_1439 : vector<16xf32> to vector<16xf32>
      tpu.vector_store %arg13[%swap3A_1442], %swap3A_1445 {strides = array<i32>} : memref<1040xf32, #tpu.memory_space<vmem>>, vector<16xf32>,
      %scan3A_1446 = arith.constant 0 : i32
      scf.yield %scan3A_1446 : i32
    }
    %scan3A_805 = arith.constant 64 : i32
    %dma_wait3A_806 = arith.constant 0 : i32
    %dma_wait3A_807 = arith.constant 0 : i32
    %dma_wait3A_808 = arith.constant 0 : i32
    %dma_wait3A_809 = tpu.memref_slice %arg6[%dma_wait3A_807, %dma_wait3A_808] : memref<256x16xf32, #tpu.memory_space<vmem>> -> memref<128x16xf32, #tpu.memory_space<vmem>>
    %dma_wait3A_810 = arith.constant 0 : i32
    %dma_wait3A_811 = tpu.memref_slice %arg5[%dma_wait3A_806, %dma_wait3A_810] : memref<8x128xi32, #tpu.memory_space<vmem>> -> memref<1x128xi32, #tpu.memory_space<vmem>>
    %dma_wait3A_812 = tpu.memref_squeeze %dma_wait3A_811 : memref<1x128xi32, #tpu.memory_space<vmem>> -> memref<128xi32, #tpu.memory_space<vmem>>
    %dma_wait3A_813 = arith.constant 0 : i32
    %dma_wait3A_814 = arith.constant 0 : i32
    %dma_wait3A_815 = tpu.memref_slice %arg21[%dma_wait3A_813, %dma_wait3A_814] : memref<100000x16xf32, #tpu.memory_space<vmem_shared>> -> memref<100000x16xf32, #tpu.memory_space<vmem_shared>>
    tpu.wait_indirect_dma semaphore(%arg15 : memref<!tpu.dma_semaphore, #tpu.memory_space<semaphore_mem>>) src(%dma_wait3A_815 : memref<100000x16xf32, #tpu.memory_space<vmem_shared>>) dst(%dma_wait3A_809 : memref<128x16xf32, #tpu.memory_space<vmem>>)
    %dma_wait3A_816 = arith.constant 1 : i32
    %dma_wait3A_817 = arith.constant 128 : i32
    %dma_wait3A_818 = arith.constant 0 : i32
    %dma_wait3A_819 = tpu.memref_slice %arg6[%dma_wait3A_817, %dma_wait3A_818] : memref<256x16xf32, #tpu.memory_space<vmem>> -> memref<128x16xf32, #tpu.memory_space<vmem>>
    %dma_wait3A_820 = arith.constant 0 : i32
    %dma_wait3A_821 = tpu.memref_slice %arg5[%dma_wait3A_816, %dma_wait3A_820] : memref<8x128xi32, #tpu.memory_space<vmem>> -> memref<1x128xi32, #tpu.memory_space<vmem>>
    %dma_wait3A_822 = tpu.memref_squeeze %dma_wait3A_821 : memref<1x128xi32, #tpu.memory_space<vmem>> -> memref<128xi32, #tpu.memory_space<vmem>>
    %dma_wait3A_823 = arith.constant 0 : i32
    %dma_wait3A_824 = arith.constant 0 : i32
    %dma_wait3A_825 = tpu.memref_slice %arg21[%dma_wait3A_823, %dma_wait3A_824] : memref<100000x16xf32, #tpu.memory_space<vmem_shared>> -> memref<100000x16xf32, #tpu.memory_space<vmem_shared>>
    tpu.wait_indirect_dma semaphore(%arg15 : memref<!tpu.dma_semaphore, #tpu.memory_space<semaphore_mem>>) src(%dma_wait3A_825 : memref<100000x16xf32, #tpu.memory_space<vmem_shared>>) dst(%dma_wait3A_819 : memref<128x16xf32, #tpu.memory_space<vmem>>)
    %dma_wait3A_826 = arith.constant 2 : i32
    %dma_wait3A_827 = arith.constant 0 : i32
    %dma_wait3A_828 = arith.constant 0 : i32
    %dma_wait3A_829 = tpu.memref_slice %arg7[%dma_wait3A_827, %dma_wait3A_828] : memref<256x16xf32, #tpu.memory_space<vmem>> -> memref<128x16xf32, #tpu.memory_space<vmem>>
    %dma_wait3A_830 = arith.constant 0 : i32
    %dma_wait3A_831 = tpu.memref_slice %arg5[%dma_wait3A_826, %dma_wait3A_830] : memref<8x128xi32, #tpu.memory_space<vmem>> -> memref<1x128xi32, #tpu.memory_space<vmem>>
    %dma_wait3A_832 = tpu.memref_squeeze %dma_wait3A_831 : memref<1x128xi32, #tpu.memory_space<vmem>> -> memref<128xi32, #tpu.memory_space<vmem>>
    %dma_wait3A_833 = arith.constant 0 : i32
    %dma_wait3A_834 = arith.constant 0 : i32
    %dma_wait3A_835 = tpu.memref_slice %arg21[%dma_wait3A_833, %dma_wait3A_834] : memref<100000x16xf32, #tpu.memory_space<vmem_shared>> -> memref<100000x16xf32, #tpu.memory_space<vmem_shared>>
    tpu.wait_indirect_dma semaphore(%arg16 : memref<!tpu.dma_semaphore, #tpu.memory_space<semaphore_mem>>) src(%dma_wait3A_835 : memref<100000x16xf32, #tpu.memory_space<vmem_shared>>) dst(%dma_wait3A_829 : memref<128x16xf32, #tpu.memory_space<vmem>>)
    %dma_wait3A_836 = arith.constant 3 : i32
    %dma_wait3A_837 = arith.constant 128 : i32
    %dma_wait3A_838 = arith.constant 0 : i32
    %dma_wait3A_839 = tpu.memref_slice %arg7[%dma_wait3A_837, %dma_wait3A_838] : memref<256x16xf32, #tpu.memory_space<vmem>> -> memref<128x16xf32, #tpu.memory_space<vmem>>
    %dma_wait3A_840 = arith.constant 0 : i32
    %dma_wait3A_841 = tpu.memref_slice %arg5[%dma_wait3A_836, %dma_wait3A_840] : memref<8x128xi32, #tpu.memory_space<vmem>> -> memref<1x128xi32, #tpu.memory_space<vmem>>
    %dma_wait3A_842 = tpu.memref_squeeze %dma_wait3A_841 : memref<1x128xi32, #tpu.memory_space<vmem>> -> memref<128xi32, #tpu.memory_space<vmem>>
    %dma_wait3A_843 = arith.constant 0 : i32
    %dma_wait3A_844 = arith.constant 0 : i32
    %dma_wait3A_845 = tpu.memref_slice %arg21[%dma_wait3A_843, %dma_wait3A_844] : memref<100000x16xf32, #tpu.memory_space<vmem_shared>> -> memref<100000x16xf32, #tpu.memory_space<vmem_shared>>
    tpu.wait_indirect_dma semaphore(%arg16 : memref<!tpu.dma_semaphore, #tpu.memory_space<semaphore_mem>>) src(%dma_wait3A_845 : memref<100000x16xf32, #tpu.memory_space<vmem_shared>>) dst(%dma_wait3A_839 : memref<128x16xf32, #tpu.memory_space<vmem>>)
    %dma_wait3A_846 = arith.constant 4 : i32
    %dma_wait3A_847 = arith.constant 0 : i32
    %dma_wait3A_848 = arith.constant 0 : i32
    %dma_wait3A_849 = tpu.memref_slice %arg8[%dma_wait3A_847, %dma_wait3A_848] : memref<256x16xf32, #tpu.memory_space<vmem>> -> memref<128x16xf32, #tpu.memory_space<vmem>>
    %dma_wait3A_850 = arith.constant 0 : i32
    %dma_wait3A_851 = tpu.memref_slice %arg5[%dma_wait3A_846, %dma_wait3A_850] : memref<8x128xi32, #tpu.memory_space<vmem>> -> memref<1x128xi32, #tpu.memory_space<vmem>>
    %dma_wait3A_852 = tpu.memref_squeeze %dma_wait3A_851 : memref<1x128xi32, #tpu.memory_space<vmem>> -> memref<128xi32, #tpu.memory_space<vmem>>
    %dma_wait3A_853 = arith.constant 0 : i32
    %dma_wait3A_854 = arith.constant 0 : i32
    %dma_wait3A_855 = tpu.memref_slice %arg21[%dma_wait3A_853, %dma_wait3A_854] : memref<100000x16xf32, #tpu.memory_space<vmem_shared>> -> memref<100000x16xf32, #tpu.memory_space<vmem_shared>>
    tpu.wait_indirect_dma semaphore(%arg17 : memref<!tpu.dma_semaphore, #tpu.memory_space<semaphore_mem>>) src(%dma_wait3A_855 : memref<100000x16xf32, #tpu.memory_space<vmem_shared>>) dst(%dma_wait3A_849 : memref<128x16xf32, #tpu.memory_space<vmem>>)
    %dma_wait3A_856 = arith.constant 5 : i32
    %dma_wait3A_857 = arith.constant 128 : i32
    %dma_wait3A_858 = arith.constant 0 : i32
    %dma_wait3A_859 = tpu.memref_slice %arg8[%dma_wait3A_857, %dma_wait3A_858] : memref<256x16xf32, #tpu.memory_space<vmem>> -> memref<128x16xf32, #tpu.memory_space<vmem>>
    %dma_wait3A_860 = arith.constant 0 : i32
    %dma_wait3A_861 = tpu.memref_slice %arg5[%dma_wait3A_856, %dma_wait3A_860] : memref<8x128xi32, #tpu.memory_space<vmem>> -> memref<1x128xi32, #tpu.memory_space<vmem>>
    %dma_wait3A_862 = tpu.memref_squeeze %dma_wait3A_861 : memref<1x128xi32, #tpu.memory_space<vmem>> -> memref<128xi32, #tpu.memory_space<vmem>>
    %dma_wait3A_863 = arith.constant 0 : i32
    %dma_wait3A_864 = arith.constant 0 : i32
    %dma_wait3A_865 = tpu.memref_slice %arg21[%dma_wait3A_863, %dma_wait3A_864] : memref<100000x16xf32, #tpu.memory_space<vmem_shared>> -> memref<100000x16xf32, #tpu.memory_space<vmem_shared>>
    tpu.wait_indirect_dma semaphore(%arg17 : memref<!tpu.dma_semaphore, #tpu.memory_space<semaphore_mem>>) src(%dma_wait3A_865 : memref<100000x16xf32, #tpu.memory_space<vmem_shared>>) dst(%dma_wait3A_859 : memref<128x16xf32, #tpu.memory_space<vmem>>)
    %dma_wait3A_866 = arith.constant 6 : i32
    %dma_wait3A_867 = arith.constant 0 : i32
    %dma_wait3A_868 = arith.constant 0 : i32
    %dma_wait3A_869 = tpu.memref_slice %arg9[%dma_wait3A_867, %dma_wait3A_868] : memref<256x16xf32, #tpu.memory_space<vmem>> -> memref<128x16xf32, #tpu.memory_space<vmem>>
    %dma_wait3A_870 = arith.constant 0 : i32
    %dma_wait3A_871 = tpu.memref_slice %arg5[%dma_wait3A_866, %dma_wait3A_870] : memref<8x128xi32, #tpu.memory_space<vmem>> -> memref<1x128xi32, #tpu.memory_space<vmem>>
    %dma_wait3A_872 = tpu.memref_squeeze %dma_wait3A_871 : memref<1x128xi32, #tpu.memory_space<vmem>> -> memref<128xi32, #tpu.memory_space<vmem>>
    %dma_wait3A_873 = arith.constant 0 : i32
    %dma_wait3A_874 = arith.constant 0 : i32
    %dma_wait3A_875 = tpu.memref_slice %arg21[%dma_wait3A_873, %dma_wait3A_874] : memref<100000x16xf32, #tpu.memory_space<vmem_shared>> -> memref<100000x16xf32, #tpu.memory_space<vmem_shared>>
    tpu.wait_indirect_dma semaphore(%arg18 : memref<!tpu.dma_semaphore, #tpu.memory_space<semaphore_mem>>) src(%dma_wait3A_875 : memref<100000x16xf32, #tpu.memory_space<vmem_shared>>) dst(%dma_wait3A_869 : memref<128x16xf32, #tpu.memory_space<vmem>>)
    %dma_wait3A_876 = arith.constant 7 : i32
    %dma_wait3A_877 = arith.constant 128 : i32
    %dma_wait3A_878 = arith.constant 0 : i32
    %dma_wait3A_879 = tpu.memref_slice %arg9[%dma_wait3A_877, %dma_wait3A_878] : memref<256x16xf32, #tpu.memory_space<vmem>> -> memref<128x16xf32, #tpu.memory_space<vmem>>
    %dma_wait3A_880 = arith.constant 0 : i32
    %dma_wait3A_881 = tpu.memref_slice %arg5[%dma_wait3A_876, %dma_wait3A_880] : memref<8x128xi32, #tpu.memory_space<vmem>> -> memref<1x128xi32, #tpu.memory_space<vmem>>
    %dma_wait3A_882 = tpu.memref_squeeze %dma_wait3A_881 : memref<1x128xi32, #tpu.memory_space<vmem>> -> memref<128xi32, #tpu.memory_space<vmem>>
    %dma_wait3A_883 = arith.constant 0 : i32
    %dma_wait3A_884 = arith.constant 0 : i32
    %dma_wait3A_885 = tpu.memref_slice %arg21[%dma_wait3A_883, %dma_wait3A_884] : memref<100000x16xf32, #tpu.memory_space<vmem_shared>> -> memref<100000x16xf32, #tpu.memory_space<vmem_shared>>
    tpu.wait_indirect_dma semaphore(%arg18 : memref<!tpu.dma_semaphore, #tpu.memory_space<semaphore_mem>>) src(%dma_wait3A_885 : memref<100000x16xf32, #tpu.memory_space<vmem_shared>>) dst(%dma_wait3A_879 : memref<128x16xf32, #tpu.memory_space<vmem>>)
    %barrier3A_886 = arith.constant 0 : index
    tpu.barrier barrier_id(%barrier3A_886)
    %dma_start3A_887 = arith.constant 0 : i32
    %dma_start3A_888 = arith.constant 0 : i32
    %dma_start3A_889 = tpu.memref_slice %arg5[%dma_start3A_887, %dma_start3A_888] : memref<8x128xi32, #tpu.memory_space<vmem>> -> memref<1x128xi32, #tpu.memory_space<vmem>>
    %dma_start3A_890 = tpu.memref_squeeze %dma_start3A_889 : memref<1x128xi32, #tpu.memory_space<vmem>> -> memref<128xi32, #tpu.memory_space<vmem>>
    %dma_start3A_891 = arith.constant 0 : i32
    %dma_start3A_892 = arith.constant 0 : i32
    %dma_start3A_893 = tpu.memref_slice %arg21[%dma_start3A_891, %dma_start3A_892] : memref<100000x16xf32, #tpu.memory_space<vmem_shared>> -> memref<100000x16xf32, #tpu.memory_space<vmem_shared>>
    tpu.enqueue_indirect_dma source(%arg10 : memref<128x16xf32, #tpu.memory_space<vmem>>) target(%dma_start3A_893 : memref<100000x16xf32, #tpu.memory_space<vmem_shared>>) offsets(%dma_start3A_890 : memref<128xi32, #tpu.memory_space<vmem>>) semaphore(%arg19 : memref<!tpu.dma_semaphore, #tpu.memory_space<semaphore_mem>>)
    %dma_start3A_894 = arith.constant 1 : i32
    %dma_start3A_895 = arith.constant 0 : i32
    %dma_start3A_896 = tpu.memref_slice %arg5[%dma_start3A_894, %dma_start3A_895] : memref<8x128xi32, #tpu.memory_space<vmem>> -> memref<1x128xi32, #tpu.memory_space<vmem>>
    %dma_start3A_897 = tpu.memref_squeeze %dma_start3A_896 : memref<1x128xi32, #tpu.memory_space<vmem>> -> memref<128xi32, #tpu.memory_space<vmem>>
    %dma_start3A_898 = arith.constant 0 : i32
    %dma_start3A_899 = arith.constant 0 : i32
    %dma_start3A_900 = tpu.memref_slice %arg21[%dma_start3A_898, %dma_start3A_899] : memref<100000x16xf32, #tpu.memory_space<vmem_shared>> -> memref<100000x16xf32, #tpu.memory_space<vmem_shared>>
    tpu.enqueue_indirect_dma source(%arg10 : memref<128x16xf32, #tpu.memory_space<vmem>>) target(%dma_start3A_900 : memref<100000x16xf32, #tpu.memory_space<vmem_shared>>) offsets(%dma_start3A_897 : memref<128xi32, #tpu.memory_space<vmem>>) semaphore(%arg19 : memref<!tpu.dma_semaphore, #tpu.memory_space<semaphore_mem>>)
    %dma_start3A_901 = arith.constant 2 : i32
    %dma_start3A_902 = arith.constant 0 : i32
    %dma_start3A_903 = tpu.memref_slice %arg5[%dma_start3A_901, %dma_start3A_902] : memref<8x128xi32, #tpu.memory_space<vmem>> -> memref<1x128xi32, #tpu.memory_space<vmem>>
    %dma_start3A_904 = tpu.memref_squeeze %dma_start3A_903 : memref<1x128xi32, #tpu.memory_space<vmem>> -> memref<128xi32, #tpu.memory_space<vmem>>
    %dma_start3A_905 = arith.constant 0 : i32
    %dma_start3A_906 = arith.constant 0 : i32
    %dma_start3A_907 = tpu.memref_slice %arg21[%dma_start3A_905, %dma_start3A_906] : memref<100000x16xf32, #tpu.memory_space<vmem_shared>> -> memref<100000x16xf32, #tpu.memory_space<vmem_shared>>
    tpu.enqueue_indirect_dma source(%arg10 : memref<128x16xf32, #tpu.memory_space<vmem>>) target(%dma_start3A_907 : memref<100000x16xf32, #tpu.memory_space<vmem_shared>>) offsets(%dma_start3A_904 : memref<128xi32, #tpu.memory_space<vmem>>) semaphore(%arg19 : memref<!tpu.dma_semaphore, #tpu.memory_space<semaphore_mem>>)
    %dma_start3A_908 = arith.constant 3 : i32
    %dma_start3A_909 = arith.constant 0 : i32
    %dma_start3A_910 = tpu.memref_slice %arg5[%dma_start3A_908, %dma_start3A_909] : memref<8x128xi32, #tpu.memory_space<vmem>> -> memref<1x128xi32, #tpu.memory_space<vmem>>
    %dma_start3A_911 = tpu.memref_squeeze %dma_start3A_910 : memref<1x128xi32, #tpu.memory_space<vmem>> -> memref<128xi32, #tpu.memory_space<vmem>>
    %dma_start3A_912 = arith.constant 0 : i32
    %dma_start3A_913 = arith.constant 0 : i32
    %dma_start3A_914 = tpu.memref_slice %arg21[%dma_start3A_912, %dma_start3A_913] : memref<100000x16xf32, #tpu.memory_space<vmem_shared>> -> memref<100000x16xf32, #tpu.memory_space<vmem_shared>>
    tpu.enqueue_indirect_dma source(%arg10 : memref<128x16xf32, #tpu.memory_space<vmem>>) target(%dma_start3A_914 : memref<100000x16xf32, #tpu.memory_space<vmem_shared>>) offsets(%dma_start3A_911 : memref<128xi32, #tpu.memory_space<vmem>>) semaphore(%arg19 : memref<!tpu.dma_semaphore, #tpu.memory_space<semaphore_mem>>)
    %dma_start3A_915 = arith.constant 4 : i32
    %dma_start3A_916 = arith.constant 0 : i32
    %dma_start3A_917 = tpu.memref_slice %arg5[%dma_start3A_915, %dma_start3A_916] : memref<8x128xi32, #tpu.memory_space<vmem>> -> memref<1x128xi32, #tpu.memory_space<vmem>>
    %dma_start3A_918 = tpu.memref_squeeze %dma_start3A_917 : memref<1x128xi32, #tpu.memory_space<vmem>> -> memref<128xi32, #tpu.memory_space<vmem>>
    %dma_start3A_919 = arith.constant 0 : i32
    %dma_start3A_920 = arith.constant 0 : i32
    %dma_start3A_921 = tpu.memref_slice %arg21[%dma_start3A_919, %dma_start3A_920] : memref<100000x16xf32, #tpu.memory_space<vmem_shared>> -> memref<100000x16xf32, #tpu.memory_space<vmem_shared>>
    tpu.enqueue_indirect_dma source(%arg10 : memref<128x16xf32, #tpu.memory_space<vmem>>) target(%dma_start3A_921 : memref<100000x16xf32, #tpu.memory_space<vmem_shared>>) offsets(%dma_start3A_918 : memref<128xi32, #tpu.memory_space<vmem>>) semaphore(%arg19 : memref<!tpu.dma_semaphore, #tpu.memory_space<semaphore_mem>>)
    %dma_start3A_922 = arith.constant 5 : i32
    %dma_start3A_923 = arith.constant 0 : i32
    %dma_start3A_924 = tpu.memref_slice %arg5[%dma_start3A_922, %dma_start3A_923] : memref<8x128xi32, #tpu.memory_space<vmem>> -> memref<1x128xi32, #tpu.memory_space<vmem>>
    %dma_start3A_925 = tpu.memref_squeeze %dma_start3A_924 : memref<1x128xi32, #tpu.memory_space<vmem>> -> memref<128xi32, #tpu.memory_space<vmem>>
    %dma_start3A_926 = arith.constant 0 : i32
    %dma_start3A_927 = arith.constant 0 : i32
    %dma_start3A_928 = tpu.memref_slice %arg21[%dma_start3A_926, %dma_start3A_927] : memref<100000x16xf32, #tpu.memory_space<vmem_shared>> -> memref<100000x16xf32, #tpu.memory_space<vmem_shared>>
    tpu.enqueue_indirect_dma source(%arg10 : memref<128x16xf32, #tpu.memory_space<vmem>>) target(%dma_start3A_928 : memref<100000x16xf32, #tpu.memory_space<vmem_shared>>) offsets(%dma_start3A_925 : memref<128xi32, #tpu.memory_space<vmem>>) semaphore(%arg19 : memref<!tpu.dma_semaphore, #tpu.memory_space<semaphore_mem>>)
    %dma_start3A_929 = arith.constant 6 : i32
    %dma_start3A_930 = arith.constant 0 : i32
    %dma_start3A_931 = tpu.memref_slice %arg5[%dma_start3A_929, %dma_start3A_930] : memref<8x128xi32, #tpu.memory_space<vmem>> -> memref<1x128xi32, #tpu.memory_space<vmem>>
    %dma_start3A_932 = tpu.memref_squeeze %dma_start3A_931 : memref<1x128xi32, #tpu.memory_space<vmem>> -> memref<128xi32, #tpu.memory_space<vmem>>
    %dma_start3A_933 = arith.constant 0 : i32
    %dma_start3A_934 = arith.constant 0 : i32
    %dma_start3A_935 = tpu.memref_slice %arg21[%dma_start3A_933, %dma_start3A_934] : memref<100000x16xf32, #tpu.memory_space<vmem_shared>> -> memref<100000x16xf32, #tpu.memory_space<vmem_shared>>
    tpu.enqueue_indirect_dma source(%arg10 : memref<128x16xf32, #tpu.memory_space<vmem>>) target(%dma_start3A_935 : memref<100000x16xf32, #tpu.memory_space<vmem_shared>>) offsets(%dma_start3A_932 : memref<128xi32, #tpu.memory_space<vmem>>) semaphore(%arg19 : memref<!tpu.dma_semaphore, #tpu.memory_space<semaphore_mem>>)
    %dma_start3A_936 = arith.constant 7 : i32
    %dma_start3A_937 = arith.constant 0 : i32
    %dma_start3A_938 = tpu.memref_slice %arg5[%dma_start3A_936, %dma_start3A_937] : memref<8x128xi32, #tpu.memory_space<vmem>> -> memref<1x128xi32, #tpu.memory_space<vmem>>
    %dma_start3A_939 = tpu.memref_squeeze %dma_start3A_938 : memref<1x128xi32, #tpu.memory_space<vmem>> -> memref<128xi32, #tpu.memory_space<vmem>>
    %dma_start3A_940 = arith.constant 0 : i32
    %dma_start3A_941 = arith.constant 0 : i32
    %dma_start3A_942 = tpu.memref_slice %arg21[%dma_start3A_940, %dma_start3A_941] : memref<100000x16xf32, #tpu.memory_space<vmem_shared>> -> memref<100000x16xf32, #tpu.memory_space<vmem_shared>>
    tpu.enqueue_indirect_dma source(%arg10 : memref<128x16xf32, #tpu.memory_space<vmem>>) target(%dma_start3A_942 : memref<100000x16xf32, #tpu.memory_space<vmem_shared>>) offsets(%dma_start3A_939 : memref<128xi32, #tpu.memory_space<vmem>>) semaphore(%arg19 : memref<!tpu.dma_semaphore, #tpu.memory_space<semaphore_mem>>)
    %scan3A_943 = arith.constant 0 : i32
    %scan3A_944 = arith.constant 64 : i32
    %scan3A_945 = arith.addi %scan3A_943, %scan3A_944 : i32
    %scan3A_946 = arith.constant 1 : i32
    %scan3A_947 = scf.for %scan3A_1431 = %scan3A_943 to %scan3A_945 step %scan3A_946 iter_args(%scan3A_1432 = %broadcast_in_dim3A_74) -> (vector<16xf32>)  : i32 {
      %mul3A_1433 = arith.constant 4 : i32
      %mul3A_1434 = arith.muli %scan3A_1431, %mul3A_1433 : i32
      %add3A_1435 = arith.constant 0 : i32
      %add3A_1436 = arith.addi %mul3A_1434, %add3A_1435 : i32
      %get3A = arith.index_cast %add3A_1436 : i32 to index
      %get3A_1437 = arith.constant 0 : index
      %get3A_1438 = tpu.vector_load %arg6[%get3A, %get3A_1437] {strides = array<i32>} : memref<256x16xf32, #tpu.memory_space<vmem>>, vector<1x16xf32>,
      %get3A_1439 = vector.shape_cast %get3A_1438 : vector<1x16xf32> to vector<16xf32>
      %add3A_1440 = arith.constant 0 : i32
      %add3A_1441 = arith.addi %add3A_1440, %mul3A_1434 : i32
      %add3A_1442 = arith.constant 0 : i32
      %add3A_1443 = arith.addi %add3A_1441, %add3A_1442 : i32
      %get3A_1444 = arith.index_cast %add3A_1443 : i32 to index
      %get3A_1445 = tpu.vector_load %arg13[%get3A_1444] {strides = array<i32>} : memref<1040xf32, #tpu.memory_space<vmem>>, vector<16xf32>,
      %get3A_1446 = vector.shape_cast %get3A_1445 : vector<16xf32> to vector<16xf32>
      %slice3A = vector.extract_strided_slice %get3A_1446 {offsets = [0], sizes = [1], strides = [1]} : vector<16xf32> to vector<1xf32>
      %squeeze3A = vector.extract %slice3A[0] : f32 from vector<1xf32>
      %mul3A_1447 = arith.mulf %get3A_1439, %get3A_1439 : vector<16xf32>
      %mul3A_1448 = vector.broadcast %squeeze3A : f32 to vector<16xf32>
      %mul3A_1449 = arith.mulf %mul3A_1447, %mul3A_1448 : vector<16xf32>
      %sub3A = arith.subf %scan3A_1432, %mul3A_1449 : vector<16xf32>
      %add3A_1450 = arith.constant 1 : i32
      %add3A_1451 = arith.addi %mul3A_1434, %add3A_1450 : i32
      %get3A_1452 = arith.index_cast %add3A_1451 : i32 to index
      %get3A_1453 = arith.constant 0 : index
      %get3A_1454 = tpu.vector_load %arg6[%get3A_1452, %get3A_1453] {strides = array<i32>} : memref<256x16xf32, #tpu.memory_space<vmem>>, vector<1x16xf32>,
      %get3A_1455 = vector.shape_cast %get3A_1454 : vector<1x16xf32> to vector<16xf32>
      %add3A_1456 = arith.constant 0 : i32
      %add3A_1457 = arith.addi %add3A_1456, %mul3A_1434 : i32
      %add3A_1458 = arith.constant 1 : i32
      %add3A_1459 = arith.addi %add3A_1457, %add3A_1458 : i32
      %get3A_1460 = arith.index_cast %add3A_1459 : i32 to index
      %get3A_1461 = tpu.vector_load %arg13[%get3A_1460] {strides = array<i32>} : memref<1040xf32, #tpu.memory_space<vmem>>, vector<16xf32>,
      %get3A_1462 = vector.shape_cast %get3A_1461 : vector<16xf32> to vector<16xf32>
      %slice3A_1463 = vector.extract_strided_slice %get3A_1462 {offsets = [0], sizes = [1], strides = [1]} : vector<16xf32> to vector<1xf32>
      %squeeze3A_1464 = vector.extract %slice3A_1463[0] : f32 from vector<1xf32>
      %mul3A_1465 = arith.mulf %get3A_1455, %get3A_1455 : vector<16xf32>
      %mul3A_1466 = vector.broadcast %squeeze3A_1464 : f32 to vector<16xf32>
      %mul3A_1467 = arith.mulf %mul3A_1465, %mul3A_1466 : vector<16xf32>
      %sub3A_1468 = arith.subf %sub3A, %mul3A_1467 : vector<16xf32>
      %add3A_1469 = arith.constant 2 : i32
      %add3A_1470 = arith.addi %mul3A_1434, %add3A_1469 : i32
      %get3A_1471 = arith.index_cast %add3A_1470 : i32 to index
      %get3A_1472 = arith.constant 0 : index
      %get3A_1473 = tpu.vector_load %arg6[%get3A_1471, %get3A_1472] {strides = array<i32>} : memref<256x16xf32, #tpu.memory_space<vmem>>, vector<1x16xf32>,
      %get3A_1474 = vector.shape_cast %get3A_1473 : vector<1x16xf32> to vector<16xf32>
      %add3A_1475 = arith.constant 0 : i32
      %add3A_1476 = arith.addi %add3A_1475, %mul3A_1434 : i32
      %add3A_1477 = arith.constant 2 : i32
      %add3A_1478 = arith.addi %add3A_1476, %add3A_1477 : i32
      %get3A_1479 = arith.index_cast %add3A_1478 : i32 to index
      %get3A_1480 = tpu.vector_load %arg13[%get3A_1479] {strides = array<i32>} : memref<1040xf32, #tpu.memory_space<vmem>>, vector<16xf32>,
      %get3A_1481 = vector.shape_cast %get3A_1480 : vector<16xf32> to vector<16xf32>
      %slice3A_1482 = vector.extract_strided_slice %get3A_1481 {offsets = [0], sizes = [1], strides = [1]} : vector<16xf32> to vector<1xf32>
      %squeeze3A_1483 = vector.extract %slice3A_1482[0] : f32 from vector<1xf32>
      %mul3A_1484 = arith.mulf %get3A_1474, %get3A_1474 : vector<16xf32>
      %mul3A_1485 = vector.broadcast %squeeze3A_1483 : f32 to vector<16xf32>
      %mul3A_1486 = arith.mulf %mul3A_1484, %mul3A_1485 : vector<16xf32>
      %sub3A_1487 = arith.subf %sub3A_1468, %mul3A_1486 : vector<16xf32>
      %add3A_1488 = arith.constant 3 : i32
      %add3A_1489 = arith.addi %mul3A_1434, %add3A_1488 : i32
      %get3A_1490 = arith.index_cast %add3A_1489 : i32 to index
      %get3A_1491 = arith.constant 0 : index
      %get3A_1492 = tpu.vector_load %arg6[%get3A_1490, %get3A_1491] {strides = array<i32>} : memref<256x16xf32, #tpu.memory_space<vmem>>, vector<1x16xf32>,
      %get3A_1493 = vector.shape_cast %get3A_1492 : vector<1x16xf32> to vector<16xf32>
      %add3A_1494 = arith.constant 0 : i32
      %add3A_1495 = arith.addi %add3A_1494, %mul3A_1434 : i32
      %add3A_1496 = arith.constant 3 : i32
      %add3A_1497 = arith.addi %add3A_1495, %add3A_1496 : i32
      %get3A_1498 = arith.index_cast %add3A_1497 : i32 to index
      %get3A_1499 = tpu.vector_load %arg13[%get3A_1498] {strides = array<i32>} : memref<1040xf32, #tpu.memory_space<vmem>>, vector<16xf32>,
      %get3A_1500 = vector.shape_cast %get3A_1499 : vector<16xf32> to vector<16xf32>
      %slice3A_1501 = vector.extract_strided_slice %get3A_1500 {offsets = [0], sizes = [1], strides = [1]} : vector<16xf32> to vector<1xf32>
      %squeeze3A_1502 = vector.extract %slice3A_1501[0] : f32 from vector<1xf32>
      %mul3A_1503 = arith.mulf %get3A_1493, %get3A_1493 : vector<16xf32>
      %mul3A_1504 = vector.broadcast %squeeze3A_1502 : f32 to vector<16xf32>
      %mul3A_1505 = arith.mulf %mul3A_1503, %mul3A_1504 : vector<16xf32>
      %sub3A_1506 = arith.subf %sub3A_1487, %mul3A_1505 : vector<16xf32>
      scf.yield %sub3A_1506 : vector<16xf32>
    }
    %scan3A_948 = arith.constant 64 : i32
    %mul3A_949 = arith.constant 2 : i32
    %mul3A_950 = arith.muli %arg0, %mul3A_949 : i32
    %add3A_951 = arith.constant 1 : i32
    %add3A_952 = arith.addi %mul3A_950, %add3A_951 : i32
    %mul3A_953 = arith.constant 16 : i32
    %mul3A_954 = arith.muli %add3A_952, %mul3A_953 : i32
    %add3A_955 = arith.constant 0 : i32
    %add3A_956 = arith.addi %mul3A_0, %add3A_955 : i32
    %dma_start3A_957 = tpu.memref_slice %arg2[%add3A_956, %mul3A_954] : memref<16384x64xf32, #tpu.memory_space<hbm>> -> memref<256x16xf32, #tpu.memory_space<hbm>>
    %dma_start3A_958 = tpu.memref_slice %arg2[%add3A_956, %mul3A_954] : memref<16384x64xf32, #tpu.memory_space<hbm>> -> memref<256x16xf32, #tpu.memory_space<hbm>>
    tpu.enqueue_dma source(%dma_start3A_958 : memref<256x16xf32, #tpu.memory_space<hbm>>) target(%arg6 : memref<256x16xf32, #tpu.memory_space<vmem>>) target_semaphore(%arg15 : memref<!tpu.dma_semaphore, #tpu.memory_space<semaphore_mem>>)
    %scan3A_959 = arith.constant 0 : i32
    %scan3A_960 = arith.constant 64 : i32
    %scan3A_961 = arith.addi %scan3A_959, %scan3A_960 : i32
    %scan3A_962 = arith.constant 1 : i32
    %scan3A_963 = scf.for %scan3A_1431 = %scan3A_959 to %scan3A_961 step %scan3A_962 iter_args(%scan3A_1432 = %scan3A_947) -> (vector<16xf32>)  : i32 {
      %mul3A_1433 = arith.constant 4 : i32
      %mul3A_1434 = arith.muli %scan3A_1431, %mul3A_1433 : i32
      %add3A_1435 = arith.constant 0 : i32
      %add3A_1436 = arith.addi %mul3A_1434, %add3A_1435 : i32
      %get3A = arith.index_cast %add3A_1436 : i32 to index
      %get3A_1437 = arith.constant 0 : index
      %get3A_1438 = tpu.vector_load %arg7[%get3A, %get3A_1437] {strides = array<i32>} : memref<256x16xf32, #tpu.memory_space<vmem>>, vector<1x16xf32>,
      %get3A_1439 = vector.shape_cast %get3A_1438 : vector<1x16xf32> to vector<16xf32>
      %add3A_1440 = arith.constant 256 : i32
      %add3A_1441 = arith.addi %add3A_1440, %mul3A_1434 : i32
      %add3A_1442 = arith.constant 0 : i32
      %add3A_1443 = arith.addi %add3A_1441, %add3A_1442 : i32
      %get3A_1444 = arith.index_cast %add3A_1443 : i32 to index
      %get3A_1445 = tpu.vector_load %arg13[%get3A_1444] {strides = array<i32>} : memref<1040xf32, #tpu.memory_space<vmem>>, vector<16xf32>,
      %get3A_1446 = vector.shape_cast %get3A_1445 : vector<16xf32> to vector<16xf32>
      %slice3A = vector.extract_strided_slice %get3A_1446 {offsets = [0], sizes = [1], strides = [1]} : vector<16xf32> to vector<1xf32>
      %squeeze3A = vector.extract %slice3A[0] : f32 from vector<1xf32>
      %mul3A_1447 = arith.mulf %get3A_1439, %get3A_1439 : vector<16xf32>
      %mul3A_1448 = vector.broadcast %squeeze3A : f32 to vector<16xf32>
      %mul3A_1449 = arith.mulf %mul3A_1447, %mul3A_1448 : vector<16xf32>
      %sub3A = arith.subf %scan3A_1432, %mul3A_1449 : vector<16xf32>
      %add3A_1450 = arith.constant 1 : i32
      %add3A_1451 = arith.addi %mul3A_1434, %add3A_1450 : i32
      %get3A_1452 = arith.index_cast %add3A_1451 : i32 to index
      %get3A_1453 = arith.constant 0 : index
      %get3A_1454 = tpu.vector_load %arg7[%get3A_1452, %get3A_1453] {strides = array<i32>} : memref<256x16xf32, #tpu.memory_space<vmem>>, vector<1x16xf32>,
      %get3A_1455 = vector.shape_cast %get3A_1454 : vector<1x16xf32> to vector<16xf32>
      %add3A_1456 = arith.constant 256 : i32
      %add3A_1457 = arith.addi %add3A_1456, %mul3A_1434 : i32
      %add3A_1458 = arith.constant 1 : i32
      %add3A_1459 = arith.addi %add3A_1457, %add3A_1458 : i32
      %get3A_1460 = arith.index_cast %add3A_1459 : i32 to index
      %get3A_1461 = tpu.vector_load %arg13[%get3A_1460] {strides = array<i32>} : memref<1040xf32, #tpu.memory_space<vmem>>, vector<16xf32>,
      %get3A_1462 = vector.shape_cast %get3A_1461 : vector<16xf32> to vector<16xf32>
      %slice3A_1463 = vector.extract_strided_slice %get3A_1462 {offsets = [0], sizes = [1], strides = [1]} : vector<16xf32> to vector<1xf32>
      %squeeze3A_1464 = vector.extract %slice3A_1463[0] : f32 from vector<1xf32>
      %mul3A_1465 = arith.mulf %get3A_1455, %get3A_1455 : vector<16xf32>
      %mul3A_1466 = vector.broadcast %squeeze3A_1464 : f32 to vector<16xf32>
      %mul3A_1467 = arith.mulf %mul3A_1465, %mul3A_1466 : vector<16xf32>
      %sub3A_1468 = arith.subf %sub3A, %mul3A_1467 : vector<16xf32>
      %add3A_1469 = arith.constant 2 : i32
      %add3A_1470 = arith.addi %mul3A_1434, %add3A_1469 : i32
      %get3A_1471 = arith.index_cast %add3A_1470 : i32 to index
      %get3A_1472 = arith.constant 0 : index
      %get3A_1473 = tpu.vector_load %arg7[%get3A_1471, %get3A_1472] {strides = array<i32>} : memref<256x16xf32, #tpu.memory_space<vmem>>, vector<1x16xf32>,
      %get3A_1474 = vector.shape_cast %get3A_1473 : vector<1x16xf32> to vector<16xf32>
      %add3A_1475 = arith.constant 256 : i32
      %add3A_1476 = arith.addi %add3A_1475, %mul3A_1434 : i32
      %add3A_1477 = arith.constant 2 : i32
      %add3A_1478 = arith.addi %add3A_1476, %add3A_1477 : i32
      %get3A_1479 = arith.index_cast %add3A_1478 : i32 to index
      %get3A_1480 = tpu.vector_load %arg13[%get3A_1479] {strides = array<i32>} : memref<1040xf32, #tpu.memory_space<vmem>>, vector<16xf32>,
      %get3A_1481 = vector.shape_cast %get3A_1480 : vector<16xf32> to vector<16xf32>
      %slice3A_1482 = vector.extract_strided_slice %get3A_1481 {offsets = [0], sizes = [1], strides = [1]} : vector<16xf32> to vector<1xf32>
      %squeeze3A_1483 = vector.extract %slice3A_1482[0] : f32 from vector<1xf32>
      %mul3A_1484 = arith.mulf %get3A_1474, %get3A_1474 : vector<16xf32>
      %mul3A_1485 = vector.broadcast %squeeze3A_1483 : f32 to vector<16xf32>
      %mul3A_1486 = arith.mulf %mul3A_1484, %mul3A_1485 : vector<16xf32>
      %sub3A_1487 = arith.subf %sub3A_1468, %mul3A_1486 : vector<16xf32>
      %add3A_1488 = arith.constant 3 : i32
      %add3A_1489 = arith.addi %mul3A_1434, %add3A_1488 : i32
      %get3A_1490 = arith.index_cast %add3A_1489 : i32 to index
      %get3A_1491 = arith.constant 0 : index
      %get3A_1492 = tpu.vector_load %arg7[%get3A_1490, %get3A_1491] {strides = array<i32>} : memref<256x16xf32, #tpu.memory_space<vmem>>, vector<1x16xf32>,
      %get3A_1493 = vector.shape_cast %get3A_1492 : vector<1x16xf32> to vector<16xf32>
      %add3A_1494 = arith.constant 256 : i32
      %add3A_1495 = arith.addi %add3A_1494, %mul3A_1434 : i32
      %add3A_1496 = arith.constant 3 : i32
      %add3A_1497 = arith.addi %add3A_1495, %add3A_1496 : i32
      %get3A_1498 = arith.index_cast %add3A_1497 : i32 to index
      %get3A_1499 = tpu.vector_load %arg13[%get3A_1498] {strides = array<i32>} : memref<1040xf32, #tpu.memory_space<vmem>>, vector<16xf32>,
      %get3A_1500 = vector.shape_cast %get3A_1499 : vector<16xf32> to vector<16xf32>
      %slice3A_1501 = vector.extract_strided_slice %get3A_1500 {offsets = [0], sizes = [1], strides = [1]} : vector<16xf32> to vector<1xf32>
      %squeeze3A_1502 = vector.extract %slice3A_1501[0] : f32 from vector<1xf32>
      %mul3A_1503 = arith.mulf %get3A_1493, %get3A_1493 : vector<16xf32>
      %mul3A_1504 = vector.broadcast %squeeze3A_1502 : f32 to vector<16xf32>
      %mul3A_1505 = arith.mulf %mul3A_1503, %mul3A_1504 : vector<16xf32>
      %sub3A_1506 = arith.subf %sub3A_1487, %mul3A_1505 : vector<16xf32>
      scf.yield %sub3A_1506 : vector<16xf32>
    }
    %scan3A_964 = arith.constant 64 : i32
    %mul3A_965 = arith.constant 2 : i32
    %mul3A_966 = arith.muli %arg0, %mul3A_965 : i32
    %add3A_967 = arith.constant 1 : i32
    %add3A_968 = arith.addi %mul3A_966, %add3A_967 : i32
    %mul3A_969 = arith.constant 16 : i32
    %mul3A_970 = arith.muli %add3A_968, %mul3A_969 : i32
    %add3A_971 = arith.constant 256 : i32
    %add3A_972 = arith.addi %mul3A_0, %add3A_971 : i32
    %dma_start3A_973 = tpu.memref_slice %arg2[%add3A_972, %mul3A_970] : memref<16384x64xf32, #tpu.memory_space<hbm>> -> memref<256x16xf32, #tpu.memory_space<hbm>>
    %dma_start3A_974 = tpu.memref_slice %arg2[%add3A_972, %mul3A_970] : memref<16384x64xf32, #tpu.memory_space<hbm>> -> memref<256x16xf32, #tpu.memory_space<hbm>>
    tpu.enqueue_dma source(%dma_start3A_974 : memref<256x16xf32, #tpu.memory_space<hbm>>) target(%arg7 : memref<256x16xf32, #tpu.memory_space<vmem>>) target_semaphore(%arg16 : memref<!tpu.dma_semaphore, #tpu.memory_space<semaphore_mem>>)
    %scan3A_975 = arith.constant 0 : i32
    %scan3A_976 = arith.constant 64 : i32
    %scan3A_977 = arith.addi %scan3A_975, %scan3A_976 : i32
    %scan3A_978 = arith.constant 1 : i32
    %scan3A_979 = scf.for %scan3A_1431 = %scan3A_975 to %scan3A_977 step %scan3A_978 iter_args(%scan3A_1432 = %scan3A_963) -> (vector<16xf32>)  : i32 {
      %mul3A_1433 = arith.constant 4 : i32
      %mul3A_1434 = arith.muli %scan3A_1431, %mul3A_1433 : i32
      %add3A_1435 = arith.constant 0 : i32
      %add3A_1436 = arith.addi %mul3A_1434, %add3A_1435 : i32
      %get3A = arith.index_cast %add3A_1436 : i32 to index
      %get3A_1437 = arith.constant 0 : index
      %get3A_1438 = tpu.vector_load %arg8[%get3A, %get3A_1437] {strides = array<i32>} : memref<256x16xf32, #tpu.memory_space<vmem>>, vector<1x16xf32>,
      %get3A_1439 = vector.shape_cast %get3A_1438 : vector<1x16xf32> to vector<16xf32>
      %add3A_1440 = arith.constant 512 : i32
      %add3A_1441 = arith.addi %add3A_1440, %mul3A_1434 : i32
      %add3A_1442 = arith.constant 0 : i32
      %add3A_1443 = arith.addi %add3A_1441, %add3A_1442 : i32
      %get3A_1444 = arith.index_cast %add3A_1443 : i32 to index
      %get3A_1445 = tpu.vector_load %arg13[%get3A_1444] {strides = array<i32>} : memref<1040xf32, #tpu.memory_space<vmem>>, vector<16xf32>,
      %get3A_1446 = vector.shape_cast %get3A_1445 : vector<16xf32> to vector<16xf32>
      %slice3A = vector.extract_strided_slice %get3A_1446 {offsets = [0], sizes = [1], strides = [1]} : vector<16xf32> to vector<1xf32>
      %squeeze3A = vector.extract %slice3A[0] : f32 from vector<1xf32>
      %mul3A_1447 = arith.mulf %get3A_1439, %get3A_1439 : vector<16xf32>
      %mul3A_1448 = vector.broadcast %squeeze3A : f32 to vector<16xf32>
      %mul3A_1449 = arith.mulf %mul3A_1447, %mul3A_1448 : vector<16xf32>
      %sub3A = arith.subf %scan3A_1432, %mul3A_1449 : vector<16xf32>
      %add3A_1450 = arith.constant 1 : i32
      %add3A_1451 = arith.addi %mul3A_1434, %add3A_1450 : i32
      %get3A_1452 = arith.index_cast %add3A_1451 : i32 to index
      %get3A_1453 = arith.constant 0 : index
      %get3A_1454 = tpu.vector_load %arg8[%get3A_1452, %get3A_1453] {strides = array<i32>} : memref<256x16xf32, #tpu.memory_space<vmem>>, vector<1x16xf32>,
      %get3A_1455 = vector.shape_cast %get3A_1454 : vector<1x16xf32> to vector<16xf32>
      %add3A_1456 = arith.constant 512 : i32
      %add3A_1457 = arith.addi %add3A_1456, %mul3A_1434 : i32
      %add3A_1458 = arith.constant 1 : i32
      %add3A_1459 = arith.addi %add3A_1457, %add3A_1458 : i32
      %get3A_1460 = arith.index_cast %add3A_1459 : i32 to index
      %get3A_1461 = tpu.vector_load %arg13[%get3A_1460] {strides = array<i32>} : memref<1040xf32, #tpu.memory_space<vmem>>, vector<16xf32>,
      %get3A_1462 = vector.shape_cast %get3A_1461 : vector<16xf32> to vector<16xf32>
      %slice3A_1463 = vector.extract_strided_slice %get3A_1462 {offsets = [0], sizes = [1], strides = [1]} : vector<16xf32> to vector<1xf32>
      %squeeze3A_1464 = vector.extract %slice3A_1463[0] : f32 from vector<1xf32>
      %mul3A_1465 = arith.mulf %get3A_1455, %get3A_1455 : vector<16xf32>
      %mul3A_1466 = vector.broadcast %squeeze3A_1464 : f32 to vector<16xf32>
      %mul3A_1467 = arith.mulf %mul3A_1465, %mul3A_1466 : vector<16xf32>
      %sub3A_1468 = arith.subf %sub3A, %mul3A_1467 : vector<16xf32>
      %add3A_1469 = arith.constant 2 : i32
      %add3A_1470 = arith.addi %mul3A_1434, %add3A_1469 : i32
      %get3A_1471 = arith.index_cast %add3A_1470 : i32 to index
      %get3A_1472 = arith.constant 0 : index
      %get3A_1473 = tpu.vector_load %arg8[%get3A_1471, %get3A_1472] {strides = array<i32>} : memref<256x16xf32, #tpu.memory_space<vmem>>, vector<1x16xf32>,
      %get3A_1474 = vector.shape_cast %get3A_1473 : vector<1x16xf32> to vector<16xf32>
      %add3A_1475 = arith.constant 512 : i32
      %add3A_1476 = arith.addi %add3A_1475, %mul3A_1434 : i32
      %add3A_1477 = arith.constant 2 : i32
      %add3A_1478 = arith.addi %add3A_1476, %add3A_1477 : i32
      %get3A_1479 = arith.index_cast %add3A_1478 : i32 to index
      %get3A_1480 = tpu.vector_load %arg13[%get3A_1479] {strides = array<i32>} : memref<1040xf32, #tpu.memory_space<vmem>>, vector<16xf32>,
      %get3A_1481 = vector.shape_cast %get3A_1480 : vector<16xf32> to vector<16xf32>
      %slice3A_1482 = vector.extract_strided_slice %get3A_1481 {offsets = [0], sizes = [1], strides = [1]} : vector<16xf32> to vector<1xf32>
      %squeeze3A_1483 = vector.extract %slice3A_1482[0] : f32 from vector<1xf32>
      %mul3A_1484 = arith.mulf %get3A_1474, %get3A_1474 : vector<16xf32>
      %mul3A_1485 = vector.broadcast %squeeze3A_1483 : f32 to vector<16xf32>
      %mul3A_1486 = arith.mulf %mul3A_1484, %mul3A_1485 : vector<16xf32>
      %sub3A_1487 = arith.subf %sub3A_1468, %mul3A_1486 : vector<16xf32>
      %add3A_1488 = arith.constant 3 : i32
      %add3A_1489 = arith.addi %mul3A_1434, %add3A_1488 : i32
      %get3A_1490 = arith.index_cast %add3A_1489 : i32 to index
      %get3A_1491 = arith.constant 0 : index
      %get3A_1492 = tpu.vector_load %arg8[%get3A_1490, %get3A_1491] {strides = array<i32>} : memref<256x16xf32, #tpu.memory_space<vmem>>, vector<1x16xf32>,
      %get3A_1493 = vector.shape_cast %get3A_1492 : vector<1x16xf32> to vector<16xf32>
      %add3A_1494 = arith.constant 512 : i32
      %add3A_1495 = arith.addi %add3A_1494, %mul3A_1434 : i32
      %add3A_1496 = arith.constant 3 : i32
      %add3A_1497 = arith.addi %add3A_1495, %add3A_1496 : i32
      %get3A_1498 = arith.index_cast %add3A_1497 : i32 to index
      %get3A_1499 = tpu.vector_load %arg13[%get3A_1498] {strides = array<i32>} : memref<1040xf32, #tpu.memory_space<vmem>>, vector<16xf32>,
      %get3A_1500 = vector.shape_cast %get3A_1499 : vector<16xf32> to vector<16xf32>
      %slice3A_1501 = vector.extract_strided_slice %get3A_1500 {offsets = [0], sizes = [1], strides = [1]} : vector<16xf32> to vector<1xf32>
      %squeeze3A_1502 = vector.extract %slice3A_1501[0] : f32 from vector<1xf32>
      %mul3A_1503 = arith.mulf %get3A_1493, %get3A_1493 : vector<16xf32>
      %mul3A_1504 = vector.broadcast %squeeze3A_1502 : f32 to vector<16xf32>
      %mul3A_1505 = arith.mulf %mul3A_1503, %mul3A_1504 : vector<16xf32>
      %sub3A_1506 = arith.subf %sub3A_1487, %mul3A_1505 : vector<16xf32>
      scf.yield %sub3A_1506 : vector<16xf32>
    }
    %scan3A_980 = arith.constant 64 : i32
    %mul3A_981 = arith.constant 2 : i32
    %mul3A_982 = arith.muli %arg0, %mul3A_981 : i32
    %add3A_983 = arith.constant 1 : i32
    %add3A_984 = arith.addi %mul3A_982, %add3A_983 : i32
    %mul3A_985 = arith.constant 16 : i32
    %mul3A_986 = arith.muli %add3A_984, %mul3A_985 : i32
    %add3A_987 = arith.constant 512 : i32
    %add3A_988 = arith.addi %mul3A_0, %add3A_987 : i32
    %dma_start3A_989 = tpu.memref_slice %arg2[%add3A_988, %mul3A_986] : memref<16384x64xf32, #tpu.memory_space<hbm>> -> memref<256x16xf32, #tpu.memory_space<hbm>>
    %dma_start3A_990 = tpu.memref_slice %arg2[%add3A_988, %mul3A_986] : memref<16384x64xf32, #tpu.memory_space<hbm>> -> memref<256x16xf32, #tpu.memory_space<hbm>>
    tpu.enqueue_dma source(%dma_start3A_990 : memref<256x16xf32, #tpu.memory_space<hbm>>) target(%arg8 : memref<256x16xf32, #tpu.memory_space<vmem>>) target_semaphore(%arg17 : memref<!tpu.dma_semaphore, #tpu.memory_space<semaphore_mem>>)
    %scan3A_991 = arith.constant 0 : i32
    %scan3A_992 = arith.constant 64 : i32
    %scan3A_993 = arith.addi %scan3A_991, %scan3A_992 : i32
    %scan3A_994 = arith.constant 1 : i32
    %scan3A_995 = scf.for %scan3A_1431 = %scan3A_991 to %scan3A_993 step %scan3A_994 iter_args(%scan3A_1432 = %scan3A_979) -> (vector<16xf32>)  : i32 {
      %mul3A_1433 = arith.constant 4 : i32
      %mul3A_1434 = arith.muli %scan3A_1431, %mul3A_1433 : i32
      %add3A_1435 = arith.constant 0 : i32
      %add3A_1436 = arith.addi %mul3A_1434, %add3A_1435 : i32
      %get3A = arith.index_cast %add3A_1436 : i32 to index
      %get3A_1437 = arith.constant 0 : index
      %get3A_1438 = tpu.vector_load %arg9[%get3A, %get3A_1437] {strides = array<i32>} : memref<256x16xf32, #tpu.memory_space<vmem>>, vector<1x16xf32>,
      %get3A_1439 = vector.shape_cast %get3A_1438 : vector<1x16xf32> to vector<16xf32>
      %add3A_1440 = arith.constant 768 : i32
      %add3A_1441 = arith.addi %add3A_1440, %mul3A_1434 : i32
      %add3A_1442 = arith.constant 0 : i32
      %add3A_1443 = arith.addi %add3A_1441, %add3A_1442 : i32
      %get3A_1444 = arith.index_cast %add3A_1443 : i32 to index
      %get3A_1445 = tpu.vector_load %arg13[%get3A_1444] {strides = array<i32>} : memref<1040xf32, #tpu.memory_space<vmem>>, vector<16xf32>,
      %get3A_1446 = vector.shape_cast %get3A_1445 : vector<16xf32> to vector<16xf32>
      %slice3A = vector.extract_strided_slice %get3A_1446 {offsets = [0], sizes = [1], strides = [1]} : vector<16xf32> to vector<1xf32>
      %squeeze3A = vector.extract %slice3A[0] : f32 from vector<1xf32>
      %mul3A_1447 = arith.mulf %get3A_1439, %get3A_1439 : vector<16xf32>
      %mul3A_1448 = vector.broadcast %squeeze3A : f32 to vector<16xf32>
      %mul3A_1449 = arith.mulf %mul3A_1447, %mul3A_1448 : vector<16xf32>
      %sub3A = arith.subf %scan3A_1432, %mul3A_1449 : vector<16xf32>
      %add3A_1450 = arith.constant 1 : i32
      %add3A_1451 = arith.addi %mul3A_1434, %add3A_1450 : i32
      %get3A_1452 = arith.index_cast %add3A_1451 : i32 to index
      %get3A_1453 = arith.constant 0 : index
      %get3A_1454 = tpu.vector_load %arg9[%get3A_1452, %get3A_1453] {strides = array<i32>} : memref<256x16xf32, #tpu.memory_space<vmem>>, vector<1x16xf32>,
      %get3A_1455 = vector.shape_cast %get3A_1454 : vector<1x16xf32> to vector<16xf32>
      %add3A_1456 = arith.constant 768 : i32
      %add3A_1457 = arith.addi %add3A_1456, %mul3A_1434 : i32
      %add3A_1458 = arith.constant 1 : i32
      %add3A_1459 = arith.addi %add3A_1457, %add3A_1458 : i32
      %get3A_1460 = arith.index_cast %add3A_1459 : i32 to index
      %get3A_1461 = tpu.vector_load %arg13[%get3A_1460] {strides = array<i32>} : memref<1040xf32, #tpu.memory_space<vmem>>, vector<16xf32>,
      %get3A_1462 = vector.shape_cast %get3A_1461 : vector<16xf32> to vector<16xf32>
      %slice3A_1463 = vector.extract_strided_slice %get3A_1462 {offsets = [0], sizes = [1], strides = [1]} : vector<16xf32> to vector<1xf32>
      %squeeze3A_1464 = vector.extract %slice3A_1463[0] : f32 from vector<1xf32>
      %mul3A_1465 = arith.mulf %get3A_1455, %get3A_1455 : vector<16xf32>
      %mul3A_1466 = vector.broadcast %squeeze3A_1464 : f32 to vector<16xf32>
      %mul3A_1467 = arith.mulf %mul3A_1465, %mul3A_1466 : vector<16xf32>
      %sub3A_1468 = arith.subf %sub3A, %mul3A_1467 : vector<16xf32>
      %add3A_1469 = arith.constant 2 : i32
      %add3A_1470 = arith.addi %mul3A_1434, %add3A_1469 : i32
      %get3A_1471 = arith.index_cast %add3A_1470 : i32 to index
      %get3A_1472 = arith.constant 0 : index
      %get3A_1473 = tpu.vector_load %arg9[%get3A_1471, %get3A_1472] {strides = array<i32>} : memref<256x16xf32, #tpu.memory_space<vmem>>, vector<1x16xf32>,
      %get3A_1474 = vector.shape_cast %get3A_1473 : vector<1x16xf32> to vector<16xf32>
      %add3A_1475 = arith.constant 768 : i32
      %add3A_1476 = arith.addi %add3A_1475, %mul3A_1434 : i32
      %add3A_1477 = arith.constant 2 : i32
      %add3A_1478 = arith.addi %add3A_1476, %add3A_1477 : i32
      %get3A_1479 = arith.index_cast %add3A_1478 : i32 to index
      %get3A_1480 = tpu.vector_load %arg13[%get3A_1479] {strides = array<i32>} : memref<1040xf32, #tpu.memory_space<vmem>>, vector<16xf32>,
      %get3A_1481 = vector.shape_cast %get3A_1480 : vector<16xf32> to vector<16xf32>
      %slice3A_1482 = vector.extract_strided_slice %get3A_1481 {offsets = [0], sizes = [1], strides = [1]} : vector<16xf32> to vector<1xf32>
      %squeeze3A_1483 = vector.extract %slice3A_1482[0] : f32 from vector<1xf32>
      %mul3A_1484 = arith.mulf %get3A_1474, %get3A_1474 : vector<16xf32>
      %mul3A_1485 = vector.broadcast %squeeze3A_1483 : f32 to vector<16xf32>
      %mul3A_1486 = arith.mulf %mul3A_1484, %mul3A_1485 : vector<16xf32>
      %sub3A_1487 = arith.subf %sub3A_1468, %mul3A_1486 : vector<16xf32>
      %add3A_1488 = arith.constant 3 : i32
      %add3A_1489 = arith.addi %mul3A_1434, %add3A_1488 : i32
      %get3A_1490 = arith.index_cast %add3A_1489 : i32 to index
      %get3A_1491 = arith.constant 0 : index
      %get3A_1492 = tpu.vector_load %arg9[%get3A_1490, %get3A_1491] {strides = array<i32>} : memref<256x16xf32, #tpu.memory_space<vmem>>, vector<1x16xf32>,
      %get3A_1493 = vector.shape_cast %get3A_1492 : vector<1x16xf32> to vector<16xf32>
      %add3A_1494 = arith.constant 768 : i32
      %add3A_1495 = arith.addi %add3A_1494, %mul3A_1434 : i32
      %add3A_1496 = arith.constant 3 : i32
      %add3A_1497 = arith.addi %add3A_1495, %add3A_1496 : i32
      %get3A_1498 = arith.index_cast %add3A_1497 : i32 to index
      %get3A_1499 = tpu.vector_load %arg13[%get3A_1498] {strides = array<i32>} : memref<1040xf32, #tpu.memory_space<vmem>>, vector<16xf32>,
      %get3A_1500 = vector.shape_cast %get3A_1499 : vector<16xf32> to vector<16xf32>
      %slice3A_1501 = vector.extract_strided_slice %get3A_1500 {offsets = [0], sizes = [1], strides = [1]} : vector<16xf32> to vector<1xf32>
      %squeeze3A_1502 = vector.extract %slice3A_1501[0] : f32 from vector<1xf32>
      %mul3A_1503 = arith.mulf %get3A_1493, %get3A_1493 : vector<16xf32>
      %mul3A_1504 = vector.broadcast %squeeze3A_1502 : f32 to vector<16xf32>
      %mul3A_1505 = arith.mulf %mul3A_1503, %mul3A_1504 : vector<16xf32>
      %sub3A_1506 = arith.subf %sub3A_1487, %mul3A_1505 : vector<16xf32>
      scf.yield %sub3A_1506 : vector<16xf32>
    }
    %scan3A_996 = arith.constant 64 : i32
    %mul3A_997 = arith.constant 2 : i32
    %mul3A_998 = arith.muli %arg0, %mul3A_997 : i32
    %add3A_999 = arith.constant 1 : i32
    %add3A_1000 = arith.addi %mul3A_998, %add3A_999 : i32
    %mul3A_1001 = arith.constant 16 : i32
    %mul3A_1002 = arith.muli %add3A_1000, %mul3A_1001 : i32
    %add3A_1003 = arith.constant 768 : i32
    %add3A_1004 = arith.addi %mul3A_0, %add3A_1003 : i32
    %dma_start3A_1005 = tpu.memref_slice %arg2[%add3A_1004, %mul3A_1002] : memref<16384x64xf32, #tpu.memory_space<hbm>> -> memref<256x16xf32, #tpu.memory_space<hbm>>
    %dma_start3A_1006 = tpu.memref_slice %arg2[%add3A_1004, %mul3A_1002] : memref<16384x64xf32, #tpu.memory_space<hbm>> -> memref<256x16xf32, #tpu.memory_space<hbm>>
    tpu.enqueue_dma source(%dma_start3A_1006 : memref<256x16xf32, #tpu.memory_space<hbm>>) target(%arg9 : memref<256x16xf32, #tpu.memory_space<vmem>>) target_semaphore(%arg18 : memref<!tpu.dma_semaphore, #tpu.memory_space<semaphore_mem>>)
    %dma_wait3A_1007 = arith.constant 0 : i32
    %dma_wait3A_1008 = arith.constant 0 : i32
    %dma_wait3A_1009 = tpu.memref_slice %arg5[%dma_wait3A_1007, %dma_wait3A_1008] : memref<8x128xi32, #tpu.memory_space<vmem>> -> memref<1x128xi32, #tpu.memory_space<vmem>>
    %dma_wait3A_1010 = tpu.memref_squeeze %dma_wait3A_1009 : memref<1x128xi32, #tpu.memory_space<vmem>> -> memref<128xi32, #tpu.memory_space<vmem>>
    %dma_wait3A_1011 = arith.constant 0 : i32
    %dma_wait3A_1012 = arith.constant 0 : i32
    %dma_wait3A_1013 = tpu.memref_slice %arg21[%dma_wait3A_1011, %dma_wait3A_1012] : memref<100000x16xf32, #tpu.memory_space<vmem_shared>> -> memref<100000x16xf32, #tpu.memory_space<vmem_shared>>
    tpu.wait_indirect_dma semaphore(%arg19 : memref<!tpu.dma_semaphore, #tpu.memory_space<semaphore_mem>>) src(%arg10 : memref<128x16xf32, #tpu.memory_space<vmem>>) dst(%dma_wait3A_1013 : memref<100000x16xf32, #tpu.memory_space<vmem_shared>>)
    %dma_wait3A_1014 = arith.constant 1 : i32
    %dma_wait3A_1015 = arith.constant 0 : i32
    %dma_wait3A_1016 = tpu.memref_slice %arg5[%dma_wait3A_1014, %dma_wait3A_1015] : memref<8x128xi32, #tpu.memory_space<vmem>> -> memref<1x128xi32, #tpu.memory_space<vmem>>
    %dma_wait3A_1017 = tpu.memref_squeeze %dma_wait3A_1016 : memref<1x128xi32, #tpu.memory_space<vmem>> -> memref<128xi32, #tpu.memory_space<vmem>>
    %dma_wait3A_1018 = arith.constant 0 : i32
    %dma_wait3A_1019 = arith.constant 0 : i32
    %dma_wait3A_1020 = tpu.memref_slice %arg21[%dma_wait3A_1018, %dma_wait3A_1019] : memref<100000x16xf32, #tpu.memory_space<vmem_shared>> -> memref<100000x16xf32, #tpu.memory_space<vmem_shared>>
    tpu.wait_indirect_dma semaphore(%arg19 : memref<!tpu.dma_semaphore, #tpu.memory_space<semaphore_mem>>) src(%arg10 : memref<128x16xf32, #tpu.memory_space<vmem>>) dst(%dma_wait3A_1020 : memref<100000x16xf32, #tpu.memory_space<vmem_shared>>)
    %dma_wait3A_1021 = arith.constant 2 : i32
    %dma_wait3A_1022 = arith.constant 0 : i32
    %dma_wait3A_1023 = tpu.memref_slice %arg5[%dma_wait3A_1021, %dma_wait3A_1022] : memref<8x128xi32, #tpu.memory_space<vmem>> -> memref<1x128xi32, #tpu.memory_space<vmem>>
    %dma_wait3A_1024 = tpu.memref_squeeze %dma_wait3A_1023 : memref<1x128xi32, #tpu.memory_space<vmem>> -> memref<128xi32, #tpu.memory_space<vmem>>
    %dma_wait3A_1025 = arith.constant 0 : i32
    %dma_wait3A_1026 = arith.constant 0 : i32
    %dma_wait3A_1027 = tpu.memref_slice %arg21[%dma_wait3A_1025, %dma_wait3A_1026] : memref<100000x16xf32, #tpu.memory_space<vmem_shared>> -> memref<100000x16xf32, #tpu.memory_space<vmem_shared>>
    tpu.wait_indirect_dma semaphore(%arg19 : memref<!tpu.dma_semaphore, #tpu.memory_space<semaphore_mem>>) src(%arg10 : memref<128x16xf32, #tpu.memory_space<vmem>>) dst(%dma_wait3A_1027 : memref<100000x16xf32, #tpu.memory_space<vmem_shared>>)
    %dma_wait3A_1028 = arith.constant 3 : i32
    %dma_wait3A_1029 = arith.constant 0 : i32
    %dma_wait3A_1030 = tpu.memref_slice %arg5[%dma_wait3A_1028, %dma_wait3A_1029] : memref<8x128xi32, #tpu.memory_space<vmem>> -> memref<1x128xi32, #tpu.memory_space<vmem>>
    %dma_wait3A_1031 = tpu.memref_squeeze %dma_wait3A_1030 : memref<1x128xi32, #tpu.memory_space<vmem>> -> memref<128xi32, #tpu.memory_space<vmem>>
    %dma_wait3A_1032 = arith.constant 0 : i32
    %dma_wait3A_1033 = arith.constant 0 : i32
    %dma_wait3A_1034 = tpu.memref_slice %arg21[%dma_wait3A_1032, %dma_wait3A_1033] : memref<100000x16xf32, #tpu.memory_space<vmem_shared>> -> memref<100000x16xf32, #tpu.memory_space<vmem_shared>>
    tpu.wait_indirect_dma semaphore(%arg19 : memref<!tpu.dma_semaphore, #tpu.memory_space<semaphore_mem>>) src(%arg10 : memref<128x16xf32, #tpu.memory_space<vmem>>) dst(%dma_wait3A_1034 : memref<100000x16xf32, #tpu.memory_space<vmem_shared>>)
    %dma_wait3A_1035 = arith.constant 4 : i32
    %dma_wait3A_1036 = arith.constant 0 : i32
    %dma_wait3A_1037 = tpu.memref_slice %arg5[%dma_wait3A_1035, %dma_wait3A_1036] : memref<8x128xi32, #tpu.memory_space<vmem>> -> memref<1x128xi32, #tpu.memory_space<vmem>>
    %dma_wait3A_1038 = tpu.memref_squeeze %dma_wait3A_1037 : memref<1x128xi32, #tpu.memory_space<vmem>> -> memref<128xi32, #tpu.memory_space<vmem>>
    %dma_wait3A_1039 = arith.constant 0 : i32
    %dma_wait3A_1040 = arith.constant 0 : i32
    %dma_wait3A_1041 = tpu.memref_slice %arg21[%dma_wait3A_1039, %dma_wait3A_1040] : memref<100000x16xf32, #tpu.memory_space<vmem_shared>> -> memref<100000x16xf32, #tpu.memory_space<vmem_shared>>
    tpu.wait_indirect_dma semaphore(%arg19 : memref<!tpu.dma_semaphore, #tpu.memory_space<semaphore_mem>>) src(%arg10 : memref<128x16xf32, #tpu.memory_space<vmem>>) dst(%dma_wait3A_1041 : memref<100000x16xf32, #tpu.memory_space<vmem_shared>>)
    %dma_wait3A_1042 = arith.constant 5 : i32
    %dma_wait3A_1043 = arith.constant 0 : i32
    %dma_wait3A_1044 = tpu.memref_slice %arg5[%dma_wait3A_1042, %dma_wait3A_1043] : memref<8x128xi32, #tpu.memory_space<vmem>> -> memref<1x128xi32, #tpu.memory_space<vmem>>
    %dma_wait3A_1045 = tpu.memref_squeeze %dma_wait3A_1044 : memref<1x128xi32, #tpu.memory_space<vmem>> -> memref<128xi32, #tpu.memory_space<vmem>>
    %dma_wait3A_1046 = arith.constant 0 : i32
    %dma_wait3A_1047 = arith.constant 0 : i32
    %dma_wait3A_1048 = tpu.memref_slice %arg21[%dma_wait3A_1046, %dma_wait3A_1047] : memref<100000x16xf32, #tpu.memory_space<vmem_shared>> -> memref<100000x16xf32, #tpu.memory_space<vmem_shared>>
    tpu.wait_indirect_dma semaphore(%arg19 : memref<!tpu.dma_semaphore, #tpu.memory_space<semaphore_mem>>) src(%arg10 : memref<128x16xf32, #tpu.memory_space<vmem>>) dst(%dma_wait3A_1048 : memref<100000x16xf32, #tpu.memory_space<vmem_shared>>)
    %dma_wait3A_1049 = arith.constant 6 : i32
    %dma_wait3A_1050 = arith.constant 0 : i32
    %dma_wait3A_1051 = tpu.memref_slice %arg5[%dma_wait3A_1049, %dma_wait3A_1050] : memref<8x128xi32, #tpu.memory_space<vmem>> -> memref<1x128xi32, #tpu.memory_space<vmem>>
    %dma_wait3A_1052 = tpu.memref_squeeze %dma_wait3A_1051 : memref<1x128xi32, #tpu.memory_space<vmem>> -> memref<128xi32, #tpu.memory_space<vmem>>
    %dma_wait3A_1053 = arith.constant 0 : i32
    %dma_wait3A_1054 = arith.constant 0 : i32
    %dma_wait3A_1055 = tpu.memref_slice %arg21[%dma_wait3A_1053, %dma_wait3A_1054] : memref<100000x16xf32, #tpu.memory_space<vmem_shared>> -> memref<100000x16xf32, #tpu.memory_space<vmem_shared>>
    tpu.wait_indirect_dma semaphore(%arg19 : memref<!tpu.dma_semaphore, #tpu.memory_space<semaphore_mem>>) src(%arg10 : memref<128x16xf32, #tpu.memory_space<vmem>>) dst(%dma_wait3A_1055 : memref<100000x16xf32, #tpu.memory_space<vmem_shared>>)
    %dma_wait3A_1056 = arith.constant 7 : i32
    %dma_wait3A_1057 = arith.constant 0 : i32
    %dma_wait3A_1058 = tpu.memref_slice %arg5[%dma_wait3A_1056, %dma_wait3A_1057] : memref<8x128xi32, #tpu.memory_space<vmem>> -> memref<1x128xi32, #tpu.memory_space<vmem>>
    %dma_wait3A_1059 = tpu.memref_squeeze %dma_wait3A_1058 : memref<1x128xi32, #tpu.memory_space<vmem>> -> memref<128xi32, #tpu.memory_space<vmem>>
    %dma_wait3A_1060 = arith.constant 0 : i32
    %dma_wait3A_1061 = arith.constant 0 : i32
    %dma_wait3A_1062 = tpu.memref_slice %arg21[%dma_wait3A_1060, %dma_wait3A_1061] : memref<100000x16xf32, #tpu.memory_space<vmem_shared>> -> memref<100000x16xf32, #tpu.memory_space<vmem_shared>>
    tpu.wait_indirect_dma semaphore(%arg19 : memref<!tpu.dma_semaphore, #tpu.memory_space<semaphore_mem>>) src(%arg10 : memref<128x16xf32, #tpu.memory_space<vmem>>) dst(%dma_wait3A_1062 : memref<100000x16xf32, #tpu.memory_space<vmem_shared>>)
    %barrier3A_1063 = arith.constant 0 : index
    tpu.barrier barrier_id(%barrier3A_1063)
    %mul3A_1064 = arith.constant 2 : i32
    %mul3A_1065 = arith.muli %arg0, %mul3A_1064 : i32
    %add3A_1066 = arith.constant 1 : i32
    %add3A_1067 = arith.addi %mul3A_1065, %add3A_1066 : i32
    %mul3A_1068 = arith.constant 16 : i32
    %mul3A_1069 = arith.muli %add3A_1067, %mul3A_1068 : i32
    %dma_wait3A_1070 = tpu.memref_slice %arg2[%add3A_956, %mul3A_954] : memref<16384x64xf32, #tpu.memory_space<hbm>> -> memref<256x16xf32, #tpu.memory_space<hbm>>
    %dma_wait3A_1071 = tpu.memref_slice %arg2[%add3A_956, %mul3A_954] : memref<16384x64xf32, #tpu.memory_space<hbm>> -> memref<256x16xf32, #tpu.memory_space<hbm>>
    tpu.wait_dma2 semaphore(%arg15 : memref<!tpu.dma_semaphore, #tpu.memory_space<semaphore_mem>>) src(%dma_wait3A_1071 : memref<256x16xf32, #tpu.memory_space<hbm>>) dst(%arg6 : memref<256x16xf32, #tpu.memory_space<vmem>>)
    %dma_start3A_1072 = arith.constant 0 : i32
    %dma_start3A_1073 = arith.constant 0 : i32
    %dma_start3A_1074 = arith.constant 0 : i32
    %dma_start3A_1075 = tpu.memref_slice %arg6[%dma_start3A_1073, %dma_start3A_1074] : memref<256x16xf32, #tpu.memory_space<vmem>> -> memref<128x16xf32, #tpu.memory_space<vmem>>
    %dma_start3A_1076 = arith.constant 0 : i32
    %dma_start3A_1077 = tpu.memref_slice %arg5[%dma_start3A_1072, %dma_start3A_1076] : memref<8x128xi32, #tpu.memory_space<vmem>> -> memref<1x128xi32, #tpu.memory_space<vmem>>
    %dma_start3A_1078 = tpu.memref_squeeze %dma_start3A_1077 : memref<1x128xi32, #tpu.memory_space<vmem>> -> memref<128xi32, #tpu.memory_space<vmem>>
    %dma_start3A_1079 = arith.constant 0 : i32
    %dma_start3A_1080 = arith.constant 0 : i32
    %dma_start3A_1081 = tpu.memref_slice %arg21[%dma_start3A_1079, %dma_start3A_1080] : memref<100000x16xf32, #tpu.memory_space<vmem_shared>> -> memref<100000x16xf32, #tpu.memory_space<vmem_shared>>
    tpu.enqueue_indirect_dma source(%dma_start3A_1075 : memref<128x16xf32, #tpu.memory_space<vmem>>) target(%dma_start3A_1081 : memref<100000x16xf32, #tpu.memory_space<vmem_shared>>) offsets(%dma_start3A_1078 : memref<128xi32, #tpu.memory_space<vmem>>) semaphore(%arg19 : memref<!tpu.dma_semaphore, #tpu.memory_space<semaphore_mem>>) {add = true}
    %dma_start3A_1082 = arith.constant 1 : i32
    %dma_start3A_1083 = arith.constant 128 : i32
    %dma_start3A_1084 = arith.constant 0 : i32
    %dma_start3A_1085 = tpu.memref_slice %arg6[%dma_start3A_1083, %dma_start3A_1084] : memref<256x16xf32, #tpu.memory_space<vmem>> -> memref<128x16xf32, #tpu.memory_space<vmem>>
    %dma_start3A_1086 = arith.constant 0 : i32
    %dma_start3A_1087 = tpu.memref_slice %arg5[%dma_start3A_1082, %dma_start3A_1086] : memref<8x128xi32, #tpu.memory_space<vmem>> -> memref<1x128xi32, #tpu.memory_space<vmem>>
    %dma_start3A_1088 = tpu.memref_squeeze %dma_start3A_1087 : memref<1x128xi32, #tpu.memory_space<vmem>> -> memref<128xi32, #tpu.memory_space<vmem>>
    %dma_start3A_1089 = arith.constant 0 : i32
    %dma_start3A_1090 = arith.constant 0 : i32
    %dma_start3A_1091 = tpu.memref_slice %arg21[%dma_start3A_1089, %dma_start3A_1090] : memref<100000x16xf32, #tpu.memory_space<vmem_shared>> -> memref<100000x16xf32, #tpu.memory_space<vmem_shared>>
    tpu.enqueue_indirect_dma source(%dma_start3A_1085 : memref<128x16xf32, #tpu.memory_space<vmem>>) target(%dma_start3A_1091 : memref<100000x16xf32, #tpu.memory_space<vmem_shared>>) offsets(%dma_start3A_1088 : memref<128xi32, #tpu.memory_space<vmem>>) semaphore(%arg19 : memref<!tpu.dma_semaphore, #tpu.memory_space<semaphore_mem>>) {add = true}
    %dma_wait3A_1092 = tpu.memref_slice %arg2[%add3A_972, %mul3A_970] : memref<16384x64xf32, #tpu.memory_space<hbm>> -> memref<256x16xf32, #tpu.memory_space<hbm>>
    %dma_wait3A_1093 = tpu.memref_slice %arg2[%add3A_972, %mul3A_970] : memref<16384x64xf32, #tpu.memory_space<hbm>> -> memref<256x16xf32, #tpu.memory_space<hbm>>
    tpu.wait_dma2 semaphore(%arg16 : memref<!tpu.dma_semaphore, #tpu.memory_space<semaphore_mem>>) src(%dma_wait3A_1093 : memref<256x16xf32, #tpu.memory_space<hbm>>) dst(%arg7 : memref<256x16xf32, #tpu.memory_space<vmem>>)
    %dma_start3A_1094 = arith.constant 2 : i32
    %dma_start3A_1095 = arith.constant 0 : i32
    %dma_start3A_1096 = arith.constant 0 : i32
    %dma_start3A_1097 = tpu.memref_slice %arg7[%dma_start3A_1095, %dma_start3A_1096] : memref<256x16xf32, #tpu.memory_space<vmem>> -> memref<128x16xf32, #tpu.memory_space<vmem>>
    %dma_start3A_1098 = arith.constant 0 : i32
    %dma_start3A_1099 = tpu.memref_slice %arg5[%dma_start3A_1094, %dma_start3A_1098] : memref<8x128xi32, #tpu.memory_space<vmem>> -> memref<1x128xi32, #tpu.memory_space<vmem>>
    %dma_start3A_1100 = tpu.memref_squeeze %dma_start3A_1099 : memref<1x128xi32, #tpu.memory_space<vmem>> -> memref<128xi32, #tpu.memory_space<vmem>>
    %dma_start3A_1101 = arith.constant 0 : i32
    %dma_start3A_1102 = arith.constant 0 : i32
    %dma_start3A_1103 = tpu.memref_slice %arg21[%dma_start3A_1101, %dma_start3A_1102] : memref<100000x16xf32, #tpu.memory_space<vmem_shared>> -> memref<100000x16xf32, #tpu.memory_space<vmem_shared>>
    tpu.enqueue_indirect_dma source(%dma_start3A_1097 : memref<128x16xf32, #tpu.memory_space<vmem>>) target(%dma_start3A_1103 : memref<100000x16xf32, #tpu.memory_space<vmem_shared>>) offsets(%dma_start3A_1100 : memref<128xi32, #tpu.memory_space<vmem>>) semaphore(%arg19 : memref<!tpu.dma_semaphore, #tpu.memory_space<semaphore_mem>>) {add = true}
    %dma_start3A_1104 = arith.constant 3 : i32
    %dma_start3A_1105 = arith.constant 128 : i32
    %dma_start3A_1106 = arith.constant 0 : i32
    %dma_start3A_1107 = tpu.memref_slice %arg7[%dma_start3A_1105, %dma_start3A_1106] : memref<256x16xf32, #tpu.memory_space<vmem>> -> memref<128x16xf32, #tpu.memory_space<vmem>>
    %dma_start3A_1108 = arith.constant 0 : i32
    %dma_start3A_1109 = tpu.memref_slice %arg5[%dma_start3A_1104, %dma_start3A_1108] : memref<8x128xi32, #tpu.memory_space<vmem>> -> memref<1x128xi32, #tpu.memory_space<vmem>>
    %dma_start3A_1110 = tpu.memref_squeeze %dma_start3A_1109 : memref<1x128xi32, #tpu.memory_space<vmem>> -> memref<128xi32, #tpu.memory_space<vmem>>
    %dma_start3A_1111 = arith.constant 0 : i32
    %dma_start3A_1112 = arith.constant 0 : i32
    %dma_start3A_1113 = tpu.memref_slice %arg21[%dma_start3A_1111, %dma_start3A_1112] : memref<100000x16xf32, #tpu.memory_space<vmem_shared>> -> memref<100000x16xf32, #tpu.memory_space<vmem_shared>>
    tpu.enqueue_indirect_dma source(%dma_start3A_1107 : memref<128x16xf32, #tpu.memory_space<vmem>>) target(%dma_start3A_1113 : memref<100000x16xf32, #tpu.memory_space<vmem_shared>>) offsets(%dma_start3A_1110 : memref<128xi32, #tpu.memory_space<vmem>>) semaphore(%arg19 : memref<!tpu.dma_semaphore, #tpu.memory_space<semaphore_mem>>) {add = true}
    %dma_wait3A_1114 = tpu.memref_slice %arg2[%add3A_988, %mul3A_986] : memref<16384x64xf32, #tpu.memory_space<hbm>> -> memref<256x16xf32, #tpu.memory_space<hbm>>
    %dma_wait3A_1115 = tpu.memref_slice %arg2[%add3A_988, %mul3A_986] : memref<16384x64xf32, #tpu.memory_space<hbm>> -> memref<256x16xf32, #tpu.memory_space<hbm>>
    tpu.wait_dma2 semaphore(%arg17 : memref<!tpu.dma_semaphore, #tpu.memory_space<semaphore_mem>>) src(%dma_wait3A_1115 : memref<256x16xf32, #tpu.memory_space<hbm>>) dst(%arg8 : memref<256x16xf32, #tpu.memory_space<vmem>>)
    %dma_start3A_1116 = arith.constant 4 : i32
    %dma_start3A_1117 = arith.constant 0 : i32
    %dma_start3A_1118 = arith.constant 0 : i32
    %dma_start3A_1119 = tpu.memref_slice %arg8[%dma_start3A_1117, %dma_start3A_1118] : memref<256x16xf32, #tpu.memory_space<vmem>> -> memref<128x16xf32, #tpu.memory_space<vmem>>
    %dma_start3A_1120 = arith.constant 0 : i32
    %dma_start3A_1121 = tpu.memref_slice %arg5[%dma_start3A_1116, %dma_start3A_1120] : memref<8x128xi32, #tpu.memory_space<vmem>> -> memref<1x128xi32, #tpu.memory_space<vmem>>
    %dma_start3A_1122 = tpu.memref_squeeze %dma_start3A_1121 : memref<1x128xi32, #tpu.memory_space<vmem>> -> memref<128xi32, #tpu.memory_space<vmem>>
    %dma_start3A_1123 = arith.constant 0 : i32
    %dma_start3A_1124 = arith.constant 0 : i32
    %dma_start3A_1125 = tpu.memref_slice %arg21[%dma_start3A_1123, %dma_start3A_1124] : memref<100000x16xf32, #tpu.memory_space<vmem_shared>> -> memref<100000x16xf32, #tpu.memory_space<vmem_shared>>
    tpu.enqueue_indirect_dma source(%dma_start3A_1119 : memref<128x16xf32, #tpu.memory_space<vmem>>) target(%dma_start3A_1125 : memref<100000x16xf32, #tpu.memory_space<vmem_shared>>) offsets(%dma_start3A_1122 : memref<128xi32, #tpu.memory_space<vmem>>) semaphore(%arg19 : memref<!tpu.dma_semaphore, #tpu.memory_space<semaphore_mem>>) {add = true}
    %dma_start3A_1126 = arith.constant 5 : i32
    %dma_start3A_1127 = arith.constant 128 : i32
    %dma_start3A_1128 = arith.constant 0 : i32
    %dma_start3A_1129 = tpu.memref_slice %arg8[%dma_start3A_1127, %dma_start3A_1128] : memref<256x16xf32, #tpu.memory_space<vmem>> -> memref<128x16xf32, #tpu.memory_space<vmem>>
    %dma_start3A_1130 = arith.constant 0 : i32
    %dma_start3A_1131 = tpu.memref_slice %arg5[%dma_start3A_1126, %dma_start3A_1130] : memref<8x128xi32, #tpu.memory_space<vmem>> -> memref<1x128xi32, #tpu.memory_space<vmem>>
    %dma_start3A_1132 = tpu.memref_squeeze %dma_start3A_1131 : memref<1x128xi32, #tpu.memory_space<vmem>> -> memref<128xi32, #tpu.memory_space<vmem>>
    %dma_start3A_1133 = arith.constant 0 : i32
    %dma_start3A_1134 = arith.constant 0 : i32
    %dma_start3A_1135 = tpu.memref_slice %arg21[%dma_start3A_1133, %dma_start3A_1134] : memref<100000x16xf32, #tpu.memory_space<vmem_shared>> -> memref<100000x16xf32, #tpu.memory_space<vmem_shared>>
    tpu.enqueue_indirect_dma source(%dma_start3A_1129 : memref<128x16xf32, #tpu.memory_space<vmem>>) target(%dma_start3A_1135 : memref<100000x16xf32, #tpu.memory_space<vmem_shared>>) offsets(%dma_start3A_1132 : memref<128xi32, #tpu.memory_space<vmem>>) semaphore(%arg19 : memref<!tpu.dma_semaphore, #tpu.memory_space<semaphore_mem>>) {add = true}
    %dma_wait3A_1136 = tpu.memref_slice %arg2[%add3A_1004, %mul3A_1002] : memref<16384x64xf32, #tpu.memory_space<hbm>> -> memref<256x16xf32, #tpu.memory_space<hbm>>
    %dma_wait3A_1137 = tpu.memref_slice %arg2[%add3A_1004, %mul3A_1002] : memref<16384x64xf32, #tpu.memory_space<hbm>> -> memref<256x16xf32, #tpu.memory_space<hbm>>
    tpu.wait_dma2 semaphore(%arg18 : memref<!tpu.dma_semaphore, #tpu.memory_space<semaphore_mem>>) src(%dma_wait3A_1137 : memref<256x16xf32, #tpu.memory_space<hbm>>) dst(%arg9 : memref<256x16xf32, #tpu.memory_space<vmem>>)
    %dma_start3A_1138 = arith.constant 6 : i32
    %dma_start3A_1139 = arith.constant 0 : i32
    %dma_start3A_1140 = arith.constant 0 : i32
    %dma_start3A_1141 = tpu.memref_slice %arg9[%dma_start3A_1139, %dma_start3A_1140] : memref<256x16xf32, #tpu.memory_space<vmem>> -> memref<128x16xf32, #tpu.memory_space<vmem>>
    %dma_start3A_1142 = arith.constant 0 : i32
    %dma_start3A_1143 = tpu.memref_slice %arg5[%dma_start3A_1138, %dma_start3A_1142] : memref<8x128xi32, #tpu.memory_space<vmem>> -> memref<1x128xi32, #tpu.memory_space<vmem>>
    %dma_start3A_1144 = tpu.memref_squeeze %dma_start3A_1143 : memref<1x128xi32, #tpu.memory_space<vmem>> -> memref<128xi32, #tpu.memory_space<vmem>>
    %dma_start3A_1145 = arith.constant 0 : i32
    %dma_start3A_1146 = arith.constant 0 : i32
    %dma_start3A_1147 = tpu.memref_slice %arg21[%dma_start3A_1145, %dma_start3A_1146] : memref<100000x16xf32, #tpu.memory_space<vmem_shared>> -> memref<100000x16xf32, #tpu.memory_space<vmem_shared>>
    tpu.enqueue_indirect_dma source(%dma_start3A_1141 : memref<128x16xf32, #tpu.memory_space<vmem>>) target(%dma_start3A_1147 : memref<100000x16xf32, #tpu.memory_space<vmem_shared>>) offsets(%dma_start3A_1144 : memref<128xi32, #tpu.memory_space<vmem>>) semaphore(%arg19 : memref<!tpu.dma_semaphore, #tpu.memory_space<semaphore_mem>>) {add = true}
    %dma_start3A_1148 = arith.constant 7 : i32
    %dma_start3A_1149 = arith.constant 128 : i32
    %dma_start3A_1150 = arith.constant 0 : i32
    %dma_start3A_1151 = tpu.memref_slice %arg9[%dma_start3A_1149, %dma_start3A_1150] : memref<256x16xf32, #tpu.memory_space<vmem>> -> memref<128x16xf32, #tpu.memory_space<vmem>>
    %dma_start3A_1152 = arith.constant 0 : i32
    %dma_start3A_1153 = tpu.memref_slice %arg5[%dma_start3A_1148, %dma_start3A_1152] : memref<8x128xi32, #tpu.memory_space<vmem>> -> memref<1x128xi32, #tpu.memory_space<vmem>>
    %dma_start3A_1154 = tpu.memref_squeeze %dma_start3A_1153 : memref<1x128xi32, #tpu.memory_space<vmem>> -> memref<128xi32, #tpu.memory_space<vmem>>
    %dma_start3A_1155 = arith.constant 0 : i32
    %dma_start3A_1156 = arith.constant 0 : i32
    %dma_start3A_1157 = tpu.memref_slice %arg21[%dma_start3A_1155, %dma_start3A_1156] : memref<100000x16xf32, #tpu.memory_space<vmem_shared>> -> memref<100000x16xf32, #tpu.memory_space<vmem_shared>>
    tpu.enqueue_indirect_dma source(%dma_start3A_1151 : memref<128x16xf32, #tpu.memory_space<vmem>>) target(%dma_start3A_1157 : memref<100000x16xf32, #tpu.memory_space<vmem_shared>>) offsets(%dma_start3A_1154 : memref<128xi32, #tpu.memory_space<vmem>>) semaphore(%arg19 : memref<!tpu.dma_semaphore, #tpu.memory_space<semaphore_mem>>) {add = true}
    %dma_wait3A_1158 = arith.constant 0 : i32
    %dma_wait3A_1159 = arith.constant 0 : i32
    %dma_wait3A_1160 = arith.constant 0 : i32
    %dma_wait3A_1161 = tpu.memref_slice %arg6[%dma_wait3A_1159, %dma_wait3A_1160] : memref<256x16xf32, #tpu.memory_space<vmem>> -> memref<128x16xf32, #tpu.memory_space<vmem>>
    %dma_wait3A_1162 = arith.constant 0 : i32
    %dma_wait3A_1163 = tpu.memref_slice %arg5[%dma_wait3A_1158, %dma_wait3A_1162] : memref<8x128xi32, #tpu.memory_space<vmem>> -> memref<1x128xi32, #tpu.memory_space<vmem>>
    %dma_wait3A_1164 = tpu.memref_squeeze %dma_wait3A_1163 : memref<1x128xi32, #tpu.memory_space<vmem>> -> memref<128xi32, #tpu.memory_space<vmem>>
    %dma_wait3A_1165 = arith.constant 0 : i32
    %dma_wait3A_1166 = arith.constant 0 : i32
    %dma_wait3A_1167 = tpu.memref_slice %arg21[%dma_wait3A_1165, %dma_wait3A_1166] : memref<100000x16xf32, #tpu.memory_space<vmem_shared>> -> memref<100000x16xf32, #tpu.memory_space<vmem_shared>>
    tpu.wait_indirect_dma semaphore(%arg19 : memref<!tpu.dma_semaphore, #tpu.memory_space<semaphore_mem>>) src(%dma_wait3A_1161 : memref<128x16xf32, #tpu.memory_space<vmem>>) dst(%dma_wait3A_1167 : memref<100000x16xf32, #tpu.memory_space<vmem_shared>>)
    %dma_wait3A_1168 = arith.constant 1 : i32
    %dma_wait3A_1169 = arith.constant 128 : i32
    %dma_wait3A_1170 = arith.constant 0 : i32
    %dma_wait3A_1171 = tpu.memref_slice %arg6[%dma_wait3A_1169, %dma_wait3A_1170] : memref<256x16xf32, #tpu.memory_space<vmem>> -> memref<128x16xf32, #tpu.memory_space<vmem>>
    %dma_wait3A_1172 = arith.constant 0 : i32
    %dma_wait3A_1173 = tpu.memref_slice %arg5[%dma_wait3A_1168, %dma_wait3A_1172] : memref<8x128xi32, #tpu.memory_space<vmem>> -> memref<1x128xi32, #tpu.memory_space<vmem>>
    %dma_wait3A_1174 = tpu.memref_squeeze %dma_wait3A_1173 : memref<1x128xi32, #tpu.memory_space<vmem>> -> memref<128xi32, #tpu.memory_space<vmem>>
    %dma_wait3A_1175 = arith.constant 0 : i32
    %dma_wait3A_1176 = arith.constant 0 : i32
    %dma_wait3A_1177 = tpu.memref_slice %arg21[%dma_wait3A_1175, %dma_wait3A_1176] : memref<100000x16xf32, #tpu.memory_space<vmem_shared>> -> memref<100000x16xf32, #tpu.memory_space<vmem_shared>>
    tpu.wait_indirect_dma semaphore(%arg19 : memref<!tpu.dma_semaphore, #tpu.memory_space<semaphore_mem>>) src(%dma_wait3A_1171 : memref<128x16xf32, #tpu.memory_space<vmem>>) dst(%dma_wait3A_1177 : memref<100000x16xf32, #tpu.memory_space<vmem_shared>>)
    %dma_wait3A_1178 = arith.constant 2 : i32
    %dma_wait3A_1179 = arith.constant 0 : i32
    %dma_wait3A_1180 = arith.constant 0 : i32
    %dma_wait3A_1181 = tpu.memref_slice %arg7[%dma_wait3A_1179, %dma_wait3A_1180] : memref<256x16xf32, #tpu.memory_space<vmem>> -> memref<128x16xf32, #tpu.memory_space<vmem>>
    %dma_wait3A_1182 = arith.constant 0 : i32
    %dma_wait3A_1183 = tpu.memref_slice %arg5[%dma_wait3A_1178, %dma_wait3A_1182] : memref<8x128xi32, #tpu.memory_space<vmem>> -> memref<1x128xi32, #tpu.memory_space<vmem>>
    %dma_wait3A_1184 = tpu.memref_squeeze %dma_wait3A_1183 : memref<1x128xi32, #tpu.memory_space<vmem>> -> memref<128xi32, #tpu.memory_space<vmem>>
    %dma_wait3A_1185 = arith.constant 0 : i32
    %dma_wait3A_1186 = arith.constant 0 : i32
    %dma_wait3A_1187 = tpu.memref_slice %arg21[%dma_wait3A_1185, %dma_wait3A_1186] : memref<100000x16xf32, #tpu.memory_space<vmem_shared>> -> memref<100000x16xf32, #tpu.memory_space<vmem_shared>>
    tpu.wait_indirect_dma semaphore(%arg19 : memref<!tpu.dma_semaphore, #tpu.memory_space<semaphore_mem>>) src(%dma_wait3A_1181 : memref<128x16xf32, #tpu.memory_space<vmem>>) dst(%dma_wait3A_1187 : memref<100000x16xf32, #tpu.memory_space<vmem_shared>>)
    %dma_wait3A_1188 = arith.constant 3 : i32
    %dma_wait3A_1189 = arith.constant 128 : i32
    %dma_wait3A_1190 = arith.constant 0 : i32
    %dma_wait3A_1191 = tpu.memref_slice %arg7[%dma_wait3A_1189, %dma_wait3A_1190] : memref<256x16xf32, #tpu.memory_space<vmem>> -> memref<128x16xf32, #tpu.memory_space<vmem>>
    %dma_wait3A_1192 = arith.constant 0 : i32
    %dma_wait3A_1193 = tpu.memref_slice %arg5[%dma_wait3A_1188, %dma_wait3A_1192] : memref<8x128xi32, #tpu.memory_space<vmem>> -> memref<1x128xi32, #tpu.memory_space<vmem>>
    %dma_wait3A_1194 = tpu.memref_squeeze %dma_wait3A_1193 : memref<1x128xi32, #tpu.memory_space<vmem>> -> memref<128xi32, #tpu.memory_space<vmem>>
    %dma_wait3A_1195 = arith.constant 0 : i32
    %dma_wait3A_1196 = arith.constant 0 : i32
    %dma_wait3A_1197 = tpu.memref_slice %arg21[%dma_wait3A_1195, %dma_wait3A_1196] : memref<100000x16xf32, #tpu.memory_space<vmem_shared>> -> memref<100000x16xf32, #tpu.memory_space<vmem_shared>>
    tpu.wait_indirect_dma semaphore(%arg19 : memref<!tpu.dma_semaphore, #tpu.memory_space<semaphore_mem>>) src(%dma_wait3A_1191 : memref<128x16xf32, #tpu.memory_space<vmem>>) dst(%dma_wait3A_1197 : memref<100000x16xf32, #tpu.memory_space<vmem_shared>>)
    %dma_wait3A_1198 = arith.constant 4 : i32
    %dma_wait3A_1199 = arith.constant 0 : i32
    %dma_wait3A_1200 = arith.constant 0 : i32
    %dma_wait3A_1201 = tpu.memref_slice %arg8[%dma_wait3A_1199, %dma_wait3A_1200] : memref<256x16xf32, #tpu.memory_space<vmem>> -> memref<128x16xf32, #tpu.memory_space<vmem>>
    %dma_wait3A_1202 = arith.constant 0 : i32
    %dma_wait3A_1203 = tpu.memref_slice %arg5[%dma_wait3A_1198, %dma_wait3A_1202] : memref<8x128xi32, #tpu.memory_space<vmem>> -> memref<1x128xi32, #tpu.memory_space<vmem>>
    %dma_wait3A_1204 = tpu.memref_squeeze %dma_wait3A_1203 : memref<1x128xi32, #tpu.memory_space<vmem>> -> memref<128xi32, #tpu.memory_space<vmem>>
    %dma_wait3A_1205 = arith.constant 0 : i32
    %dma_wait3A_1206 = arith.constant 0 : i32
    %dma_wait3A_1207 = tpu.memref_slice %arg21[%dma_wait3A_1205, %dma_wait3A_1206] : memref<100000x16xf32, #tpu.memory_space<vmem_shared>> -> memref<100000x16xf32, #tpu.memory_space<vmem_shared>>
    tpu.wait_indirect_dma semaphore(%arg19 : memref<!tpu.dma_semaphore, #tpu.memory_space<semaphore_mem>>) src(%dma_wait3A_1201 : memref<128x16xf32, #tpu.memory_space<vmem>>) dst(%dma_wait3A_1207 : memref<100000x16xf32, #tpu.memory_space<vmem_shared>>)
    %dma_wait3A_1208 = arith.constant 5 : i32
    %dma_wait3A_1209 = arith.constant 128 : i32
    %dma_wait3A_1210 = arith.constant 0 : i32
    %dma_wait3A_1211 = tpu.memref_slice %arg8[%dma_wait3A_1209, %dma_wait3A_1210] : memref<256x16xf32, #tpu.memory_space<vmem>> -> memref<128x16xf32, #tpu.memory_space<vmem>>
    %dma_wait3A_1212 = arith.constant 0 : i32
    %dma_wait3A_1213 = tpu.memref_slice %arg5[%dma_wait3A_1208, %dma_wait3A_1212] : memref<8x128xi32, #tpu.memory_space<vmem>> -> memref<1x128xi32, #tpu.memory_space<vmem>>
    %dma_wait3A_1214 = tpu.memref_squeeze %dma_wait3A_1213 : memref<1x128xi32, #tpu.memory_space<vmem>> -> memref<128xi32, #tpu.memory_space<vmem>>
    %dma_wait3A_1215 = arith.constant 0 : i32
    %dma_wait3A_1216 = arith.constant 0 : i32
    %dma_wait3A_1217 = tpu.memref_slice %arg21[%dma_wait3A_1215, %dma_wait3A_1216] : memref<100000x16xf32, #tpu.memory_space<vmem_shared>> -> memref<100000x16xf32, #tpu.memory_space<vmem_shared>>
    tpu.wait_indirect_dma semaphore(%arg19 : memref<!tpu.dma_semaphore, #tpu.memory_space<semaphore_mem>>) src(%dma_wait3A_1211 : memref<128x16xf32, #tpu.memory_space<vmem>>) dst(%dma_wait3A_1217 : memref<100000x16xf32, #tpu.memory_space<vmem_shared>>)
    %dma_wait3A_1218 = arith.constant 6 : i32
    %dma_wait3A_1219 = arith.constant 0 : i32
    %dma_wait3A_1220 = arith.constant 0 : i32
    %dma_wait3A_1221 = tpu.memref_slice %arg9[%dma_wait3A_1219, %dma_wait3A_1220] : memref<256x16xf32, #tpu.memory_space<vmem>> -> memref<128x16xf32, #tpu.memory_space<vmem>>
    %dma_wait3A_1222 = arith.constant 0 : i32
    %dma_wait3A_1223 = tpu.memref_slice %arg5[%dma_wait3A_1218, %dma_wait3A_1222] : memref<8x128xi32, #tpu.memory_space<vmem>> -> memref<1x128xi32, #tpu.memory_space<vmem>>
    %dma_wait3A_1224 = tpu.memref_squeeze %dma_wait3A_1223 : memref<1x128xi32, #tpu.memory_space<vmem>> -> memref<128xi32, #tpu.memory_space<vmem>>
    %dma_wait3A_1225 = arith.constant 0 : i32
    %dma_wait3A_1226 = arith.constant 0 : i32
    %dma_wait3A_1227 = tpu.memref_slice %arg21[%dma_wait3A_1225, %dma_wait3A_1226] : memref<100000x16xf32, #tpu.memory_space<vmem_shared>> -> memref<100000x16xf32, #tpu.memory_space<vmem_shared>>
    tpu.wait_indirect_dma semaphore(%arg19 : memref<!tpu.dma_semaphore, #tpu.memory_space<semaphore_mem>>) src(%dma_wait3A_1221 : memref<128x16xf32, #tpu.memory_space<vmem>>) dst(%dma_wait3A_1227 : memref<100000x16xf32, #tpu.memory_space<vmem_shared>>)
    %dma_wait3A_1228 = arith.constant 7 : i32
    %dma_wait3A_1229 = arith.constant 128 : i32
    %dma_wait3A_1230 = arith.constant 0 : i32
    %dma_wait3A_1231 = tpu.memref_slice %arg9[%dma_wait3A_1229, %dma_wait3A_1230] : memref<256x16xf32, #tpu.memory_space<vmem>> -> memref<128x16xf32, #tpu.memory_space<vmem>>
    %dma_wait3A_1232 = arith.constant 0 : i32
    %dma_wait3A_1233 = tpu.memref_slice %arg5[%dma_wait3A_1228, %dma_wait3A_1232] : memref<8x128xi32, #tpu.memory_space<vmem>> -> memref<1x128xi32, #tpu.memory_space<vmem>>
    %dma_wait3A_1234 = tpu.memref_squeeze %dma_wait3A_1233 : memref<1x128xi32, #tpu.memory_space<vmem>> -> memref<128xi32, #tpu.memory_space<vmem>>
    %dma_wait3A_1235 = arith.constant 0 : i32
    %dma_wait3A_1236 = arith.constant 0 : i32
    %dma_wait3A_1237 = tpu.memref_slice %arg21[%dma_wait3A_1235, %dma_wait3A_1236] : memref<100000x16xf32, #tpu.memory_space<vmem_shared>> -> memref<100000x16xf32, #tpu.memory_space<vmem_shared>>
    tpu.wait_indirect_dma semaphore(%arg19 : memref<!tpu.dma_semaphore, #tpu.memory_space<semaphore_mem>>) src(%dma_wait3A_1231 : memref<128x16xf32, #tpu.memory_space<vmem>>) dst(%dma_wait3A_1237 : memref<100000x16xf32, #tpu.memory_space<vmem_shared>>)
    %barrier3A_1238 = arith.constant 0 : index
    tpu.barrier barrier_id(%barrier3A_1238)
    %dma_start3A_1239 = arith.constant 0 : i32
    %dma_start3A_1240 = arith.constant 0 : i32
    %dma_start3A_1241 = arith.constant 0 : i32
    %dma_start3A_1242 = tpu.memref_slice %arg6[%dma_start3A_1240, %dma_start3A_1241] : memref<256x16xf32, #tpu.memory_space<vmem>> -> memref<128x16xf32, #tpu.memory_space<vmem>>
    %dma_start3A_1243 = arith.constant 0 : i32
    %dma_start3A_1244 = tpu.memref_slice %arg5[%dma_start3A_1239, %dma_start3A_1243] : memref<8x128xi32, #tpu.memory_space<vmem>> -> memref<1x128xi32, #tpu.memory_space<vmem>>
    %dma_start3A_1245 = tpu.memref_squeeze %dma_start3A_1244 : memref<1x128xi32, #tpu.memory_space<vmem>> -> memref<128xi32, #tpu.memory_space<vmem>>
    %dma_start3A_1246 = arith.constant 0 : i32
    %dma_start3A_1247 = arith.constant 0 : i32
    %dma_start3A_1248 = tpu.memref_slice %arg21[%dma_start3A_1246, %dma_start3A_1247] : memref<100000x16xf32, #tpu.memory_space<vmem_shared>> -> memref<100000x16xf32, #tpu.memory_space<vmem_shared>>
    tpu.enqueue_indirect_dma source(%dma_start3A_1248 : memref<100000x16xf32, #tpu.memory_space<vmem_shared>>) target(%dma_start3A_1242 : memref<128x16xf32, #tpu.memory_space<vmem>>) offsets(%dma_start3A_1245 : memref<128xi32, #tpu.memory_space<vmem>>) semaphore(%arg15 : memref<!tpu.dma_semaphore, #tpu.memory_space<semaphore_mem>>)
    %dma_start3A_1249 = arith.constant 1 : i32
    %dma_start3A_1250 = arith.constant 128 : i32
    %dma_start3A_1251 = arith.constant 0 : i32
    %dma_start3A_1252 = tpu.memref_slice %arg6[%dma_start3A_1250, %dma_start3A_1251] : memref<256x16xf32, #tpu.memory_space<vmem>> -> memref<128x16xf32, #tpu.memory_space<vmem>>
    %dma_start3A_1253 = arith.constant 0 : i32
    %dma_start3A_1254 = tpu.memref_slice %arg5[%dma_start3A_1249, %dma_start3A_1253] : memref<8x128xi32, #tpu.memory_space<vmem>> -> memref<1x128xi32, #tpu.memory_space<vmem>>
    %dma_start3A_1255 = tpu.memref_squeeze %dma_start3A_1254 : memref<1x128xi32, #tpu.memory_space<vmem>> -> memref<128xi32, #tpu.memory_space<vmem>>
    %dma_start3A_1256 = arith.constant 0 : i32
    %dma_start3A_1257 = arith.constant 0 : i32
    %dma_start3A_1258 = tpu.memref_slice %arg21[%dma_start3A_1256, %dma_start3A_1257] : memref<100000x16xf32, #tpu.memory_space<vmem_shared>> -> memref<100000x16xf32, #tpu.memory_space<vmem_shared>>
    tpu.enqueue_indirect_dma source(%dma_start3A_1258 : memref<100000x16xf32, #tpu.memory_space<vmem_shared>>) target(%dma_start3A_1252 : memref<128x16xf32, #tpu.memory_space<vmem>>) offsets(%dma_start3A_1255 : memref<128xi32, #tpu.memory_space<vmem>>) semaphore(%arg15 : memref<!tpu.dma_semaphore, #tpu.memory_space<semaphore_mem>>)
    %dma_start3A_1259 = arith.constant 2 : i32
    %dma_start3A_1260 = arith.constant 0 : i32
    %dma_start3A_1261 = arith.constant 0 : i32
    %dma_start3A_1262 = tpu.memref_slice %arg7[%dma_start3A_1260, %dma_start3A_1261] : memref<256x16xf32, #tpu.memory_space<vmem>> -> memref<128x16xf32, #tpu.memory_space<vmem>>
    %dma_start3A_1263 = arith.constant 0 : i32
    %dma_start3A_1264 = tpu.memref_slice %arg5[%dma_start3A_1259, %dma_start3A_1263] : memref<8x128xi32, #tpu.memory_space<vmem>> -> memref<1x128xi32, #tpu.memory_space<vmem>>
    %dma_start3A_1265 = tpu.memref_squeeze %dma_start3A_1264 : memref<1x128xi32, #tpu.memory_space<vmem>> -> memref<128xi32, #tpu.memory_space<vmem>>
    %dma_start3A_1266 = arith.constant 0 : i32
    %dma_start3A_1267 = arith.constant 0 : i32
    %dma_start3A_1268 = tpu.memref_slice %arg21[%dma_start3A_1266, %dma_start3A_1267] : memref<100000x16xf32, #tpu.memory_space<vmem_shared>> -> memref<100000x16xf32, #tpu.memory_space<vmem_shared>>
    tpu.enqueue_indirect_dma source(%dma_start3A_1268 : memref<100000x16xf32, #tpu.memory_space<vmem_shared>>) target(%dma_start3A_1262 : memref<128x16xf32, #tpu.memory_space<vmem>>) offsets(%dma_start3A_1265 : memref<128xi32, #tpu.memory_space<vmem>>) semaphore(%arg16 : memref<!tpu.dma_semaphore, #tpu.memory_space<semaphore_mem>>)
    %dma_start3A_1269 = arith.constant 3 : i32
    %dma_start3A_1270 = arith.constant 128 : i32
    %dma_start3A_1271 = arith.constant 0 : i32
    %dma_start3A_1272 = tpu.memref_slice %arg7[%dma_start3A_1270, %dma_start3A_1271] : memref<256x16xf32, #tpu.memory_space<vmem>> -> memref<128x16xf32, #tpu.memory_space<vmem>>
    %dma_start3A_1273 = arith.constant 0 : i32
    %dma_start3A_1274 = tpu.memref_slice %arg5[%dma_start3A_1269, %dma_start3A_1273] : memref<8x128xi32, #tpu.memory_space<vmem>> -> memref<1x128xi32, #tpu.memory_space<vmem>>
    %dma_start3A_1275 = tpu.memref_squeeze %dma_start3A_1274 : memref<1x128xi32, #tpu.memory_space<vmem>> -> memref<128xi32, #tpu.memory_space<vmem>>
    %dma_start3A_1276 = arith.constant 0 : i32
    %dma_start3A_1277 = arith.constant 0 : i32
    %dma_start3A_1278 = tpu.memref_slice %arg21[%dma_start3A_1276, %dma_start3A_1277] : memref<100000x16xf32, #tpu.memory_space<vmem_shared>> -> memref<100000x16xf32, #tpu.memory_space<vmem_shared>>
    tpu.enqueue_indirect_dma source(%dma_start3A_1278 : memref<100000x16xf32, #tpu.memory_space<vmem_shared>>) target(%dma_start3A_1272 : memref<128x16xf32, #tpu.memory_space<vmem>>) offsets(%dma_start3A_1275 : memref<128xi32, #tpu.memory_space<vmem>>) semaphore(%arg16 : memref<!tpu.dma_semaphore, #tpu.memory_space<semaphore_mem>>)
    %dma_start3A_1279 = arith.constant 4 : i32
    %dma_start3A_1280 = arith.constant 0 : i32
    %dma_start3A_1281 = arith.constant 0 : i32
    %dma_start3A_1282 = tpu.memref_slice %arg8[%dma_start3A_1280, %dma_start3A_1281] : memref<256x16xf32, #tpu.memory_space<vmem>> -> memref<128x16xf32, #tpu.memory_space<vmem>>
    %dma_start3A_1283 = arith.constant 0 : i32
    %dma_start3A_1284 = tpu.memref_slice %arg5[%dma_start3A_1279, %dma_start3A_1283] : memref<8x128xi32, #tpu.memory_space<vmem>> -> memref<1x128xi32, #tpu.memory_space<vmem>>
    %dma_start3A_1285 = tpu.memref_squeeze %dma_start3A_1284 : memref<1x128xi32, #tpu.memory_space<vmem>> -> memref<128xi32, #tpu.memory_space<vmem>>
    %dma_start3A_1286 = arith.constant 0 : i32
    %dma_start3A_1287 = arith.constant 0 : i32
    %dma_start3A_1288 = tpu.memref_slice %arg21[%dma_start3A_1286, %dma_start3A_1287] : memref<100000x16xf32, #tpu.memory_space<vmem_shared>> -> memref<100000x16xf32, #tpu.memory_space<vmem_shared>>
    tpu.enqueue_indirect_dma source(%dma_start3A_1288 : memref<100000x16xf32, #tpu.memory_space<vmem_shared>>) target(%dma_start3A_1282 : memref<128x16xf32, #tpu.memory_space<vmem>>) offsets(%dma_start3A_1285 : memref<128xi32, #tpu.memory_space<vmem>>) semaphore(%arg17 : memref<!tpu.dma_semaphore, #tpu.memory_space<semaphore_mem>>)
    %dma_start3A_1289 = arith.constant 5 : i32
    %dma_start3A_1290 = arith.constant 128 : i32
    %dma_start3A_1291 = arith.constant 0 : i32
    %dma_start3A_1292 = tpu.memref_slice %arg8[%dma_start3A_1290, %dma_start3A_1291] : memref<256x16xf32, #tpu.memory_space<vmem>> -> memref<128x16xf32, #tpu.memory_space<vmem>>
    %dma_start3A_1293 = arith.constant 0 : i32
    %dma_start3A_1294 = tpu.memref_slice %arg5[%dma_start3A_1289, %dma_start3A_1293] : memref<8x128xi32, #tpu.memory_space<vmem>> -> memref<1x128xi32, #tpu.memory_space<vmem>>
    %dma_start3A_1295 = tpu.memref_squeeze %dma_start3A_1294 : memref<1x128xi32, #tpu.memory_space<vmem>> -> memref<128xi32, #tpu.memory_space<vmem>>
    %dma_start3A_1296 = arith.constant 0 : i32
    %dma_start3A_1297 = arith.constant 0 : i32
    %dma_start3A_1298 = tpu.memref_slice %arg21[%dma_start3A_1296, %dma_start3A_1297] : memref<100000x16xf32, #tpu.memory_space<vmem_shared>> -> memref<100000x16xf32, #tpu.memory_space<vmem_shared>>
    tpu.enqueue_indirect_dma source(%dma_start3A_1298 : memref<100000x16xf32, #tpu.memory_space<vmem_shared>>) target(%dma_start3A_1292 : memref<128x16xf32, #tpu.memory_space<vmem>>) offsets(%dma_start3A_1295 : memref<128xi32, #tpu.memory_space<vmem>>) semaphore(%arg17 : memref<!tpu.dma_semaphore, #tpu.memory_space<semaphore_mem>>)
    %dma_start3A_1299 = arith.constant 6 : i32
    %dma_start3A_1300 = arith.constant 0 : i32
    %dma_start3A_1301 = arith.constant 0 : i32
    %dma_start3A_1302 = tpu.memref_slice %arg9[%dma_start3A_1300, %dma_start3A_1301] : memref<256x16xf32, #tpu.memory_space<vmem>> -> memref<128x16xf32, #tpu.memory_space<vmem>>
    %dma_start3A_1303 = arith.constant 0 : i32
    %dma_start3A_1304 = tpu.memref_slice %arg5[%dma_start3A_1299, %dma_start3A_1303] : memref<8x128xi32, #tpu.memory_space<vmem>> -> memref<1x128xi32, #tpu.memory_space<vmem>>
    %dma_start3A_1305 = tpu.memref_squeeze %dma_start3A_1304 : memref<1x128xi32, #tpu.memory_space<vmem>> -> memref<128xi32, #tpu.memory_space<vmem>>
    %dma_start3A_1306 = arith.constant 0 : i32
    %dma_start3A_1307 = arith.constant 0 : i32
    %dma_start3A_1308 = tpu.memref_slice %arg21[%dma_start3A_1306, %dma_start3A_1307] : memref<100000x16xf32, #tpu.memory_space<vmem_shared>> -> memref<100000x16xf32, #tpu.memory_space<vmem_shared>>
    tpu.enqueue_indirect_dma source(%dma_start3A_1308 : memref<100000x16xf32, #tpu.memory_space<vmem_shared>>) target(%dma_start3A_1302 : memref<128x16xf32, #tpu.memory_space<vmem>>) offsets(%dma_start3A_1305 : memref<128xi32, #tpu.memory_space<vmem>>) semaphore(%arg18 : memref<!tpu.dma_semaphore, #tpu.memory_space<semaphore_mem>>)
    %dma_start3A_1309 = arith.constant 7 : i32
    %dma_start3A_1310 = arith.constant 128 : i32
    %dma_start3A_1311 = arith.constant 0 : i32
    %dma_start3A_1312 = tpu.memref_slice %arg9[%dma_start3A_1310, %dma_start3A_1311] : memref<256x16xf32, #tpu.memory_space<vmem>> -> memref<128x16xf32, #tpu.memory_space<vmem>>
    %dma_start3A_1313 = arith.constant 0 : i32
    %dma_start3A_1314 = tpu.memref_slice %arg5[%dma_start3A_1309, %dma_start3A_1313] : memref<8x128xi32, #tpu.memory_space<vmem>> -> memref<1x128xi32, #tpu.memory_space<vmem>>
    %dma_start3A_1315 = tpu.memref_squeeze %dma_start3A_1314 : memref<1x128xi32, #tpu.memory_space<vmem>> -> memref<128xi32, #tpu.memory_space<vmem>>
    %dma_start3A_1316 = arith.constant 0 : i32
    %dma_start3A_1317 = arith.constant 0 : i32
    %dma_start3A_1318 = tpu.memref_slice %arg21[%dma_start3A_1316, %dma_start3A_1317] : memref<100000x16xf32, #tpu.memory_space<vmem_shared>> -> memref<100000x16xf32, #tpu.memory_space<vmem_shared>>
    tpu.enqueue_indirect_dma source(%dma_start3A_1318 : memref<100000x16xf32, #tpu.memory_space<vmem_shared>>) target(%dma_start3A_1312 : memref<128x16xf32, #tpu.memory_space<vmem>>) offsets(%dma_start3A_1315 : memref<128xi32, #tpu.memory_space<vmem>>) semaphore(%arg18 : memref<!tpu.dma_semaphore, #tpu.memory_space<semaphore_mem>>)
    %dma_wait3A_1319 = arith.constant 0 : i32
    %dma_wait3A_1320 = arith.constant 0 : i32
    %dma_wait3A_1321 = arith.constant 0 : i32
    %dma_wait3A_1322 = tpu.memref_slice %arg6[%dma_wait3A_1320, %dma_wait3A_1321] : memref<256x16xf32, #tpu.memory_space<vmem>> -> memref<128x16xf32, #tpu.memory_space<vmem>>
    %dma_wait3A_1323 = arith.constant 0 : i32
    %dma_wait3A_1324 = tpu.memref_slice %arg5[%dma_wait3A_1319, %dma_wait3A_1323] : memref<8x128xi32, #tpu.memory_space<vmem>> -> memref<1x128xi32, #tpu.memory_space<vmem>>
    %dma_wait3A_1325 = tpu.memref_squeeze %dma_wait3A_1324 : memref<1x128xi32, #tpu.memory_space<vmem>> -> memref<128xi32, #tpu.memory_space<vmem>>
    %dma_wait3A_1326 = arith.constant 0 : i32
    %dma_wait3A_1327 = arith.constant 0 : i32
    %dma_wait3A_1328 = tpu.memref_slice %arg21[%dma_wait3A_1326, %dma_wait3A_1327] : memref<100000x16xf32, #tpu.memory_space<vmem_shared>> -> memref<100000x16xf32, #tpu.memory_space<vmem_shared>>
    tpu.wait_indirect_dma semaphore(%arg15 : memref<!tpu.dma_semaphore, #tpu.memory_space<semaphore_mem>>) src(%dma_wait3A_1328 : memref<100000x16xf32, #tpu.memory_space<vmem_shared>>) dst(%dma_wait3A_1322 : memref<128x16xf32, #tpu.memory_space<vmem>>)
    %dma_wait3A_1329 = arith.constant 1 : i32
    %dma_wait3A_1330 = arith.constant 128 : i32
    %dma_wait3A_1331 = arith.constant 0 : i32
    %dma_wait3A_1332 = tpu.memref_slice %arg6[%dma_wait3A_1330, %dma_wait3A_1331] : memref<256x16xf32, #tpu.memory_space<vmem>> -> memref<128x16xf32, #tpu.memory_space<vmem>>
    %dma_wait3A_1333 = arith.constant 0 : i32
    %dma_wait3A_1334 = tpu.memref_slice %arg5[%dma_wait3A_1329, %dma_wait3A_1333] : memref<8x128xi32, #tpu.memory_space<vmem>> -> memref<1x128xi32, #tpu.memory_space<vmem>>
    %dma_wait3A_1335 = tpu.memref_squeeze %dma_wait3A_1334 : memref<1x128xi32, #tpu.memory_space<vmem>> -> memref<128xi32, #tpu.memory_space<vmem>>
    %dma_wait3A_1336 = arith.constant 0 : i32
    %dma_wait3A_1337 = arith.constant 0 : i32
    %dma_wait3A_1338 = tpu.memref_slice %arg21[%dma_wait3A_1336, %dma_wait3A_1337] : memref<100000x16xf32, #tpu.memory_space<vmem_shared>> -> memref<100000x16xf32, #tpu.memory_space<vmem_shared>>
    tpu.wait_indirect_dma semaphore(%arg15 : memref<!tpu.dma_semaphore, #tpu.memory_space<semaphore_mem>>) src(%dma_wait3A_1338 : memref<100000x16xf32, #tpu.memory_space<vmem_shared>>) dst(%dma_wait3A_1332 : memref<128x16xf32, #tpu.memory_space<vmem>>)
    %dma_wait3A_1339 = arith.constant 2 : i32
    %dma_wait3A_1340 = arith.constant 0 : i32
    %dma_wait3A_1341 = arith.constant 0 : i32
    %dma_wait3A_1342 = tpu.memref_slice %arg7[%dma_wait3A_1340, %dma_wait3A_1341] : memref<256x16xf32, #tpu.memory_space<vmem>> -> memref<128x16xf32, #tpu.memory_space<vmem>>
    %dma_wait3A_1343 = arith.constant 0 : i32
    %dma_wait3A_1344 = tpu.memref_slice %arg5[%dma_wait3A_1339, %dma_wait3A_1343] : memref<8x128xi32, #tpu.memory_space<vmem>> -> memref<1x128xi32, #tpu.memory_space<vmem>>
    %dma_wait3A_1345 = tpu.memref_squeeze %dma_wait3A_1344 : memref<1x128xi32, #tpu.memory_space<vmem>> -> memref<128xi32, #tpu.memory_space<vmem>>
    %dma_wait3A_1346 = arith.constant 0 : i32
    %dma_wait3A_1347 = arith.constant 0 : i32
    %dma_wait3A_1348 = tpu.memref_slice %arg21[%dma_wait3A_1346, %dma_wait3A_1347] : memref<100000x16xf32, #tpu.memory_space<vmem_shared>> -> memref<100000x16xf32, #tpu.memory_space<vmem_shared>>
    tpu.wait_indirect_dma semaphore(%arg16 : memref<!tpu.dma_semaphore, #tpu.memory_space<semaphore_mem>>) src(%dma_wait3A_1348 : memref<100000x16xf32, #tpu.memory_space<vmem_shared>>) dst(%dma_wait3A_1342 : memref<128x16xf32, #tpu.memory_space<vmem>>)
    %dma_wait3A_1349 = arith.constant 3 : i32
    %dma_wait3A_1350 = arith.constant 128 : i32
    %dma_wait3A_1351 = arith.constant 0 : i32
    %dma_wait3A_1352 = tpu.memref_slice %arg7[%dma_wait3A_1350, %dma_wait3A_1351] : memref<256x16xf32, #tpu.memory_space<vmem>> -> memref<128x16xf32, #tpu.memory_space<vmem>>
    %dma_wait3A_1353 = arith.constant 0 : i32
    %dma_wait3A_1354 = tpu.memref_slice %arg5[%dma_wait3A_1349, %dma_wait3A_1353] : memref<8x128xi32, #tpu.memory_space<vmem>> -> memref<1x128xi32, #tpu.memory_space<vmem>>
    %dma_wait3A_1355 = tpu.memref_squeeze %dma_wait3A_1354 : memref<1x128xi32, #tpu.memory_space<vmem>> -> memref<128xi32, #tpu.memory_space<vmem>>
    %dma_wait3A_1356 = arith.constant 0 : i32
    %dma_wait3A_1357 = arith.constant 0 : i32
    %dma_wait3A_1358 = tpu.memref_slice %arg21[%dma_wait3A_1356, %dma_wait3A_1357] : memref<100000x16xf32, #tpu.memory_space<vmem_shared>> -> memref<100000x16xf32, #tpu.memory_space<vmem_shared>>
    tpu.wait_indirect_dma semaphore(%arg16 : memref<!tpu.dma_semaphore, #tpu.memory_space<semaphore_mem>>) src(%dma_wait3A_1358 : memref<100000x16xf32, #tpu.memory_space<vmem_shared>>) dst(%dma_wait3A_1352 : memref<128x16xf32, #tpu.memory_space<vmem>>)
    %dma_wait3A_1359 = arith.constant 4 : i32
    %dma_wait3A_1360 = arith.constant 0 : i32
    %dma_wait3A_1361 = arith.constant 0 : i32
    %dma_wait3A_1362 = tpu.memref_slice %arg8[%dma_wait3A_1360, %dma_wait3A_1361] : memref<256x16xf32, #tpu.memory_space<vmem>> -> memref<128x16xf32, #tpu.memory_space<vmem>>
    %dma_wait3A_1363 = arith.constant 0 : i32
    %dma_wait3A_1364 = tpu.memref_slice %arg5[%dma_wait3A_1359, %dma_wait3A_1363] : memref<8x128xi32, #tpu.memory_space<vmem>> -> memref<1x128xi32, #tpu.memory_space<vmem>>
    %dma_wait3A_1365 = tpu.memref_squeeze %dma_wait3A_1364 : memref<1x128xi32, #tpu.memory_space<vmem>> -> memref<128xi32, #tpu.memory_space<vmem>>
    %dma_wait3A_1366 = arith.constant 0 : i32
    %dma_wait3A_1367 = arith.constant 0 : i32
    %dma_wait3A_1368 = tpu.memref_slice %arg21[%dma_wait3A_1366, %dma_wait3A_1367] : memref<100000x16xf32, #tpu.memory_space<vmem_shared>> -> memref<100000x16xf32, #tpu.memory_space<vmem_shared>>
    tpu.wait_indirect_dma semaphore(%arg17 : memref<!tpu.dma_semaphore, #tpu.memory_space<semaphore_mem>>) src(%dma_wait3A_1368 : memref<100000x16xf32, #tpu.memory_space<vmem_shared>>) dst(%dma_wait3A_1362 : memref<128x16xf32, #tpu.memory_space<vmem>>)
    %dma_wait3A_1369 = arith.constant 5 : i32
    %dma_wait3A_1370 = arith.constant 128 : i32
    %dma_wait3A_1371 = arith.constant 0 : i32
    %dma_wait3A_1372 = tpu.memref_slice %arg8[%dma_wait3A_1370, %dma_wait3A_1371] : memref<256x16xf32, #tpu.memory_space<vmem>> -> memref<128x16xf32, #tpu.memory_space<vmem>>
    %dma_wait3A_1373 = arith.constant 0 : i32
    %dma_wait3A_1374 = tpu.memref_slice %arg5[%dma_wait3A_1369, %dma_wait3A_1373] : memref<8x128xi32, #tpu.memory_space<vmem>> -> memref<1x128xi32, #tpu.memory_space<vmem>>
    %dma_wait3A_1375 = tpu.memref_squeeze %dma_wait3A_1374 : memref<1x128xi32, #tpu.memory_space<vmem>> -> memref<128xi32, #tpu.memory_space<vmem>>
    %dma_wait3A_1376 = arith.constant 0 : i32
    %dma_wait3A_1377 = arith.constant 0 : i32
    %dma_wait3A_1378 = tpu.memref_slice %arg21[%dma_wait3A_1376, %dma_wait3A_1377] : memref<100000x16xf32, #tpu.memory_space<vmem_shared>> -> memref<100000x16xf32, #tpu.memory_space<vmem_shared>>
    tpu.wait_indirect_dma semaphore(%arg17 : memref<!tpu.dma_semaphore, #tpu.memory_space<semaphore_mem>>) src(%dma_wait3A_1378 : memref<100000x16xf32, #tpu.memory_space<vmem_shared>>) dst(%dma_wait3A_1372 : memref<128x16xf32, #tpu.memory_space<vmem>>)
    %dma_wait3A_1379 = arith.constant 6 : i32
    %dma_wait3A_1380 = arith.constant 0 : i32
    %dma_wait3A_1381 = arith.constant 0 : i32
    %dma_wait3A_1382 = tpu.memref_slice %arg9[%dma_wait3A_1380, %dma_wait3A_1381] : memref<256x16xf32, #tpu.memory_space<vmem>> -> memref<128x16xf32, #tpu.memory_space<vmem>>
    %dma_wait3A_1383 = arith.constant 0 : i32
    %dma_wait3A_1384 = tpu.memref_slice %arg5[%dma_wait3A_1379, %dma_wait3A_1383] : memref<8x128xi32, #tpu.memory_space<vmem>> -> memref<1x128xi32, #tpu.memory_space<vmem>>
    %dma_wait3A_1385 = tpu.memref_squeeze %dma_wait3A_1384 : memref<1x128xi32, #tpu.memory_space<vmem>> -> memref<128xi32, #tpu.memory_space<vmem>>
    %dma_wait3A_1386 = arith.constant 0 : i32
    %dma_wait3A_1387 = arith.constant 0 : i32
    %dma_wait3A_1388 = tpu.memref_slice %arg21[%dma_wait3A_1386, %dma_wait3A_1387] : memref<100000x16xf32, #tpu.memory_space<vmem_shared>> -> memref<100000x16xf32, #tpu.memory_space<vmem_shared>>
    tpu.wait_indirect_dma semaphore(%arg18 : memref<!tpu.dma_semaphore, #tpu.memory_space<semaphore_mem>>) src(%dma_wait3A_1388 : memref<100000x16xf32, #tpu.memory_space<vmem_shared>>) dst(%dma_wait3A_1382 : memref<128x16xf32, #tpu.memory_space<vmem>>)
    %dma_wait3A_1389 = arith.constant 7 : i32
    %dma_wait3A_1390 = arith.constant 128 : i32
    %dma_wait3A_1391 = arith.constant 0 : i32
    %dma_wait3A_1392 = tpu.memref_slice %arg9[%dma_wait3A_1390, %dma_wait3A_1391] : memref<256x16xf32, #tpu.memory_space<vmem>> -> memref<128x16xf32, #tpu.memory_space<vmem>>
    %dma_wait3A_1393 = arith.constant 0 : i32
    %dma_wait3A_1394 = tpu.memref_slice %arg5[%dma_wait3A_1389, %dma_wait3A_1393] : memref<8x128xi32, #tpu.memory_space<vmem>> -> memref<1x128xi32, #tpu.memory_space<vmem>>
    %dma_wait3A_1395 = tpu.memref_squeeze %dma_wait3A_1394 : memref<1x128xi32, #tpu.memory_space<vmem>> -> memref<128xi32, #tpu.memory_space<vmem>>
    %dma_wait3A_1396 = arith.constant 0 : i32
    %dma_wait3A_1397 = arith.constant 0 : i32
    %dma_wait3A_1398 = tpu.memref_slice %arg21[%dma_wait3A_1396, %dma_wait3A_1397] : memref<100000x16xf32, #tpu.memory_space<vmem_shared>> -> memref<100000x16xf32, #tpu.memory_space<vmem_shared>>
    tpu.wait_indirect_dma semaphore(%arg18 : memref<!tpu.dma_semaphore, #tpu.memory_space<semaphore_mem>>) src(%dma_wait3A_1398 : memref<100000x16xf32, #tpu.memory_space<vmem_shared>>) dst(%dma_wait3A_1392 : memref<128x16xf32, #tpu.memory_space<vmem>>)
    %scan3A_1399 = arith.constant 0 : i32
    %scan3A_1400 = arith.constant 64 : i32
    %scan3A_1401 = arith.addi %scan3A_1399, %scan3A_1400 : i32
    %scan3A_1402 = arith.constant 1 : i32
    %scan3A_1403 = scf.for %scan3A_1431 = %scan3A_1399 to %scan3A_1401 step %scan3A_1402 iter_args(%scan3A_1432 = %scan3A_995) -> (vector<16xf32>)  : i32 {
      %mul3A_1433 = arith.constant 4 : i32
      %mul3A_1434 = arith.muli %scan3A_1431, %mul3A_1433 : i32
      %add3A_1435 = arith.constant 0 : i32
      %add3A_1436 = arith.addi %mul3A_1434, %add3A_1435 : i32
      %get3A = arith.index_cast %add3A_1436 : i32 to index
      %get3A_1437 = arith.constant 0 : index
      %get3A_1438 = tpu.vector_load %arg6[%get3A, %get3A_1437] {strides = array<i32>} : memref<256x16xf32, #tpu.memory_space<vmem>>, vector<1x16xf32>,
      %get3A_1439 = vector.shape_cast %get3A_1438 : vector<1x16xf32> to vector<16xf32>
      %add3A_1440 = arith.constant 0 : i32
      %add3A_1441 = arith.addi %add3A_1440, %mul3A_1434 : i32
      %add3A_1442 = arith.constant 0 : i32
      %add3A_1443 = arith.addi %add3A_1441, %add3A_1442 : i32
      %get3A_1444 = arith.index_cast %add3A_1443 : i32 to index
      %get3A_1445 = tpu.vector_load %arg13[%get3A_1444] {strides = array<i32>} : memref<1040xf32, #tpu.memory_space<vmem>>, vector<16xf32>,
      %get3A_1446 = vector.shape_cast %get3A_1445 : vector<16xf32> to vector<16xf32>
      %slice3A = vector.extract_strided_slice %get3A_1446 {offsets = [0], sizes = [1], strides = [1]} : vector<16xf32> to vector<1xf32>
      %squeeze3A = vector.extract %slice3A[0] : f32 from vector<1xf32>
      %mul3A_1447 = arith.mulf %get3A_1439, %get3A_1439 : vector<16xf32>
      %mul3A_1448 = vector.broadcast %squeeze3A : f32 to vector<16xf32>
      %mul3A_1449 = arith.mulf %mul3A_1447, %mul3A_1448 : vector<16xf32>
      %sub3A = arith.subf %scan3A_1432, %mul3A_1449 : vector<16xf32>
      %add3A_1450 = arith.constant 1 : i32
      %add3A_1451 = arith.addi %mul3A_1434, %add3A_1450 : i32
      %get3A_1452 = arith.index_cast %add3A_1451 : i32 to index
      %get3A_1453 = arith.constant 0 : index
      %get3A_1454 = tpu.vector_load %arg6[%get3A_1452, %get3A_1453] {strides = array<i32>} : memref<256x16xf32, #tpu.memory_space<vmem>>, vector<1x16xf32>,
      %get3A_1455 = vector.shape_cast %get3A_1454 : vector<1x16xf32> to vector<16xf32>
      %add3A_1456 = arith.constant 0 : i32
      %add3A_1457 = arith.addi %add3A_1456, %mul3A_1434 : i32
      %add3A_1458 = arith.constant 1 : i32
      %add3A_1459 = arith.addi %add3A_1457, %add3A_1458 : i32
      %get3A_1460 = arith.index_cast %add3A_1459 : i32 to index
      %get3A_1461 = tpu.vector_load %arg13[%get3A_1460] {strides = array<i32>} : memref<1040xf32, #tpu.memory_space<vmem>>, vector<16xf32>,
      %get3A_1462 = vector.shape_cast %get3A_1461 : vector<16xf32> to vector<16xf32>
      %slice3A_1463 = vector.extract_strided_slice %get3A_1462 {offsets = [0], sizes = [1], strides = [1]} : vector<16xf32> to vector<1xf32>
      %squeeze3A_1464 = vector.extract %slice3A_1463[0] : f32 from vector<1xf32>
      %mul3A_1465 = arith.mulf %get3A_1455, %get3A_1455 : vector<16xf32>
      %mul3A_1466 = vector.broadcast %squeeze3A_1464 : f32 to vector<16xf32>
      %mul3A_1467 = arith.mulf %mul3A_1465, %mul3A_1466 : vector<16xf32>
      %sub3A_1468 = arith.subf %sub3A, %mul3A_1467 : vector<16xf32>
      %add3A_1469 = arith.constant 2 : i32
      %add3A_1470 = arith.addi %mul3A_1434, %add3A_1469 : i32
      %get3A_1471 = arith.index_cast %add3A_1470 : i32 to index
      %get3A_1472 = arith.constant 0 : index
      %get3A_1473 = tpu.vector_load %arg6[%get3A_1471, %get3A_1472] {strides = array<i32>} : memref<256x16xf32, #tpu.memory_space<vmem>>, vector<1x16xf32>,
      %get3A_1474 = vector.shape_cast %get3A_1473 : vector<1x16xf32> to vector<16xf32>
      %add3A_1475 = arith.constant 0 : i32
      %add3A_1476 = arith.addi %add3A_1475, %mul3A_1434 : i32
      %add3A_1477 = arith.constant 2 : i32
      %add3A_1478 = arith.addi %add3A_1476, %add3A_1477 : i32
      %get3A_1479 = arith.index_cast %add3A_1478 : i32 to index
      %get3A_1480 = tpu.vector_load %arg13[%get3A_1479] {strides = array<i32>} : memref<1040xf32, #tpu.memory_space<vmem>>, vector<16xf32>,
      %get3A_1481 = vector.shape_cast %get3A_1480 : vector<16xf32> to vector<16xf32>
      %slice3A_1482 = vector.extract_strided_slice %get3A_1481 {offsets = [0], sizes = [1], strides = [1]} : vector<16xf32> to vector<1xf32>
      %squeeze3A_1483 = vector.extract %slice3A_1482[0] : f32 from vector<1xf32>
      %mul3A_1484 = arith.mulf %get3A_1474, %get3A_1474 : vector<16xf32>
      %mul3A_1485 = vector.broadcast %squeeze3A_1483 : f32 to vector<16xf32>
      %mul3A_1486 = arith.mulf %mul3A_1484, %mul3A_1485 : vector<16xf32>
      %sub3A_1487 = arith.subf %sub3A_1468, %mul3A_1486 : vector<16xf32>
      %add3A_1488 = arith.constant 3 : i32
      %add3A_1489 = arith.addi %mul3A_1434, %add3A_1488 : i32
      %get3A_1490 = arith.index_cast %add3A_1489 : i32 to index
      %get3A_1491 = arith.constant 0 : index
      %get3A_1492 = tpu.vector_load %arg6[%get3A_1490, %get3A_1491] {strides = array<i32>} : memref<256x16xf32, #tpu.memory_space<vmem>>, vector<1x16xf32>,
      %get3A_1493 = vector.shape_cast %get3A_1492 : vector<1x16xf32> to vector<16xf32>
      %add3A_1494 = arith.constant 0 : i32
      %add3A_1495 = arith.addi %add3A_1494, %mul3A_1434 : i32
      %add3A_1496 = arith.constant 3 : i32
      %add3A_1497 = arith.addi %add3A_1495, %add3A_1496 : i32
      %get3A_1498 = arith.index_cast %add3A_1497 : i32 to index
      %get3A_1499 = tpu.vector_load %arg13[%get3A_1498] {strides = array<i32>} : memref<1040xf32, #tpu.memory_space<vmem>>, vector<16xf32>,
      %get3A_1500 = vector.shape_cast %get3A_1499 : vector<16xf32> to vector<16xf32>
      %slice3A_1501 = vector.extract_strided_slice %get3A_1500 {offsets = [0], sizes = [1], strides = [1]} : vector<16xf32> to vector<1xf32>
      %squeeze3A_1502 = vector.extract %slice3A_1501[0] : f32 from vector<1xf32>
      %mul3A_1503 = arith.mulf %get3A_1493, %get3A_1493 : vector<16xf32>
      %mul3A_1504 = vector.broadcast %squeeze3A_1502 : f32 to vector<16xf32>
      %mul3A_1505 = arith.mulf %mul3A_1503, %mul3A_1504 : vector<16xf32>
      %sub3A_1506 = arith.subf %sub3A_1487, %mul3A_1505 : vector<16xf32>
      scf.yield %sub3A_1506 : vector<16xf32>
    }
    %scan3A_1404 = arith.constant 64 : i32
    %scan3A_1405 = arith.constant 0 : i32
    %scan3A_1406 = arith.constant 64 : i32
    %scan3A_1407 = arith.addi %scan3A_1405, %scan3A_1406 : i32
    %scan3A_1408 = arith.constant 1 : i32
    %scan3A_1409 = scf.for %scan3A_1431 = %scan3A_1405 to %scan3A_1407 step %scan3A_1408 iter_args(%scan3A_1432 = %scan3A_1403) -> (vector<16xf32>)  : i32 {
      %mul3A_1433 = arith.constant 4 : i32
      %mul3A_1434 = arith.muli %scan3A_1431, %mul3A_1433 : i32
      %add3A_1435 = arith.constant 0 : i32
      %add3A_1436 = arith.addi %mul3A_1434, %add3A_1435 : i32
      %get3A = arith.index_cast %add3A_1436 : i32 to index
      %get3A_1437 = arith.constant 0 : index
      %get3A_1438 = tpu.vector_load %arg7[%get3A, %get3A_1437] {strides = array<i32>} : memref<256x16xf32, #tpu.memory_space<vmem>>, vector<1x16xf32>,
      %get3A_1439 = vector.shape_cast %get3A_1438 : vector<1x16xf32> to vector<16xf32>
      %add3A_1440 = arith.constant 256 : i32
      %add3A_1441 = arith.addi %add3A_1440, %mul3A_1434 : i32
      %add3A_1442 = arith.constant 0 : i32
      %add3A_1443 = arith.addi %add3A_1441, %add3A_1442 : i32
      %get3A_1444 = arith.index_cast %add3A_1443 : i32 to index
      %get3A_1445 = tpu.vector_load %arg13[%get3A_1444] {strides = array<i32>} : memref<1040xf32, #tpu.memory_space<vmem>>, vector<16xf32>,
      %get3A_1446 = vector.shape_cast %get3A_1445 : vector<16xf32> to vector<16xf32>
      %slice3A = vector.extract_strided_slice %get3A_1446 {offsets = [0], sizes = [1], strides = [1]} : vector<16xf32> to vector<1xf32>
      %squeeze3A = vector.extract %slice3A[0] : f32 from vector<1xf32>
      %mul3A_1447 = arith.mulf %get3A_1439, %get3A_1439 : vector<16xf32>
      %mul3A_1448 = vector.broadcast %squeeze3A : f32 to vector<16xf32>
      %mul3A_1449 = arith.mulf %mul3A_1447, %mul3A_1448 : vector<16xf32>
      %sub3A = arith.subf %scan3A_1432, %mul3A_1449 : vector<16xf32>
      %add3A_1450 = arith.constant 1 : i32
      %add3A_1451 = arith.addi %mul3A_1434, %add3A_1450 : i32
      %get3A_1452 = arith.index_cast %add3A_1451 : i32 to index
      %get3A_1453 = arith.constant 0 : index
      %get3A_1454 = tpu.vector_load %arg7[%get3A_1452, %get3A_1453] {strides = array<i32>} : memref<256x16xf32, #tpu.memory_space<vmem>>, vector<1x16xf32>,
      %get3A_1455 = vector.shape_cast %get3A_1454 : vector<1x16xf32> to vector<16xf32>
      %add3A_1456 = arith.constant 256 : i32
      %add3A_1457 = arith.addi %add3A_1456, %mul3A_1434 : i32
      %add3A_1458 = arith.constant 1 : i32
      %add3A_1459 = arith.addi %add3A_1457, %add3A_1458 : i32
      %get3A_1460 = arith.index_cast %add3A_1459 : i32 to index
      %get3A_1461 = tpu.vector_load %arg13[%get3A_1460] {strides = array<i32>} : memref<1040xf32, #tpu.memory_space<vmem>>, vector<16xf32>,
      %get3A_1462 = vector.shape_cast %get3A_1461 : vector<16xf32> to vector<16xf32>
      %slice3A_1463 = vector.extract_strided_slice %get3A_1462 {offsets = [0], sizes = [1], strides = [1]} : vector<16xf32> to vector<1xf32>
      %squeeze3A_1464 = vector.extract %slice3A_1463[0] : f32 from vector<1xf32>
      %mul3A_1465 = arith.mulf %get3A_1455, %get3A_1455 : vector<16xf32>
      %mul3A_1466 = vector.broadcast %squeeze3A_1464 : f32 to vector<16xf32>
      %mul3A_1467 = arith.mulf %mul3A_1465, %mul3A_1466 : vector<16xf32>
      %sub3A_1468 = arith.subf %sub3A, %mul3A_1467 : vector<16xf32>
      %add3A_1469 = arith.constant 2 : i32
      %add3A_1470 = arith.addi %mul3A_1434, %add3A_1469 : i32
      %get3A_1471 = arith.index_cast %add3A_1470 : i32 to index
      %get3A_1472 = arith.constant 0 : index
      %get3A_1473 = tpu.vector_load %arg7[%get3A_1471, %get3A_1472] {strides = array<i32>} : memref<256x16xf32, #tpu.memory_space<vmem>>, vector<1x16xf32>,
      %get3A_1474 = vector.shape_cast %get3A_1473 : vector<1x16xf32> to vector<16xf32>
      %add3A_1475 = arith.constant 256 : i32
      %add3A_1476 = arith.addi %add3A_1475, %mul3A_1434 : i32
      %add3A_1477 = arith.constant 2 : i32
      %add3A_1478 = arith.addi %add3A_1476, %add3A_1477 : i32
      %get3A_1479 = arith.index_cast %add3A_1478 : i32 to index
      %get3A_1480 = tpu.vector_load %arg13[%get3A_1479] {strides = array<i32>} : memref<1040xf32, #tpu.memory_space<vmem>>, vector<16xf32>,
      %get3A_1481 = vector.shape_cast %get3A_1480 : vector<16xf32> to vector<16xf32>
      %slice3A_1482 = vector.extract_strided_slice %get3A_1481 {offsets = [0], sizes = [1], strides = [1]} : vector<16xf32> to vector<1xf32>
      %squeeze3A_1483 = vector.extract %slice3A_1482[0] : f32 from vector<1xf32>
      %mul3A_1484 = arith.mulf %get3A_1474, %get3A_1474 : vector<16xf32>
      %mul3A_1485 = vector.broadcast %squeeze3A_1483 : f32 to vector<16xf32>
      %mul3A_1486 = arith.mulf %mul3A_1484, %mul3A_1485 : vector<16xf32>
      %sub3A_1487 = arith.subf %sub3A_1468, %mul3A_1486 : vector<16xf32>
      %add3A_1488 = arith.constant 3 : i32
      %add3A_1489 = arith.addi %mul3A_1434, %add3A_1488 : i32
      %get3A_1490 = arith.index_cast %add3A_1489 : i32 to index
      %get3A_1491 = arith.constant 0 : index
      %get3A_1492 = tpu.vector_load %arg7[%get3A_1490, %get3A_1491] {strides = array<i32>} : memref<256x16xf32, #tpu.memory_space<vmem>>, vector<1x16xf32>,
      %get3A_1493 = vector.shape_cast %get3A_1492 : vector<1x16xf32> to vector<16xf32>
      %add3A_1494 = arith.constant 256 : i32
      %add3A_1495 = arith.addi %add3A_1494, %mul3A_1434 : i32
      %add3A_1496 = arith.constant 3 : i32
      %add3A_1497 = arith.addi %add3A_1495, %add3A_1496 : i32
      %get3A_1498 = arith.index_cast %add3A_1497 : i32 to index
      %get3A_1499 = tpu.vector_load %arg13[%get3A_1498] {strides = array<i32>} : memref<1040xf32, #tpu.memory_space<vmem>>, vector<16xf32>,
      %get3A_1500 = vector.shape_cast %get3A_1499 : vector<16xf32> to vector<16xf32>
      %slice3A_1501 = vector.extract_strided_slice %get3A_1500 {offsets = [0], sizes = [1], strides = [1]} : vector<16xf32> to vector<1xf32>
      %squeeze3A_1502 = vector.extract %slice3A_1501[0] : f32 from vector<1xf32>
      %mul3A_1503 = arith.mulf %get3A_1493, %get3A_1493 : vector<16xf32>
      %mul3A_1504 = vector.broadcast %squeeze3A_1502 : f32 to vector<16xf32>
      %mul3A_1505 = arith.mulf %mul3A_1503, %mul3A_1504 : vector<16xf32>
      %sub3A_1506 = arith.subf %sub3A_1487, %mul3A_1505 : vector<16xf32>
      scf.yield %sub3A_1506 : vector<16xf32>
    }
    %scan3A_1410 = arith.constant 64 : i32
    %scan3A_1411 = arith.constant 0 : i32
    %scan3A_1412 = arith.constant 64 : i32
    %scan3A_1413 = arith.addi %scan3A_1411, %scan3A_1412 : i32
    %scan3A_1414 = arith.constant 1 : i32
    %scan3A_1415 = scf.for %scan3A_1431 = %scan3A_1411 to %scan3A_1413 step %scan3A_1414 iter_args(%scan3A_1432 = %scan3A_1409) -> (vector<16xf32>)  : i32 {
      %mul3A_1433 = arith.constant 4 : i32
      %mul3A_1434 = arith.muli %scan3A_1431, %mul3A_1433 : i32
      %add3A_1435 = arith.constant 0 : i32
      %add3A_1436 = arith.addi %mul3A_1434, %add3A_1435 : i32
      %get3A = arith.index_cast %add3A_1436 : i32 to index
      %get3A_1437 = arith.constant 0 : index
      %get3A_1438 = tpu.vector_load %arg8[%get3A, %get3A_1437] {strides = array<i32>} : memref<256x16xf32, #tpu.memory_space<vmem>>, vector<1x16xf32>,
      %get3A_1439 = vector.shape_cast %get3A_1438 : vector<1x16xf32> to vector<16xf32>
      %add3A_1440 = arith.constant 512 : i32
      %add3A_1441 = arith.addi %add3A_1440, %mul3A_1434 : i32
      %add3A_1442 = arith.constant 0 : i32
      %add3A_1443 = arith.addi %add3A_1441, %add3A_1442 : i32
      %get3A_1444 = arith.index_cast %add3A_1443 : i32 to index
      %get3A_1445 = tpu.vector_load %arg13[%get3A_1444] {strides = array<i32>} : memref<1040xf32, #tpu.memory_space<vmem>>, vector<16xf32>,
      %get3A_1446 = vector.shape_cast %get3A_1445 : vector<16xf32> to vector<16xf32>
      %slice3A = vector.extract_strided_slice %get3A_1446 {offsets = [0], sizes = [1], strides = [1]} : vector<16xf32> to vector<1xf32>
      %squeeze3A = vector.extract %slice3A[0] : f32 from vector<1xf32>
      %mul3A_1447 = arith.mulf %get3A_1439, %get3A_1439 : vector<16xf32>
      %mul3A_1448 = vector.broadcast %squeeze3A : f32 to vector<16xf32>
      %mul3A_1449 = arith.mulf %mul3A_1447, %mul3A_1448 : vector<16xf32>
      %sub3A = arith.subf %scan3A_1432, %mul3A_1449 : vector<16xf32>
      %add3A_1450 = arith.constant 1 : i32
      %add3A_1451 = arith.addi %mul3A_1434, %add3A_1450 : i32
      %get3A_1452 = arith.index_cast %add3A_1451 : i32 to index
      %get3A_1453 = arith.constant 0 : index
      %get3A_1454 = tpu.vector_load %arg8[%get3A_1452, %get3A_1453] {strides = array<i32>} : memref<256x16xf32, #tpu.memory_space<vmem>>, vector<1x16xf32>,
      %get3A_1455 = vector.shape_cast %get3A_1454 : vector<1x16xf32> to vector<16xf32>
      %add3A_1456 = arith.constant 512 : i32
      %add3A_1457 = arith.addi %add3A_1456, %mul3A_1434 : i32
      %add3A_1458 = arith.constant 1 : i32
      %add3A_1459 = arith.addi %add3A_1457, %add3A_1458 : i32
      %get3A_1460 = arith.index_cast %add3A_1459 : i32 to index
      %get3A_1461 = tpu.vector_load %arg13[%get3A_1460] {strides = array<i32>} : memref<1040xf32, #tpu.memory_space<vmem>>, vector<16xf32>,
      %get3A_1462 = vector.shape_cast %get3A_1461 : vector<16xf32> to vector<16xf32>
      %slice3A_1463 = vector.extract_strided_slice %get3A_1462 {offsets = [0], sizes = [1], strides = [1]} : vector<16xf32> to vector<1xf32>
      %squeeze3A_1464 = vector.extract %slice3A_1463[0] : f32 from vector<1xf32>
      %mul3A_1465 = arith.mulf %get3A_1455, %get3A_1455 : vector<16xf32>
      %mul3A_1466 = vector.broadcast %squeeze3A_1464 : f32 to vector<16xf32>
      %mul3A_1467 = arith.mulf %mul3A_1465, %mul3A_1466 : vector<16xf32>
      %sub3A_1468 = arith.subf %sub3A, %mul3A_1467 : vector<16xf32>
      %add3A_1469 = arith.constant 2 : i32
      %add3A_1470 = arith.addi %mul3A_1434, %add3A_1469 : i32
      %get3A_1471 = arith.index_cast %add3A_1470 : i32 to index
      %get3A_1472 = arith.constant 0 : index
      %get3A_1473 = tpu.vector_load %arg8[%get3A_1471, %get3A_1472] {strides = array<i32>} : memref<256x16xf32, #tpu.memory_space<vmem>>, vector<1x16xf32>,
      %get3A_1474 = vector.shape_cast %get3A_1473 : vector<1x16xf32> to vector<16xf32>
      %add3A_1475 = arith.constant 512 : i32
      %add3A_1476 = arith.addi %add3A_1475, %mul3A_1434 : i32
      %add3A_1477 = arith.constant 2 : i32
      %add3A_1478 = arith.addi %add3A_1476, %add3A_1477 : i32
      %get3A_1479 = arith.index_cast %add3A_1478 : i32 to index
      %get3A_1480 = tpu.vector_load %arg13[%get3A_1479] {strides = array<i32>} : memref<1040xf32, #tpu.memory_space<vmem>>, vector<16xf32>,
      %get3A_1481 = vector.shape_cast %get3A_1480 : vector<16xf32> to vector<16xf32>
      %slice3A_1482 = vector.extract_strided_slice %get3A_1481 {offsets = [0], sizes = [1], strides = [1]} : vector<16xf32> to vector<1xf32>
      %squeeze3A_1483 = vector.extract %slice3A_1482[0] : f32 from vector<1xf32>
      %mul3A_1484 = arith.mulf %get3A_1474, %get3A_1474 : vector<16xf32>
      %mul3A_1485 = vector.broadcast %squeeze3A_1483 : f32 to vector<16xf32>
      %mul3A_1486 = arith.mulf %mul3A_1484, %mul3A_1485 : vector<16xf32>
      %sub3A_1487 = arith.subf %sub3A_1468, %mul3A_1486 : vector<16xf32>
      %add3A_1488 = arith.constant 3 : i32
      %add3A_1489 = arith.addi %mul3A_1434, %add3A_1488 : i32
      %get3A_1490 = arith.index_cast %add3A_1489 : i32 to index
      %get3A_1491 = arith.constant 0 : index
      %get3A_1492 = tpu.vector_load %arg8[%get3A_1490, %get3A_1491] {strides = array<i32>} : memref<256x16xf32, #tpu.memory_space<vmem>>, vector<1x16xf32>,
      %get3A_1493 = vector.shape_cast %get3A_1492 : vector<1x16xf32> to vector<16xf32>
      %add3A_1494 = arith.constant 512 : i32
      %add3A_1495 = arith.addi %add3A_1494, %mul3A_1434 : i32
      %add3A_1496 = arith.constant 3 : i32
      %add3A_1497 = arith.addi %add3A_1495, %add3A_1496 : i32
      %get3A_1498 = arith.index_cast %add3A_1497 : i32 to index
      %get3A_1499 = tpu.vector_load %arg13[%get3A_1498] {strides = array<i32>} : memref<1040xf32, #tpu.memory_space<vmem>>, vector<16xf32>,
      %get3A_1500 = vector.shape_cast %get3A_1499 : vector<16xf32> to vector<16xf32>
      %slice3A_1501 = vector.extract_strided_slice %get3A_1500 {offsets = [0], sizes = [1], strides = [1]} : vector<16xf32> to vector<1xf32>
      %squeeze3A_1502 = vector.extract %slice3A_1501[0] : f32 from vector<1xf32>
      %mul3A_1503 = arith.mulf %get3A_1493, %get3A_1493 : vector<16xf32>
      %mul3A_1504 = vector.broadcast %squeeze3A_1502 : f32 to vector<16xf32>
      %mul3A_1505 = arith.mulf %mul3A_1503, %mul3A_1504 : vector<16xf32>
      %sub3A_1506 = arith.subf %sub3A_1487, %mul3A_1505 : vector<16xf32>
      scf.yield %sub3A_1506 : vector<16xf32>
    }
    %scan3A_1416 = arith.constant 64 : i32
    %scan3A_1417 = arith.constant 0 : i32
    %scan3A_1418 = arith.constant 64 : i32
    %scan3A_1419 = arith.addi %scan3A_1417, %scan3A_1418 : i32
    %scan3A_1420 = arith.constant 1 : i32
    %scan3A_1421 = scf.for %scan3A_1431 = %scan3A_1417 to %scan3A_1419 step %scan3A_1420 iter_args(%scan3A_1432 = %scan3A_1415) -> (vector<16xf32>)  : i32 {
      %mul3A_1433 = arith.constant 4 : i32
      %mul3A_1434 = arith.muli %scan3A_1431, %mul3A_1433 : i32
      %add3A_1435 = arith.constant 0 : i32
      %add3A_1436 = arith.addi %mul3A_1434, %add3A_1435 : i32
      %get3A = arith.index_cast %add3A_1436 : i32 to index
      %get3A_1437 = arith.constant 0 : index
      %get3A_1438 = tpu.vector_load %arg9[%get3A, %get3A_1437] {strides = array<i32>} : memref<256x16xf32, #tpu.memory_space<vmem>>, vector<1x16xf32>,
      %get3A_1439 = vector.shape_cast %get3A_1438 : vector<1x16xf32> to vector<16xf32>
      %add3A_1440 = arith.constant 768 : i32
      %add3A_1441 = arith.addi %add3A_1440, %mul3A_1434 : i32
      %add3A_1442 = arith.constant 0 : i32
      %add3A_1443 = arith.addi %add3A_1441, %add3A_1442 : i32
      %get3A_1444 = arith.index_cast %add3A_1443 : i32 to index
      %get3A_1445 = tpu.vector_load %arg13[%get3A_1444] {strides = array<i32>} : memref<1040xf32, #tpu.memory_space<vmem>>, vector<16xf32>,
      %get3A_1446 = vector.shape_cast %get3A_1445 : vector<16xf32> to vector<16xf32>
      %slice3A = vector.extract_strided_slice %get3A_1446 {offsets = [0], sizes = [1], strides = [1]} : vector<16xf32> to vector<1xf32>
      %squeeze3A = vector.extract %slice3A[0] : f32 from vector<1xf32>
      %mul3A_1447 = arith.mulf %get3A_1439, %get3A_1439 : vector<16xf32>
      %mul3A_1448 = vector.broadcast %squeeze3A : f32 to vector<16xf32>
      %mul3A_1449 = arith.mulf %mul3A_1447, %mul3A_1448 : vector<16xf32>
      %sub3A = arith.subf %scan3A_1432, %mul3A_1449 : vector<16xf32>
      %add3A_1450 = arith.constant 1 : i32
      %add3A_1451 = arith.addi %mul3A_1434, %add3A_1450 : i32
      %get3A_1452 = arith.index_cast %add3A_1451 : i32 to index
      %get3A_1453 = arith.constant 0 : index
      %get3A_1454 = tpu.vector_load %arg9[%get3A_1452, %get3A_1453] {strides = array<i32>} : memref<256x16xf32, #tpu.memory_space<vmem>>, vector<1x16xf32>,
      %get3A_1455 = vector.shape_cast %get3A_1454 : vector<1x16xf32> to vector<16xf32>
      %add3A_1456 = arith.constant 768 : i32
      %add3A_1457 = arith.addi %add3A_1456, %mul3A_1434 : i32
      %add3A_1458 = arith.constant 1 : i32
      %add3A_1459 = arith.addi %add3A_1457, %add3A_1458 : i32
      %get3A_1460 = arith.index_cast %add3A_1459 : i32 to index
      %get3A_1461 = tpu.vector_load %arg13[%get3A_1460] {strides = array<i32>} : memref<1040xf32, #tpu.memory_space<vmem>>, vector<16xf32>,
      %get3A_1462 = vector.shape_cast %get3A_1461 : vector<16xf32> to vector<16xf32>
      %slice3A_1463 = vector.extract_strided_slice %get3A_1462 {offsets = [0], sizes = [1], strides = [1]} : vector<16xf32> to vector<1xf32>
      %squeeze3A_1464 = vector.extract %slice3A_1463[0] : f32 from vector<1xf32>
      %mul3A_1465 = arith.mulf %get3A_1455, %get3A_1455 : vector<16xf32>
      %mul3A_1466 = vector.broadcast %squeeze3A_1464 : f32 to vector<16xf32>
      %mul3A_1467 = arith.mulf %mul3A_1465, %mul3A_1466 : vector<16xf32>
      %sub3A_1468 = arith.subf %sub3A, %mul3A_1467 : vector<16xf32>
      %add3A_1469 = arith.constant 2 : i32
      %add3A_1470 = arith.addi %mul3A_1434, %add3A_1469 : i32
      %get3A_1471 = arith.index_cast %add3A_1470 : i32 to index
      %get3A_1472 = arith.constant 0 : index
      %get3A_1473 = tpu.vector_load %arg9[%get3A_1471, %get3A_1472] {strides = array<i32>} : memref<256x16xf32, #tpu.memory_space<vmem>>, vector<1x16xf32>,
      %get3A_1474 = vector.shape_cast %get3A_1473 : vector<1x16xf32> to vector<16xf32>
      %add3A_1475 = arith.constant 768 : i32
      %add3A_1476 = arith.addi %add3A_1475, %mul3A_1434 : i32
      %add3A_1477 = arith.constant 2 : i32
      %add3A_1478 = arith.addi %add3A_1476, %add3A_1477 : i32
      %get3A_1479 = arith.index_cast %add3A_1478 : i32 to index
      %get3A_1480 = tpu.vector_load %arg13[%get3A_1479] {strides = array<i32>} : memref<1040xf32, #tpu.memory_space<vmem>>, vector<16xf32>,
      %get3A_1481 = vector.shape_cast %get3A_1480 : vector<16xf32> to vector<16xf32>
      %slice3A_1482 = vector.extract_strided_slice %get3A_1481 {offsets = [0], sizes = [1], strides = [1]} : vector<16xf32> to vector<1xf32>
      %squeeze3A_1483 = vector.extract %slice3A_1482[0] : f32 from vector<1xf32>
      %mul3A_1484 = arith.mulf %get3A_1474, %get3A_1474 : vector<16xf32>
      %mul3A_1485 = vector.broadcast %squeeze3A_1483 : f32 to vector<16xf32>
      %mul3A_1486 = arith.mulf %mul3A_1484, %mul3A_1485 : vector<16xf32>
      %sub3A_1487 = arith.subf %sub3A_1468, %mul3A_1486 : vector<16xf32>
      %add3A_1488 = arith.constant 3 : i32
      %add3A_1489 = arith.addi %mul3A_1434, %add3A_1488 : i32
      %get3A_1490 = arith.index_cast %add3A_1489 : i32 to index
      %get3A_1491 = arith.constant 0 : index
      %get3A_1492 = tpu.vector_load %arg9[%get3A_1490, %get3A_1491] {strides = array<i32>} : memref<256x16xf32, #tpu.memory_space<vmem>>, vector<1x16xf32>,
      %get3A_1493 = vector.shape_cast %get3A_1492 : vector<1x16xf32> to vector<16xf32>
      %add3A_1494 = arith.constant 768 : i32
      %add3A_1495 = arith.addi %add3A_1494, %mul3A_1434 : i32
      %add3A_1496 = arith.constant 3 : i32
      %add3A_1497 = arith.addi %add3A_1495, %add3A_1496 : i32
      %get3A_1498 = arith.index_cast %add3A_1497 : i32 to index
      %get3A_1499 = tpu.vector_load %arg13[%get3A_1498] {strides = array<i32>} : memref<1040xf32, #tpu.memory_space<vmem>>, vector<16xf32>,
      %get3A_1500 = vector.shape_cast %get3A_1499 : vector<16xf32> to vector<16xf32>
      %slice3A_1501 = vector.extract_strided_slice %get3A_1500 {offsets = [0], sizes = [1], strides = [1]} : vector<16xf32> to vector<1xf32>
      %squeeze3A_1502 = vector.extract %slice3A_1501[0] : f32 from vector<1xf32>
      %mul3A_1503 = arith.mulf %get3A_1493, %get3A_1493 : vector<16xf32>
      %mul3A_1504 = vector.broadcast %squeeze3A_1502 : f32 to vector<16xf32>
      %mul3A_1505 = arith.mulf %mul3A_1503, %mul3A_1504 : vector<16xf32>
      %sub3A_1506 = arith.subf %sub3A_1487, %mul3A_1505 : vector<16xf32>
      scf.yield %sub3A_1506 : vector<16xf32>
    }
    %scan3A_1422 = arith.constant 64 : i32
    %swap3A_1423 = arith.constant 0 : index
    %swap3A_1424 = tpu.vector_load %arg14[%swap3A_1423] {strides = array<i32>} : memref<16xf32, #tpu.memory_space<vmem>>, vector<16xf32>,
    %swap3A_1425 = vector.shape_cast %swap3A_1424 : vector<16xf32> to vector<16xf32>
    %swap3A_1426 = vector.shape_cast %scan3A_1421 : vector<16xf32> to vector<16xf32>
    tpu.vector_store %arg14[%swap3A_1423], %swap3A_1426 {strides = array<i32>} : memref<16xf32, #tpu.memory_space<vmem>>, vector<16xf32>,
    %mul3A_1427 = arith.constant 16 : i32
    %mul3A_1428 = arith.muli %arg0, %mul3A_1427 : i32
    "tpu.region"() ({
      %run_scoped3A = tpu.sem_alloc : memref<!tpu.dma_semaphore, #tpu.memory_space<semaphore_mem>>
      %dma_start3A_1431 = tpu.memref_slice %arg4[%arg1, %mul3A_1428] : memref<16x128xf32, #tpu.memory_space<hbm>> -> memref<1x16xf32, #tpu.memory_space<hbm>>
      %dma_start3A_1432 = tpu.memref_squeeze %dma_start3A_1431 : memref<1x16xf32, #tpu.memory_space<hbm>> -> memref<16xf32, #tpu.memory_space<hbm>>
      %dma_start3A_1433 = tpu.memref_slice %arg4[%arg1, %mul3A_1428] : memref<16x128xf32, #tpu.memory_space<hbm>> -> memref<1x16xf32, #tpu.memory_space<hbm>>
      %dma_start3A_1434 = tpu.memref_squeeze %dma_start3A_1433 : memref<1x16xf32, #tpu.memory_space<hbm>> -> memref<16xf32, #tpu.memory_space<hbm>>
      tpu.enqueue_dma source(%arg14 : memref<16xf32, #tpu.memory_space<vmem>>) target(%dma_start3A_1434 : memref<16xf32, #tpu.memory_space<hbm>>) target_semaphore(%run_scoped3A : memref<!tpu.dma_semaphore, #tpu.memory_space<semaphore_mem>>)
      %dma_wait3A_1435 = tpu.memref_slice %arg4[%arg1, %mul3A_1428] : memref<16x128xf32, #tpu.memory_space<hbm>> -> memref<1x16xf32, #tpu.memory_space<hbm>>
      %dma_wait3A_1436 = tpu.memref_squeeze %dma_wait3A_1435 : memref<1x16xf32, #tpu.memory_space<hbm>> -> memref<16xf32, #tpu.memory_space<hbm>>
      %dma_wait3A_1437 = tpu.memref_slice %arg4[%arg1, %mul3A_1428] : memref<16x128xf32, #tpu.memory_space<hbm>> -> memref<1x16xf32, #tpu.memory_space<hbm>>
      %dma_wait3A_1438 = tpu.memref_squeeze %dma_wait3A_1437 : memref<1x16xf32, #tpu.memory_space<hbm>> -> memref<16xf32, #tpu.memory_space<hbm>>
      tpu.wait_dma2 semaphore(%run_scoped3A : memref<!tpu.dma_semaphore, #tpu.memory_space<semaphore_mem>>) src(%arg14 : memref<16xf32, #tpu.memory_space<vmem>>) dst(%dma_wait3A_1438 : memref<16xf32, #tpu.memory_space<hbm>>)
      tpu.yield
    }) : () -> ()
    %eq3A = arith.constant 0 : i32
    %eq3A_1429 = arith.cmpi eq, %arg0, %eq3A : i32
    %convert_element_type3A = arith.extui %eq3A_1429 : i1 to i32
    %cond3A = arith.constant 0 : i32
    %cond3A_1430 = arith.cmpi ne, %convert_element_type3A, %cond3A : i32
    scf.if %cond3A_1430 {
      "tpu.region"() ({
        %run_scoped3A = tpu.sem_alloc : memref<!tpu.dma_semaphore, #tpu.memory_space<semaphore_mem>>
        %dma_start3A_1431 = arith.constant 0 : i32
        %dma_start3A_1432 = tpu.memref_slice %arg11[%dma_start3A_1431] : memref<128xf32, #tpu.memory_space<vmem>> -> memref<96xf32, #tpu.memory_space<vmem>>
        %dma_start3A_1433 = arith.constant 32 : i32
        %dma_start3A_1434 = tpu.memref_slice %arg4[%arg1, %dma_start3A_1433] : memref<16x128xf32, #tpu.memory_space<hbm>> -> memref<1x96xf32, #tpu.memory_space<hbm>>
        %dma_start3A_1435 = tpu.memref_squeeze %dma_start3A_1434 : memref<1x96xf32, #tpu.memory_space<hbm>> -> memref<96xf32, #tpu.memory_space<hbm>>
        %dma_start3A_1436 = arith.constant 32 : i32
        %dma_start3A_1437 = tpu.memref_slice %arg4[%arg1, %dma_start3A_1436] : memref<16x128xf32, #tpu.memory_space<hbm>> -> memref<1x96xf32, #tpu.memory_space<hbm>>
        %dma_start3A_1438 = tpu.memref_squeeze %dma_start3A_1437 : memref<1x96xf32, #tpu.memory_space<hbm>> -> memref<96xf32, #tpu.memory_space<hbm>>
        %dma_start3A_1439 = arith.constant 0 : i32
        %dma_start3A_1440 = tpu.memref_slice %arg11[%dma_start3A_1439] : memref<128xf32, #tpu.memory_space<vmem>> -> memref<96xf32, #tpu.memory_space<vmem>>
        tpu.enqueue_dma source(%dma_start3A_1440 : memref<96xf32, #tpu.memory_space<vmem>>) target(%dma_start3A_1438 : memref<96xf32, #tpu.memory_space<hbm>>) target_semaphore(%run_scoped3A : memref<!tpu.dma_semaphore, #tpu.memory_space<semaphore_mem>>)
        %dma_wait3A_1441 = arith.constant 0 : i32
        %dma_wait3A_1442 = tpu.memref_slice %arg11[%dma_wait3A_1441] : memref<128xf32, #tpu.memory_space<vmem>> -> memref<96xf32, #tpu.memory_space<vmem>>
        %dma_wait3A_1443 = arith.constant 32 : i32
        %dma_wait3A_1444 = tpu.memref_slice %arg4[%arg1, %dma_wait3A_1443] : memref<16x128xf32, #tpu.memory_space<hbm>> -> memref<1x96xf32, #tpu.memory_space<hbm>>
        %dma_wait3A_1445 = tpu.memref_squeeze %dma_wait3A_1444 : memref<1x96xf32, #tpu.memory_space<hbm>> -> memref<96xf32, #tpu.memory_space<hbm>>
        %dma_wait3A_1446 = arith.constant 32 : i32
        %dma_wait3A_1447 = tpu.memref_slice %arg4[%arg1, %dma_wait3A_1446] : memref<16x128xf32, #tpu.memory_space<hbm>> -> memref<1x96xf32, #tpu.memory_space<hbm>>
        %dma_wait3A_1448 = tpu.memref_squeeze %dma_wait3A_1447 : memref<1x96xf32, #tpu.memory_space<hbm>> -> memref<96xf32, #tpu.memory_space<hbm>>
        %dma_wait3A_1449 = arith.constant 0 : i32
        %dma_wait3A_1450 = tpu.memref_slice %arg11[%dma_wait3A_1449] : memref<128xf32, #tpu.memory_space<vmem>> -> memref<96xf32, #tpu.memory_space<vmem>>
        tpu.wait_dma2 semaphore(%run_scoped3A : memref<!tpu.dma_semaphore, #tpu.memory_space<semaphore_mem>>) src(%dma_wait3A_1450 : memref<96xf32, #tpu.memory_space<vmem>>) dst(%dma_wait3A_1448 : memref<96xf32, #tpu.memory_space<hbm>>)
        tpu.yield
      }) : () -> ()
    } else {
    }
    return
  }
}

module attributes {stable_mosaic.version = 14 : i64} {
  func.func @_prep_body(%arg0: i32, %arg1: memref<4096x64xf32, #tpu.memory_space<vmem>>, %arg2: memref<1x1x64xf32, #tpu.memory_space<vmem>>) attributes {dimension_semantics = [#tpu.dimension_semantics<arbitrary>], iteration_bounds = array<i64: 4>, scalar_prefetch = 0 : i64, scratch_operands = 0 : i64, tpu.core_type = #tpu.core_type<tc>, window_params = [{transform_indices = @transform_0, window_bounds = array<i64: 4096, 64>}, {pipeline_mode = #tpu.pipeline_mode<synchronous>, transform_indices = @transform_1, window_bounds = array<i64: 1, 1, 64>}]} {
    %get3A = arith.constant 0 : index
    %get3A_0 = arith.constant 0 : index
    %get3A_1 = vector.load %arg1[%get3A, %get3A_0] : memref<4096x64xf32, #tpu.memory_space<vmem>>, vector<4096x64xf32>
    %mul3A = arith.mulf %get3A_1, %get3A_1 : vector<4096x64xf32>
    %reduce_sum3A = arith.constant dense<0.000000e+00> : vector<64xf32>
    %reduce_sum3A_2 = vector.multi_reduction <add>, %mul3A, %reduce_sum3A [0] : vector<4096x64xf32> to vector<64xf32>
    %reshape3A = vector.shape_cast %reduce_sum3A_2 : vector<64xf32> to vector<1x1x64xf32>
    %eq3A = arith.constant 0 : i32
    %eq3A_3 = arith.cmpi eq, %arg0, %eq3A : i32
    %convert_element_type3A = arith.extui %eq3A_3 : i1 to i32
    %cond3A = arith.constant 0 : i32
    %cond3A_4 = arith.cmpi ne, %convert_element_type3A, %cond3A : i32
    scf.if %cond3A_4 {
      %swap3A = arith.constant 0 : index
      %swap3A_9 = arith.constant 0 : index
      %swap3A_10 = arith.constant 0 : index
      %swap3A_11 = vector.load %arg2[%swap3A, %swap3A_9, %swap3A_10] : memref<1x1x64xf32, #tpu.memory_space<vmem>>, vector<1x1x64xf32>
      tpu.vector_store %arg2[%swap3A, %swap3A_9, %swap3A_10], %reshape3A {strides = array<i32>} : memref<1x1x64xf32, #tpu.memory_space<vmem>>, vector<1x1x64xf32>,
    } else {
    }
    %gt3A = arith.constant 0 : i32
    %gt3A_5 = arith.cmpi sgt, %arg0, %gt3A : i32
    %convert_element_type3A_6 = arith.extui %gt3A_5 : i1 to i32
    %cond3A_7 = arith.constant 0 : i32
    %cond3A_8 = arith.cmpi ne, %convert_element_type3A_6, %cond3A_7 : i32
    scf.if %cond3A_8 {
      %get3A_9 = arith.constant 0 : index
      %get3A_10 = arith.constant 0 : index
      %get3A_11 = arith.constant 0 : index
      %get3A_12 = vector.load %arg2[%get3A_9, %get3A_10, %get3A_11] : memref<1x1x64xf32, #tpu.memory_space<vmem>>, vector<1x1x64xf32>
      %add3A = arith.addf %get3A_12, %reshape3A : vector<1x1x64xf32>
      %swap3A = arith.constant 0 : index
      %swap3A_13 = arith.constant 0 : index
      %swap3A_14 = arith.constant 0 : index
      %swap3A_15 = vector.load %arg2[%swap3A, %swap3A_13, %swap3A_14] : memref<1x1x64xf32, #tpu.memory_space<vmem>>, vector<1x1x64xf32>
      tpu.vector_store %arg2[%swap3A, %swap3A_13, %swap3A_14], %add3A {strides = array<i32>} : memref<1x1x64xf32, #tpu.memory_space<vmem>>, vector<1x1x64xf32>,
    } else {
    }
    return
  }
  func.func @transform_0(%arg0: i32) -> (i32, i32) {
    %c0_i32 = arith.constant 0 : i32
    %c0_i32_0 = arith.constant 0 : i32
    return %arg0, %c0_i32 : i32, i32
  }
  func.func @transform_1(%arg0: i32) -> (i32, i32, i32) {
    %c0_i32 = arith.constant 0 : i32
    %c0_i32_0 = arith.constant 0 : i32
    %c0_i32_1 = arith.constant 0 : i32
    %c0_i32_2 = arith.constant 0 : i32
    return %c0_i32, %c0_i32_0, %c0_i32_1 : i32, i32, i32
  }
}

</mosaic_0001>

<sc_bundles>
// kernel: kernel.4.cloned.1.call-start
scs
__scs_entry_jumppad:
0x0: {  	(pc) =	sbr.rel $0x88, $3  }
0x1: {  	(tag) =	ssettag $0x0;
	lr =	simm.s32 $0x1  }
0x2: {  	[smem:$0x3F9F] =	sst lr;
	_ =	strace $0xD0000000  }
0x3: {  	_ = 	snop  }
0x4: {  	_ = 	snop  }
0x5: {  	_ = 	snop  }
0x6: {  	_ = 	snop  }
0x7: {  	_ = 	snop  }
__scs_overlays_trampoline_lowered:
0x8: {  	[smem:$0x3FAE] =	sst s0  }
0x9: {  	[smem:$0x3FAF] =	sst s1  }
0xa: {  	[smem:$0x3FB0] =	sst s2  }
0xb: {  	[smem:$0x3FB1] =	sst s3  }
0xc: {  	[smem:$0x3FB2] =	sst s4  }
0xd: {  	[smem:$0x3FB3] =	sst s5  }
0xe: {  	[smem:$0x3FB4] =	sst s6  }
0xf: {  	[smem:$0x3FB5] =	sst s7  }
0x10: {  	[smem:$0x3FB6] =	sst s8  }
0x11: {  	[smem:$0x3FB7] =	sst s9;
	s0 =	simm.s32 @!p0 $0x0  }
0x12: {  	s1 =	sld [smem:$0x3F9D];
	s0 =	simm.s32 @p0 $0x1  }
0x13: {  	[smem:$0x3FB8] =	sst s0;
	s0 =	simm.s32 @!p1 $0x0  }
0x14: {  	s2 =	sld [smem:$0x3F9C];
	s0 =	simm.s32 @p1 $0x1  }
0x15: {  	[smem:$0x3FB9] =	sst s0;
	s0 =	simm.s32 @!p2 $0x0  }
0x16: {  	s3 =	sld [smem:$0x3FDB];
	s0 =	simm.s32 @p2 $0x1  }
0x17: {  	s4 =	simm.s32 $0x1BF5;
	[smem:$0x3FBB] =	sst s0  }
0x18: {  	s0 =	sld [smem:$0x3F9E];
	_ =	swait.ge [sflag:s4], $0x0  }
0x19: {  	s7 =	sld [smem:$0x3F9F]  }
0x1a: {  	s8 =	sadd.s32 $0xFFFFE003, lr  }
0x1b: {  	s9 =	sadd.s32 $0xFFFFFEF7, lr;
	s5 =	simm.s32 $0xFFFFFFFF;
	p2 =	slt.u32 s8, $0xFFFFF086  }
0x1c: {  	p1 =	slt.u32 s9, $0xF7A;
	s5 =	simm.s32 @!p2 $0x0  }
0x1d: {  	s5 =	simm.s32 @p1 $0x1;
	p0 =	seq.s32 s7, s2  }
0x1e: {  	s7 =	smul.u32 @!p0 $0xF7A, s2;
	p2 =	seq.s32 @!p0 s5, $0x0  }
0x1f: {  	s9 =	smul.u32 $0xF7A, s1;
	s8 =	simm.s32 @!p0 $0x1BF5;
	p2 =	por !p2, p0  }
0x20: {  	[sflag:s8] =	ssyncset.s32 @!p0 $0xFFFFF086;
	s6 =	sadd.s32 @!p0 s3, s7;
	s7 =	simm.s32 @!p0 $0x108  }
0x21: {  	s3 =	sadd.s32 s3, s9;
	s6 =	sadd.s32 @!p0 $0x88, s6;
	s7 =	simm.s32 @p2 $0x1082  }
0x22: {  	[simem:s7], [sflag:s8] =	dma.local @!p0 [hbm:s6], $0xF7A  }
0x23: {  	s9 =	sor.u32 $0xD0000000, s2;
	s6 =	simm.s32 $0x108;
	_ =	swait.ge @!p0 [sflag:s8], $0x0  }
0x24: {  	s3 =	sadd.s32 $0x88, s3;
	s6 =	simm.s32 @!p1 $0x1082;
	[sflag:s4] =	ssyncset.s32 $0xFFFFF086  }
0x25: {  	[simem:s6], [sflag:s4] =	dma.local [hbm:s3], $0xF7A  }
0x26: {  	[smem:$0x3F9F] =	sst s1;
	(tag) =	ssettag s2;
	_ =	strace s9  }
0x27: {  	s1 =	sld [smem:$0x3FAF]  }
0x28: {  	s2 =	sld [smem:$0x3FB0]  }
0x29: {  	s4 =	sld [smem:$0x3FB2]  }
0x2a: {  	p0 =	seq.s32 s5, $0x0;
	s5 =	sld [smem:$0x3FB3]  }
0x2b: {  	s6 =	sld [smem:$0x3FB4]  }
0x2c: {  	s7 =	sld [smem:$0x3FB5]  }
0x2d: {  	s3 =	simm.s32 $0x108;
	s8 =	sld [smem:$0x3FB6]  }
0x2e: {  	s3 =	simm.s32 @!p0 $0x1082;
	s9 =	sld [smem:$0x3FB7]  }
0x2f: {  	lr =	sadd.s32 s0, s3;
	s0 =	sld [smem:$0x3FAE]  }
0x30: {  	s3 =	sld [smem:$0x3FB1]  }
0x31: {  	[smem:$0x3FBA] =	sst s10  }
0x32: {  	s10 =	sld [smem:$0x3FB8];
	_ =	sdelay $0x3  }
0x33: {  	p0 =	seq.s32 s10, $0x1;
	s10 =	sld [smem:$0x3FBA];
	_ =	sdelay $0x3  }
0x34: {  	[smem:$0x3FBA] =	sst s10  }
0x35: {  	s10 =	sld [smem:$0x3FB9];
	_ =	sdelay $0x3  }
0x36: {  	p1 =	seq.s32 s10, $0x1;
	s10 =	sld [smem:$0x3FBA];
	_ =	sdelay $0x3  }
0x37: {  	[smem:$0x3FBA] =	sst s10  }
0x38: {  	s10 =	sld [smem:$0x3FBB]  }
0x39: {  	_ = 	snop;
	(pc) =	sbr.ind lr, $3  }
0x3a: {  	_ = 	snop  }
0x3b: {  	_ = 	snop  }
0x3c: {  	p2 =	seq.s32 s10, $0x1;
	s10 =	sld [smem:$0x3FBA]  }
0x3d: {  	_ =	shalt  }
0x3e: {  	_ =	shalt  }
0x3f: {  	_ =	shalt  }
0x40: {  	_ =	shalt  }
0x41: {  	_ =	shalt  }
0x42: {  	_ =	shalt  }
0x43: {  	_ =	shalt  }
0x44: {  	_ =	shalt  }
0x45: {  	_ =	shalt  }
0x46: {  	_ =	shalt  }
0x47: {  	_ =	shalt  }
0x48: {  	_ =	shalt  }
0x49: {  	_ =	shalt  }
0x4a: {  	_ =	shalt  }
0x4b: {  	_ =	shalt  }
0x4c: {  	_ =	shalt  }
0x4d: {  	_ =	shalt  }
0x4e: {  	_ =	shalt  }
0x4f: {  	_ =	shalt  }
0x50: {  	_ =	shalt  }
0x51: {  	_ =	shalt  }
0x52: {  	_ =	shalt  }
0x53: {  	_ =	shalt  }
0x54: {  	_ =	shalt  }
0x55: {  	_ =	shalt  }
0x56: {  	_ =	shalt  }
0x57: {  	_ =	shalt  }
0x58: {  	_ =	shalt  }
0x59: {  	_ =	shalt  }
0x5a: {  	_ =	shalt  }
0x5b: {  	_ =	shalt  }
0x5c: {  	_ =	shalt  }
0x5d: {  	_ =	shalt  }
0x5e: {  	_ =	shalt  }
0x5f: {  	_ =	shalt  }
0x60: {  	_ =	shalt  }
0x61: {  	_ =	shalt  }
0x62: {  	_ =	shalt  }
0x63: {  	_ =	shalt  }
0x64: {  	_ =	shalt  }
0x65: {  	_ =	shalt  }
0x66: {  	_ =	shalt  }
0x67: {  	_ =	shalt  }
0x68: {  	_ =	shalt  }
0x69: {  	_ =	shalt  }
0x6a: {  	_ =	shalt  }
0x6b: {  	_ =	shalt  }
0x6c: {  	_ =	shalt  }
0x6d: {  	_ =	shalt  }
0x6e: {  	_ =	shalt  }
0x6f: {  	_ =	shalt  }
0x70: {  	_ =	shalt  }
0x71: {  	_ =	shalt  }
0x72: {  	_ =	shalt  }
0x73: {  	_ =	shalt  }
0x74: {  	_ =	shalt  }
0x75: {  	_ =	shalt  }
0x76: {  	_ =	shalt  }
0x77: {  	_ =	shalt  }
0x78: {  	_ =	shalt  }
0x79: {  	_ =	shalt  }
0x7a: {  	_ =	shalt  }
0x7b: {  	_ =	shalt  }
0x7c: {  	_ =	shalt  }
0x7d: {  	_ =	shalt  }
0x7e: {  	_ =	shalt  }
0x7f: {  	_ =	shalt  }
0x80: {  	_ =	shalt  }
0x81: {  	_ =	shalt  }
0x82: {  	_ =	shalt  }
0x83: {  	_ =	shalt  }
0x84: {  	_ =	shalt  }
0x85: {  	_ =	shalt  }
0x86: {  	_ =	shalt  }
0x87: {  	_ =	shalt  }
.Lfunc_end0:
.L_simem_size_0:
called_computation_lowered:
.L_overlay_start_0:
0x88: {  	s2 =	sld [smem:$0x3FD9]  }
0x89: {  	s3 =	sld [smem:$0x3FFE];
	_ =	sdelay $0x1  }
0x8a: {  	s1 =	srdreg.scid  }
0x8b: {  	s0 =	sand.u32 $0x1, s1  }
0x8c: {  	s17 =	sshll.u32 s0, $0xA;
	s2 =	sadd.s32 s3, s2  }
0x8d: {  	s2 =	sadd.s32 s2, s17  }
0x8e: {  	[smem:$0x3FC6] =	sst s2  }
0x8f: {  	_ = 	snop  }
0x90: {  	s2 =	sld [smem:$0x3FC8];
	(tm) =	ssettm $0x1  }
0x91: {  	s18 =	sld [smem:$0x3FFB];
	_ =	sdelay $0x3  }
0x92: {  	_ =	strace s18  }
0x93: {  	s3 =	sld [smem:$0x3FFC];
	_ =	sdelay $0x3  }
0x94: {  	_ =	strace s3  }
0x95: {  	s3 =	sld [smem:$0x3FFD];
	_ =	sdelay $0x3  }
0x96: {  	_ =	strace s3  }
0x97: {  	_ =	strace $0x8FFFFFFF  }
0x98: {  	s19 =	sld [smem:$0x3FDB];
	_ =	sdelay $0x1  }
0x99: {  	s4 =	simm.s32 $_scs_section_size  }
0x9a: {  	s5 =	simm.s32 $_size__tile_overlayer_lowered;
	s6 =	simm.s32 $_tile_overlayer_lowered  }
0x9b: {  	s22 =	simm.s32 $0x1BFF;
	s21 =	sshll.u32 s6, $0x1;
	s3 =	sadd.s32 s4, s19  }
0x9c: {  	s7 =	simm.s32 $0x0;
	s20 =	sshll.u32 s5, $0x1;
	s5 =	sadd.s32 s21, s3  }
0x9d: {  	[timem:s7], [sflag:s22] =	dma.local [hbm:s5], s20  }
0x9e: {  	_ =	swait.ge [sflag:s22], s20  }
0x9f: {  	s4 =	ssub.s32 $0x0, s20;
	[sflag:s22] =	ssyncset.done $0x0  }
0xa0: {  	[sflag:s22] =	ssyncadd.s32 s4;
	_ =	sdelay $0x1  }
0xa1: {  	s23 =	simm.s32 $0x1B8B  }
0xa2: {  	_ =	swait.ge [sflag:s23], $0x1  }
0xa3: {  	[sflag:s23] =	ssyncset.done $0x0  }
0xa4: {  	s25 =	simm.s32 $0x1B8E;
	s24 =	sld [smem:$0x3FFE];
	[sflag:s23] =	ssyncadd.s32 $0xFFFFFFFF  }
0xa5: {  	s26 =	simm.s32 $execute0_lowered;
	[smem:$0x3FD2] =	sst s25  }
0xa6: {  	s5 =	sshll.u32 s26, $0x1;
	_ =	strace $0x80000046;
	[dreg:$0x1] =	wrdreg $0xFFFFFFFF  }
0xa7: {  	s28 =	simm.s32 $_size_execute0_lowered;
	s3 =	sadd.s32 s3, s5;
	[dreg:$0x0] =	wrdreg $0x0  }
0xa8: {  	s5 =	sshll.u32 s28, $0x1;
	[dreg:$0x2] =	wrdreg s3  }
0xa9: {  	[dreg:$0x3] =	wrdreg s5  }
0xaa: {  	[dreg:$0x4] =	wrdreg $0xC0  }
0xab: {  	_ =	task [dreg:s7], $0x5FFFF  }
0xac: {  	[dreg:$0x1] =	wrdreg $0xFFFFFFFF  }
0xad: {  	[dreg:$0x0] =	wrdreg $0x60  }
0xae: {  	[dreg:$0x2] =	wrdreg s24  }
0xaf: {  	[dreg:$0x3] =	wrdreg s2  }
0xb0: {  	[dreg:$0x4] =	wrdreg $0x51200  }
0xb1: {  	[dreg:$0x5] =	wrdreg $0x1D7C00  }
0xb2: {  	[dreg:$0x6] =	wrdreg $0x9  }
0xb3: {  	_ =	task.clear_ibuf [dreg:s7], $0x7FFFF;
	_ =	strace $0x90000046  }
0xb4: {  	s29 =	simm.s32 $0x9;
	_ =	strace $0x80000048  }
0xb5: {  	_ =	swait.ge [sflag:s29], $0x1  }
0xb6: {  	[sflag:s29] =	ssyncadd.s32 $0xFFFFFFFF  }
0xb7: {  	_ =	strace $0x90000048  }
0xb8: {  	_ =	sfence  }
0xb9: {  	s30 =	sld [smem:$0x0];
	_ =	sdelay $0x2  }
0xba: {  	s31 =	sshll.u32 s1, $0xD;
	s1 =	sshrl.u32 s1, $0x2  }
0xbb: {  	s3 =	sand.u32 $0x4000, s31;
	s1 =	sadd.s32 s1, s30  }
0xbc: {  	s0 =	sor.u32 s3, s0;
	s1 =	sshll.u32 s1, $0x11  }
0xbd: {  	s0 =	sor.u32 s1, s0  }
0xbe: {  	s0 =	sadd.s32 $0x8F2B, s0  }
0xbf: {  	[sflag:s0] =	ssyncadd.remote.s32 $0x1  }
0xc0: {  	_ =	sfence.sel $0xFFFF  }
0xc1: {  	[dreg:$0x0] =	wrdreg $0xFFFFFFFF;
	(pc) =	sbr.abs _section_cstart, $3  }
0xc2: {  	[dreg:$0x1] =	wrdreg $0xFFFFFFFF  }
0xc3: {  	_ =	task.clear_ibuf [dreg:s7], $0x2FFFF;
	_ =	strace $0x9FFFFFFF  }
0xc4: {  	(tm) =	ssettm $0x7FFFFFFF  }
0xc5: {  	_ =	shalt  }
tec
execute0_lowered:
.L_overlay_start_1:
0x0: {  	(tag) =	ssettag $0x1  }
0x1: {  	s0 =	rddreg [dreg:$0x0]  }
0x2: {  	s3 =	rddreg [dreg:$0x1]  }
0x3: {  	s1 =	rddreg [dreg:$0x2]  }
0x4: {  	s2 =	rddreg [dreg:$0x3];
	s16 =	simm.s32 $0x0  }
0x5: {  	s4 =	srdreg.scid;
	s14 =	stileid.u32;
	s28 =	simm.s32 $0x100  }
0x6: {  	s29 =	simm.s32 $0x180;
	s30 =	simm.s32 $0x200;
	s31 =	simm.s32 $0x280  }
0x7: {  	[smem:$0x7FF] =	sst s16;
	s4 =	sand.u32 $0x1, s4;
	s8 =	sshll.u32 s14, $0x10  }
0x8: {  	s9 =	sadd.s32 $0x20000, s0;
	s10 =	sshll.u32 s14, $0x7;
	_ =	strace $0x80000047  }
0x9: {  	s5 =	ssub.s32 $0x2, s4;
	s7 =	sshll.u32 s4, $0x5;
	s11 =	sor.u32 $0x4000, s8  }
0xa: {  	s3 =	sadd.s32 s3, s10;
	s25 =	sor.u32 $0x8000, s8;
	s12 =	sor.u32 $0xC000, s8  }
0xb: {  	s21 =	sshll.u32 s4, $0x4;
	p0 =	sne.s32 s4, $0x0;
	s4 =	simm.s32 $0x380  }
0xc: {  	s6 =	sshrl.u32 s5, $0x1;
	s22 =	sor.u32 s7, s8;
	[dreg:$0x5] =	wrdreg s3  }
0xd: {  	s24 =	sor.u32 s7, s11;
	s26 =	sor.u32 s7, s25;
	s13 =	sor.u32 s7, s12  }
0xe: {  	s7 =	sor.u32 $0x10, s7;
	s5 =	ssub.s32 s5, s6;
	s6 =	sshrl.u32 s22, $0x3  }
0xf: {  	s3 =	sshrl.u32 s24, $0x3;
	s13 =	sshrl.u32 s13, $0x3;
	s17 =	sor.u32 s8, s7  }
0x10: {  	s18 =	sor.u32 s7, s11;
	s22 =	sor.u32 s7, s12;
	s8 =	simm.s32 $0x2  }
0x11: {  	s12 =	simm.s32 $0x4;
	s23 =	sadd.s32 s0, s6;
	s3 =	sadd.s32 s0, s3  }
0x12: {  	s15 =	sadd.s32 s0, s13;
	s6 =	sor.u32 s7, s25;
	[dreg:$0x6] =	wrdreg s23  }
0x13: {  	s19 =	sshrl.u32 s18, $0x3;
	s13 =	simm.s32 $0x7;
	[dreg:$0x7] =	wrdreg s3  }
0x14: {  	s18 =	simm.s32 $0x10;
	s3 =	sshrl.u32 s26, $0x3;
	[dreg:$0x9] =	wrdreg s15  }
0x15: {  	s6 =	sshrl.u32 s6, $0x3;
	s23 =	sshll.u32 s14, $0x4;
	s26 =	smax.u32 s5, $0x1  }
0x16: {  	s5 =	simm.s32 $0x6;
	s14 =	simm.s32 $0x4C80;
	s15 =	simm.s32 $0x0  }
0x17: {  	s3 =	sadd.s32 s0, s3;
	s20 =	sadd.s32 s0, s6;
	s6 =	sshrl.u32 s22, $0x3  }
0x18: {  	s7 =	sadd.s32 s23, s9;
	[dreg:$0x10] =	wrdreg s26;
	s22 =	simm.s32 $0x2400  }
0x19: {  	s23 =	simm.s32 $0x3400;
	s26 =	simm.s32 $0x4C00;
	[dreg:$0x8] =	wrdreg s3  }
0x1a: {  	s3 =	sshrl.u32 s17, $0x3;
	[dreg:$0xc] =	wrdreg s20;
	s25 =	sadd.s32 $0x4, s7  }
0x1b: {  	s20 =	simm.s32 $0x400;
	s3 =	sadd.s32 s0, s3;
	[dreg:$0xf] =	wrdreg s25  }
0x1c: {  	s17 =	simm.s32 $0xC00;
	s25 =	simm.s32 $0x4400;
	[dreg:$0xa] =	wrdreg s3  }
0x1d: {  	s3 =	sadd.s32 s0, s19;
	s0 =	sadd.s32 s0, s6;
	s19 =	simm.s32 $0x40  }
0x1e: {  	s6 =	simm.s32 $0x1;
	[dreg:$0xb] =	wrdreg s3;
	s3 =	sor.u32 s21, s10  }
0x1f: {  	[dreg:$0xd] =	wrdreg s0;
	s21 =	simm.s32 $0x1400;
	s3 =	sshrl.u32 s3, $0x3  }
0x20: {  	s0 =	simm.s32 $0x300;
	s10 =	simm.s32 $0x3;
	s24 =	sadd.s32 s9, s3  }
0x21: {  	v0 =	vimm.f32 $0.0e+00;
	v1 =	vimm.f32 $1.000000000e+00;
	s3 =	simm.s32 $0x5;
	[dreg:$0xe] =	wrdreg s24;
	s24 =	simm.s32 $0x80  }
.LBB2_1:
0x22: {  	s7 =	rddreg [dreg:$0x5]  }
0x23: {  	[tilespmem:s16], [sflag:$0x7] =	stream.linear.gather [hbm4b:s7+s16], $0x400, $0x38;
	[tilespmem:$0x1F030] =	vst v63  }
0x24: {  	_ =	swait.ge [sflag:s13], $0x400  }
0x25: {  	[sflag:s13] =	ssyncset.done $0x0  }
0x26: {  	s9 =	simm.s32 $0x0;
	s7 =	simm.s32 $0x40;
	[sflag:s13] =	ssyncadd.s32 $0xFFFFFC00  }
.LBB2_2:
0x27: {  	p1 =	sne.s32 s7, $0x1FC0;
	[tilespmem:s9+$0x4400] =	vst v0;
	s9 =	smov.u32 s7;
	s7 =	sadd.s32 $0x40, s7  }
.Ltmp0:
0x28: {  	(pc) =	sbr.rel @p1 .LBB2_2-.Ltmp0, $2  }
0x29: {  	_ =	sdelay $0x2  }
0x2a: {  	s9 =	sshra.s32 s9, $0x2  }
0x2b: {  	[tilespmem:s9+$0x4400] =	vst v0  }
0x2c: {  	[tilespmem:$0x4C00] =	vst v0  }
0x2d: {  	[tilespmem:$0x4C80] =	vst v1  }
0x2e: {  	[tilespmem:$0x4C10] =	vst v0  }
0x2f: {  	[tilespmem:$0x4C90] =	vst v1  }
0x30: {  	[tilespmem:$0x4C20] =	vst v0  }
0x31: {  	[tilespmem:$0x4CA0] =	vst v1  }
0x32: {  	[tilespmem:$0x4C30] =	vst v0  }
0x33: {  	[tilespmem:$0x4CB0] =	vst v1  }
0x34: {  	[tilespmem:$0x4C40] =	vst v0  }
0x35: {  	[tilespmem:$0x4CC0] =	vst v1  }
0x36: {  	[tilespmem:$0x4C50] =	vst v0  }
0x37: {  	[tilespmem:$0x4CD0] =	vst v1  }
0x38: {  	[tilespmem:$0x4C60] =	vst v0  }
0x39: {  	[tilespmem:$0x4CE0] =	vst v1  }
0x3a: {  	[tilespmem:$0x4C70] =	vst v0  }
0x3b: {  	s7 =	rddreg [dreg:$0x6];
	[tilespmem:$0x4CF0] =	vst v1  }
0x3c: {  	[tilespmem:s20], [sflag:$0x1] =	stream.strided.gather [hbm4b:s7+s18], $0x1000, s19, s18, $0x38;
	[tilespmem:$0x1F030] =	vst v63  }
0x3d: {  	s11 =	rddreg [dreg:$0x7]  }
0x3e: {  	[tilespmem:s21], [sflag:$0x2] =	stream.strided.gather [hbm4b:s11+s18], $0x1000, s19, s18, $0x38;
	[tilespmem:$0x1F030] =	vst v63  }
0x3f: {  	s13 =	rddreg [dreg:$0x8]  }
0x40: {  	[tilespmem:s22], [sflag:$0x3] =	stream.strided.gather [hbm4b:s13+s18], $0x1000, s19, s18, $0x38;
	[tilespmem:$0x1F030] =	vst v63  }
0x41: {  	s16 =	rddreg [dreg:$0x9]  }
0x42: {  	[tilespmem:s23], [sflag:$0x4] =	stream.strided.gather [hbm4b:s16+s18], $0x1000, s19, s18, $0x38;
	[tilespmem:$0x1F030] =	vst v63  }
0x43: {  	s16 =	simm.s32 $0x0  }
0x44: {  	[spmem:s1] =	stream.indirect.scatter [tilespmem:s25], [sflag:$0x5], $0x10, s16, s24, $0xb8;
	[tilespmem:$0x1F030] =	vst v63  }
0x45: {  	_ = 	snop  }
0x46: {  	[spmem:s2] =	stream.indirect.scatter [tilespmem:s26], [sflag:$0x6], $0x1, s16, s24, $0xb8;
	[tilespmem:$0x1F030] =	vst v63  }
0x47: {  	_ = 	snop  }
0x48: {  	[spmem:s1] =	stream.indirect.scatter [tilespmem:s25], [sflag:$0x5], $0x10, s24, s24, $0xb8;
	[tilespmem:$0x1F030] =	vst v63  }
0x49: {  	_ = 	snop  }
0x4a: {  	[spmem:s2] =	stream.indirect.scatter [tilespmem:s26], [sflag:$0x6], $0x1, s24, s24, $0xb8;
	[tilespmem:$0x1F030] =	vst v63  }
0x4b: {  	_ = 	snop  }
0x4c: {  	[spmem:s1] =	stream.indirect.scatter [tilespmem:s25], [sflag:$0x5], $0x10, s28, s24, $0xb8;
	[tilespmem:$0x1F030] =	vst v63  }
0x4d: {  	_ = 	snop  }
0x4e: {  	[spmem:s2] =	stream.indirect.scatter [tilespmem:s26], [sflag:$0x6], $0x1, s28, s24, $0xb8;
	[tilespmem:$0x1F030] =	vst v63  }
0x4f: {  	_ = 	snop  }
0x50: {  	[spmem:s1] =	stream.indirect.scatter [tilespmem:s25], [sflag:$0x5], $0x10, s29, s24, $0xb8;
	[tilespmem:$0x1F030] =	vst v63  }
0x51: {  	_ = 	snop  }
0x52: {  	[spmem:s2] =	stream.indirect.scatter [tilespmem:s26], [sflag:$0x6], $0x1, s29, s24, $0xb8;
	[tilespmem:$0x1F030] =	vst v63  }
0x53: {  	_ = 	snop  }
0x54: {  	[spmem:s1] =	stream.indirect.scatter [tilespmem:s25], [sflag:$0x5], $0x10, s30, s24, $0xb8;
	[tilespmem:$0x1F030] =	vst v63  }
0x55: {  	_ = 	snop  }
0x56: {  	[spmem:s2] =	stream.indirect.scatter [tilespmem:s26], [sflag:$0x6], $0x1, s30, s24, $0xb8;
	[tilespmem:$0x1F030] =	vst v63  }
0x57: {  	_ = 	snop  }
0x58: {  	[spmem:s1] =	stream.indirect.scatter [tilespmem:s25], [sflag:$0x5], $0x10, s31, s24, $0xb8;
	[tilespmem:$0x1F030] =	vst v63  }
0x59: {  	_ = 	snop  }
0x5a: {  	[spmem:s2] =	stream.indirect.scatter [tilespmem:s26], [sflag:$0x6], $0x1, s31, s24, $0xb8;
	[tilespmem:$0x1F030] =	vst v63  }
0x5b: {  	_ = 	snop  }
0x5c: {  	[spmem:s1] =	stream.indirect.scatter [tilespmem:s25], [sflag:$0x5], $0x10, s0, s24, $0xb8;
	[tilespmem:$0x1F030] =	vst v63  }
0x5d: {  	_ = 	snop  }
0x5e: {  	[spmem:s2] =	stream.indirect.scatter [tilespmem:s26], [sflag:$0x6], $0x1, s0, s24, $0xb8;
	[tilespmem:$0x1F030] =	vst v63  }
0x5f: {  	_ = 	snop  }
0x60: {  	[spmem:s1] =	stream.indirect.scatter [tilespmem:s25], [sflag:$0x5], $0x10, s4, s24, $0xb8;
	[tilespmem:$0x1F030] =	vst v63  }
0x61: {  	_ = 	snop  }
0x62: {  	[spmem:s2] =	stream.indirect.scatter [tilespmem:s26], [sflag:$0x6], $0x1, s4, s24, $0xb8;
	[tilespmem:$0x1F030] =	vst v63  }
0x63: {  	_ =	swait.ge [sflag:s3], $0x800  }
0x64: {  	[sflag:s3] =	ssyncset.done $0x0  }
0x65: {  	[sflag:s3] =	ssyncadd.s32 $0xFFFFF800  }
0x66: {  	_ =	swait.ge [sflag:s5], $0x80  }
0x67: {  	[sflag:s5] =	ssyncset.done $0x0  }
0x68: {  	[sflag:s5] =	ssyncadd.s32 $0xFFFFFF80  }
0x69: {  	_ =	swait.ge [sflag:s3], $0x800  }
0x6a: {  	[sflag:s3] =	ssyncset.done $0x0  }
0x6b: {  	[sflag:s3] =	ssyncadd.s32 $0xFFFFF800  }
0x6c: {  	_ =	swait.ge [sflag:s5], $0x80  }
0x6d: {  	[sflag:s5] =	ssyncset.done $0x0  }
0x6e: {  	[sflag:s5] =	ssyncadd.s32 $0xFFFFFF80  }
0x6f: {  	_ =	swait.ge [sflag:s3], $0x800  }
0x70: {  	[sflag:s3] =	ssyncset.done $0x0  }
0x71: {  	[sflag:s3] =	ssyncadd.s32 $0xFFFFF800  }
0x72: {  	_ =	swait.ge [sflag:s5], $0x80  }
0x73: {  	[sflag:s5] =	ssyncset.done $0x0  }
0x74: {  	[sflag:s5] =	ssyncadd.s32 $0xFFFFFF80  }
0x75: {  	_ =	swait.ge [sflag:s3], $0x800  }
0x76: {  	[sflag:s3] =	ssyncset.done $0x0  }
0x77: {  	[sflag:s3] =	ssyncadd.s32 $0xFFFFF800  }
0x78: {  	_ =	swait.ge [sflag:s5], $0x80  }
0x79: {  	[sflag:s5] =	ssyncset.done $0x0  }
0x7a: {  	[sflag:s5] =	ssyncadd.s32 $0xFFFFFF80  }
0x7b: {  	_ =	swait.ge [sflag:s3], $0x800  }
0x7c: {  	[sflag:s3] =	ssyncset.done $0x0  }
0x7d: {  	[sflag:s3] =	ssyncadd.s32 $0xFFFFF800  }
0x7e: {  	_ =	swait.ge [sflag:s5], $0x80  }
0x7f: {  	[sflag:s5] =	ssyncset.done $0x0  }
0x80: {  	[sflag:s5] =	ssyncadd.s32 $0xFFFFFF80  }
0x81: {  	_ =	swait.ge [sflag:s3], $0x800  }
0x82: {  	[sflag:s3] =	ssyncset.done $0x0  }
0x83: {  	[sflag:s3] =	ssyncadd.s32 $0xFFFFF800  }
0x84: {  	_ =	swait.ge [sflag:s5], $0x80  }
0x85: {  	[sflag:s5] =	ssyncset.done $0x0  }
0x86: {  	[sflag:s5] =	ssyncadd.s32 $0xFFFFFF80  }
0x87: {  	_ =	swait.ge [sflag:s3], $0x800  }
0x88: {  	[sflag:s3] =	ssyncset.done $0x0  }
0x89: {  	[sflag:s3] =	ssyncadd.s32 $0xFFFFF800  }
0x8a: {  	_ =	swait.ge [sflag:s5], $0x80  }
0x8b: {  	[sflag:s5] =	ssyncset.done $0x0  }
0x8c: {  	[sflag:s5] =	ssyncadd.s32 $0xFFFFFF80  }
0x8d: {  	_ =	swait.ge [sflag:s3], $0x800  }
0x8e: {  	[sflag:s3] =	ssyncset.done $0x0  }
0x8f: {  	[sflag:s3] =	ssyncadd.s32 $0xFFFFF800  }
0x90: {  	_ =	swait.ge [sflag:s5], $0x80  }
0x91: {  	[sflag:s5] =	ssyncset.done $0x0  }
0x92: {  	[sflag:s5] =	ssyncadd.s32 $0xFFFFFF80  }
0x93: {  	[bflag:$0x0] =	sbarrier.arrive $0xFFFF  }
0x94: {  	_ =	swait.ge [sflag:s6], $0x1000  }
0x95: {  	[sflag:s6] =	ssyncset.done $0x0  }
0x96: {  	[sflag:s6] =	ssyncadd.s32 $0xFFFFF000  }
0x97: {  	[spmem:s1] =	stream.indirect.scatter.add.f32 [tilespmem:s20], [sflag:$0x5], $0x10, s16, s24, $0xb8;
	[tilespmem:$0x1F030] =	vst v63  }
0x98: {  	_ = 	snop  }
0x99: {  	[spmem:s1] =	stream.indirect.scatter.add.f32 [tilespmem:s17], [sflag:$0x5], $0x10, s24, s24, $0xb8;
	[tilespmem:$0x1F030] =	vst v63  }
0x9a: {  	_ =	swait.ge [sflag:s8], $0x1000  }
0x9b: {  	[sflag:s8] =	ssyncset.done $0x0  }
0x9c: {  	[sflag:s8] =	ssyncadd.s32 $0xFFFFF000  }
0x9d: {  	[spmem:s1] =	stream.indirect.scatter.add.f32 [tilespmem:s21], [sflag:$0x5], $0x10, s28, s24, $0xb8;
	[tilespmem:$0x1F030] =	vst v63  }
0x9e: {  	s7 =	simm.s32 $0x1C00  }
0x9f: {  	[spmem:s1] =	stream.indirect.scatter.add.f32 [tilespmem:s7], [sflag:$0x5], $0x10, s29, s24, $0xb8;
	[tilespmem:$0x1F030] =	vst v63  }
0xa0: {  	_ =	swait.ge [sflag:s10], $0x1000  }
0xa1: {  	[sflag:s10] =	ssyncset.done $0x0  }
0xa2: {  	[sflag:s10] =	ssyncadd.s32 $0xFFFFF000  }
0xa3: {  	[spmem:s1] =	stream.indirect.scatter.add.f32 [tilespmem:s22], [sflag:$0x5], $0x10, s30, s24, $0xb8;
	[tilespmem:$0x1F030] =	vst v63  }
0xa4: {  	s9 =	simm.s32 $0x2C00  }
0xa5: {  	[spmem:s1] =	stream.indirect.scatter.add.f32 [tilespmem:s9], [sflag:$0x5], $0x10, s31, s24, $0xb8;
	[tilespmem:$0x1F030] =	vst v63  }
0xa6: {  	_ =	swait.ge [sflag:s12], $0x1000  }
0xa7: {  	[sflag:s12] =	ssyncset.done $0x0  }
0xa8: {  	[sflag:s12] =	ssyncadd.s32 $0xFFFFF000  }
0xa9: {  	[spmem:s1] =	stream.indirect.scatter.add.f32 [tilespmem:s23], [sflag:$0x5], $0x10, s0, s24, $0xb8;
	[tilespmem:$0x1F030] =	vst v63  }
0xaa: {  	s11 =	simm.s32 $0x3C00  }
0xab: {  	[spmem:s1] =	stream.indirect.scatter.add.f32 [tilespmem:s11], [sflag:$0x5], $0x10, s4, s24, $0xb8;
	[tilespmem:$0x1F030] =	vst v63  }
0xac: {  	_ = 	snop  }
0xad: {  	[spmem:s2] =	stream.indirect.scatter.add.f32 [tilespmem:s14], [sflag:$0x6], $0x1, s16, s24, $0xb8;
	[tilespmem:$0x1F030] =	vst v63  }
0xae: {  	_ = 	snop  }
0xaf: {  	[spmem:s2] =	stream.indirect.scatter.add.f32 [tilespmem:s14], [sflag:$0x6], $0x1, s24, s24, $0xb8;
	[tilespmem:$0x1F030] =	vst v63  }
0xb0: {  	_ = 	snop  }
0xb1: {  	[spmem:s2] =	stream.indirect.scatter.add.f32 [tilespmem:s14], [sflag:$0x6], $0x1, s28, s24, $0xb8;
	[tilespmem:$0x1F030] =	vst v63  }
0xb2: {  	_ = 	snop  }
0xb3: {  	[spmem:s2] =	stream.indirect.scatter.add.f32 [tilespmem:s14], [sflag:$0x6], $0x1, s29, s24, $0xb8;
	[tilespmem:$0x1F030] =	vst v63  }
0xb4: {  	_ = 	snop  }
0xb5: {  	[spmem:s2] =	stream.indirect.scatter.add.f32 [tilespmem:s14], [sflag:$0x6], $0x1, s30, s24, $0xb8;
	[tilespmem:$0x1F030] =	vst v63  }
0xb6: {  	_ = 	snop  }
0xb7: {  	[spmem:s2] =	stream.indirect.scatter.add.f32 [tilespmem:s14], [sflag:$0x6], $0x1, s31, s24, $0xb8;
	[tilespmem:$0x1F030] =	vst v63  }
0xb8: {  	_ = 	snop  }
0xb9: {  	[spmem:s2] =	stream.indirect.scatter.add.f32 [tilespmem:s14], [sflag:$0x6], $0x1, s0, s24, $0xb8;
	[tilespmem:$0x1F030] =	vst v63  }
0xba: {  	_ = 	snop  }
0xbb: {  	[spmem:s2] =	stream.indirect.scatter.add.f32 [tilespmem:s14], [sflag:$0x6], $0x1, s4, s24, $0xb8;
	[tilespmem:$0x1F030] =	vst v63  }
0xbc: {  	_ =	swait.ge [sflag:s3], $0x800  }
0xbd: {  	[sflag:s3] =	ssyncset.done $0x0  }
0xbe: {  	[sflag:s3] =	ssyncadd.s32 $0xFFFFF800  }
0xbf: {  	_ =	swait.ge [sflag:s3], $0x800  }
0xc0: {  	[sflag:s3] =	ssyncset.done $0x0  }
0xc1: {  	[sflag:s3] =	ssyncadd.s32 $0xFFFFF800  }
0xc2: {  	_ =	swait.ge [sflag:s3], $0x800  }
0xc3: {  	[sflag:s3] =	ssyncset.done $0x0  }
0xc4: {  	[sflag:s3] =	ssyncadd.s32 $0xFFFFF800  }
0xc5: {  	_ =	swait.ge [sflag:s3], $0x800  }
0xc6: {  	[sflag:s3] =	ssyncset.done $0x0  }
0xc7: {  	[sflag:s3] =	ssyncadd.s32 $0xFFFFF800  }
0xc8: {  	_ =	swait.ge [sflag:s3], $0x800  }
0xc9: {  	[sflag:s3] =	ssyncset.done $0x0  }
0xca: {  	[sflag:s3] =	ssyncadd.s32 $0xFFFFF800  }
0xcb: {  	_ =	swait.ge [sflag:s3], $0x800  }
0xcc: {  	[sflag:s3] =	ssyncset.done $0x0  }
0xcd: {  	[sflag:s3] =	ssyncadd.s32 $0xFFFFF800  }
0xce: {  	_ =	swait.ge [sflag:s3], $0x800  }
0xcf: {  	[sflag:s3] =	ssyncset.done $0x0  }
0xd0: {  	[sflag:s3] =	ssyncadd.s32 $0xFFFFF800  }
0xd1: {  	_ =	swait.ge [sflag:s3], $0x800  }
0xd2: {  	[sflag:s3] =	ssyncset.done $0x0  }
0xd3: {  	[sflag:s3] =	ssyncadd.s32 $0xFFFFF800  }
0xd4: {  	_ =	swait.ge [sflag:s5], $0x80  }
0xd5: {  	[sflag:s5] =	ssyncset.done $0x0  }
0xd6: {  	[sflag:s5] =	ssyncadd.s32 $0xFFFFFF80  }
0xd7: {  	_ =	swait.ge [sflag:s5], $0x80  }
0xd8: {  	[sflag:s5] =	ssyncset.done $0x0  }
0xd9: {  	[sflag:s5] =	ssyncadd.s32 $0xFFFFFF80  }
0xda: {  	_ =	swait.ge [sflag:s5], $0x80  }
0xdb: {  	[sflag:s5] =	ssyncset.done $0x0  }
0xdc: {  	[sflag:s5] =	ssyncadd.s32 $0xFFFFFF80  }
0xdd: {  	_ =	swait.ge [sflag:s5], $0x80  }
0xde: {  	[sflag:s5] =	ssyncset.done $0x0  }
0xdf: {  	[sflag:s5] =	ssyncadd.s32 $0xFFFFFF80  }
0xe0: {  	_ =	swait.ge [sflag:s5], $0x80  }
0xe1: {  	[sflag:s5] =	ssyncset.done $0x0  }
0xe2: {  	[sflag:s5] =	ssyncadd.s32 $0xFFFFFF80  }
0xe3: {  	_ =	swait.ge [sflag:s5], $0x80  }
0xe4: {  	[sflag:s5] =	ssyncset.done $0x0  }
0xe5: {  	[sflag:s5] =	ssyncadd.s32 $0xFFFFFF80  }
0xe6: {  	_ =	swait.ge [sflag:s5], $0x80  }
0xe7: {  	[sflag:s5] =	ssyncset.done $0x0  }
0xe8: {  	[sflag:s5] =	ssyncadd.s32 $0xFFFFFF80  }
0xe9: {  	_ =	swait.ge [sflag:s5], $0x80  }
0xea: {  	[sflag:s5] =	ssyncset.done $0x0  }
0xeb: {  	[sflag:s5] =	ssyncadd.s32 $0xFFFFFF80  }
0xec: {  	s13 =	simm.s32 $0x4D00;
	[bflag:$0x0] =	sbarrier.arrive $0xFFFF  }
0xed: {  	[tilespmem:s13], [sflag:$0x6] =	stream.indirect.gather [spmem:s2], $0x1, s16, s24, $0xb8;
	[tilespmem:$0x1F030] =	vst v63  }
0xee: {  	s13 =	simm.s32 $0x4D80  }
0xef: {  	[tilespmem:s13], [sflag:$0x6] =	stream.indirect.gather [spmem:s2], $0x1, s24, s24, $0xb8;
	[tilespmem:$0x1F030] =	vst v63  }
0xf0: {  	s13 =	simm.s32 $0x4E00  }
0xf1: {  	[tilespmem:s13], [sflag:$0x6] =	stream.indirect.gather [spmem:s2], $0x1, s28, s24, $0xb8;
	[tilespmem:$0x1F030] =	vst v63  }
0xf2: {  	s13 =	simm.s32 $0x4E80  }
0xf3: {  	[tilespmem:s13], [sflag:$0x6] =	stream.indirect.gather [spmem:s2], $0x1, s29, s24, $0xb8;
	[tilespmem:$0x1F030] =	vst v63  }
0xf4: {  	s13 =	simm.s32 $0x4F00  }
0xf5: {  	[tilespmem:s13], [sflag:$0x6] =	stream.indirect.gather [spmem:s2], $0x1, s30, s24, $0xb8;
	[tilespmem:$0x1F030] =	vst v63  }
0xf6: {  	s13 =	simm.s32 $0x4F80  }
0xf7: {  	[tilespmem:s13], [sflag:$0x6] =	stream.indirect.gather [spmem:s2], $0x1, s31, s24, $0xb8;
	[tilespmem:$0x1F030] =	vst v63  }
0xf8: {  	s13 =	simm.s32 $0x5000  }
0xf9: {  	[tilespmem:s13], [sflag:$0x6] =	stream.indirect.gather [spmem:s2], $0x1, s0, s24, $0xb8;
	[tilespmem:$0x1F030] =	vst v63  }
0xfa: {  	s13 =	simm.s32 $0x5080  }
0xfb: {  	[tilespmem:s13], [sflag:$0x6] =	stream.indirect.gather [spmem:s2], $0x1, s4, s24, $0xb8;
	[tilespmem:$0x1F030] =	vst v63  }
0xfc: {  	_ = 	snop  }
0xfd: {  	[tilespmem:s20], [sflag:$0x1] =	stream.indirect.gather [spmem:s1], $0x10, s16, s24, $0xb8;
	[tilespmem:$0x1F030] =	vst v63  }
0xfe: {  	_ = 	snop  }
0xff: {  	[tilespmem:s17], [sflag:$0x1] =	stream.indirect.gather [spmem:s1], $0x10, s24, s24, $0xb8;
	[tilespmem:$0x1F030] =	vst v63  }
0x100: {  	_ = 	snop  }
0x101: {  	[tilespmem:s21], [sflag:$0x2] =	stream.indirect.gather [spmem:s1], $0x10, s28, s24, $0xb8;
	[tilespmem:$0x1F030] =	vst v63  }
0x102: {  	_ = 	snop  }
0x103: {  	[tilespmem:s7], [sflag:$0x2] =	stream.indirect.gather [spmem:s1], $0x10, s29, s24, $0xb8;
	[tilespmem:$0x1F030] =	vst v63  }
0x104: {  	_ = 	snop  }
0x105: {  	[tilespmem:s22], [sflag:$0x3] =	stream.indirect.gather [spmem:s1], $0x10, s30, s24, $0xb8;
	[tilespmem:$0x1F030] =	vst v63  }
0x106: {  	_ = 	snop  }
0x107: {  	[tilespmem:s9], [sflag:$0x3] =	stream.indirect.gather [spmem:s1], $0x10, s31, s24, $0xb8;
	[tilespmem:$0x1F030] =	vst v63  }
0x108: {  	_ = 	snop  }
0x109: {  	[tilespmem:s23], [sflag:$0x4] =	stream.indirect.gather [spmem:s1], $0x10, s0, s24, $0xb8;
	[tilespmem:$0x1F030] =	vst v63  }
0x10a: {  	_ = 	snop  }
0x10b: {  	[tilespmem:s11], [sflag:$0x4] =	stream.indirect.gather [spmem:s1], $0x10, s4, s24, $0xb8;
	[tilespmem:$0x1F030] =	vst v63  }
0x10c: {  	_ =	swait.ge [sflag:s5], $0x80  }
0x10d: {  	[sflag:s5] =	ssyncset.done $0x0  }
0x10e: {  	[sflag:s5] =	ssyncadd.s32 $0xFFFFFF80  }
0x10f: {  	_ =	swait.ge [sflag:s5], $0x80  }
0x110: {  	[sflag:s5] =	ssyncset.done $0x0  }
0x111: {  	[sflag:s5] =	ssyncadd.s32 $0xFFFFFF80  }
0x112: {  	_ =	swait.ge [sflag:s5], $0x80  }
0x113: {  	[sflag:s5] =	ssyncset.done $0x0  }
0x114: {  	[sflag:s5] =	ssyncadd.s32 $0xFFFFFF80  }
0x115: {  	_ =	swait.ge [sflag:s5], $0x80  }
0x116: {  	[sflag:s5] =	ssyncset.done $0x0  }
0x117: {  	[sflag:s5] =	ssyncadd.s32 $0xFFFFFF80  }
0x118: {  	_ =	swait.ge [sflag:s5], $0x80  }
0x119: {  	[sflag:s5] =	ssyncset.done $0x0  }
0x11a: {  	[sflag:s5] =	ssyncadd.s32 $0xFFFFFF80  }
0x11b: {  	_ =	swait.ge [sflag:s5], $0x80  }
0x11c: {  	[sflag:s5] =	ssyncset.done $0x0  }
0x11d: {  	[sflag:s5] =	ssyncadd.s32 $0xFFFFFF80  }
0x11e: {  	_ =	swait.ge [sflag:s5], $0x80  }
0x11f: {  	[sflag:s5] =	ssyncset.done $0x0  }
0x120: {  	[sflag:s5] =	ssyncadd.s32 $0xFFFFFF80  }
0x121: {  	_ =	swait.ge [sflag:s5], $0x80  }
0x122: {  	[sflag:s5] =	ssyncset.done $0x0  }
0x123: {  	s7 =	simm.s32 $0x0;
	s9 =	simm.s32 $0x40;
	[sflag:s5] =	ssyncadd.s32 $0xFFFFFF80  }
.LBB2_4:
0x124: {  	p1 =	sne.s32 s9, $0xFC0;
	v2 =	vld [tilespmem:s7+$0x4D00];
	_ =	sdelay $0x4  }
0x125: {  	(erf) = vrcp.f32 v2;
	_ =	sdelay $0x7  }
.Ltmp1:
0x126: {  	(pc) =	sbr.rel @p1 .LBB2_4-.Ltmp1, $3  }
0x127: {  	v2 =	vpop (erf)  }
0x128: {  	v2 =	vmul.f32 v2, v2;
	_ =	sdelay $0x1  }
0x129: {  	[tilespmem:s7+$0x4D00] =	vst v2;
	s7 =	sshra.s32 s9, $0x2;
	s9 =	sadd.s32 $0x40, s9  }
0x12a: {  	v2 =	vld [tilespmem:s7+$0x4D00];
	_ =	sdelay $0x4  }
0x12b: {  	(erf) = vrcp.f32 v2;
	_ =	sdelay $0x8  }
0x12c: {  	v2 =	vpop (erf)  }
0x12d: {  	v2 =	vmul.f32 v2, v2;
	_ =	sdelay $0x1  }
0x12e: {  	[tilespmem:s7+$0x4D00] =	vst v2  }
0x12f: {  	_ =	swait.ge [sflag:s6], $0x800  }
0x130: {  	[sflag:s6] =	ssyncset.done $0x0  }
0x131: {  	[sflag:s6] =	ssyncadd.s32 $0xFFFFF800  }
0x132: {  	_ =	swait.ge [sflag:s6], $0x800  }
0x133: {  	[sflag:s6] =	ssyncset.done $0x0  }
0x134: {  	[sflag:s6] =	ssyncadd.s32 $0xFFFFF800  }
0x135: {  	_ =	swait.ge [sflag:s8], $0x800  }
0x136: {  	[sflag:s8] =	ssyncset.done $0x0  }
0x137: {  	[sflag:s8] =	ssyncadd.s32 $0xFFFFF800  }
0x138: {  	_ =	swait.ge [sflag:s8], $0x800  }
0x139: {  	[sflag:s8] =	ssyncset.done $0x0  }
0x13a: {  	[sflag:s8] =	ssyncadd.s32 $0xFFFFF800  }
0x13b: {  	_ =	swait.ge [sflag:s10], $0x800  }
0x13c: {  	[sflag:s10] =	ssyncset.done $0x0  }
0x13d: {  	[sflag:s10] =	ssyncadd.s32 $0xFFFFF800  }
0x13e: {  	_ =	swait.ge [sflag:s10], $0x800  }
0x13f: {  	[sflag:s10] =	ssyncset.done $0x0  }
0x140: {  	[sflag:s10] =	ssyncadd.s32 $0xFFFFF800  }
0x141: {  	_ =	swait.ge [sflag:s12], $0x800  }
0x142: {  	[sflag:s12] =	ssyncset.done $0x0  }
0x143: {  	[sflag:s12] =	ssyncadd.s32 $0xFFFFF800  }
0x144: {  	_ =	swait.ge [sflag:s12], $0x800  }
0x145: {  	[sflag:s12] =	ssyncset.done $0x0  }
0x146: {  	[sflag:s12] =	ssyncadd.s32 $0xFFFFF800  }
0x147: {  	s13 =	simm.s32 $0x0;
	[bflag:$0x0] =	sbarrier.arrive $0xFFFF  }
0x148: {  	[spmem:s1] =	stream.indirect.scatter [tilespmem:s25], [sflag:$0x5], $0x10, s13, s24, $0xb8;
	[tilespmem:$0x1F030] =	vst v63  }
0x149: {  	_ = 	snop  }
0x14a: {  	[spmem:s1] =	stream.indirect.scatter [tilespmem:s25], [sflag:$0x5], $0x10, s24, s24, $0xb8;
	[tilespmem:$0x1F030] =	vst v63  }
0x14b: {  	_ = 	snop  }
0x14c: {  	[spmem:s1] =	stream.indirect.scatter [tilespmem:s25], [sflag:$0x5], $0x10, s28, s24, $0xb8;
	[tilespmem:$0x1F030] =	vst v63  }
0x14d: {  	_ = 	snop  }
0x14e: {  	[spmem:s1] =	stream.indirect.scatter [tilespmem:s25], [sflag:$0x5], $0x10, s29, s24, $0xb8;
	[tilespmem:$0x1F030] =	vst v63  }
0x14f: {  	_ = 	snop  }
0x150: {  	[spmem:s1] =	stream.indirect.scatter [tilespmem:s25], [sflag:$0x5], $0x10, s30, s24, $0xb8;
	[tilespmem:$0x1F030] =	vst v63  }
0x151: {  	_ = 	snop  }
0x152: {  	[spmem:s1] =	stream.indirect.scatter [tilespmem:s25], [sflag:$0x5], $0x10, s31, s24, $0xb8;
	[tilespmem:$0x1F030] =	vst v63  }
0x153: {  	_ = 	snop  }
0x154: {  	[spmem:s1] =	stream.indirect.scatter [tilespmem:s25], [sflag:$0x5], $0x10, s0, s24, $0xb8;
	[tilespmem:$0x1F030] =	vst v63  }
0x155: {  	s16 =	simm.s32 $0x420  }
0x156: {  	[spmem:s1] =	stream.indirect.scatter [tilespmem:s25], [sflag:$0x5], $0x10, s4, s24, $0xb8;
	[tilespmem:$0x1F030] =	vst v63  }
0x157: {  	s9 =	simm.s32 $0x0;
	v2 =	vld [tilespmem:s16+$0xFFFFFFE0]  }
0x158: {  	v7 =	vld.msk [tilespmem:s9+$0x4D00 ss:$0x0], $0xffff  }
0x159: {  	v9 =	vld [tilespmem:s16+$0xFFFFFFF0]  }
0x15a: {  	v4 =	vld.msk [tilespmem:s9+$0x4D01 ss:$0x0], $0xffff  }
0x15b: {  	v6 =	vld [tilespmem:s16+$0x0]  }
0x15c: {  	v3 =	vld.msk [tilespmem:s9+$0x4D02 ss:$0x0], $0xffff;
	v8 =	vmul.f32 v2, v2  }
0x15d: {  	v5 =	vld [tilespmem:s16+$0x10]  }
0x15e: {  	s7 =	simm.s32 $0x460;
	v2 =	vld.msk [tilespmem:s9+$0x4D03 ss:$0x0], $0xffff;
	v9 =	vmul.f32 v9, v9;
	v8 =	vmul.f32 v7, v8  }
0x15f: {  	v10 =	vimm.f32 $0.0e+00;
	s11 =	simm.s32 $0x20;
	s9 =	simm.s32 $0x4;
	v7 =	vld [tilespmem:s7+$0xFFFFFFE0]  }
.LBB2_6:
0x160: {  	p1 =	sne.s32 s11, $0x3F0;
	v11 =	vld.msk [tilespmem:s9+$0x4D00 ss:$0x0], $0xffff;
	v8 =	vsub.f32 v10, v8;
	v9 =	vmul.f32 v4, v9;
	v6 =	vmul.f32 v6, v6  }
0x161: {  	v10 =	vld [tilespmem:s7+$0xFFFFFFF0]  }
0x162: {  	v4 =	vld.msk [tilespmem:s9+$0x4D01 ss:$0x0], $0xffff;
	v8 =	vsub.f32 v8, v9;
	v9 =	vmul.f32 v3, v6;
	v5 =	vmul.f32 v5, v5  }
.Ltmp2:
0x163: {  	v6 =	vld [tilespmem:s7+$0x0];
	(pc) =	sbr.rel @p1 .LBB2_6-.Ltmp2, $4  }
0x164: {  	v7 =	vmul.f32 v7, v7;
	v3 =	vld.msk [tilespmem:s9+$0x4D02 ss:$0x0], $0xffff;
	v12 =	vsub.f32 v8, v9;
	v13 =	vmul.f32 v2, v5  }
0x165: {  	v5 =	vld [tilespmem:s7+$0x10]  }
0x166: {  	s7 =	sadd.s32 $0x40, s7;
	v8 =	vmul.f32 v11, v7;
	v9 =	vmul.f32 v10, v10;
	v2 =	vld.msk [tilespmem:s9+$0x4D03 ss:$0x0], $0xffff;
	v10 =	vsub.f32 v12, v13  }
0x167: {  	s9 =	sshra.s32 s11, $0x2;
	s11 =	sadd.s32 $0x10, s11;
	v7 =	vld [tilespmem:s7+$0xFFFFFFE0]  }
0x168: {  	v11 =	vld.msk [tilespmem:s9+$0x4D00 ss:$0x0], $0xffff  }
0x169: {  	v12 =	vld [tilespmem:s7+$0xFFFFFFF0];
	v8 =	vsub.f32 v10, v8;
	v4 =	vmul.f32 v4, v9;
	v6 =	vmul.f32 v6, v6  }
0x16a: {  	v13 =	vld.msk [tilespmem:s9+$0x4D01 ss:$0x0], $0xffff  }
0x16b: {  	v9 =	vld [tilespmem:s7+$0x0];
	v4 =	vsub.f32 v8, v4;
	v3 =	vmul.f32 v3, v6;
	v5 =	vmul.f32 v5, v5  }
0x16c: {  	v10 =	vld.msk [tilespmem:s9+$0x4D02 ss:$0x0], $0xffff  }
0x16d: {  	s11 =	rddreg [dreg:$0xa];
	s13 =	simm.s32 $0x0;
	v6 =	vld [tilespmem:s7+$0x10];
	v3 =	vsub.f32 v4, v3;
	v2 =	vmul.f32 v2, v5;
	v4 =	vmul.f32 v7, v7  }
0x16e: {  	v8 =	vld.msk [tilespmem:s9+$0x4D03 ss:$0x0], $0xffff;
	[tilespmem:s20], [sflag:$0x1] =	stream.strided.gather [hbm4b:s11+s18], $0x1000, s19, s18, $0x38  }
0x16f: {  	s16 =	simm.s32 $0x1420;
	s7 =	sand.u32 $0xFC, s13;
	v5 =	vmul.f32 v12, v12;
	v4 =	vmul.f32 v11, v4;
	v2 =	vsub.f32 v3, v2  }
0x170: {  	s7 =	sor.u32 $0x4E00, s7;
	v3 =	vld [tilespmem:s16+$0xFFFFFFE0]  }
0x171: {  	v7 =	vld.msk [tilespmem:s7+$0x0 ss:$0x0], $0xffff;
	v2 =	vsub.f32 v2, v4;
	v4 =	vmul.f32 v13, v5;
	v5 =	vmul.f32 v9, v9  }
0x172: {  	s7 =	simm.s32 $0x4E03;
	v11 =	vld [tilespmem:s16+$0xFFFFFFF0]  }
0x173: {  	v6 =	vmul.f32 v6, v6;
	v9 =	vsub.f32 v2, v4;
	v5 =	vmul.f32 v10, v5;
	v2 =	vld.msk [tilespmem:s7+$0xFFFFFFFE ss:$0x0], $0xffff  }
0x174: {  	v4 =	vld [tilespmem:s16+$0x0]  }
0x175: {  	v6 =	vmul.f32 v8, v6;
	v8 =	vmul.f32 v3, v3;
	v3 =	vld.msk [tilespmem:s7+$0xFFFFFFFF ss:$0x0], $0xffff;
	v9 =	vsub.f32 v9, v5  }
0x176: {  	s11 =	simm.s32 $0x4;
	v5 =	vld [tilespmem:s16+$0x10]  }
0x177: {  	s9 =	simm.s32 $0x1460;
	s13 =	sand.u32 $0xFC, s11;
	s11 =	simm.s32 $0x8;
	v7 =	vmul.f32 v7, v8;
	v8 =	vmul.f32 v11, v11;
	v9 =	vsub.f32 v9, v6;
	v6 =	vld.msk [tilespmem:s7+$0x0 ss:$0x0], $0xffff  }
.LBB2_8:
0x178: {  	p1 =	sne.s32 s11, $0xFC;
	v10 =	vld [tilespmem:s9+$0xFFFFFFE0];
	s13 =	sor.u32 $0x4E00, s13  }
0x179: {  	v11 =	vld.msk [tilespmem:s13+$0x0 ss:$0x0], $0xffff;
	v7 =	vsub.f32 v9, v7;
	v8 =	vmul.f32 v2, v8;
	v4 =	vmul.f32 v4, v4  }
0x17a: {  	s7 =	sadd.s32 $0x4, s7;
	v9 =	vld [tilespmem:s9+$0xFFFFFFF0]  }
.Ltmp3:
0x17b: {  	v2 =	vld.msk [tilespmem:s7+$0xFFFFFFFE ss:$0x0], $0xffff;
	v7 =	vsub.f32 v7, v8;
	v8 =	vmul.f32 v3, v4;
	v5 =	vmul.f32 v5, v5;
	(pc) =	sbr.rel @p1 .LBB2_8-.Ltmp3, $4  }
0x17c: {  	v4 =	vld [tilespmem:s9+$0x0]  }
0x17d: {  	v10 =	vmul.f32 v10, v10;
	v3 =	vld.msk [tilespmem:s7+$0xFFFFFFFF ss:$0x0], $0xffff;
	v12 =	vsub.f32 v7, v8;
	v13 =	vmul.f32 v6, v5  }
0x17e: {  	v5 =	vld [tilespmem:s9+$0x10]  }
0x17f: {  	s13 =	sand.u32 $0xFC, s11;
	s11 =	sadd.s32 $0x4, s11;
	s9 =	sadd.s32 $0x40, s9;
	v7 =	vmul.f32 v11, v10;
	v8 =	vmul.f32 v9, v9;
	v6 =	vld.msk [tilespmem:s7+$0x0 ss:$0x0], $0xffff;
	v9 =	vsub.f32 v12, v13  }
0x180: {  	v10 =	vld [tilespmem:s9+$0xFFFFFFE0]  }
0x181: {  	s11 =	sor.u32 $0x4E00, s13;
	v12 =	vld [tilespmem:s9+$0xFFFFFFF0];
	v7 =	vsub.f32 v9, v7;
	v2 =	vmul.f32 v2, v8;
	v4 =	vmul.f32 v4, v4  }
0x182: {  	s7 =	sadd.s32 $0x4, s7;
	v11 =	vld.msk [tilespmem:s11+$0x0 ss:$0x0], $0xffff  }
0x183: {  	v13 =	vld.msk [tilespmem:s7+$0xFFFFFFFE ss:$0x0], $0xffff;
	v2 =	vsub.f32 v7, v2;
	v3 =	vmul.f32 v3, v4;
	v4 =	vmul.f32 v5, v5  }
0x184: {  	v8 =	vld [tilespmem:s9+$0x0]  }
0x185: {  	v9 =	vld.msk [tilespmem:s7+$0xFFFFFFFF ss:$0x0], $0xffff;
	v2 =	vsub.f32 v2, v3;
	v3 =	vmul.f32 v6, v4;
	v4 =	vmul.f32 v10, v10  }
0x186: {  	s13 =	simm.s32 $0x2420;
	s11 =	simm.s32 $0x0;
	v5 =	vld [tilespmem:s9+$0x10];
	s9 =	rddreg [dreg:$0xb]  }
0x187: {  	v7 =	vld.msk [tilespmem:s7+$0x0 ss:$0x0], $0xffff;
	[tilespmem:s21], [sflag:$0x2] =	stream.strided.gather [hbm4b:s9+s18], $0x1000, s19, s18, $0x38;
	v6 =	vmul.f32 v12, v12;
	v4 =	vmul.f32 v11, v4;
	v2 =	vsub.f32 v2, v3  }
0x188: {  	s7 =	sand.u32 $0xFC, s11;
	v3 =	vld [tilespmem:s13+$0xFFFFFFE0]  }
0x189: {  	s7 =	sor.u32 $0x4F00, s7;
	v10 =	vld [tilespmem:s13+$0xFFFFFFF0];
	v2 =	vsub.f32 v2, v4;
	v4 =	vmul.f32 v13, v6;
	v6 =	vmul.f32 v8, v8  }
0x18a: {  	v8 =	vld.msk [tilespmem:s7+$0x0 ss:$0x0], $0xffff;
	s7 =	simm.s32 $0x4F03  }
0x18b: {  	v5 =	vmul.f32 v5, v5;
	v11 =	vsub.f32 v2, v4;
	v6 =	vmul.f32 v9, v6;
	v2 =	vld.msk [tilespmem:s7+$0xFFFFFFFE ss:$0x0], $0xffff  }
0x18c: {  	v4 =	vld [tilespmem:s13+$0x0]  }
0x18d: {  	v7 =	vmul.f32 v7, v5;
	v5 =	vld [tilespmem:s13+$0x10];
	v6 =	vsub.f32 v11, v6;
	v11 =	vmul.f32 v3, v3  }
0x18e: {  	s16 =	simm.s32 $0x4;
	v3 =	vld.msk [tilespmem:s7+$0xFFFFFFFF ss:$0x0], $0xffff  }
0x18f: {  	s11 =	simm.s32 $0x8;
	s9 =	simm.s32 $0x2460;
	s13 =	sand.u32 $0xFC, s16;
	v9 =	vsub.f32 v6, v7;
	v7 =	vmul.f32 v8, v11;
	v8 =	vmul.f32 v10, v10;
	v6 =	vld.msk [tilespmem:s7+$0x0 ss:$0x0], $0xffff  }
.LBB2_10:
0x190: {  	p1 =	sne.s32 s11, $0xFC;
	v10 =	vld [tilespmem:s9+$0xFFFFFFE0];
	s13 =	sor.u32 $0x4F00, s13  }
0x191: {  	v11 =	vld.msk [tilespmem:s13+$0x0 ss:$0x0], $0xffff;
	v7 =	vsub.f32 v9, v7;
	v8 =	vmul.f32 v2, v8;
	v4 =	vmul.f32 v4, v4  }
0x192: {  	s7 =	sadd.s32 $0x4, s7;
	v9 =	vld [tilespmem:s9+$0xFFFFFFF0]  }
.Ltmp4:
0x193: {  	v2 =	vld.msk [tilespmem:s7+$0xFFFFFFFE ss:$0x0], $0xffff;
	v7 =	vsub.f32 v7, v8;
	v8 =	vmul.f32 v3, v4;
	v5 =	vmul.f32 v5, v5;
	(pc) =	sbr.rel @p1 .LBB2_10-.Ltmp4, $4  }
0x194: {  	v4 =	vld [tilespmem:s9+$0x0]  }
0x195: {  	v10 =	vmul.f32 v10, v10;
	v3 =	vld.msk [tilespmem:s7+$0xFFFFFFFF ss:$0x0], $0xffff;
	v12 =	vsub.f32 v7, v8;
	v13 =	vmul.f32 v6, v5  }
0x196: {  	v5 =	vld [tilespmem:s9+$0x10]  }
0x197: {  	s13 =	sand.u32 $0xFC, s11;
	s11 =	sadd.s32 $0x4, s11;
	s9 =	sadd.s32 $0x40, s9;
	v7 =	vmul.f32 v11, v10;
	v8 =	vmul.f32 v9, v9;
	v6 =	vld.msk [tilespmem:s7+$0x0 ss:$0x0], $0xffff;
	v9 =	vsub.f32 v12, v13  }
0x198: {  	v10 =	vld [tilespmem:s9+$0xFFFFFFE0]  }
0x199: {  	s11 =	sor.u32 $0x4F00, s13;
	v12 =	vld [tilespmem:s9+$0xFFFFFFF0];
	v7 =	vsub.f32 v9, v7;
	v2 =	vmul.f32 v2, v8;
	v4 =	vmul.f32 v4, v4  }
0x19a: {  	s7 =	sadd.s32 $0x4, s7;
	v11 =	vld.msk [tilespmem:s11+$0x0 ss:$0x0], $0xffff  }
0x19b: {  	v13 =	vld.msk [tilespmem:s7+$0xFFFFFFFE ss:$0x0], $0xffff;
	v2 =	vsub.f32 v7, v2;
	v3 =	vmul.f32 v3, v4;
	v4 =	vmul.f32 v5, v5  }
0x19c: {  	v8 =	vld [tilespmem:s9+$0x0]  }
0x19d: {  	v9 =	vld.msk [tilespmem:s7+$0xFFFFFFFF ss:$0x0], $0xffff;
	v2 =	vsub.f32 v2, v3;
	v3 =	vmul.f32 v6, v4;
	v4 =	vmul.f32 v10, v10  }
0x19e: {  	s13 =	simm.s32 $0x3420;
	s11 =	simm.s32 $0x0;
	v5 =	vld [tilespmem:s9+$0x10];
	s9 =	rddreg [dreg:$0xc]  }
0x19f: {  	v7 =	vld.msk [tilespmem:s7+$0x0 ss:$0x0], $0xffff;
	[tilespmem:s22], [sflag:$0x3] =	stream.strided.gather [hbm4b:s9+s18], $0x1000, s19, s18, $0x38;
	v6 =	vmul.f32 v12, v12;
	v4 =	vmul.f32 v11, v4;
	v2 =	vsub.f32 v2, v3  }
0x1a0: {  	s7 =	sand.u32 $0xFC, s11;
	v3 =	vld [tilespmem:s13+$0xFFFFFFE0]  }
0x1a1: {  	s7 =	sor.u32 $0x5000, s7;
	v11 =	vld [tilespmem:s13+$0xFFFFFFF0];
	v2 =	vsub.f32 v2, v4;
	v4 =	vmul.f32 v13, v6;
	v6 =	vmul.f32 v8, v8  }
0x1a2: {  	v8 =	vld.msk [tilespmem:s7+$0x0 ss:$0x0], $0xffff;
	s7 =	simm.s32 $0x5003  }
0x1a3: {  	v5 =	vmul.f32 v5, v5;
	v10 =	vsub.f32 v2, v4;
	v6 =	vmul.f32 v9, v6;
	v2 =	vld.msk [tilespmem:s7+$0xFFFFFFFE ss:$0x0], $0xffff  }
0x1a4: {  	v4 =	vld [tilespmem:s13+$0x0]  }
0x1a5: {  	v7 =	vmul.f32 v7, v5;
	v5 =	vld [tilespmem:s13+$0x10];
	v9 =	vmul.f32 v3, v3;
	v6 =	vsub.f32 v10, v6  }
0x1a6: {  	s16 =	simm.s32 $0x4;
	v3 =	vld.msk [tilespmem:s7+$0xFFFFFFFF ss:$0x0], $0xffff  }
0x1a7: {  	s11 =	simm.s32 $0x8;
	s9 =	simm.s32 $0x3460;
	s13 =	sand.u32 $0xFC, s16;
	v11 =	vmul.f32 v11, v11;
	v10 =	vmul.f32 v8, v9;
	v12 =	vsub.f32 v6, v7;
	v6 =	vld.msk [tilespmem:s7+$0x0 ss:$0x0], $0xffff  }
.LBB2_12:
0x1a8: {  	p1 =	sne.s32 s11, $0xFC;
	v7 =	vld [tilespmem:s9+$0xFFFFFFE0];
	s13 =	sor.u32 $0x5000, s13  }
0x1a9: {  	v8 =	vld.msk [tilespmem:s13+$0x0 ss:$0x0], $0xffff;
	v9 =	vsub.f32 v12, v10;
	v10 =	vmul.f32 v2, v11;
	v4 =	vmul.f32 v4, v4  }
0x1aa: {  	s7 =	sadd.s32 $0x4, s7;
	v11 =	vld [tilespmem:s9+$0xFFFFFFF0]  }
.Ltmp5:
0x1ab: {  	v2 =	vld.msk [tilespmem:s7+$0xFFFFFFFE ss:$0x0], $0xffff;
	v9 =	vsub.f32 v9, v10;
	v10 =	vmul.f32 v3, v4;
	v5 =	vmul.f32 v5, v5;
	(pc) =	sbr.rel @p1 .LBB2_12-.Ltmp5, $4  }
0x1ac: {  	v4 =	vld [tilespmem:s9+$0x0]  }
0x1ad: {  	v7 =	vmul.f32 v7, v7;
	v3 =	vld.msk [tilespmem:s7+$0xFFFFFFFF ss:$0x0], $0xffff;
	v9 =	vsub.f32 v9, v10;
	v12 =	vmul.f32 v6, v5  }
0x1ae: {  	v5 =	vld [tilespmem:s9+$0x10]  }
0x1af: {  	s13 =	sand.u32 $0xFC, s11;
	s11 =	sadd.s32 $0x4, s11;
	s9 =	sadd.s32 $0x40, s9;
	v10 =	vmul.f32 v8, v7;
	v11 =	vmul.f32 v11, v11;
	v6 =	vld.msk [tilespmem:s7+$0x0 ss:$0x0], $0xffff;
	v12 =	vsub.f32 v9, v12  }
0x1b0: {  	v13 =	vld [tilespmem:s9+$0xFFFFFFE0]  }
0x1b1: {  	v15 =	vld [tilespmem:s9+$0xFFFFFFF0]  }
0x1b2: {  	v17 =	vld [tilespmem:s9+$0x0]  }
0x1b3: {  	s11 =	sor.u32 $0x5000, s13;
	v9 =	vld [tilespmem:s9+$0x10]  }
0x1b4: {  	s7 =	sadd.s32 $0x4, s7;
	v14 =	vld.msk [tilespmem:s11+$0x0 ss:$0x0], $0xffff  }
0x1b5: {  	v16 =	vld.msk [tilespmem:s7+$0xFFFFFFFE ss:$0x0], $0xffff  }
0x1b6: {  	s16 =	rddreg [dreg:$0xd];
	v8 =	vld.msk [tilespmem:s7+$0xFFFFFFFF ss:$0x0], $0xffff  }
0x1b7: {  	v7 =	vld.msk [tilespmem:s7+$0x0 ss:$0x0], $0xffff;
	[tilespmem:s23], [sflag:$0x4] =	stream.strided.gather [hbm4b:s16+s18], $0x1000, s19, s18, $0x38  }
0x1b8: {  	_ =	swait.ge [sflag:s3], $0x800  }
0x1b9: {  	[sflag:s3] =	ssyncset.done $0x0  }
0x1ba: {  	[sflag:s3] =	ssyncadd.s32 $0xFFFFF800  }
0x1bb: {  	_ =	swait.ge [sflag:s3], $0x800  }
0x1bc: {  	[sflag:s3] =	ssyncset.done $0x0  }
0x1bd: {  	[sflag:s3] =	ssyncadd.s32 $0xFFFFF800  }
0x1be: {  	_ =	swait.ge [sflag:s3], $0x800  }
0x1bf: {  	[sflag:s3] =	ssyncset.done $0x0  }
0x1c0: {  	[sflag:s3] =	ssyncadd.s32 $0xFFFFF800  }
0x1c1: {  	_ =	swait.ge [sflag:s3], $0x800  }
0x1c2: {  	[sflag:s3] =	ssyncset.done $0x0  }
0x1c3: {  	[sflag:s3] =	ssyncadd.s32 $0xFFFFF800  }
0x1c4: {  	_ =	swait.ge [sflag:s3], $0x800  }
0x1c5: {  	[sflag:s3] =	ssyncset.done $0x0  }
0x1c6: {  	[sflag:s3] =	ssyncadd.s32 $0xFFFFF800  }
0x1c7: {  	_ =	swait.ge [sflag:s3], $0x800  }
0x1c8: {  	[sflag:s3] =	ssyncset.done $0x0  }
0x1c9: {  	[sflag:s3] =	ssyncadd.s32 $0xFFFFF800  }
0x1ca: {  	_ =	swait.ge [sflag:s3], $0x800  }
0x1cb: {  	[sflag:s3] =	ssyncset.done $0x0  }
0x1cc: {  	[sflag:s3] =	ssyncadd.s32 $0xFFFFF800  }
0x1cd: {  	_ =	swait.ge [sflag:s3], $0x800  }
0x1ce: {  	[sflag:s3] =	ssyncset.done $0x0  }
0x1cf: {  	[sflag:s3] =	ssyncadd.s32 $0xFFFFF800  }
0x1d0: {  	[bflag:$0x0] =	sbarrier.arrive $0xFFFF  }
0x1d1: {  	_ =	swait.ge [sflag:s6], $0x1000  }
0x1d2: {  	[sflag:s6] =	ssyncset.done $0x0  }
0x1d3: {  	s16 =	simm.s32 $0x0;
	[sflag:s6] =	ssyncadd.s32 $0xFFFFF000  }
0x1d4: {  	[spmem:s1] =	stream.indirect.scatter.add.f32 [tilespmem:s20], [sflag:$0x5], $0x10, s16, s24, $0xb8;
	[tilespmem:$0x1F030] =	vst v63  }
0x1d5: {  	_ = 	snop  }
0x1d6: {  	[spmem:s1] =	stream.indirect.scatter.add.f32 [tilespmem:s17], [sflag:$0x5], $0x10, s24, s24, $0xb8;
	[tilespmem:$0x1F030] =	vst v63  }
0x1d7: {  	_ =	swait.ge [sflag:s8], $0x1000  }
0x1d8: {  	[sflag:s8] =	ssyncset.done $0x0  }
0x1d9: {  	[sflag:s8] =	ssyncadd.s32 $0xFFFFF000  }
0x1da: {  	[spmem:s1] =	stream.indirect.scatter.add.f32 [tilespmem:s21], [sflag:$0x5], $0x10, s28, s24, $0xb8;
	[tilespmem:$0x1F030] =	vst v63  }
0x1db: {  	s9 =	simm.s32 $0x1C00  }
0x1dc: {  	[spmem:s1] =	stream.indirect.scatter.add.f32 [tilespmem:s9], [sflag:$0x5], $0x10, s29, s24, $0xb8;
	[tilespmem:$0x1F030] =	vst v63  }
0x1dd: {  	_ =	swait.ge [sflag:s10], $0x1000  }
0x1de: {  	[sflag:s10] =	ssyncset.done $0x0  }
0x1df: {  	[sflag:s10] =	ssyncadd.s32 $0xFFFFF000  }
0x1e0: {  	[spmem:s1] =	stream.indirect.scatter.add.f32 [tilespmem:s22], [sflag:$0x5], $0x10, s30, s24, $0xb8;
	[tilespmem:$0x1F030] =	vst v63  }
0x1e1: {  	s11 =	simm.s32 $0x2C00  }
0x1e2: {  	[spmem:s1] =	stream.indirect.scatter.add.f32 [tilespmem:s11], [sflag:$0x5], $0x10, s31, s24, $0xb8;
	[tilespmem:$0x1F030] =	vst v63  }
0x1e3: {  	_ =	swait.ge [sflag:s12], $0x1000  }
0x1e4: {  	[sflag:s12] =	ssyncset.done $0x0  }
0x1e5: {  	[sflag:s12] =	ssyncadd.s32 $0xFFFFF000  }
0x1e6: {  	[spmem:s1] =	stream.indirect.scatter.add.f32 [tilespmem:s23], [sflag:$0x5], $0x10, s0, s24, $0xb8;
	[tilespmem:$0x1F030] =	vst v63  }
0x1e7: {  	s13 =	simm.s32 $0x3C00  }
0x1e8: {  	[spmem:s1] =	stream.indirect.scatter.add.f32 [tilespmem:s13], [sflag:$0x5], $0x10, s4, s24, $0xb8;
	[tilespmem:$0x1F030] =	vst v63  }
0x1e9: {  	_ =	swait.ge [sflag:s3], $0x800  }
0x1ea: {  	[sflag:s3] =	ssyncset.done $0x0  }
0x1eb: {  	[sflag:s3] =	ssyncadd.s32 $0xFFFFF800  }
0x1ec: {  	_ =	swait.ge [sflag:s3], $0x800  }
0x1ed: {  	[sflag:s3] =	ssyncset.done $0x0  }
0x1ee: {  	[sflag:s3] =	ssyncadd.s32 $0xFFFFF800  }
0x1ef: {  	_ =	swait.ge [sflag:s3], $0x800  }
0x1f0: {  	[sflag:s3] =	ssyncset.done $0x0  }
0x1f1: {  	[sflag:s3] =	ssyncadd.s32 $0xFFFFF800  }
0x1f2: {  	_ =	swait.ge [sflag:s3], $0x800  }
0x1f3: {  	[sflag:s3] =	ssyncset.done $0x0  }
0x1f4: {  	[sflag:s3] =	ssyncadd.s32 $0xFFFFF800  }
0x1f5: {  	_ =	swait.ge [sflag:s3], $0x800  }
0x1f6: {  	[sflag:s3] =	ssyncset.done $0x0  }
0x1f7: {  	[sflag:s3] =	ssyncadd.s32 $0xFFFFF800  }
0x1f8: {  	_ =	swait.ge [sflag:s3], $0x800  }
0x1f9: {  	[sflag:s3] =	ssyncset.done $0x0  }
0x1fa: {  	[sflag:s3] =	ssyncadd.s32 $0xFFFFF800  }
0x1fb: {  	_ =	swait.ge [sflag:s3], $0x800  }
0x1fc: {  	[sflag:s3] =	ssyncset.done $0x0  }
0x1fd: {  	[sflag:s3] =	ssyncadd.s32 $0xFFFFF800  }
0x1fe: {  	_ =	swait.ge [sflag:s3], $0x800  }
0x1ff: {  	[sflag:s3] =	ssyncset.done $0x0  }
0x200: {  	[sflag:s3] =	ssyncadd.s32 $0xFFFFF800  }
0x201: {  	[bflag:$0x0] =	sbarrier.arrive $0xFFFF  }
0x202: {  	[tilespmem:s20], [sflag:$0x1] =	stream.indirect.gather [spmem:s1], $0x10, s16, s24, $0xb8;
	[tilespmem:$0x1F030] =	vst v63  }
0x203: {  	_ = 	snop  }
0x204: {  	[tilespmem:s17], [sflag:$0x1] =	stream.indirect.gather [spmem:s1], $0x10, s24, s24, $0xb8;
	[tilespmem:$0x1F030] =	vst v63  }
0x205: {  	_ = 	snop  }
0x206: {  	[tilespmem:s21], [sflag:$0x2] =	stream.indirect.gather [spmem:s1], $0x10, s28, s24, $0xb8;
	[tilespmem:$0x1F030] =	vst v63  }
0x207: {  	_ = 	snop  }
0x208: {  	[tilespmem:s9], [sflag:$0x2] =	stream.indirect.gather [spmem:s1], $0x10, s29, s24, $0xb8;
	[tilespmem:$0x1F030] =	vst v63  }
0x209: {  	_ = 	snop  }
0x20a: {  	[tilespmem:s22], [sflag:$0x3] =	stream.indirect.gather [spmem:s1], $0x10, s30, s24, $0xb8;
	[tilespmem:$0x1F030] =	vst v63  }
0x20b: {  	_ = 	snop  }
0x20c: {  	[tilespmem:s11], [sflag:$0x3] =	stream.indirect.gather [spmem:s1], $0x10, s31, s24, $0xb8;
	[tilespmem:$0x1F030] =	vst v63  }
0x20d: {  	_ = 	snop  }
0x20e: {  	[tilespmem:s23], [sflag:$0x4] =	stream.indirect.gather [spmem:s1], $0x10, s0, s24, $0xb8;
	[tilespmem:$0x1F030] =	vst v63  }
0x20f: {  	_ = 	snop  }
0x210: {  	[tilespmem:s13], [sflag:$0x4] =	stream.indirect.gather [spmem:s1], $0x10, s4, s24, $0xb8;
	[tilespmem:$0x1F030] =	vst v63  }
0x211: {  	_ =	swait.ge [sflag:s6], $0x800  }
0x212: {  	[sflag:s6] =	ssyncset.done $0x0  }
0x213: {  	[sflag:s6] =	ssyncadd.s32 $0xFFFFF800  }
0x214: {  	_ =	swait.ge [sflag:s6], $0x800  }
0x215: {  	[sflag:s6] =	ssyncset.done $0x0  }
0x216: {  	[sflag:s6] =	ssyncadd.s32 $0xFFFFF800  }
0x217: {  	_ =	swait.ge [sflag:s8], $0x800  }
0x218: {  	[sflag:s8] =	ssyncset.done $0x0  }
0x219: {  	[sflag:s8] =	ssyncadd.s32 $0xFFFFF800  }
0x21a: {  	_ =	swait.ge [sflag:s8], $0x800  }
0x21b: {  	[sflag:s8] =	ssyncset.done $0x0  }
0x21c: {  	[sflag:s8] =	ssyncadd.s32 $0xFFFFF800  }
0x21d: {  	_ =	swait.ge [sflag:s10], $0x800  }
0x21e: {  	[sflag:s10] =	ssyncset.done $0x0  }
0x21f: {  	[sflag:s10] =	ssyncadd.s32 $0xFFFFF800  }
0x220: {  	_ =	swait.ge [sflag:s10], $0x800  }
0x221: {  	[sflag:s10] =	ssyncset.done $0x0  }
0x222: {  	v10 =	vsub.f32 v12, v10;
	v2 =	vmul.f32 v2, v11;
	v4 =	vmul.f32 v4, v4;
	[sflag:s10] =	ssyncadd.s32 $0xFFFFF800  }
0x223: {  	_ =	swait.ge [sflag:s12], $0x800  }
0x224: {  	v2 =	vsub.f32 v10, v2;
	v3 =	vmul.f32 v3, v4;
	v4 =	vmul.f32 v5, v5;
	[sflag:s12] =	ssyncset.done $0x0  }
0x225: {  	[sflag:s12] =	ssyncadd.s32 $0xFFFFF800  }
0x226: {  	v2 =	vsub.f32 v2, v3;
	v3 =	vmul.f32 v6, v4;
	v4 =	vmul.f32 v13, v13;
	_ =	swait.ge [sflag:s12], $0x800  }
0x227: {  	[sflag:s12] =	ssyncset.done $0x0  }
0x228: {  	v5 =	vmul.f32 v15, v15;
	v4 =	vmul.f32 v14, v4;
	v2 =	vsub.f32 v2, v3;
	s13 =	simm.s32 $0x420;
	[sflag:s12] =	ssyncadd.s32 $0xFFFFF800  }
0x229: {  	s17 =	simm.s32 $0x0;
	v3 =	vld [tilespmem:s13+$0xFFFFFFE0]  }
0x22a: {  	v6 =	vmul.f32 v17, v17;
	v5 =	vmul.f32 v16, v5;
	v4 =	vsub.f32 v2, v4;
	v11 =	vld.msk [tilespmem:s17+$0x4D00 ss:$0x0], $0xffff  }
0x22b: {  	v63 =	vld [tilespmem:s13+$0xFFFFFFF0]  }
0x22c: {  	v6 =	vmul.f32 v8, v6;
	v8 =	vmul.f32 v9, v9;
	v10 =	vsub.f32 v4, v5;
	v2 =	vld.msk [tilespmem:s17+$0x4D01 ss:$0x0], $0xffff  }
0x22d: {  	v5 =	vld [tilespmem:s13+$0x0]  }
0x22e: {  	v7 =	vmul.f32 v7, v8;
	v9 =	vsub.f32 v10, v6;
	v4 =	vld.msk [tilespmem:s17+$0x4D02 ss:$0x0], $0xffff;
	v8 =	vmul.f32 v3, v3  }
0x22f: {  	s7 =	simm.s32 $0x460;
	v6 =	vld [tilespmem:s13+$0x10]  }
0x230: {  	v10 =	vsub.f32 v9, v7;
	v7 =	vld [tilespmem:s7+$0xFFFFFFE0];
	v9 =	vmul.f32 v63, v63;
	v8 =	vmul.f32 v11, v8  }
0x231: {  	s9 =	simm.s32 $0x4;
	s11 =	simm.s32 $0x20;
	v3 =	vld.msk [tilespmem:s17+$0x4D03 ss:$0x0], $0xffff  }
.LBB2_14:
0x232: {  	p1 =	sne.s32 s11, $0x3F0;
	v11 =	vld.msk [tilespmem:s9+$0x4D00 ss:$0x0], $0xffff;
	v8 =	vsub.f32 v10, v8;
	v9 =	vmul.f32 v2, v9;
	v5 =	vmul.f32 v5, v5  }
0x233: {  	v10 =	vld [tilespmem:s7+$0xFFFFFFF0]  }
0x234: {  	v2 =	vld.msk [tilespmem:s9+$0x4D01 ss:$0x0], $0xffff;
	v8 =	vsub.f32 v8, v9;
	v9 =	vmul.f32 v4, v5;
	v6 =	vmul.f32 v6, v6  }
.Ltmp6:
0x235: {  	v5 =	vld [tilespmem:s7+$0x0];
	(pc) =	sbr.rel @p1 .LBB2_14-.Ltmp6, $4  }
0x236: {  	v7 =	vmul.f32 v7, v7;
	v4 =	vld.msk [tilespmem:s9+$0x4D02 ss:$0x0], $0xffff;
	v12 =	vsub.f32 v8, v9;
	v13 =	vmul.f32 v3, v6  }
0x237: {  	v6 =	vld [tilespmem:s7+$0x10]  }
0x238: {  	s7 =	sadd.s32 $0x40, s7;
	v8 =	vmul.f32 v11, v7;
	v9 =	vmul.f32 v10, v10;
	v3 =	vld.msk [tilespmem:s9+$0x4D03 ss:$0x0], $0xffff;
	v10 =	vsub.f32 v12, v13  }
0x239: {  	s9 =	sshra.s32 s11, $0x2;
	s11 =	sadd.s32 $0x10, s11;
	v7 =	vld [tilespmem:s7+$0xFFFFFFE0]  }
0x23a: {  	v11 =	vld.msk [tilespmem:s9+$0x4D00 ss:$0x0], $0xffff;
	v8 =	vsub.f32 v10, v8;
	v2 =	vmul.f32 v2, v9;
	v5 =	vmul.f32 v5, v5  }
0x23b: {  	v9 =	vld [tilespmem:s7+$0xFFFFFFF0]  }
0x23c: {  	v10 =	vld.msk [tilespmem:s9+$0x4D01 ss:$0x0], $0xffff;
	v2 =	vsub.f32 v8, v2;
	v4 =	vmul.f32 v4, v5;
	v5 =	vmul.f32 v6, v6  }
0x23d: {  	v6 =	vld [tilespmem:s7+$0x0]  }
0x23e: {  	v8 =	vld.msk [tilespmem:s9+$0x4D02 ss:$0x0], $0xffff;
	v7 =	vmul.f32 v7, v7;
	v2 =	vsub.f32 v2, v4;
	v3 =	vmul.f32 v3, v5  }
0x23f: {  	v4 =	vld [tilespmem:s7+$0x10]  }
0x240: {  	s13 =	simm.s32 $0x1420;
	s17 =	sand.u32 $0xFC, s16;
	v5 =	vmul.f32 v11, v7;
	v7 =	vmul.f32 v9, v9;
	v9 =	vld.msk [tilespmem:s9+$0x4D03 ss:$0x0], $0xffff;
	v2 =	vsub.f32 v2, v3  }
0x241: {  	s7 =	sor.u32 $0x4E00, s17;
	v11 =	vld [tilespmem:s13+$0xFFFFFFE0]  }
0x242: {  	v2 =	vsub.f32 v2, v5;
	v3 =	vmul.f32 v10, v7;
	v5 =	vmul.f32 v6, v6;
	v7 =	vld.msk [tilespmem:s7+$0x0 ss:$0x0], $0xffff  }
0x243: {  	v10 =	vld [tilespmem:s13+$0xFFFFFFF0]  }
0x244: {  	s7 =	simm.s32 $0x4E03;
	v6 =	vld [tilespmem:s13+$0x0];
	v4 =	vmul.f32 v4, v4;
	v2 =	vsub.f32 v2, v3;
	v5 =	vmul.f32 v8, v5  }
0x245: {  	v3 =	vld.msk [tilespmem:s7+$0xFFFFFFFE ss:$0x0], $0xffff  }
0x246: {  	v8 =	vmul.f32 v9, v4;
	v11 =	vmul.f32 v11, v11;
	v4 =	vld [tilespmem:s13+$0x10];
	v5 =	vsub.f32 v2, v5  }
0x247: {  	s11 =	simm.s32 $0x4;
	v2 =	vld.msk [tilespmem:s7+$0xFFFFFFFF ss:$0x0], $0xffff  }
0x248: {  	s9 =	simm.s32 $0x1460;
	s13 =	sand.u32 $0xFC, s11;
	s11 =	simm.s32 $0x8;
	v7 =	vmul.f32 v7, v11;
	v9 =	vsub.f32 v5, v8;
	v8 =	vmul.f32 v10, v10;
	v5 =	vld.msk [tilespmem:s7+$0x0 ss:$0x0], $0xffff  }
.LBB2_16:
0x249: {  	p1 =	sne.s32 s11, $0xFC;
	v10 =	vld [tilespmem:s9+$0xFFFFFFE0];
	s13 =	sor.u32 $0x4E00, s13  }
0x24a: {  	v11 =	vld.msk [tilespmem:s13+$0x0 ss:$0x0], $0xffff;
	v7 =	vsub.f32 v9, v7;
	v8 =	vmul.f32 v3, v8;
	v6 =	vmul.f32 v6, v6  }
0x24b: {  	s7 =	sadd.s32 $0x4, s7;
	v9 =	vld [tilespmem:s9+$0xFFFFFFF0]  }
.Ltmp7:
0x24c: {  	v3 =	vld.msk [tilespmem:s7+$0xFFFFFFFE ss:$0x0], $0xffff;
	v7 =	vsub.f32 v7, v8;
	v8 =	vmul.f32 v2, v6;
	v4 =	vmul.f32 v4, v4;
	(pc) =	sbr.rel @p1 .LBB2_16-.Ltmp7, $4  }
0x24d: {  	v6 =	vld [tilespmem:s9+$0x0]  }
0x24e: {  	v10 =	vmul.f32 v10, v10;
	v2 =	vld.msk [tilespmem:s7+$0xFFFFFFFF ss:$0x0], $0xffff;
	v12 =	vsub.f32 v7, v8;
	v13 =	vmul.f32 v5, v4  }
0x24f: {  	v4 =	vld [tilespmem:s9+$0x10]  }
0x250: {  	s13 =	sand.u32 $0xFC, s11;
	s11 =	sadd.s32 $0x4, s11;
	s9 =	sadd.s32 $0x40, s9;
	v7 =	vmul.f32 v11, v10;
	v8 =	vmul.f32 v9, v9;
	v5 =	vld.msk [tilespmem:s7+$0x0 ss:$0x0], $0xffff;
	v9 =	vsub.f32 v12, v13  }
0x251: {  	v10 =	vld [tilespmem:s9+$0xFFFFFFE0];
	s11 =	sor.u32 $0x4E00, s13  }
0x252: {  	v11 =	vld.msk [tilespmem:s11+$0x0 ss:$0x0], $0xffff;
	v7 =	vsub.f32 v9, v7;
	v3 =	vmul.f32 v3, v8;
	v6 =	vmul.f32 v6, v6  }
0x253: {  	s7 =	sadd.s32 $0x4, s7;
	v8 =	vld [tilespmem:s9+$0xFFFFFFF0]  }
0x254: {  	v9 =	vld.msk [tilespmem:s7+$0xFFFFFFFE ss:$0x0], $0xffff;
	v3 =	vsub.f32 v7, v3;
	v2 =	vmul.f32 v2, v6;
	v4 =	vmul.f32 v4, v4  }
0x255: {  	v6 =	vld [tilespmem:s9+$0x0]  }
0x256: {  	v7 =	vmul.f32 v10, v10;
	v10 =	vld.msk [tilespmem:s7+$0xFFFFFFFF ss:$0x0], $0xffff;
	v2 =	vsub.f32 v3, v2;
	v3 =	vmul.f32 v5, v4  }
0x257: {  	v4 =	vld [tilespmem:s9+$0x10]  }
0x258: {  	s13 =	simm.s32 $0x2420;
	s11 =	simm.s32 $0x0;
	v5 =	vmul.f32 v11, v7;
	v7 =	vmul.f32 v8, v8;
	v8 =	vld.msk [tilespmem:s7+$0x0 ss:$0x0], $0xffff;
	v2 =	vsub.f32 v2, v3  }
0x259: {  	s16 =	sand.u32 $0xFC, s11;
	v11 =	vld [tilespmem:s13+$0xFFFFFFE0]  }
0x25a: {  	v12 =	vld [tilespmem:s13+$0xFFFFFFF0];
	s17 =	sor.u32 $0x4F00, s16;
	v2 =	vsub.f32 v2, v5;
	v3 =	vmul.f32 v9, v7;
	v5 =	vmul.f32 v6, v6  }
0x25b: {  	v7 =	vld.msk [tilespmem:s17+$0x0 ss:$0x0], $0xffff  }
0x25c: {  	s9 =	simm.s32 $0x4F03;
	v6 =	vld [tilespmem:s13+$0x0];
	v4 =	vmul.f32 v4, v4;
	v2 =	vsub.f32 v2, v3;
	v5 =	vmul.f32 v10, v5  }
0x25d: {  	v3 =	vld.msk [tilespmem:s9+$0xFFFFFFFE ss:$0x0], $0xffff  }
0x25e: {  	v8 =	vmul.f32 v8, v4;
	v10 =	vmul.f32 v11, v11;
	v4 =	vld [tilespmem:s13+$0x10];
	v5 =	vsub.f32 v2, v5  }
0x25f: {  	s7 =	simm.s32 $0x4;
	v2 =	vld.msk [tilespmem:s9+$0xFFFFFFFF ss:$0x0], $0xffff  }
0x260: {  	s11 =	simm.s32 $0x2460;
	s17 =	sand.u32 $0xFC, s7;
	s13 =	simm.s32 $0x8;
	v7 =	vmul.f32 v7, v10;
	v9 =	vsub.f32 v5, v8;
	v8 =	vmul.f32 v12, v12;
	v5 =	vld.msk [tilespmem:s9+$0x0 ss:$0x0], $0xffff  }
.LBB2_18:
0x261: {  	p1 =	sne.s32 s13, $0xFC;
	v10 =	vld [tilespmem:s11+$0xFFFFFFE0];
	s17 =	sor.u32 $0x4F00, s17  }
0x262: {  	v11 =	vld.msk [tilespmem:s17+$0x0 ss:$0x0], $0xffff;
	v7 =	vsub.f32 v9, v7;
	v8 =	vmul.f32 v3, v8;
	v6 =	vmul.f32 v6, v6  }
0x263: {  	s9 =	sadd.s32 $0x4, s9;
	v9 =	vld [tilespmem:s11+$0xFFFFFFF0]  }
.Ltmp8:
0x264: {  	v3 =	vld.msk [tilespmem:s9+$0xFFFFFFFE ss:$0x0], $0xffff;
	v7 =	vsub.f32 v7, v8;
	v8 =	vmul.f32 v2, v6;
	v4 =	vmul.f32 v4, v4;
	(pc) =	sbr.rel @p1 .LBB2_18-.Ltmp8, $4  }
0x265: {  	v6 =	vld [tilespmem:s11+$0x0]  }
0x266: {  	v10 =	vmul.f32 v10, v10;
	v2 =	vld.msk [tilespmem:s9+$0xFFFFFFFF ss:$0x0], $0xffff;
	v12 =	vsub.f32 v7, v8;
	v13 =	vmul.f32 v5, v4  }
0x267: {  	v4 =	vld [tilespmem:s11+$0x10]  }
0x268: {  	s17 =	sand.u32 $0xFC, s13;
	s13 =	sadd.s32 $0x4, s13;
	s11 =	sadd.s32 $0x40, s11;
	v7 =	vmul.f32 v11, v10;
	v8 =	vmul.f32 v9, v9;
	v5 =	vld.msk [tilespmem:s9+$0x0 ss:$0x0], $0xffff;
	v9 =	vsub.f32 v12, v13  }
0x269: {  	v10 =	vld [tilespmem:s11+$0xFFFFFFE0];
	s13 =	sor.u32 $0x4F00, s17  }
0x26a: {  	v11 =	vld.msk [tilespmem:s13+$0x0 ss:$0x0], $0xffff;
	v7 =	vsub.f32 v9, v7;
	v3 =	vmul.f32 v3, v8;
	v6 =	vmul.f32 v6, v6  }
0x26b: {  	s9 =	sadd.s32 $0x4, s9;
	v8 =	vld [tilespmem:s11+$0xFFFFFFF0]  }
0x26c: {  	v9 =	vld.msk [tilespmem:s9+$0xFFFFFFFE ss:$0x0], $0xffff;
	v3 =	vsub.f32 v7, v3;
	v2 =	vmul.f32 v2, v6;
	v4 =	vmul.f32 v4, v4  }
0x26d: {  	v6 =	vld [tilespmem:s11+$0x0]  }
0x26e: {  	v7 =	vmul.f32 v10, v10;
	v10 =	vld.msk [tilespmem:s9+$0xFFFFFFFF ss:$0x0], $0xffff;
	v2 =	vsub.f32 v3, v2;
	v3 =	vmul.f32 v5, v4  }
0x26f: {  	v4 =	vld [tilespmem:s11+$0x10]  }
0x270: {  	s13 =	simm.s32 $0x3420;
	v5 =	vmul.f32 v11, v7;
	v7 =	vmul.f32 v8, v8;
	v8 =	vld.msk [tilespmem:s9+$0x0 ss:$0x0], $0xffff;
	v2 =	vsub.f32 v2, v3  }
0x271: {  	v11 =	vld [tilespmem:s13+$0xFFFFFFE0]  }
0x272: {  	s17 =	sor.u32 $0x5000, s16;
	v12 =	vld [tilespmem:s13+$0xFFFFFFF0];
	v2 =	vsub.f32 v2, v5;
	v3 =	vmul.f32 v9, v7;
	v5 =	vmul.f32 v6, v6  }
0x273: {  	v7 =	vld.msk [tilespmem:s17+$0x0 ss:$0x0], $0xffff  }
0x274: {  	s9 =	simm.s32 $0x5003;
	v6 =	vld [tilespmem:s13+$0x0];
	v4 =	vmul.f32 v4, v4;
	v2 =	vsub.f32 v2, v3;
	v5 =	vmul.f32 v10, v5  }
0x275: {  	v3 =	vld.msk [tilespmem:s9+$0xFFFFFFFE ss:$0x0], $0xffff  }
0x276: {  	v8 =	vmul.f32 v8, v4;
	v10 =	vmul.f32 v11, v11;
	v4 =	vld [tilespmem:s13+$0x10];
	v5 =	vsub.f32 v2, v5  }
0x277: {  	v2 =	vld.msk [tilespmem:s9+$0xFFFFFFFF ss:$0x0], $0xffff  }
0x278: {  	s11 =	simm.s32 $0x8;
	s13 =	sand.u32 $0xFC, s7;
	s7 =	simm.s32 $0x3460;
	v7 =	vmul.f32 v7, v10;
	v9 =	vsub.f32 v5, v8;
	v8 =	vmul.f32 v12, v12;
	v5 =	vld.msk [tilespmem:s9+$0x0 ss:$0x0], $0xffff  }
.LBB2_20:
0x279: {  	p1 =	sne.s32 s11, $0xFC;
	v10 =	vld [tilespmem:s7+$0xFFFFFFE0];
	s13 =	sor.u32 $0x5000, s13  }
0x27a: {  	v11 =	vld.msk [tilespmem:s13+$0x0 ss:$0x0], $0xffff;
	v7 =	vsub.f32 v9, v7;
	v8 =	vmul.f32 v3, v8;
	v6 =	vmul.f32 v6, v6  }
0x27b: {  	s9 =	sadd.s32 $0x4, s9;
	v9 =	vld [tilespmem:s7+$0xFFFFFFF0]  }
.Ltmp9:
0x27c: {  	v3 =	vld.msk [tilespmem:s9+$0xFFFFFFFE ss:$0x0], $0xffff;
	v7 =	vsub.f32 v7, v8;
	v8 =	vmul.f32 v2, v6;
	v4 =	vmul.f32 v4, v4;
	(pc) =	sbr.rel @p1 .LBB2_20-.Ltmp9, $4  }
0x27d: {  	v6 =	vld [tilespmem:s7+$0x0]  }
0x27e: {  	v10 =	vmul.f32 v10, v10;
	v2 =	vld.msk [tilespmem:s9+$0xFFFFFFFF ss:$0x0], $0xffff;
	v12 =	vsub.f32 v7, v8;
	v13 =	vmul.f32 v5, v4  }
0x27f: {  	v4 =	vld [tilespmem:s7+$0x10]  }
0x280: {  	s13 =	sand.u32 $0xFC, s11;
	s11 =	sadd.s32 $0x4, s11;
	s7 =	sadd.s32 $0x40, s7;
	v7 =	vmul.f32 v11, v10;
	v8 =	vmul.f32 v9, v9;
	v5 =	vld.msk [tilespmem:s9+$0x0 ss:$0x0], $0xffff;
	v9 =	vsub.f32 v12, v13  }
0x281: {  	v10 =	vld [tilespmem:s7+$0xFFFFFFE0]  }
0x282: {  	s11 =	sor.u32 $0x5000, s13;
	v54 =	vld [tilespmem:s7+$0xFFFFFFF0];
	v7 =	vsub.f32 v9, v7;
	v3 =	vmul.f32 v3, v8;
	v6 =	vmul.f32 v6, v6  }
0x283: {  	v11 =	vld.msk [tilespmem:s11+$0x0 ss:$0x0], $0xffff  }
0x284: {  	s9 =	sadd.s32 $0x4, s9;
	v56 =	vld [tilespmem:s7+$0x0];
	v3 =	vsub.f32 v7, v3;
	v2 =	vmul.f32 v2, v6;
	v4 =	vmul.f32 v4, v4  }
0x285: {  	v55 =	vld.msk [tilespmem:s9+$0xFFFFFFFE ss:$0x0], $0xffff  }
0x286: {  	v59 =	vld [tilespmem:s7+$0x10];
	v57 =	vmul.f32 v10, v10;
	v2 =	vsub.f32 v3, v2;
	v3 =	vmul.f32 v5, v4  }
0x287: {  	v58 =	vld.msk [tilespmem:s9+$0xFFFFFFFF ss:$0x0], $0xffff  }
0x288: {  	v61 =	vmul.f32 v54, v54;
	v60 =	vmul.f32 v11, v57;
	v2 =	vsub.f32 v2, v3  }
0x289: {  	v3 =	vld.msk [tilespmem:s9+$0x0 ss:$0x0], $0xffff  }
0x28a: {  	v6 =	vmul.f32 v56, v56;
	v62 =	vmul.f32 v55, v61;
	v2 =	vsub.f32 v2, v60;
	_ =	sdelay $0x1  }
0x28b: {  	v4 =	vmul.f32 v59, v59;
	v63 =	vmul.f32 v58, v6;
	v2 =	vsub.f32 v2, v62;
	_ =	sdelay $0x1  }
0x28c: {  	v3 =	vmul.f32 v3, v4;
	v2 =	vsub.f32 v2, v63;
	_ =	sdelay $0x1  }
0x28d: {  	v2 =	vsub.f32 v2, v3;
	_ =	sdelay $0x1  }
0x28e: {  	s16 =	simm.s32 $0x0;
	s13 =	simm.s32 $0x5110;
	s11 =	rddreg [dreg:$0xe];
	[tilespmem:$0x5110] =	vst v2  }
0x28f: {  	[hbm4b:s11+s16] =	stream.linear.scatter [tilespmem:s13], [sflag:$0x7], $0x10, $0x38;
	[tilespmem:$0x1F030] =	vst v63  }
0x290: {  	s13 =	simm.s32 $0x7  }
0x291: {  	_ =	swait.ge [sflag:s13], $0x10  }
0x292: {  	s7 =	simm.s32 @!p0 $0x0;
	[sflag:s13] =	ssyncset.done $0x0  }
0x293: {  	s9 =	simm.s32 @!p0 $0x4C00;
	s11 =	rddreg [dreg:$0xf];
	[sflag:s13] =	ssyncadd.s32 $0xFFFFFFF0  }
0x294: {  	[hbm4b:s11+s7] =	stream.linear.scatter @!p0 [tilespmem:s9], [sflag:$0x7], $0x60, $0x38;
	[tilespmem:$0x1F030] =	vst v63  }
0x295: {  	s7 =	simm.s32 @!p0 $0x7  }
0x296: {  	_ =	swait.ge @!p0 [sflag:s7], $0x60  }
0x297: {  	s15 =	sadd.s32 $0x1, s15;
	s17 =	rddreg [dreg:$0x10]  }
0x298: {  	p1 =	sne.s32 s15, s17  }
.Ltmp10:
0x299: {  	_ = 	snop;
	(pc) =	sbr.rel @p1 .LBB2_1-.Ltmp10, $3  }
0x29a: {  	_ =	sdelay $0x1  }
0x29b: {  	[sflag:s7] =	ssyncset.done @!p0 $0x0  }
0x29c: {  	[sflag:s7] =	ssyncadd.s32 @!p0 $0xFFFFFFA0;
	s17 =	simm.s32 $0xC00  }
0x29d: {  	_ =	sfence.sel $0x180000  }
0x29e: {  	[bflag:$0x0] =	sbarrier.arrive $0xFFFF  }
0x29f: {  	_ =	strace $0x90000047  }
0x2a0: {  	s0 =	stileid.u32;
	[bflag:$0x2] =	sbarrier.arrive $0xFFFF  }
0x2a1: {  	p0 =	sne.s32 s0, $0x0;
	s0 =	rddreg [dreg:$0x4]  }
0x2a2: {  	s0 =	sadd.s32 @!p0 $0x100000, s0  }
0x2a3: {  	[sflag:s0] =	ssyncadd.tile.s32 @!p0 $0x1;
	_ =	shalt  }
.Lfunc_end2:
_tile_overlayer_lowered:
.L_overlay_start_2:
0x2a4: {  	(tag) =	ssettag $0x2  }
0x2a5: {  	s0 =	rddreg [dreg:$0x0];
	s2 =	stileid.u32  }
0x2a6: {  	s1 =	rddreg [dreg:$0x1];
	p0 =	sne.s32 s2, $0x0  }
0x2a7: {  	s3 =	rddreg [dreg:$0x2];
	[bflag:$0x3] =	sbarrier.arrive $0xFFFF;
	s2 =	simm.s32 @!p0 $0x1C07  }
0x2a8: {  	[timem:s3], [sflag:s2] =	dma.local @!p0 [hbm:s0], s1  }
0x2a9: {  	s0 =	simm.s32 @!p0 $0x7  }
0x2aa: {  	_ =	swait.ge @!p0 [sflag:s0], s1  }
0x2ab: {  	s1 =	ssub.s32 @!p0 $0x0, s1;
	[sflag:s0] =	ssyncset.done @!p0 $0x0  }
0x2ac: {  	[sflag:s0] =	ssyncadd.s32 @!p0 s1  }
0x2ad: {  	[bflag:$0x3] =	sbarrier.arrive $0xFFFF  }
0x2ae: {  	_ =	shalt  }

</sc_bundles>
